<compile_context>
chip_gen: v7x
topology: tpu7x:2x2x1
jax: 0.10.2.dev20260603
libtpu: 0.0.44.dev20260713+nightly
codegen_flags: <defaults>
</compile_context>

<pallas_src>
import functools

import jax
import jax.numpy as jnp
from jax import lax
from jax.experimental import pallas as pl
from jax.experimental.pallas import tpu as pltpu
from jax.experimental.pallas import tpu_sc as plsc

N = 10000
N2 = 10112
D = 128
NC = 2
NS = 16
NW = NC * NS
CH = 128
NPW = 80
RPT = N2 // NS
BR = 1000


def _mesh():
    return plsc.VectorSubcoreMesh(core_axis_name="c", subcore_axis_name="s",
                                  num_cores=NC, num_subcores=NS)


def _ids():
    c = lax.axis_index("c")
    s = lax.axis_index("s")
    return c, s, s * NC + c


def _deg_body(dst2d, degp, idx_d, ones_v, zbuf, accum):
    c, s, w = _ids()

    def fill(i, carry):
        r = i // 8
        g = i % 8
        ones_v[r, pl.ds(g * 16, 16)] = jnp.full((16,), 1.0, jnp.float32)
        zbuf[r, pl.ds(g * 16, 16)] = jnp.zeros((16,), jnp.float32)
        return carry

    lax.fori_loop(0, CH * 8, fill, 0)
    for j in range(RPT // CH):
        pltpu.sync_copy(zbuf, accum.at[pl.ds(s * RPT + j * CH, CH)])
    rj = RPT % CH
    if rj:
        pltpu.sync_copy(zbuf.at[pl.ds(0, rj)],
                        accum.at[pl.ds(s * RPT + RPT - rj, rj)])
    plsc.subcore_barrier()

    start = pl.multiple_of(w * NPW, 8)
    pltpu.sync_copy(dst2d.at[pl.ds(start, NPW)], idx_d)

    def body(i, carry):
        pltpu.sync_copy(ones_v, accum.at[idx_d.at[i]], add=True)
        return carry

    lax.fori_loop(0, NPW, body, 0)
    plsc.subcore_barrier()
    pltpu.sync_copy(accum.at[pl.ds(s * RPT, RPT)],
                    degp.at[c, pl.ds(s * RPT, RPT)])


@functools.cache
def _deg_call():
    return pl.kernel(
        _deg_body,
        out_type=jax.ShapeDtypeStruct((NC, N2, D), jnp.float32),
        mesh=_mesh(),
        scratch_types=[
            pltpu.VMEM((NPW, CH), jnp.int32),
            pltpu.VMEM((CH, D), jnp.float32),
            pltpu.VMEM((CH, D), jnp.float32),
            pltpu.VMEM_SHARED((N2, D), jnp.float32),
        ],
    )


def _gather_halves(hs, sidx, rows, gsem, b):
    pltpu.async_copy(hs.at[sidx.at[b, 0]], rows.at[b], gsem.at[b])


def _wait_gather_halves(hs, sidx, rows, gsem, b):
    pltpu.make_async_copy(hs.at[sidx.at[b, 0]], rows.at[b],
                          gsem.at[b]).wait()


def _agg_body(hs, src3, dst3, aggp, sidx, didx, rows, accum,
              gsem, issem, idsem):
    c, s, w = _ids()
    base = w * NPW

    def fill(i, carry):
        r = i // 8
        g = i % 8
        rows[0, r, pl.ds(g * 16, 16)] = jnp.zeros((16,), jnp.float32)
        return carry

    lax.fori_loop(0, CH * 8, fill, 0)
    for j in range(RPT // CH):
        pltpu.sync_copy(rows.at[0], accum.at[pl.ds(s * RPT + j * CH, CH)])
    rj = RPT % CH
    if rj:
        pltpu.sync_copy(rows.at[0, pl.ds(0, rj)],
                        accum.at[pl.ds(s * RPT + RPT - rj, rj)])
    plsc.subcore_barrier()

    pltpu.sync_copy(src3.at[base], sidx.at[0])
    pltpu.sync_copy(dst3.at[base], didx.at[0])
    pltpu.sync_copy(src3.at[base + 1], sidx.at[1])
    pltpu.sync_copy(dst3.at[base + 1], didx.at[1])
    _gather_halves(hs, sidx, rows, gsem, 0)
    _gather_halves(hs, sidx, rows, gsem, 1)
    pltpu.async_copy(src3.at[base + 2], sidx.at[2], issem.at[2])
    pltpu.async_copy(dst3.at[base + 2], didx.at[2], idsem.at[2])

    def body(j, carry):
        for u in range(3):
            i = 3 * j + u
            u2 = (u + 2) % 3

            @pl.when(i < NPW)
            def _():
                _wait_gather_halves(hs, sidx, rows, gsem, u)

            @pl.when(i + 2 < NPW)
            def _():
                pltpu.make_async_copy(src3.at[base + i + 2], sidx.at[u2],
                                      issem.at[u2]).wait()
                pltpu.make_async_copy(dst3.at[base + i + 2], didx.at[u2],
                                      idsem.at[u2]).wait()
                _gather_halves(hs, sidx, rows, gsem, u2)

            @pl.when(i < NPW)
            def _():
                pltpu.sync_copy(rows.at[u], accum.at[didx.at[u, 0]],
                                add=True)

            @pl.when(i + 3 < NPW)
            def _():
                pltpu.async_copy(src3.at[base + i + 3], sidx.at[u],
                                 issem.at[u])
                pltpu.async_copy(dst3.at[base + i + 3], didx.at[u],
                                 idsem.at[u])
        return carry

    lax.fori_loop(0, (NPW + 2) // 3, body, 0)
    plsc.subcore_barrier()
    pltpu.sync_copy(accum.at[pl.ds(s * RPT, RPT)],
                    aggp.at[c, pl.ds(s * RPT, RPT)])


@functools.cache
def _agg_call():
    return pl.kernel(
        _agg_body,
        out_type=jax.ShapeDtypeStruct((NC, N2, D), jnp.float32),
        mesh=_mesh(),
        scratch_types=[
            pltpu.VMEM((3, 1, CH), jnp.int32),
            pltpu.VMEM((3, 1, CH), jnp.int32),
            pltpu.VMEM((3, CH, D), jnp.float32),
            pltpu.VMEM_SHARED((N2, D), jnp.float32),
            pltpu.SemaphoreType.DMA((3,)),
            pltpu.SemaphoreType.DMA((3,)),
            pltpu.SemaphoreType.DMA((3,)),
        ],
    )


def _dis(degp_ref):
    deg = 1.0 + degp_ref[0] + degp_ref[1]
    return lax.rsqrt(deg[:, 0:1])


def _lin1_body(degp_ref, x_ref, w_ref, o_ref):
    o_ref[...] = jnp.dot(x_ref[...], w_ref[...],
                         preferred_element_type=jnp.float32) * _dis(degp_ref)


def _agg_sum(aggp_ref, hs_ref):
    return aggp_ref[0] + aggp_ref[1] + hs_ref[...]


def _lin2_body(degp_ref, aggp_ref, hs_ref, b_ref, w_ref, o_ref):
    dis = _dis(degp_ref)
    h = jnp.maximum(_agg_sum(aggp_ref, hs_ref) * dis + b_ref[...], 0.0)
    o_ref[...] = jnp.dot(h, w_ref[...],
                         preferred_element_type=jnp.float32) * dis


def _out_body(degp_ref, aggp_ref, hs_ref, b_ref, o_ref):
    dis = _dis(degp_ref)
    z = _agg_sum(aggp_ref, hs_ref) * dis + b_ref[...]
    nrm = jnp.sqrt(jnp.sum(z * z, axis=-1, keepdims=True))
    o_ref[...] = z / jnp.maximum(nrm, 1e-12)


def _spec3(i):
    return (0, i, 0)


_DEG_SPEC = pl.BlockSpec((NC, BR, D), _spec3)
_AGG_SPEC = pl.BlockSpec((NC, BR, D), _spec3)
_ROW_SPEC = pl.BlockSpec((BR, D), lambda i: (i, 0))
_W_SPEC = pl.BlockSpec((D, D), lambda i: (0, 0))
_B_SPEC = pl.BlockSpec((1, D), lambda i: (0, 0))
_OUT_SDS = jax.ShapeDtypeStruct((N, D), jnp.float32)


def _lin1(degp, x, w):
    return pl.pallas_call(
        _lin1_body, grid=(N // BR,),
        in_specs=[_DEG_SPEC, _ROW_SPEC, _W_SPEC],
        out_specs=_ROW_SPEC, out_shape=_OUT_SDS)(degp, x, w)


def _lin2(degp, aggp, hs, b, w):
    return pl.pallas_call(
        _lin2_body, grid=(N // BR,),
        in_specs=[_DEG_SPEC, _AGG_SPEC, _ROW_SPEC, _B_SPEC, _W_SPEC],
        out_specs=_ROW_SPEC, out_shape=_OUT_SDS)(degp, aggp, hs, b, w)


def _out(degp, aggp, hs, b):
    return pl.pallas_call(
        _out_body, grid=(N // BR,),
        in_specs=[_DEG_SPEC, _AGG_SPEC, _ROW_SPEC, _B_SPEC],
        out_specs=_ROW_SPEC, out_shape=_OUT_SDS)(degp, aggp, hs, b)


def kernel(x, edge_index, W1, b1, W2, b2):
    src = edge_index[0]
    dst = edge_index[1]
    e = src.shape[0]
    pad = NW * NPW * CH - e
    srcp = jnp.concatenate([src, jnp.zeros((pad,), src.dtype)])
    dstp = jnp.concatenate([dst, jnp.full((pad,), N, dst.dtype)])
    src3 = srcp.reshape(NW * NPW, 1, CH)
    dst3 = dstp.reshape(NW * NPW, 1, CH)
    dst2d = dstp.reshape(NW * NPW, CH)

    degp = _deg_call()(dst2d)
    hs1 = _lin1(degp, x, W1)
    aggp1 = _agg_call()(hs1, src3, dst3)
    hs2 = _lin2(degp, aggp1, hs1, b1.reshape(1, D), W2)
    aggp2 = _agg_call()(hs2, src3, dst3)
    return _out(degp, aggp2, hs2, b2.reshape(1, D))

# --- scband reference (transcript-rebuilt; emitter-appended) ---
"""Pipeline reference for scband-gcnencoder-29291676959174 (READ-ONLY COPY).

The authoritative reference and input builder live on the scoring server;
editing this copy changes nothing except your own understanding.
"""

import jax, jax.numpy as jnp
import numpy as np

N_NODES = 10000
N_EDGES = 320000
D_IN = 128
D_HID = 128
D_OUT = 128


def _gcn_conv(x, src, dst, W, b):
    N = x.shape[0]
    # add self loops
    loop = jnp.arange(N, dtype=src.dtype)
    s = jnp.concatenate([src, loop])
    d = jnp.concatenate([dst, loop])
    # symmetric normalization: deg computed over destination (in-degree incl. self loop)
    deg = jnp.zeros((N,), dtype=x.dtype).at[d].add(1.0)
    deg_inv_sqrt = jnp.where(deg > 0, 1.0 / jnp.sqrt(deg), 0.0)
    norm = deg_inv_sqrt[s] * deg_inv_sqrt[d]
    h = x @ W
    msgs = h[s] * norm[:, None]
    out = jnp.zeros((N, h.shape[1]), dtype=x.dtype).at[d].add(msgs)
    return out + b


def setup_inputs(seed: int = 0) -> dict:
    key = jax.random.key(seed)
    k1, k2, k3, k4, k5, k6 = jax.random.split(key, 6)
    x = jax.random.normal(k1, (N_NODES, D_IN), dtype=jnp.float32)
    edge_index = jax.random.randint(k2, (2, N_EDGES), 0, N_NODES, dtype=jnp.int32)
    s1 = 1.0 / np.sqrt(D_IN)
    s2 = 1.0 / np.sqrt(D_HID)
    W1 = jax.random.uniform(k3, (D_IN, D_HID), minval=-s1, maxval=s1, dtype=jnp.float32)
    b1 = jax.random.uniform(k4, (D_HID,), minval=-s1, maxval=s1, dtype=jnp.float32)
    W2 = jax.random.uniform(k5, (D_HID, D_OUT), minval=-s2, maxval=s2, dtype=jnp.float32)
    b2 = jax.random.uniform(k6, (D_OUT,), minval=-s2, maxval=s2, dtype=jnp.float32)
    return {"x": x, "edge_index": edge_index, "W1": W1, "b1": b1, "W2": W2, "b2": b2}


def reference(x, edge_index, W1, b1, W2, b2):
    src = edge_index[0]
    dst = edge_index[1]
    h = _gcn_conv(x, src, dst, W1, b1)
    h = jax.nn.relu(h)
    # dropout is a no-op in eval mode
    z = _gcn_conv(h, src, dst, W2, b2)
    nrm = jnp.sqrt(jnp.sum(z * z, axis=-1, keepdims=True))
    z = z / jnp.maximum(nrm, 1e-12)
    return z

if __name__ == "__main__":
    import jax
    _d = setup_inputs()
    print(jax.jit(kernel)(*tuple(_d.values())))

</pallas_src>

<mosaic_0001>
#map = affine_map<(d0, d1) -> (0, 0)>
#map1 = affine_map<(d0, d1) -> (0, 0, 0)>
module attributes {stable_mosaic.version = 14 : i64} {
  func.func @_agg_body(%arg0: i32, %arg1: i32, %arg2: memref<10000x128xf32, #tpu.memory_space<hbm>>, %arg3: memref<2560x1x128xi32, #tpu.memory_space<hbm>>, %arg4: memref<2560x1x128xi32, #tpu.memory_space<hbm>>, %arg5: memref<2x10112x128xf32, #tpu.memory_space<hbm>>, %arg6: memref<3x1x128xi32, #tpu.memory_space<vmem>>, %arg7: memref<3x1x128xi32, #tpu.memory_space<vmem>>, %arg8: memref<3x128x128xf32, #tpu.memory_space<vmem>>, %arg9: memref<10112x128xf32, #tpu.memory_space<vmem_shared>>, %arg10: memref<3x!tpu.dma_semaphore, #tpu.memory_space<semaphore_mem>>, %arg11: memref<3x!tpu.dma_semaphore, #tpu.memory_space<semaphore_mem>>, %arg12: memref<3x!tpu.dma_semaphore, #tpu.memory_space<semaphore_mem>>) attributes {dimension_semantics = [#tpu.dimension_semantics<core_parallel>, #tpu.dimension_semantics<subcore_parallel>], iteration_bounds = array<i64: 2, 16>, scalar_prefetch = 0 : i64, scratch_operands = 7 : i64, tpu.core_type = #tpu.core_type<sc_vector_subcore>, window_params = [{transform_indices = #map}, {transform_indices = #map1}, {transform_indices = #map1}, {transform_indices = #map1}]} {
    %mul3A = arith.constant 2 : i32
    %mul3A_0 = arith.muli %arg1, %mul3A : i32
    %add3A = arith.addi %mul3A_0, %arg0 : i32
    %mul3A_1 = arith.constant 80 : i32
    %mul3A_2 = arith.muli %add3A, %mul3A_1 : i32
    %scan3A = arith.constant 0 : i32
    %scan3A_3 = arith.constant 0 : i32
    %scan3A_4 = arith.constant 1024 : i32
    %scan3A_5 = arith.addi %scan3A_3, %scan3A_4 : i32
    %scan3A_6 = arith.constant 1 : i32
    scf.for %scan3A_127 = %scan3A_3 to %scan3A_5 step %scan3A_6  : i32 {
      %jit3A = arith.constant 8 : i32
      %div3A = arith.divsi %scan3A_127, %jit3A : i32
      %sign3A = arith.constant 0 : i32
      %sign3A_128 = arith.cmpi sgt, %scan3A_127, %sign3A : i32
      %sign3A_129 = arith.extui %sign3A_128 : i1 to i32
      %sign3A_130 = arith.constant 0 : i32
      %sign3A_131 = arith.cmpi slt, %scan3A_127, %sign3A_130 : i32
      %sign3A_132 = arith.extui %sign3A_131 : i1 to i32
      %sign3A_133 = arith.subi %sign3A_129, %sign3A_132 : i32
      %sign3A_134 = arith.constant 0 : i32
      %sign3A_135 = arith.cmpi sgt, %jit3A, %sign3A_134 : i32
      %sign3A_136 = arith.extui %sign3A_135 : i1 to i32
      %sign3A_137 = arith.constant 0 : i32
      %sign3A_138 = arith.cmpi slt, %jit3A, %sign3A_137 : i32
      %sign3A_139 = arith.extui %sign3A_138 : i1 to i32
      %sign3A_140 = arith.subi %sign3A_136, %sign3A_139 : i32
      %ne3A = arith.cmpi ne, %sign3A_133, %sign3A_140 : i32
      %rem3A = arith.remsi %scan3A_127, %jit3A : i32
      %ne3A_141 = arith.constant 0 : i32
      %ne3A_142 = arith.cmpi ne, %rem3A, %ne3A_141 : i32
      %and3A = arith.andi %ne3A, %ne3A_142 : i1
      %sub3A_143 = arith.constant 1 : i32
      %sub3A_144 = arith.subi %div3A, %sub3A_143 : i32
      %select_n3A = arith.select %and3A, %sub3A_144, %div3A : i32
      %jit3A_145 = arith.constant 8 : i32
      %eq3A = arith.constant 0 : i32
      %eq3A_146 = arith.cmpi eq, %jit3A_145, %eq3A : i32
      %jit3A_147 = arith.constant 1 : i32
      %select_n3A_148 = arith.select %eq3A_146, %jit3A_147, %jit3A_145 : i32
      %rem3A_149 = arith.remsi %scan3A_127, %select_n3A_148 : i32
      %ne3A_150 = arith.constant 0 : i32
      %ne3A_151 = arith.cmpi ne, %rem3A_149, %ne3A_150 : i32
      %lt3A = arith.constant 0 : i32
      %lt3A_152 = arith.cmpi slt, %rem3A_149, %lt3A : i32
      %lt3A_153 = arith.constant 0 : i32
      %lt3A_154 = arith.cmpi slt, %select_n3A_148, %lt3A_153 : i32
      %ne3A_155 = arith.xori %lt3A_152, %lt3A_154 : i1
      %and3A_156 = arith.andi %ne3A_155, %ne3A_151 : i1
      %add3A_157 = arith.addi %rem3A_149, %select_n3A_148 : i32
      %select_n3A_158 = arith.select %and3A_156, %add3A_157, %rem3A_149 : i32
      %broadcast_in_dim3A = arith.constant 0.000000e+00 : f32
      %broadcast_in_dim3A_159 = vector.broadcast %broadcast_in_dim3A : f32 to vector<16xf32>
      %mul3A_160 = arith.constant 16 : i32
      %mul3A_161 = arith.muli %select_n3A_158, %mul3A_160 : i32
      %swap3A = arith.constant 0 : i32
      %swap3A_162 = arith.index_cast %swap3A : i32 to index
      %swap3A_163 = arith.index_cast %select_n3A : i32 to index
      %swap3A_164 = arith.index_cast %mul3A_161 : i32 to index
      %swap3A_165 = tpu.vector_load %arg8[%swap3A_162, %swap3A_163, %swap3A_164] {strides = array<i32>} : memref<3x128x128xf32, #tpu.memory_space<vmem>>, vector<1x1x16xf32>,
      %swap3A_166 = vector.shape_cast %swap3A_165 : vector<1x1x16xf32> to vector<16xf32>
      %swap3A_167 = vector.shape_cast %broadcast_in_dim3A_159 : vector<16xf32> to vector<1x1x16xf32>
      tpu.vector_store %arg8[%swap3A_162, %swap3A_163, %swap3A_164], %swap3A_167 {strides = array<i32>} : memref<3x128x128xf32, #tpu.memory_space<vmem>>, vector<1x1x16xf32>,
    }
    %scan3A_7 = arith.constant 1024 : i32
    %mul3A_8 = arith.constant 632 : i32
    %mul3A_9 = arith.muli %arg1, %mul3A_8 : i32
    %add3A_10 = arith.constant 0 : i32
    %add3A_11 = arith.addi %mul3A_9, %add3A_10 : i32
    %run_scoped3A = arith.constant 0 : i32
    "tpu.region"() ({
      %run_scoped3A_127 = tpu.sem_alloc : memref<!tpu.dma_semaphore, #tpu.memory_space<semaphore_mem>>
      %dma_start3A_128 = arith.constant 0 : i32
      %dma_start3A_129 = arith.constant 0 : i32
      %dma_start3A_130 = tpu.memref_slice %arg8[%run_scoped3A, %dma_start3A_128, %dma_start3A_129] : memref<3x128x128xf32, #tpu.memory_space<vmem>> -> memref<1x128x128xf32, #tpu.memory_space<vmem>>
      %dma_start3A_131 = tpu.memref_squeeze %dma_start3A_130 : memref<1x128x128xf32, #tpu.memory_space<vmem>> -> memref<128x128xf32, #tpu.memory_space<vmem>>
      %dma_start3A_132 = arith.constant 0 : i32
      %dma_start3A_133 = tpu.memref_slice %arg9[%add3A_11, %dma_start3A_132] : memref<10112x128xf32, #tpu.memory_space<vmem_shared>> -> memref<128x128xf32, #tpu.memory_space<vmem_shared>>
      %dma_start3A_134 = arith.constant 0 : i32
      %dma_start3A_135 = tpu.memref_slice %arg9[%add3A_11, %dma_start3A_134] : memref<10112x128xf32, #tpu.memory_space<vmem_shared>> -> memref<128x128xf32, #tpu.memory_space<vmem_shared>>
      %dma_start3A_136 = arith.constant 0 : i32
      %dma_start3A_137 = arith.constant 0 : i32
      %dma_start3A_138 = tpu.memref_slice %arg8[%run_scoped3A, %dma_start3A_136, %dma_start3A_137] : memref<3x128x128xf32, #tpu.memory_space<vmem>> -> memref<1x128x128xf32, #tpu.memory_space<vmem>>
      %dma_start3A_139 = tpu.memref_squeeze %dma_start3A_138 : memref<1x128x128xf32, #tpu.memory_space<vmem>> -> memref<128x128xf32, #tpu.memory_space<vmem>>
      tpu.enqueue_dma source(%dma_start3A_139 : memref<128x128xf32, #tpu.memory_space<vmem>>) target(%dma_start3A_135 : memref<128x128xf32, #tpu.memory_space<vmem_shared>>) target_semaphore(%run_scoped3A_127 : memref<!tpu.dma_semaphore, #tpu.memory_space<semaphore_mem>>)
      %dma_wait3A = arith.constant 0 : i32
      %dma_wait3A_140 = arith.constant 0 : i32
      %dma_wait3A_141 = tpu.memref_slice %arg8[%run_scoped3A, %dma_wait3A, %dma_wait3A_140] : memref<3x128x128xf32, #tpu.memory_space<vmem>> -> memref<1x128x128xf32, #tpu.memory_space<vmem>>
      %dma_wait3A_142 = tpu.memref_squeeze %dma_wait3A_141 : memref<1x128x128xf32, #tpu.memory_space<vmem>> -> memref<128x128xf32, #tpu.memory_space<vmem>>
      %dma_wait3A_143 = arith.constant 0 : i32
      %dma_wait3A_144 = tpu.memref_slice %arg9[%add3A_11, %dma_wait3A_143] : memref<10112x128xf32, #tpu.memory_space<vmem_shared>> -> memref<128x128xf32, #tpu.memory_space<vmem_shared>>
      %dma_wait3A_145 = arith.constant 0 : i32
      %dma_wait3A_146 = tpu.memref_slice %arg9[%add3A_11, %dma_wait3A_145] : memref<10112x128xf32, #tpu.memory_space<vmem_shared>> -> memref<128x128xf32, #tpu.memory_space<vmem_shared>>
      %dma_wait3A_147 = arith.constant 0 : i32
      %dma_wait3A_148 = arith.constant 0 : i32
      %dma_wait3A_149 = tpu.memref_slice %arg8[%run_scoped3A, %dma_wait3A_147, %dma_wait3A_148] : memref<3x128x128xf32, #tpu.memory_space<vmem>> -> memref<1x128x128xf32, #tpu.memory_space<vmem>>
      %dma_wait3A_150 = tpu.memref_squeeze %dma_wait3A_149 : memref<1x128x128xf32, #tpu.memory_space<vmem>> -> memref<128x128xf32, #tpu.memory_space<vmem>>
      tpu.wait_dma2 semaphore(%run_scoped3A_127 : memref<!tpu.dma_semaphore, #tpu.memory_space<semaphore_mem>>) src(%dma_wait3A_150 : memref<128x128xf32, #tpu.memory_space<vmem>>) dst(%dma_wait3A_146 : memref<128x128xf32, #tpu.memory_space<vmem_shared>>)
      tpu.yield
    }) : () -> ()
    %mul3A_12 = arith.constant 632 : i32
    %mul3A_13 = arith.muli %arg1, %mul3A_12 : i32
    %add3A_14 = arith.constant 128 : i32
    %add3A_15 = arith.addi %mul3A_13, %add3A_14 : i32
    %run_scoped3A_16 = arith.constant 0 : i32
    "tpu.region"() ({
      %run_scoped3A_127 = tpu.sem_alloc : memref<!tpu.dma_semaphore, #tpu.memory_space<semaphore_mem>>
      %dma_start3A_128 = arith.constant 0 : i32
      %dma_start3A_129 = arith.constant 0 : i32
      %dma_start3A_130 = tpu.memref_slice %arg8[%run_scoped3A_16, %dma_start3A_128, %dma_start3A_129] : memref<3x128x128xf32, #tpu.memory_space<vmem>> -> memref<1x128x128xf32, #tpu.memory_space<vmem>>
      %dma_start3A_131 = tpu.memref_squeeze %dma_start3A_130 : memref<1x128x128xf32, #tpu.memory_space<vmem>> -> memref<128x128xf32, #tpu.memory_space<vmem>>
      %dma_start3A_132 = arith.constant 0 : i32
      %dma_start3A_133 = tpu.memref_slice %arg9[%add3A_15, %dma_start3A_132] : memref<10112x128xf32, #tpu.memory_space<vmem_shared>> -> memref<128x128xf32, #tpu.memory_space<vmem_shared>>
      %dma_start3A_134 = arith.constant 0 : i32
      %dma_start3A_135 = tpu.memref_slice %arg9[%add3A_15, %dma_start3A_134] : memref<10112x128xf32, #tpu.memory_space<vmem_shared>> -> memref<128x128xf32, #tpu.memory_space<vmem_shared>>
      %dma_start3A_136 = arith.constant 0 : i32
      %dma_start3A_137 = arith.constant 0 : i32
      %dma_start3A_138 = tpu.memref_slice %arg8[%run_scoped3A_16, %dma_start3A_136, %dma_start3A_137] : memref<3x128x128xf32, #tpu.memory_space<vmem>> -> memref<1x128x128xf32, #tpu.memory_space<vmem>>
      %dma_start3A_139 = tpu.memref_squeeze %dma_start3A_138 : memref<1x128x128xf32, #tpu.memory_space<vmem>> -> memref<128x128xf32, #tpu.memory_space<vmem>>
      tpu.enqueue_dma source(%dma_start3A_139 : memref<128x128xf32, #tpu.memory_space<vmem>>) target(%dma_start3A_135 : memref<128x128xf32, #tpu.memory_space<vmem_shared>>) target_semaphore(%run_scoped3A_127 : memref<!tpu.dma_semaphore, #tpu.memory_space<semaphore_mem>>)
      %dma_wait3A = arith.constant 0 : i32
      %dma_wait3A_140 = arith.constant 0 : i32
      %dma_wait3A_141 = tpu.memref_slice %arg8[%run_scoped3A_16, %dma_wait3A, %dma_wait3A_140] : memref<3x128x128xf32, #tpu.memory_space<vmem>> -> memref<1x128x128xf32, #tpu.memory_space<vmem>>
      %dma_wait3A_142 = tpu.memref_squeeze %dma_wait3A_141 : memref<1x128x128xf32, #tpu.memory_space<vmem>> -> memref<128x128xf32, #tpu.memory_space<vmem>>
      %dma_wait3A_143 = arith.constant 0 : i32
      %dma_wait3A_144 = tpu.memref_slice %arg9[%add3A_15, %dma_wait3A_143] : memref<10112x128xf32, #tpu.memory_space<vmem_shared>> -> memref<128x128xf32, #tpu.memory_space<vmem_shared>>
      %dma_wait3A_145 = arith.constant 0 : i32
      %dma_wait3A_146 = tpu.memref_slice %arg9[%add3A_15, %dma_wait3A_145] : memref<10112x128xf32, #tpu.memory_space<vmem_shared>> -> memref<128x128xf32, #tpu.memory_space<vmem_shared>>
      %dma_wait3A_147 = arith.constant 0 : i32
      %dma_wait3A_148 = arith.constant 0 : i32
      %dma_wait3A_149 = tpu.memref_slice %arg8[%run_scoped3A_16, %dma_wait3A_147, %dma_wait3A_148] : memref<3x128x128xf32, #tpu.memory_space<vmem>> -> memref<1x128x128xf32, #tpu.memory_space<vmem>>
      %dma_wait3A_150 = tpu.memref_squeeze %dma_wait3A_149 : memref<1x128x128xf32, #tpu.memory_space<vmem>> -> memref<128x128xf32, #tpu.memory_space<vmem>>
      tpu.wait_dma2 semaphore(%run_scoped3A_127 : memref<!tpu.dma_semaphore, #tpu.memory_space<semaphore_mem>>) src(%dma_wait3A_150 : memref<128x128xf32, #tpu.memory_space<vmem>>) dst(%dma_wait3A_146 : memref<128x128xf32, #tpu.memory_space<vmem_shared>>)
      tpu.yield
    }) : () -> ()
    %mul3A_17 = arith.constant 632 : i32
    %mul3A_18 = arith.muli %arg1, %mul3A_17 : i32
    %add3A_19 = arith.constant 256 : i32
    %add3A_20 = arith.addi %mul3A_18, %add3A_19 : i32
    %run_scoped3A_21 = arith.constant 0 : i32
    "tpu.region"() ({
      %run_scoped3A_127 = tpu.sem_alloc : memref<!tpu.dma_semaphore, #tpu.memory_space<semaphore_mem>>
      %dma_start3A_128 = arith.constant 0 : i32
      %dma_start3A_129 = arith.constant 0 : i32
      %dma_start3A_130 = tpu.memref_slice %arg8[%run_scoped3A_21, %dma_start3A_128, %dma_start3A_129] : memref<3x128x128xf32, #tpu.memory_space<vmem>> -> memref<1x128x128xf32, #tpu.memory_space<vmem>>
      %dma_start3A_131 = tpu.memref_squeeze %dma_start3A_130 : memref<1x128x128xf32, #tpu.memory_space<vmem>> -> memref<128x128xf32, #tpu.memory_space<vmem>>
      %dma_start3A_132 = arith.constant 0 : i32
      %dma_start3A_133 = tpu.memref_slice %arg9[%add3A_20, %dma_start3A_132] : memref<10112x128xf32, #tpu.memory_space<vmem_shared>> -> memref<128x128xf32, #tpu.memory_space<vmem_shared>>
      %dma_start3A_134 = arith.constant 0 : i32
      %dma_start3A_135 = tpu.memref_slice %arg9[%add3A_20, %dma_start3A_134] : memref<10112x128xf32, #tpu.memory_space<vmem_shared>> -> memref<128x128xf32, #tpu.memory_space<vmem_shared>>
      %dma_start3A_136 = arith.constant 0 : i32
      %dma_start3A_137 = arith.constant 0 : i32
      %dma_start3A_138 = tpu.memref_slice %arg8[%run_scoped3A_21, %dma_start3A_136, %dma_start3A_137] : memref<3x128x128xf32, #tpu.memory_space<vmem>> -> memref<1x128x128xf32, #tpu.memory_space<vmem>>
      %dma_start3A_139 = tpu.memref_squeeze %dma_start3A_138 : memref<1x128x128xf32, #tpu.memory_space<vmem>> -> memref<128x128xf32, #tpu.memory_space<vmem>>
      tpu.enqueue_dma source(%dma_start3A_139 : memref<128x128xf32, #tpu.memory_space<vmem>>) target(%dma_start3A_135 : memref<128x128xf32, #tpu.memory_space<vmem_shared>>) target_semaphore(%run_scoped3A_127 : memref<!tpu.dma_semaphore, #tpu.memory_space<semaphore_mem>>)
      %dma_wait3A = arith.constant 0 : i32
      %dma_wait3A_140 = arith.constant 0 : i32
      %dma_wait3A_141 = tpu.memref_slice %arg8[%run_scoped3A_21, %dma_wait3A, %dma_wait3A_140] : memref<3x128x128xf32, #tpu.memory_space<vmem>> -> memref<1x128x128xf32, #tpu.memory_space<vmem>>
      %dma_wait3A_142 = tpu.memref_squeeze %dma_wait3A_141 : memref<1x128x128xf32, #tpu.memory_space<vmem>> -> memref<128x128xf32, #tpu.memory_space<vmem>>
      %dma_wait3A_143 = arith.constant 0 : i32
      %dma_wait3A_144 = tpu.memref_slice %arg9[%add3A_20, %dma_wait3A_143] : memref<10112x128xf32, #tpu.memory_space<vmem_shared>> -> memref<128x128xf32, #tpu.memory_space<vmem_shared>>
      %dma_wait3A_145 = arith.constant 0 : i32
      %dma_wait3A_146 = tpu.memref_slice %arg9[%add3A_20, %dma_wait3A_145] : memref<10112x128xf32, #tpu.memory_space<vmem_shared>> -> memref<128x128xf32, #tpu.memory_space<vmem_shared>>
      %dma_wait3A_147 = arith.constant 0 : i32
      %dma_wait3A_148 = arith.constant 0 : i32
      %dma_wait3A_149 = tpu.memref_slice %arg8[%run_scoped3A_21, %dma_wait3A_147, %dma_wait3A_148] : memref<3x128x128xf32, #tpu.memory_space<vmem>> -> memref<1x128x128xf32, #tpu.memory_space<vmem>>
      %dma_wait3A_150 = tpu.memref_squeeze %dma_wait3A_149 : memref<1x128x128xf32, #tpu.memory_space<vmem>> -> memref<128x128xf32, #tpu.memory_space<vmem>>
      tpu.wait_dma2 semaphore(%run_scoped3A_127 : memref<!tpu.dma_semaphore, #tpu.memory_space<semaphore_mem>>) src(%dma_wait3A_150 : memref<128x128xf32, #tpu.memory_space<vmem>>) dst(%dma_wait3A_146 : memref<128x128xf32, #tpu.memory_space<vmem_shared>>)
      tpu.yield
    }) : () -> ()
    %mul3A_22 = arith.constant 632 : i32
    %mul3A_23 = arith.muli %arg1, %mul3A_22 : i32
    %add3A_24 = arith.constant 384 : i32
    %add3A_25 = arith.addi %mul3A_23, %add3A_24 : i32
    %run_scoped3A_26 = arith.constant 0 : i32
    "tpu.region"() ({
      %run_scoped3A_127 = tpu.sem_alloc : memref<!tpu.dma_semaphore, #tpu.memory_space<semaphore_mem>>
      %dma_start3A_128 = arith.constant 0 : i32
      %dma_start3A_129 = arith.constant 0 : i32
      %dma_start3A_130 = tpu.memref_slice %arg8[%run_scoped3A_26, %dma_start3A_128, %dma_start3A_129] : memref<3x128x128xf32, #tpu.memory_space<vmem>> -> memref<1x128x128xf32, #tpu.memory_space<vmem>>
      %dma_start3A_131 = tpu.memref_squeeze %dma_start3A_130 : memref<1x128x128xf32, #tpu.memory_space<vmem>> -> memref<128x128xf32, #tpu.memory_space<vmem>>
      %dma_start3A_132 = arith.constant 0 : i32
      %dma_start3A_133 = tpu.memref_slice %arg9[%add3A_25, %dma_start3A_132] : memref<10112x128xf32, #tpu.memory_space<vmem_shared>> -> memref<128x128xf32, #tpu.memory_space<vmem_shared>>
      %dma_start3A_134 = arith.constant 0 : i32
      %dma_start3A_135 = tpu.memref_slice %arg9[%add3A_25, %dma_start3A_134] : memref<10112x128xf32, #tpu.memory_space<vmem_shared>> -> memref<128x128xf32, #tpu.memory_space<vmem_shared>>
      %dma_start3A_136 = arith.constant 0 : i32
      %dma_start3A_137 = arith.constant 0 : i32
      %dma_start3A_138 = tpu.memref_slice %arg8[%run_scoped3A_26, %dma_start3A_136, %dma_start3A_137] : memref<3x128x128xf32, #tpu.memory_space<vmem>> -> memref<1x128x128xf32, #tpu.memory_space<vmem>>
      %dma_start3A_139 = tpu.memref_squeeze %dma_start3A_138 : memref<1x128x128xf32, #tpu.memory_space<vmem>> -> memref<128x128xf32, #tpu.memory_space<vmem>>
      tpu.enqueue_dma source(%dma_start3A_139 : memref<128x128xf32, #tpu.memory_space<vmem>>) target(%dma_start3A_135 : memref<128x128xf32, #tpu.memory_space<vmem_shared>>) target_semaphore(%run_scoped3A_127 : memref<!tpu.dma_semaphore, #tpu.memory_space<semaphore_mem>>)
      %dma_wait3A = arith.constant 0 : i32
      %dma_wait3A_140 = arith.constant 0 : i32
      %dma_wait3A_141 = tpu.memref_slice %arg8[%run_scoped3A_26, %dma_wait3A, %dma_wait3A_140] : memref<3x128x128xf32, #tpu.memory_space<vmem>> -> memref<1x128x128xf32, #tpu.memory_space<vmem>>
      %dma_wait3A_142 = tpu.memref_squeeze %dma_wait3A_141 : memref<1x128x128xf32, #tpu.memory_space<vmem>> -> memref<128x128xf32, #tpu.memory_space<vmem>>
      %dma_wait3A_143 = arith.constant 0 : i32
      %dma_wait3A_144 = tpu.memref_slice %arg9[%add3A_25, %dma_wait3A_143] : memref<10112x128xf32, #tpu.memory_space<vmem_shared>> -> memref<128x128xf32, #tpu.memory_space<vmem_shared>>
      %dma_wait3A_145 = arith.constant 0 : i32
      %dma_wait3A_146 = tpu.memref_slice %arg9[%add3A_25, %dma_wait3A_145] : memref<10112x128xf32, #tpu.memory_space<vmem_shared>> -> memref<128x128xf32, #tpu.memory_space<vmem_shared>>
      %dma_wait3A_147 = arith.constant 0 : i32
      %dma_wait3A_148 = arith.constant 0 : i32
      %dma_wait3A_149 = tpu.memref_slice %arg8[%run_scoped3A_26, %dma_wait3A_147, %dma_wait3A_148] : memref<3x128x128xf32, #tpu.memory_space<vmem>> -> memref<1x128x128xf32, #tpu.memory_space<vmem>>
      %dma_wait3A_150 = tpu.memref_squeeze %dma_wait3A_149 : memref<1x128x128xf32, #tpu.memory_space<vmem>> -> memref<128x128xf32, #tpu.memory_space<vmem>>
      tpu.wait_dma2 semaphore(%run_scoped3A_127 : memref<!tpu.dma_semaphore, #tpu.memory_space<semaphore_mem>>) src(%dma_wait3A_150 : memref<128x128xf32, #tpu.memory_space<vmem>>) dst(%dma_wait3A_146 : memref<128x128xf32, #tpu.memory_space<vmem_shared>>)
      tpu.yield
    }) : () -> ()
    %mul3A_27 = arith.constant 632 : i32
    %mul3A_28 = arith.muli %arg1, %mul3A_27 : i32
    %add3A_29 = arith.constant 632 : i32
    %add3A_30 = arith.addi %mul3A_28, %add3A_29 : i32
    %sub3A = arith.constant 120 : i32
    %sub3A_31 = arith.subi %add3A_30, %sub3A : i32
    %run_scoped3A_32 = arith.constant 0 : i32
    "tpu.region"() ({
      %run_scoped3A_127 = tpu.sem_alloc : memref<!tpu.dma_semaphore, #tpu.memory_space<semaphore_mem>>
      %dma_start3A_128 = arith.constant 0 : i32
      %dma_start3A_129 = arith.constant 0 : i32
      %dma_start3A_130 = tpu.memref_slice %arg8[%run_scoped3A_32, %dma_start3A_128, %dma_start3A_129] : memref<3x128x128xf32, #tpu.memory_space<vmem>> -> memref<1x120x128xf32, #tpu.memory_space<vmem>>
      %dma_start3A_131 = tpu.memref_squeeze %dma_start3A_130 : memref<1x120x128xf32, #tpu.memory_space<vmem>> -> memref<120x128xf32, #tpu.memory_space<vmem>>
      %dma_start3A_132 = arith.constant 0 : i32
      %dma_start3A_133 = tpu.memref_slice %arg9[%sub3A_31, %dma_start3A_132] : memref<10112x128xf32, #tpu.memory_space<vmem_shared>> -> memref<120x128xf32, #tpu.memory_space<vmem_shared>>
      %dma_start3A_134 = arith.constant 0 : i32
      %dma_start3A_135 = tpu.memref_slice %arg9[%sub3A_31, %dma_start3A_134] : memref<10112x128xf32, #tpu.memory_space<vmem_shared>> -> memref<120x128xf32, #tpu.memory_space<vmem_shared>>
      %dma_start3A_136 = arith.constant 0 : i32
      %dma_start3A_137 = arith.constant 0 : i32
      %dma_start3A_138 = tpu.memref_slice %arg8[%run_scoped3A_32, %dma_start3A_136, %dma_start3A_137] : memref<3x128x128xf32, #tpu.memory_space<vmem>> -> memref<1x120x128xf32, #tpu.memory_space<vmem>>
      %dma_start3A_139 = tpu.memref_squeeze %dma_start3A_138 : memref<1x120x128xf32, #tpu.memory_space<vmem>> -> memref<120x128xf32, #tpu.memory_space<vmem>>
      tpu.enqueue_dma source(%dma_start3A_139 : memref<120x128xf32, #tpu.memory_space<vmem>>) target(%dma_start3A_135 : memref<120x128xf32, #tpu.memory_space<vmem_shared>>) target_semaphore(%run_scoped3A_127 : memref<!tpu.dma_semaphore, #tpu.memory_space<semaphore_mem>>)
      %dma_wait3A = arith.constant 0 : i32
      %dma_wait3A_140 = arith.constant 0 : i32
      %dma_wait3A_141 = tpu.memref_slice %arg8[%run_scoped3A_32, %dma_wait3A, %dma_wait3A_140] : memref<3x128x128xf32, #tpu.memory_space<vmem>> -> memref<1x120x128xf32, #tpu.memory_space<vmem>>
      %dma_wait3A_142 = tpu.memref_squeeze %dma_wait3A_141 : memref<1x120x128xf32, #tpu.memory_space<vmem>> -> memref<120x128xf32, #tpu.memory_space<vmem>>
      %dma_wait3A_143 = arith.constant 0 : i32
      %dma_wait3A_144 = tpu.memref_slice %arg9[%sub3A_31, %dma_wait3A_143] : memref<10112x128xf32, #tpu.memory_space<vmem_shared>> -> memref<120x128xf32, #tpu.memory_space<vmem_shared>>
      %dma_wait3A_145 = arith.constant 0 : i32
      %dma_wait3A_146 = tpu.memref_slice %arg9[%sub3A_31, %dma_wait3A_145] : memref<10112x128xf32, #tpu.memory_space<vmem_shared>> -> memref<120x128xf32, #tpu.memory_space<vmem_shared>>
      %dma_wait3A_147 = arith.constant 0 : i32
      %dma_wait3A_148 = arith.constant 0 : i32
      %dma_wait3A_149 = tpu.memref_slice %arg8[%run_scoped3A_32, %dma_wait3A_147, %dma_wait3A_148] : memref<3x128x128xf32, #tpu.memory_space<vmem>> -> memref<1x120x128xf32, #tpu.memory_space<vmem>>
      %dma_wait3A_150 = tpu.memref_squeeze %dma_wait3A_149 : memref<1x120x128xf32, #tpu.memory_space<vmem>> -> memref<120x128xf32, #tpu.memory_space<vmem>>
      tpu.wait_dma2 semaphore(%run_scoped3A_127 : memref<!tpu.dma_semaphore, #tpu.memory_space<semaphore_mem>>) src(%dma_wait3A_150 : memref<120x128xf32, #tpu.memory_space<vmem>>) dst(%dma_wait3A_146 : memref<120x128xf32, #tpu.memory_space<vmem_shared>>)
      tpu.yield
    }) : () -> ()
    %barrier3A = arith.constant 0 : index
    tpu.barrier barrier_id(%barrier3A)
    %run_scoped3A_33 = arith.constant 0 : i32
    "tpu.region"() ({
      %run_scoped3A_127 = tpu.sem_alloc : memref<!tpu.dma_semaphore, #tpu.memory_space<semaphore_mem>>
      %dma_start3A_128 = arith.constant 0 : i32
      %dma_start3A_129 = arith.constant 0 : i32
      %dma_start3A_130 = tpu.memref_slice %arg6[%run_scoped3A_33, %dma_start3A_128, %dma_start3A_129] : memref<3x1x128xi32, #tpu.memory_space<vmem>> -> memref<1x1x128xi32, #tpu.memory_space<vmem>>
      %dma_start3A_131 = tpu.memref_squeeze %dma_start3A_130 : memref<1x1x128xi32, #tpu.memory_space<vmem>> -> memref<1x128xi32, #tpu.memory_space<vmem>>
      %dma_start3A_132 = arith.constant 0 : i32
      %dma_start3A_133 = arith.constant 0 : i32
      %dma_start3A_134 = tpu.memref_slice %arg3[%mul3A_2, %dma_start3A_132, %dma_start3A_133] : memref<2560x1x128xi32, #tpu.memory_space<hbm>> -> memref<1x1x128xi32, #tpu.memory_space<hbm>>
      %dma_start3A_135 = tpu.memref_squeeze %dma_start3A_134 : memref<1x1x128xi32, #tpu.memory_space<hbm>> -> memref<1x128xi32, #tpu.memory_space<hbm>>
      %dma_start3A_136 = arith.constant 0 : i32
      %dma_start3A_137 = arith.constant 0 : i32
      %dma_start3A_138 = tpu.memref_slice %arg6[%run_scoped3A_33, %dma_start3A_136, %dma_start3A_137] : memref<3x1x128xi32, #tpu.memory_space<vmem>> -> memref<1x1x128xi32, #tpu.memory_space<vmem>>
      %dma_start3A_139 = tpu.memref_squeeze %dma_start3A_138 : memref<1x1x128xi32, #tpu.memory_space<vmem>> -> memref<1x128xi32, #tpu.memory_space<vmem>>
      %dma_start3A_140 = arith.constant 0 : i32
      %dma_start3A_141 = arith.constant 0 : i32
      %dma_start3A_142 = tpu.memref_slice %arg3[%mul3A_2, %dma_start3A_140, %dma_start3A_141] : memref<2560x1x128xi32, #tpu.memory_space<hbm>> -> memref<1x1x128xi32, #tpu.memory_space<hbm>>
      %dma_start3A_143 = tpu.memref_squeeze %dma_start3A_142 : memref<1x1x128xi32, #tpu.memory_space<hbm>> -> memref<1x128xi32, #tpu.memory_space<hbm>>
      tpu.enqueue_dma source(%dma_start3A_143 : memref<1x128xi32, #tpu.memory_space<hbm>>) target(%dma_start3A_139 : memref<1x128xi32, #tpu.memory_space<vmem>>) target_semaphore(%run_scoped3A_127 : memref<!tpu.dma_semaphore, #tpu.memory_space<semaphore_mem>>)
      %dma_wait3A = arith.constant 0 : i32
      %dma_wait3A_144 = arith.constant 0 : i32
      %dma_wait3A_145 = tpu.memref_slice %arg6[%run_scoped3A_33, %dma_wait3A, %dma_wait3A_144] : memref<3x1x128xi32, #tpu.memory_space<vmem>> -> memref<1x1x128xi32, #tpu.memory_space<vmem>>
      %dma_wait3A_146 = tpu.memref_squeeze %dma_wait3A_145 : memref<1x1x128xi32, #tpu.memory_space<vmem>> -> memref<1x128xi32, #tpu.memory_space<vmem>>
      %dma_wait3A_147 = arith.constant 0 : i32
      %dma_wait3A_148 = arith.constant 0 : i32
      %dma_wait3A_149 = tpu.memref_slice %arg3[%mul3A_2, %dma_wait3A_147, %dma_wait3A_148] : memref<2560x1x128xi32, #tpu.memory_space<hbm>> -> memref<1x1x128xi32, #tpu.memory_space<hbm>>
      %dma_wait3A_150 = tpu.memref_squeeze %dma_wait3A_149 : memref<1x1x128xi32, #tpu.memory_space<hbm>> -> memref<1x128xi32, #tpu.memory_space<hbm>>
      %dma_wait3A_151 = arith.constant 0 : i32
      %dma_wait3A_152 = arith.constant 0 : i32
      %dma_wait3A_153 = tpu.memref_slice %arg6[%run_scoped3A_33, %dma_wait3A_151, %dma_wait3A_152] : memref<3x1x128xi32, #tpu.memory_space<vmem>> -> memref<1x1x128xi32, #tpu.memory_space<vmem>>
      %dma_wait3A_154 = tpu.memref_squeeze %dma_wait3A_153 : memref<1x1x128xi32, #tpu.memory_space<vmem>> -> memref<1x128xi32, #tpu.memory_space<vmem>>
      %dma_wait3A_155 = arith.constant 0 : i32
      %dma_wait3A_156 = arith.constant 0 : i32
      %dma_wait3A_157 = tpu.memref_slice %arg3[%mul3A_2, %dma_wait3A_155, %dma_wait3A_156] : memref<2560x1x128xi32, #tpu.memory_space<hbm>> -> memref<1x1x128xi32, #tpu.memory_space<hbm>>
      %dma_wait3A_158 = tpu.memref_squeeze %dma_wait3A_157 : memref<1x1x128xi32, #tpu.memory_space<hbm>> -> memref<1x128xi32, #tpu.memory_space<hbm>>
      tpu.wait_dma2 semaphore(%run_scoped3A_127 : memref<!tpu.dma_semaphore, #tpu.memory_space<semaphore_mem>>) src(%dma_wait3A_158 : memref<1x128xi32, #tpu.memory_space<hbm>>) dst(%dma_wait3A_154 : memref<1x128xi32, #tpu.memory_space<vmem>>)
      tpu.yield
    }) : () -> ()
    %run_scoped3A_34 = arith.constant 0 : i32
    "tpu.region"() ({
      %run_scoped3A_127 = tpu.sem_alloc : memref<!tpu.dma_semaphore, #tpu.memory_space<semaphore_mem>>
      %dma_start3A_128 = arith.constant 0 : i32
      %dma_start3A_129 = arith.constant 0 : i32
      %dma_start3A_130 = tpu.memref_slice %arg7[%run_scoped3A_34, %dma_start3A_128, %dma_start3A_129] : memref<3x1x128xi32, #tpu.memory_space<vmem>> -> memref<1x1x128xi32, #tpu.memory_space<vmem>>
      %dma_start3A_131 = tpu.memref_squeeze %dma_start3A_130 : memref<1x1x128xi32, #tpu.memory_space<vmem>> -> memref<1x128xi32, #tpu.memory_space<vmem>>
      %dma_start3A_132 = arith.constant 0 : i32
      %dma_start3A_133 = arith.constant 0 : i32
      %dma_start3A_134 = tpu.memref_slice %arg4[%mul3A_2, %dma_start3A_132, %dma_start3A_133] : memref<2560x1x128xi32, #tpu.memory_space<hbm>> -> memref<1x1x128xi32, #tpu.memory_space<hbm>>
      %dma_start3A_135 = tpu.memref_squeeze %dma_start3A_134 : memref<1x1x128xi32, #tpu.memory_space<hbm>> -> memref<1x128xi32, #tpu.memory_space<hbm>>
      %dma_start3A_136 = arith.constant 0 : i32
      %dma_start3A_137 = arith.constant 0 : i32
      %dma_start3A_138 = tpu.memref_slice %arg7[%run_scoped3A_34, %dma_start3A_136, %dma_start3A_137] : memref<3x1x128xi32, #tpu.memory_space<vmem>> -> memref<1x1x128xi32, #tpu.memory_space<vmem>>
      %dma_start3A_139 = tpu.memref_squeeze %dma_start3A_138 : memref<1x1x128xi32, #tpu.memory_space<vmem>> -> memref<1x128xi32, #tpu.memory_space<vmem>>
      %dma_start3A_140 = arith.constant 0 : i32
      %dma_start3A_141 = arith.constant 0 : i32
      %dma_start3A_142 = tpu.memref_slice %arg4[%mul3A_2, %dma_start3A_140, %dma_start3A_141] : memref<2560x1x128xi32, #tpu.memory_space<hbm>> -> memref<1x1x128xi32, #tpu.memory_space<hbm>>
      %dma_start3A_143 = tpu.memref_squeeze %dma_start3A_142 : memref<1x1x128xi32, #tpu.memory_space<hbm>> -> memref<1x128xi32, #tpu.memory_space<hbm>>
      tpu.enqueue_dma source(%dma_start3A_143 : memref<1x128xi32, #tpu.memory_space<hbm>>) target(%dma_start3A_139 : memref<1x128xi32, #tpu.memory_space<vmem>>) target_semaphore(%run_scoped3A_127 : memref<!tpu.dma_semaphore, #tpu.memory_space<semaphore_mem>>)
      %dma_wait3A = arith.constant 0 : i32
      %dma_wait3A_144 = arith.constant 0 : i32
      %dma_wait3A_145 = tpu.memref_slice %arg7[%run_scoped3A_34, %dma_wait3A, %dma_wait3A_144] : memref<3x1x128xi32, #tpu.memory_space<vmem>> -> memref<1x1x128xi32, #tpu.memory_space<vmem>>
      %dma_wait3A_146 = tpu.memref_squeeze %dma_wait3A_145 : memref<1x1x128xi32, #tpu.memory_space<vmem>> -> memref<1x128xi32, #tpu.memory_space<vmem>>
      %dma_wait3A_147 = arith.constant 0 : i32
      %dma_wait3A_148 = arith.constant 0 : i32
      %dma_wait3A_149 = tpu.memref_slice %arg4[%mul3A_2, %dma_wait3A_147, %dma_wait3A_148] : memref<2560x1x128xi32, #tpu.memory_space<hbm>> -> memref<1x1x128xi32, #tpu.memory_space<hbm>>
      %dma_wait3A_150 = tpu.memref_squeeze %dma_wait3A_149 : memref<1x1x128xi32, #tpu.memory_space<hbm>> -> memref<1x128xi32, #tpu.memory_space<hbm>>
      %dma_wait3A_151 = arith.constant 0 : i32
      %dma_wait3A_152 = arith.constant 0 : i32
      %dma_wait3A_153 = tpu.memref_slice %arg7[%run_scoped3A_34, %dma_wait3A_151, %dma_wait3A_152] : memref<3x1x128xi32, #tpu.memory_space<vmem>> -> memref<1x1x128xi32, #tpu.memory_space<vmem>>
      %dma_wait3A_154 = tpu.memref_squeeze %dma_wait3A_153 : memref<1x1x128xi32, #tpu.memory_space<vmem>> -> memref<1x128xi32, #tpu.memory_space<vmem>>
      %dma_wait3A_155 = arith.constant 0 : i32
      %dma_wait3A_156 = arith.constant 0 : i32
      %dma_wait3A_157 = tpu.memref_slice %arg4[%mul3A_2, %dma_wait3A_155, %dma_wait3A_156] : memref<2560x1x128xi32, #tpu.memory_space<hbm>> -> memref<1x1x128xi32, #tpu.memory_space<hbm>>
      %dma_wait3A_158 = tpu.memref_squeeze %dma_wait3A_157 : memref<1x1x128xi32, #tpu.memory_space<hbm>> -> memref<1x128xi32, #tpu.memory_space<hbm>>
      tpu.wait_dma2 semaphore(%run_scoped3A_127 : memref<!tpu.dma_semaphore, #tpu.memory_space<semaphore_mem>>) src(%dma_wait3A_158 : memref<1x128xi32, #tpu.memory_space<hbm>>) dst(%dma_wait3A_154 : memref<1x128xi32, #tpu.memory_space<vmem>>)
      tpu.yield
    }) : () -> ()
    %add3A_35 = arith.constant 1 : i32
    %add3A_36 = arith.addi %mul3A_2, %add3A_35 : i32
    %run_scoped3A_37 = arith.constant 1 : i32
    "tpu.region"() ({
      %run_scoped3A_127 = tpu.sem_alloc : memref<!tpu.dma_semaphore, #tpu.memory_space<semaphore_mem>>
      %dma_start3A_128 = arith.constant 0 : i32
      %dma_start3A_129 = arith.constant 0 : i32
      %dma_start3A_130 = tpu.memref_slice %arg6[%run_scoped3A_37, %dma_start3A_128, %dma_start3A_129] : memref<3x1x128xi32, #tpu.memory_space<vmem>> -> memref<1x1x128xi32, #tpu.memory_space<vmem>>
      %dma_start3A_131 = tpu.memref_squeeze %dma_start3A_130 : memref<1x1x128xi32, #tpu.memory_space<vmem>> -> memref<1x128xi32, #tpu.memory_space<vmem>>
      %dma_start3A_132 = arith.constant 0 : i32
      %dma_start3A_133 = arith.constant 0 : i32
      %dma_start3A_134 = tpu.memref_slice %arg3[%add3A_36, %dma_start3A_132, %dma_start3A_133] : memref<2560x1x128xi32, #tpu.memory_space<hbm>> -> memref<1x1x128xi32, #tpu.memory_space<hbm>>
      %dma_start3A_135 = tpu.memref_squeeze %dma_start3A_134 : memref<1x1x128xi32, #tpu.memory_space<hbm>> -> memref<1x128xi32, #tpu.memory_space<hbm>>
      %dma_start3A_136 = arith.constant 0 : i32
      %dma_start3A_137 = arith.constant 0 : i32
      %dma_start3A_138 = tpu.memref_slice %arg6[%run_scoped3A_37, %dma_start3A_136, %dma_start3A_137] : memref<3x1x128xi32, #tpu.memory_space<vmem>> -> memref<1x1x128xi32, #tpu.memory_space<vmem>>
      %dma_start3A_139 = tpu.memref_squeeze %dma_start3A_138 : memref<1x1x128xi32, #tpu.memory_space<vmem>> -> memref<1x128xi32, #tpu.memory_space<vmem>>
      %dma_start3A_140 = arith.constant 0 : i32
      %dma_start3A_141 = arith.constant 0 : i32
      %dma_start3A_142 = tpu.memref_slice %arg3[%add3A_36, %dma_start3A_140, %dma_start3A_141] : memref<2560x1x128xi32, #tpu.memory_space<hbm>> -> memref<1x1x128xi32, #tpu.memory_space<hbm>>
      %dma_start3A_143 = tpu.memref_squeeze %dma_start3A_142 : memref<1x1x128xi32, #tpu.memory_space<hbm>> -> memref<1x128xi32, #tpu.memory_space<hbm>>
      tpu.enqueue_dma source(%dma_start3A_143 : memref<1x128xi32, #tpu.memory_space<hbm>>) target(%dma_start3A_139 : memref<1x128xi32, #tpu.memory_space<vmem>>) target_semaphore(%run_scoped3A_127 : memref<!tpu.dma_semaphore, #tpu.memory_space<semaphore_mem>>)
      %dma_wait3A = arith.constant 0 : i32
      %dma_wait3A_144 = arith.constant 0 : i32
      %dma_wait3A_145 = tpu.memref_slice %arg6[%run_scoped3A_37, %dma_wait3A, %dma_wait3A_144] : memref<3x1x128xi32, #tpu.memory_space<vmem>> -> memref<1x1x128xi32, #tpu.memory_space<vmem>>
      %dma_wait3A_146 = tpu.memref_squeeze %dma_wait3A_145 : memref<1x1x128xi32, #tpu.memory_space<vmem>> -> memref<1x128xi32, #tpu.memory_space<vmem>>
      %dma_wait3A_147 = arith.constant 0 : i32
      %dma_wait3A_148 = arith.constant 0 : i32
      %dma_wait3A_149 = tpu.memref_slice %arg3[%add3A_36, %dma_wait3A_147, %dma_wait3A_148] : memref<2560x1x128xi32, #tpu.memory_space<hbm>> -> memref<1x1x128xi32, #tpu.memory_space<hbm>>
      %dma_wait3A_150 = tpu.memref_squeeze %dma_wait3A_149 : memref<1x1x128xi32, #tpu.memory_space<hbm>> -> memref<1x128xi32, #tpu.memory_space<hbm>>
      %dma_wait3A_151 = arith.constant 0 : i32
      %dma_wait3A_152 = arith.constant 0 : i32
      %dma_wait3A_153 = tpu.memref_slice %arg6[%run_scoped3A_37, %dma_wait3A_151, %dma_wait3A_152] : memref<3x1x128xi32, #tpu.memory_space<vmem>> -> memref<1x1x128xi32, #tpu.memory_space<vmem>>
      %dma_wait3A_154 = tpu.memref_squeeze %dma_wait3A_153 : memref<1x1x128xi32, #tpu.memory_space<vmem>> -> memref<1x128xi32, #tpu.memory_space<vmem>>
      %dma_wait3A_155 = arith.constant 0 : i32
      %dma_wait3A_156 = arith.constant 0 : i32
      %dma_wait3A_157 = tpu.memref_slice %arg3[%add3A_36, %dma_wait3A_155, %dma_wait3A_156] : memref<2560x1x128xi32, #tpu.memory_space<hbm>> -> memref<1x1x128xi32, #tpu.memory_space<hbm>>
      %dma_wait3A_158 = tpu.memref_squeeze %dma_wait3A_157 : memref<1x1x128xi32, #tpu.memory_space<hbm>> -> memref<1x128xi32, #tpu.memory_space<hbm>>
      tpu.wait_dma2 semaphore(%run_scoped3A_127 : memref<!tpu.dma_semaphore, #tpu.memory_space<semaphore_mem>>) src(%dma_wait3A_158 : memref<1x128xi32, #tpu.memory_space<hbm>>) dst(%dma_wait3A_154 : memref<1x128xi32, #tpu.memory_space<vmem>>)
      tpu.yield
    }) : () -> ()
    %add3A_38 = arith.constant 1 : i32
    %add3A_39 = arith.addi %mul3A_2, %add3A_38 : i32
    %run_scoped3A_40 = arith.constant 1 : i32
    "tpu.region"() ({
      %run_scoped3A_127 = tpu.sem_alloc : memref<!tpu.dma_semaphore, #tpu.memory_space<semaphore_mem>>
      %dma_start3A_128 = arith.constant 0 : i32
      %dma_start3A_129 = arith.constant 0 : i32
      %dma_start3A_130 = tpu.memref_slice %arg7[%run_scoped3A_40, %dma_start3A_128, %dma_start3A_129] : memref<3x1x128xi32, #tpu.memory_space<vmem>> -> memref<1x1x128xi32, #tpu.memory_space<vmem>>
      %dma_start3A_131 = tpu.memref_squeeze %dma_start3A_130 : memref<1x1x128xi32, #tpu.memory_space<vmem>> -> memref<1x128xi32, #tpu.memory_space<vmem>>
      %dma_start3A_132 = arith.constant 0 : i32
      %dma_start3A_133 = arith.constant 0 : i32
      %dma_start3A_134 = tpu.memref_slice %arg4[%add3A_39, %dma_start3A_132, %dma_start3A_133] : memref<2560x1x128xi32, #tpu.memory_space<hbm>> -> memref<1x1x128xi32, #tpu.memory_space<hbm>>
      %dma_start3A_135 = tpu.memref_squeeze %dma_start3A_134 : memref<1x1x128xi32, #tpu.memory_space<hbm>> -> memref<1x128xi32, #tpu.memory_space<hbm>>
      %dma_start3A_136 = arith.constant 0 : i32
      %dma_start3A_137 = arith.constant 0 : i32
      %dma_start3A_138 = tpu.memref_slice %arg7[%run_scoped3A_40, %dma_start3A_136, %dma_start3A_137] : memref<3x1x128xi32, #tpu.memory_space<vmem>> -> memref<1x1x128xi32, #tpu.memory_space<vmem>>
      %dma_start3A_139 = tpu.memref_squeeze %dma_start3A_138 : memref<1x1x128xi32, #tpu.memory_space<vmem>> -> memref<1x128xi32, #tpu.memory_space<vmem>>
      %dma_start3A_140 = arith.constant 0 : i32
      %dma_start3A_141 = arith.constant 0 : i32
      %dma_start3A_142 = tpu.memref_slice %arg4[%add3A_39, %dma_start3A_140, %dma_start3A_141] : memref<2560x1x128xi32, #tpu.memory_space<hbm>> -> memref<1x1x128xi32, #tpu.memory_space<hbm>>
      %dma_start3A_143 = tpu.memref_squeeze %dma_start3A_142 : memref<1x1x128xi32, #tpu.memory_space<hbm>> -> memref<1x128xi32, #tpu.memory_space<hbm>>
      tpu.enqueue_dma source(%dma_start3A_143 : memref<1x128xi32, #tpu.memory_space<hbm>>) target(%dma_start3A_139 : memref<1x128xi32, #tpu.memory_space<vmem>>) target_semaphore(%run_scoped3A_127 : memref<!tpu.dma_semaphore, #tpu.memory_space<semaphore_mem>>)
      %dma_wait3A = arith.constant 0 : i32
      %dma_wait3A_144 = arith.constant 0 : i32
      %dma_wait3A_145 = tpu.memref_slice %arg7[%run_scoped3A_40, %dma_wait3A, %dma_wait3A_144] : memref<3x1x128xi32, #tpu.memory_space<vmem>> -> memref<1x1x128xi32, #tpu.memory_space<vmem>>
      %dma_wait3A_146 = tpu.memref_squeeze %dma_wait3A_145 : memref<1x1x128xi32, #tpu.memory_space<vmem>> -> memref<1x128xi32, #tpu.memory_space<vmem>>
      %dma_wait3A_147 = arith.constant 0 : i32
      %dma_wait3A_148 = arith.constant 0 : i32
      %dma_wait3A_149 = tpu.memref_slice %arg4[%add3A_39, %dma_wait3A_147, %dma_wait3A_148] : memref<2560x1x128xi32, #tpu.memory_space<hbm>> -> memref<1x1x128xi32, #tpu.memory_space<hbm>>
      %dma_wait3A_150 = tpu.memref_squeeze %dma_wait3A_149 : memref<1x1x128xi32, #tpu.memory_space<hbm>> -> memref<1x128xi32, #tpu.memory_space<hbm>>
      %dma_wait3A_151 = arith.constant 0 : i32
      %dma_wait3A_152 = arith.constant 0 : i32
      %dma_wait3A_153 = tpu.memref_slice %arg7[%run_scoped3A_40, %dma_wait3A_151, %dma_wait3A_152] : memref<3x1x128xi32, #tpu.memory_space<vmem>> -> memref<1x1x128xi32, #tpu.memory_space<vmem>>
      %dma_wait3A_154 = tpu.memref_squeeze %dma_wait3A_153 : memref<1x1x128xi32, #tpu.memory_space<vmem>> -> memref<1x128xi32, #tpu.memory_space<vmem>>
      %dma_wait3A_155 = arith.constant 0 : i32
      %dma_wait3A_156 = arith.constant 0 : i32
      %dma_wait3A_157 = tpu.memref_slice %arg4[%add3A_39, %dma_wait3A_155, %dma_wait3A_156] : memref<2560x1x128xi32, #tpu.memory_space<hbm>> -> memref<1x1x128xi32, #tpu.memory_space<hbm>>
      %dma_wait3A_158 = tpu.memref_squeeze %dma_wait3A_157 : memref<1x1x128xi32, #tpu.memory_space<hbm>> -> memref<1x128xi32, #tpu.memory_space<hbm>>
      tpu.wait_dma2 semaphore(%run_scoped3A_127 : memref<!tpu.dma_semaphore, #tpu.memory_space<semaphore_mem>>) src(%dma_wait3A_158 : memref<1x128xi32, #tpu.memory_space<hbm>>) dst(%dma_wait3A_154 : memref<1x128xi32, #tpu.memory_space<vmem>>)
      tpu.yield
    }) : () -> ()
    %dma_start3A = arith.constant 0 : i32
    %dma_start3A_41 = arith.constant 0 : i32
    %dma_start3A_42 = arith.constant 0 : i32
    %dma_start3A_43 = arith.constant 0 : i32
    %dma_start3A_44 = arith.constant 0 : i32
    %dma_start3A_45 = arith.constant 0 : i32
    %dma_start3A_46 = tpu.memref_slice %arg8[%dma_start3A_42, %dma_start3A_44, %dma_start3A_45] : memref<3x128x128xf32, #tpu.memory_space<vmem>> -> memref<1x128x128xf32, #tpu.memory_space<vmem>>
    %dma_start3A_47 = tpu.memref_squeeze %dma_start3A_46 : memref<1x128x128xf32, #tpu.memory_space<vmem>> -> memref<128x128xf32, #tpu.memory_space<vmem>>
    %dma_start3A_48 = arith.constant 0 : i32
    %dma_start3A_49 = tpu.memref_slice %arg6[%dma_start3A, %dma_start3A_41, %dma_start3A_48] : memref<3x1x128xi32, #tpu.memory_space<vmem>> -> memref<1x1x128xi32, #tpu.memory_space<vmem>>
    %dma_start3A_50 = tpu.memref_squeeze %dma_start3A_49 : memref<1x1x128xi32, #tpu.memory_space<vmem>> -> memref<128xi32, #tpu.memory_space<vmem>>
    %dma_start3A_51 = arith.constant 0 : i32
    %dma_start3A_52 = arith.constant 0 : i32
    %dma_start3A_53 = tpu.memref_slice %arg2[%dma_start3A_51, %dma_start3A_52] : memref<10000x128xf32, #tpu.memory_space<hbm>> -> memref<10000x128xf32, #tpu.memory_space<hbm>>
    %dma_start3A_54 = tpu.memref_slice %arg10[%dma_start3A_43] : memref<3x!tpu.dma_semaphore, #tpu.memory_space<semaphore_mem>> -> memref<1x!tpu.dma_semaphore, #tpu.memory_space<semaphore_mem>>
    %dma_start3A_55 = tpu.memref_squeeze %dma_start3A_54 : memref<1x!tpu.dma_semaphore, #tpu.memory_space<semaphore_mem>> -> memref<!tpu.dma_semaphore, #tpu.memory_space<semaphore_mem>>
    tpu.enqueue_indirect_dma source(%dma_start3A_53 : memref<10000x128xf32, #tpu.memory_space<hbm>>) target(%dma_start3A_47 : memref<128x128xf32, #tpu.memory_space<vmem>>) offsets(%dma_start3A_50 : memref<128xi32, #tpu.memory_space<vmem>>) semaphore(%dma_start3A_55 : memref<!tpu.dma_semaphore, #tpu.memory_space<semaphore_mem>>)
    %dma_start3A_56 = arith.constant 1 : i32
    %dma_start3A_57 = arith.constant 0 : i32
    %dma_start3A_58 = arith.constant 1 : i32
    %dma_start3A_59 = arith.constant 1 : i32
    %dma_start3A_60 = arith.constant 0 : i32
    %dma_start3A_61 = arith.constant 0 : i32
    %dma_start3A_62 = tpu.memref_slice %arg8[%dma_start3A_58, %dma_start3A_60, %dma_start3A_61] : memref<3x128x128xf32, #tpu.memory_space<vmem>> -> memref<1x128x128xf32, #tpu.memory_space<vmem>>
    %dma_start3A_63 = tpu.memref_squeeze %dma_start3A_62 : memref<1x128x128xf32, #tpu.memory_space<vmem>> -> memref<128x128xf32, #tpu.memory_space<vmem>>
    %dma_start3A_64 = arith.constant 0 : i32
    %dma_start3A_65 = tpu.memref_slice %arg6[%dma_start3A_56, %dma_start3A_57, %dma_start3A_64] : memref<3x1x128xi32, #tpu.memory_space<vmem>> -> memref<1x1x128xi32, #tpu.memory_space<vmem>>
    %dma_start3A_66 = tpu.memref_squeeze %dma_start3A_65 : memref<1x1x128xi32, #tpu.memory_space<vmem>> -> memref<128xi32, #tpu.memory_space<vmem>>
    %dma_start3A_67 = arith.constant 0 : i32
    %dma_start3A_68 = arith.constant 0 : i32
    %dma_start3A_69 = tpu.memref_slice %arg2[%dma_start3A_67, %dma_start3A_68] : memref<10000x128xf32, #tpu.memory_space<hbm>> -> memref<10000x128xf32, #tpu.memory_space<hbm>>
    %dma_start3A_70 = tpu.memref_slice %arg10[%dma_start3A_59] : memref<3x!tpu.dma_semaphore, #tpu.memory_space<semaphore_mem>> -> memref<1x!tpu.dma_semaphore, #tpu.memory_space<semaphore_mem>>
    %dma_start3A_71 = tpu.memref_squeeze %dma_start3A_70 : memref<1x!tpu.dma_semaphore, #tpu.memory_space<semaphore_mem>> -> memref<!tpu.dma_semaphore, #tpu.memory_space<semaphore_mem>>
    tpu.enqueue_indirect_dma source(%dma_start3A_69 : memref<10000x128xf32, #tpu.memory_space<hbm>>) target(%dma_start3A_63 : memref<128x128xf32, #tpu.memory_space<vmem>>) offsets(%dma_start3A_66 : memref<128xi32, #tpu.memory_space<vmem>>) semaphore(%dma_start3A_71 : memref<!tpu.dma_semaphore, #tpu.memory_space<semaphore_mem>>)
    %add3A_72 = arith.constant 2 : i32
    %add3A_73 = arith.addi %mul3A_2, %add3A_72 : i32
    %dma_start3A_74 = arith.constant 2 : i32
    %dma_start3A_75 = arith.constant 2 : i32
    %dma_start3A_76 = arith.constant 0 : i32
    %dma_start3A_77 = arith.constant 0 : i32
    %dma_start3A_78 = tpu.memref_slice %arg6[%dma_start3A_74, %dma_start3A_76, %dma_start3A_77] : memref<3x1x128xi32, #tpu.memory_space<vmem>> -> memref<1x1x128xi32, #tpu.memory_space<vmem>>
    %dma_start3A_79 = tpu.memref_squeeze %dma_start3A_78 : memref<1x1x128xi32, #tpu.memory_space<vmem>> -> memref<1x128xi32, #tpu.memory_space<vmem>>
    %dma_start3A_80 = arith.constant 0 : i32
    %dma_start3A_81 = arith.constant 0 : i32
    %dma_start3A_82 = tpu.memref_slice %arg3[%add3A_73, %dma_start3A_80, %dma_start3A_81] : memref<2560x1x128xi32, #tpu.memory_space<hbm>> -> memref<1x1x128xi32, #tpu.memory_space<hbm>>
    %dma_start3A_83 = tpu.memref_squeeze %dma_start3A_82 : memref<1x1x128xi32, #tpu.memory_space<hbm>> -> memref<1x128xi32, #tpu.memory_space<hbm>>
    %dma_start3A_84 = tpu.memref_slice %arg11[%dma_start3A_75] : memref<3x!tpu.dma_semaphore, #tpu.memory_space<semaphore_mem>> -> memref<1x!tpu.dma_semaphore, #tpu.memory_space<semaphore_mem>>
    %dma_start3A_85 = tpu.memref_squeeze %dma_start3A_84 : memref<1x!tpu.dma_semaphore, #tpu.memory_space<semaphore_mem>> -> memref<!tpu.dma_semaphore, #tpu.memory_space<semaphore_mem>>
    %dma_start3A_86 = arith.constant 0 : i32
    %dma_start3A_87 = arith.constant 0 : i32
    %dma_start3A_88 = tpu.memref_slice %arg6[%dma_start3A_74, %dma_start3A_86, %dma_start3A_87] : memref<3x1x128xi32, #tpu.memory_space<vmem>> -> memref<1x1x128xi32, #tpu.memory_space<vmem>>
    %dma_start3A_89 = tpu.memref_squeeze %dma_start3A_88 : memref<1x1x128xi32, #tpu.memory_space<vmem>> -> memref<1x128xi32, #tpu.memory_space<vmem>>
    %dma_start3A_90 = arith.constant 0 : i32
    %dma_start3A_91 = arith.constant 0 : i32
    %dma_start3A_92 = tpu.memref_slice %arg3[%add3A_73, %dma_start3A_90, %dma_start3A_91] : memref<2560x1x128xi32, #tpu.memory_space<hbm>> -> memref<1x1x128xi32, #tpu.memory_space<hbm>>
    %dma_start3A_93 = tpu.memref_squeeze %dma_start3A_92 : memref<1x1x128xi32, #tpu.memory_space<hbm>> -> memref<1x128xi32, #tpu.memory_space<hbm>>
    tpu.enqueue_dma source(%dma_start3A_93 : memref<1x128xi32, #tpu.memory_space<hbm>>) target(%dma_start3A_89 : memref<1x128xi32, #tpu.memory_space<vmem>>) target_semaphore(%dma_start3A_85 : memref<!tpu.dma_semaphore, #tpu.memory_space<semaphore_mem>>)
    %add3A_94 = arith.constant 2 : i32
    %add3A_95 = arith.addi %mul3A_2, %add3A_94 : i32
    %dma_start3A_96 = arith.constant 2 : i32
    %dma_start3A_97 = arith.constant 2 : i32
    %dma_start3A_98 = arith.constant 0 : i32
    %dma_start3A_99 = arith.constant 0 : i32
    %dma_start3A_100 = tpu.memref_slice %arg7[%dma_start3A_96, %dma_start3A_98, %dma_start3A_99] : memref<3x1x128xi32, #tpu.memory_space<vmem>> -> memref<1x1x128xi32, #tpu.memory_space<vmem>>
    %dma_start3A_101 = tpu.memref_squeeze %dma_start3A_100 : memref<1x1x128xi32, #tpu.memory_space<vmem>> -> memref<1x128xi32, #tpu.memory_space<vmem>>
    %dma_start3A_102 = arith.constant 0 : i32
    %dma_start3A_103 = arith.constant 0 : i32
    %dma_start3A_104 = tpu.memref_slice %arg4[%add3A_95, %dma_start3A_102, %dma_start3A_103] : memref<2560x1x128xi32, #tpu.memory_space<hbm>> -> memref<1x1x128xi32, #tpu.memory_space<hbm>>
    %dma_start3A_105 = tpu.memref_squeeze %dma_start3A_104 : memref<1x1x128xi32, #tpu.memory_space<hbm>> -> memref<1x128xi32, #tpu.memory_space<hbm>>
    %dma_start3A_106 = tpu.memref_slice %arg12[%dma_start3A_97] : memref<3x!tpu.dma_semaphore, #tpu.memory_space<semaphore_mem>> -> memref<1x!tpu.dma_semaphore, #tpu.memory_space<semaphore_mem>>
    %dma_start3A_107 = tpu.memref_squeeze %dma_start3A_106 : memref<1x!tpu.dma_semaphore, #tpu.memory_space<semaphore_mem>> -> memref<!tpu.dma_semaphore, #tpu.memory_space<semaphore_mem>>
    %dma_start3A_108 = arith.constant 0 : i32
    %dma_start3A_109 = arith.constant 0 : i32
    %dma_start3A_110 = tpu.memref_slice %arg7[%dma_start3A_96, %dma_start3A_108, %dma_start3A_109] : memref<3x1x128xi32, #tpu.memory_space<vmem>> -> memref<1x1x128xi32, #tpu.memory_space<vmem>>
    %dma_start3A_111 = tpu.memref_squeeze %dma_start3A_110 : memref<1x1x128xi32, #tpu.memory_space<vmem>> -> memref<1x128xi32, #tpu.memory_space<vmem>>
    %dma_start3A_112 = arith.constant 0 : i32
    %dma_start3A_113 = arith.constant 0 : i32
    %dma_start3A_114 = tpu.memref_slice %arg4[%add3A_95, %dma_start3A_112, %dma_start3A_113] : memref<2560x1x128xi32, #tpu.memory_space<hbm>> -> memref<1x1x128xi32, #tpu.memory_space<hbm>>
    %dma_start3A_115 = tpu.memref_squeeze %dma_start3A_114 : memref<1x1x128xi32, #tpu.memory_space<hbm>> -> memref<1x128xi32, #tpu.memory_space<hbm>>
    tpu.enqueue_dma source(%dma_start3A_115 : memref<1x128xi32, #tpu.memory_space<hbm>>) target(%dma_start3A_111 : memref<1x128xi32, #tpu.memory_space<vmem>>) target_semaphore(%dma_start3A_107 : memref<!tpu.dma_semaphore, #tpu.memory_space<semaphore_mem>>)
    %scan3A_116 = arith.constant 0 : i32
    %scan3A_117 = arith.constant 0 : i32
    %scan3A_118 = arith.constant 27 : i32
    %scan3A_119 = arith.addi %scan3A_117, %scan3A_118 : i32
    %scan3A_120 = arith.constant 1 : i32
    scf.for %scan3A_127 = %scan3A_117 to %scan3A_119 step %scan3A_120  : i32 {
      %mul3A_128 = arith.constant 3 : i32
      %mul3A_129 = arith.muli %mul3A_128, %scan3A_127 : i32
      %add3A_130 = arith.constant 0 : i32
      %add3A_131 = arith.addi %mul3A_129, %add3A_130 : i32
      %lt3A = arith.constant 80 : i32
      %lt3A_132 = arith.cmpi slt, %add3A_131, %lt3A : i32
      %convert_element_type3A = arith.extui %lt3A_132 : i1 to i32
      %cond3A = arith.constant 0 : i32
      %cond3A_133 = arith.cmpi ne, %convert_element_type3A, %cond3A : i32
      scf.if %cond3A_133 {
        %dma_wait3A = arith.constant 0 : i32
        %dma_wait3A_209 = arith.constant 0 : i32
        %dma_wait3A_210 = arith.constant 0 : i32
        %dma_wait3A_211 = arith.constant 0 : i32
        %dma_wait3A_212 = arith.constant 0 : i32
        %dma_wait3A_213 = arith.constant 0 : i32
        %dma_wait3A_214 = tpu.memref_slice %arg8[%dma_wait3A_210, %dma_wait3A_212, %dma_wait3A_213] : memref<3x128x128xf32, #tpu.memory_space<vmem>> -> memref<1x128x128xf32, #tpu.memory_space<vmem>>
        %dma_wait3A_215 = tpu.memref_squeeze %dma_wait3A_214 : memref<1x128x128xf32, #tpu.memory_space<vmem>> -> memref<128x128xf32, #tpu.memory_space<vmem>>
        %dma_wait3A_216 = arith.constant 0 : i32
        %dma_wait3A_217 = tpu.memref_slice %arg6[%dma_wait3A, %dma_wait3A_209, %dma_wait3A_216] : memref<3x1x128xi32, #tpu.memory_space<vmem>> -> memref<1x1x128xi32, #tpu.memory_space<vmem>>
        %dma_wait3A_218 = tpu.memref_squeeze %dma_wait3A_217 : memref<1x1x128xi32, #tpu.memory_space<vmem>> -> memref<128xi32, #tpu.memory_space<vmem>>
        %dma_wait3A_219 = arith.constant 0 : i32
        %dma_wait3A_220 = arith.constant 0 : i32
        %dma_wait3A_221 = tpu.memref_slice %arg2[%dma_wait3A_219, %dma_wait3A_220] : memref<10000x128xf32, #tpu.memory_space<hbm>> -> memref<10000x128xf32, #tpu.memory_space<hbm>>
        %dma_wait3A_222 = tpu.memref_slice %arg10[%dma_wait3A_211] : memref<3x!tpu.dma_semaphore, #tpu.memory_space<semaphore_mem>> -> memref<1x!tpu.dma_semaphore, #tpu.memory_space<semaphore_mem>>
        %dma_wait3A_223 = tpu.memref_squeeze %dma_wait3A_222 : memref<1x!tpu.dma_semaphore, #tpu.memory_space<semaphore_mem>> -> memref<!tpu.dma_semaphore, #tpu.memory_space<semaphore_mem>>
        tpu.wait_indirect_dma semaphore(%dma_wait3A_223 : memref<!tpu.dma_semaphore, #tpu.memory_space<semaphore_mem>>) src(%dma_wait3A_221 : memref<10000x128xf32, #tpu.memory_space<hbm>>) dst(%dma_wait3A_215 : memref<128x128xf32, #tpu.memory_space<vmem>>)
      } else {
      }
      %add3A_134 = arith.constant 2 : i32
      %add3A_135 = arith.addi %add3A_131, %add3A_134 : i32
      %lt3A_136 = arith.constant 80 : i32
      %lt3A_137 = arith.cmpi slt, %add3A_135, %lt3A_136 : i32
      %convert_element_type3A_138 = arith.extui %lt3A_137 : i1 to i32
      %cond3A_139 = arith.constant 0 : i32
      %cond3A_140 = arith.cmpi ne, %convert_element_type3A_138, %cond3A_139 : i32
      scf.if %cond3A_140 {
        %add3A_209 = arith.addi %mul3A_2, %add3A_131 : i32
        %add3A_210 = arith.constant 2 : i32
        %add3A_211 = arith.addi %add3A_209, %add3A_210 : i32
        %dma_wait3A = arith.constant 2 : i32
        %dma_wait3A_212 = arith.constant 2 : i32
        %dma_wait3A_213 = arith.constant 0 : i32
        %dma_wait3A_214 = arith.constant 0 : i32
        %dma_wait3A_215 = tpu.memref_slice %arg6[%dma_wait3A, %dma_wait3A_213, %dma_wait3A_214] : memref<3x1x128xi32, #tpu.memory_space<vmem>> -> memref<1x1x128xi32, #tpu.memory_space<vmem>>
        %dma_wait3A_216 = tpu.memref_squeeze %dma_wait3A_215 : memref<1x1x128xi32, #tpu.memory_space<vmem>> -> memref<1x128xi32, #tpu.memory_space<vmem>>
        %dma_wait3A_217 = arith.constant 0 : i32
        %dma_wait3A_218 = arith.constant 0 : i32
        %dma_wait3A_219 = tpu.memref_slice %arg3[%add3A_211, %dma_wait3A_217, %dma_wait3A_218] : memref<2560x1x128xi32, #tpu.memory_space<hbm>> -> memref<1x1x128xi32, #tpu.memory_space<hbm>>
        %dma_wait3A_220 = tpu.memref_squeeze %dma_wait3A_219 : memref<1x1x128xi32, #tpu.memory_space<hbm>> -> memref<1x128xi32, #tpu.memory_space<hbm>>
        %dma_wait3A_221 = tpu.memref_slice %arg11[%dma_wait3A_212] : memref<3x!tpu.dma_semaphore, #tpu.memory_space<semaphore_mem>> -> memref<1x!tpu.dma_semaphore, #tpu.memory_space<semaphore_mem>>
        %dma_wait3A_222 = tpu.memref_squeeze %dma_wait3A_221 : memref<1x!tpu.dma_semaphore, #tpu.memory_space<semaphore_mem>> -> memref<!tpu.dma_semaphore, #tpu.memory_space<semaphore_mem>>
        %dma_wait3A_223 = arith.constant 0 : i32
        %dma_wait3A_224 = arith.constant 0 : i32
        %dma_wait3A_225 = tpu.memref_slice %arg6[%dma_wait3A, %dma_wait3A_223, %dma_wait3A_224] : memref<3x1x128xi32, #tpu.memory_space<vmem>> -> memref<1x1x128xi32, #tpu.memory_space<vmem>>
        %dma_wait3A_226 = tpu.memref_squeeze %dma_wait3A_225 : memref<1x1x128xi32, #tpu.memory_space<vmem>> -> memref<1x128xi32, #tpu.memory_space<vmem>>
        %dma_wait3A_227 = arith.constant 0 : i32
        %dma_wait3A_228 = arith.constant 0 : i32
        %dma_wait3A_229 = tpu.memref_slice %arg3[%add3A_211, %dma_wait3A_227, %dma_wait3A_228] : memref<2560x1x128xi32, #tpu.memory_space<hbm>> -> memref<1x1x128xi32, #tpu.memory_space<hbm>>
        %dma_wait3A_230 = tpu.memref_squeeze %dma_wait3A_229 : memref<1x1x128xi32, #tpu.memory_space<hbm>> -> memref<1x128xi32, #tpu.memory_space<hbm>>
        tpu.wait_dma2 semaphore(%dma_wait3A_222 : memref<!tpu.dma_semaphore, #tpu.memory_space<semaphore_mem>>) src(%dma_wait3A_230 : memref<1x128xi32, #tpu.memory_space<hbm>>) dst(%dma_wait3A_226 : memref<1x128xi32, #tpu.memory_space<vmem>>)
        %add3A_231 = arith.addi %mul3A_2, %add3A_131 : i32
        %add3A_232 = arith.constant 2 : i32
        %add3A_233 = arith.addi %add3A_231, %add3A_232 : i32
        %dma_wait3A_234 = arith.constant 2 : i32
        %dma_wait3A_235 = arith.constant 2 : i32
        %dma_wait3A_236 = arith.constant 0 : i32
        %dma_wait3A_237 = arith.constant 0 : i32
        %dma_wait3A_238 = tpu.memref_slice %arg7[%dma_wait3A_234, %dma_wait3A_236, %dma_wait3A_237] : memref<3x1x128xi32, #tpu.memory_space<vmem>> -> memref<1x1x128xi32, #tpu.memory_space<vmem>>
        %dma_wait3A_239 = tpu.memref_squeeze %dma_wait3A_238 : memref<1x1x128xi32, #tpu.memory_space<vmem>> -> memref<1x128xi32, #tpu.memory_space<vmem>>
        %dma_wait3A_240 = arith.constant 0 : i32
        %dma_wait3A_241 = arith.constant 0 : i32
        %dma_wait3A_242 = tpu.memref_slice %arg4[%add3A_233, %dma_wait3A_240, %dma_wait3A_241] : memref<2560x1x128xi32, #tpu.memory_space<hbm>> -> memref<1x1x128xi32, #tpu.memory_space<hbm>>
        %dma_wait3A_243 = tpu.memref_squeeze %dma_wait3A_242 : memref<1x1x128xi32, #tpu.memory_space<hbm>> -> memref<1x128xi32, #tpu.memory_space<hbm>>
        %dma_wait3A_244 = tpu.memref_slice %arg12[%dma_wait3A_235] : memref<3x!tpu.dma_semaphore, #tpu.memory_space<semaphore_mem>> -> memref<1x!tpu.dma_semaphore, #tpu.memory_space<semaphore_mem>>
        %dma_wait3A_245 = tpu.memref_squeeze %dma_wait3A_244 : memref<1x!tpu.dma_semaphore, #tpu.memory_space<semaphore_mem>> -> memref<!tpu.dma_semaphore, #tpu.memory_space<semaphore_mem>>
        %dma_wait3A_246 = arith.constant 0 : i32
        %dma_wait3A_247 = arith.constant 0 : i32
        %dma_wait3A_248 = tpu.memref_slice %arg7[%dma_wait3A_234, %dma_wait3A_246, %dma_wait3A_247] : memref<3x1x128xi32, #tpu.memory_space<vmem>> -> memref<1x1x128xi32, #tpu.memory_space<vmem>>
        %dma_wait3A_249 = tpu.memref_squeeze %dma_wait3A_248 : memref<1x1x128xi32, #tpu.memory_space<vmem>> -> memref<1x128xi32, #tpu.memory_space<vmem>>
        %dma_wait3A_250 = arith.constant 0 : i32
        %dma_wait3A_251 = arith.constant 0 : i32
        %dma_wait3A_252 = tpu.memref_slice %arg4[%add3A_233, %dma_wait3A_250, %dma_wait3A_251] : memref<2560x1x128xi32, #tpu.memory_space<hbm>> -> memref<1x1x128xi32, #tpu.memory_space<hbm>>
        %dma_wait3A_253 = tpu.memref_squeeze %dma_wait3A_252 : memref<1x1x128xi32, #tpu.memory_space<hbm>> -> memref<1x128xi32, #tpu.memory_space<hbm>>
        tpu.wait_dma2 semaphore(%dma_wait3A_245 : memref<!tpu.dma_semaphore, #tpu.memory_space<semaphore_mem>>) src(%dma_wait3A_253 : memref<1x128xi32, #tpu.memory_space<hbm>>) dst(%dma_wait3A_249 : memref<1x128xi32, #tpu.memory_space<vmem>>)
        %dma_start3A_254 = arith.constant 2 : i32
        %dma_start3A_255 = arith.constant 0 : i32
        %dma_start3A_256 = arith.constant 2 : i32
        %dma_start3A_257 = arith.constant 2 : i32
        %dma_start3A_258 = arith.constant 0 : i32
        %dma_start3A_259 = arith.constant 0 : i32
        %dma_start3A_260 = tpu.memref_slice %arg8[%dma_start3A_256, %dma_start3A_258, %dma_start3A_259] : memref<3x128x128xf32, #tpu.memory_space<vmem>> -> memref<1x128x128xf32, #tpu.memory_space<vmem>>
        %dma_start3A_261 = tpu.memref_squeeze %dma_start3A_260 : memref<1x128x128xf32, #tpu.memory_space<vmem>> -> memref<128x128xf32, #tpu.memory_space<vmem>>
        %dma_start3A_262 = arith.constant 0 : i32
        %dma_start3A_263 = tpu.memref_slice %arg6[%dma_start3A_254, %dma_start3A_255, %dma_start3A_262] : memref<3x1x128xi32, #tpu.memory_space<vmem>> -> memref<1x1x128xi32, #tpu.memory_space<vmem>>
        %dma_start3A_264 = tpu.memref_squeeze %dma_start3A_263 : memref<1x1x128xi32, #tpu.memory_space<vmem>> -> memref<128xi32, #tpu.memory_space<vmem>>
        %dma_start3A_265 = arith.constant 0 : i32
        %dma_start3A_266 = arith.constant 0 : i32
        %dma_start3A_267 = tpu.memref_slice %arg2[%dma_start3A_265, %dma_start3A_266] : memref<10000x128xf32, #tpu.memory_space<hbm>> -> memref<10000x128xf32, #tpu.memory_space<hbm>>
        %dma_start3A_268 = tpu.memref_slice %arg10[%dma_start3A_257] : memref<3x!tpu.dma_semaphore, #tpu.memory_space<semaphore_mem>> -> memref<1x!tpu.dma_semaphore, #tpu.memory_space<semaphore_mem>>
        %dma_start3A_269 = tpu.memref_squeeze %dma_start3A_268 : memref<1x!tpu.dma_semaphore, #tpu.memory_space<semaphore_mem>> -> memref<!tpu.dma_semaphore, #tpu.memory_space<semaphore_mem>>
        tpu.enqueue_indirect_dma source(%dma_start3A_267 : memref<10000x128xf32, #tpu.memory_space<hbm>>) target(%dma_start3A_261 : memref<128x128xf32, #tpu.memory_space<vmem>>) offsets(%dma_start3A_264 : memref<128xi32, #tpu.memory_space<vmem>>) semaphore(%dma_start3A_269 : memref<!tpu.dma_semaphore, #tpu.memory_space<semaphore_mem>>)
      } else {
      }
      %lt3A_141 = arith.constant 80 : i32
      %lt3A_142 = arith.cmpi slt, %add3A_131, %lt3A_141 : i32
      %convert_element_type3A_143 = arith.extui %lt3A_142 : i1 to i32
      %cond3A_144 = arith.constant 0 : i32
      %cond3A_145 = arith.cmpi ne, %convert_element_type3A_143, %cond3A_144 : i32
      scf.if %cond3A_145 {
        %run_scoped3A_209 = arith.constant 0 : i32
        %run_scoped3A_210 = arith.constant 0 : i32
        %run_scoped3A_211 = arith.constant 0 : i32
        "tpu.region"() ({
          %run_scoped3A_212 = tpu.sem_alloc : memref<!tpu.dma_semaphore, #tpu.memory_space<semaphore_mem>>
          %dma_start3A_213 = arith.constant 0 : i32
          %dma_start3A_214 = arith.constant 0 : i32
          %dma_start3A_215 = tpu.memref_slice %arg8[%run_scoped3A_209, %dma_start3A_213, %dma_start3A_214] : memref<3x128x128xf32, #tpu.memory_space<vmem>> -> memref<1x128x128xf32, #tpu.memory_space<vmem>>
          %dma_start3A_216 = tpu.memref_squeeze %dma_start3A_215 : memref<1x128x128xf32, #tpu.memory_space<vmem>> -> memref<128x128xf32, #tpu.memory_space<vmem>>
          %dma_start3A_217 = arith.constant 0 : i32
          %dma_start3A_218 = tpu.memref_slice %arg7[%run_scoped3A_210, %run_scoped3A_211, %dma_start3A_217] : memref<3x1x128xi32, #tpu.memory_space<vmem>> -> memref<1x1x128xi32, #tpu.memory_space<vmem>>
          %dma_start3A_219 = tpu.memref_squeeze %dma_start3A_218 : memref<1x1x128xi32, #tpu.memory_space<vmem>> -> memref<128xi32, #tpu.memory_space<vmem>>
          %dma_start3A_220 = arith.constant 0 : i32
          %dma_start3A_221 = arith.constant 0 : i32
          %dma_start3A_222 = tpu.memref_slice %arg9[%dma_start3A_220, %dma_start3A_221] : memref<10112x128xf32, #tpu.memory_space<vmem_shared>> -> memref<10112x128xf32, #tpu.memory_space<vmem_shared>>
          tpu.enqueue_indirect_dma source(%dma_start3A_216 : memref<128x128xf32, #tpu.memory_space<vmem>>) target(%dma_start3A_222 : memref<10112x128xf32, #tpu.memory_space<vmem_shared>>) offsets(%dma_start3A_219 : memref<128xi32, #tpu.memory_space<vmem>>) semaphore(%run_scoped3A_212 : memref<!tpu.dma_semaphore, #tpu.memory_space<semaphore_mem>>) {add = true}
          %dma_wait3A = arith.constant 0 : i32
          %dma_wait3A_223 = arith.constant 0 : i32
          %dma_wait3A_224 = tpu.memref_slice %arg8[%run_scoped3A_209, %dma_wait3A, %dma_wait3A_223] : memref<3x128x128xf32, #tpu.memory_space<vmem>> -> memref<1x128x128xf32, #tpu.memory_space<vmem>>
          %dma_wait3A_225 = tpu.memref_squeeze %dma_wait3A_224 : memref<1x128x128xf32, #tpu.memory_space<vmem>> -> memref<128x128xf32, #tpu.memory_space<vmem>>
          %dma_wait3A_226 = arith.constant 0 : i32
          %dma_wait3A_227 = tpu.memref_slice %arg7[%run_scoped3A_210, %run_scoped3A_211, %dma_wait3A_226] : memref<3x1x128xi32, #tpu.memory_space<vmem>> -> memref<1x1x128xi32, #tpu.memory_space<vmem>>
          %dma_wait3A_228 = tpu.memref_squeeze %dma_wait3A_227 : memref<1x1x128xi32, #tpu.memory_space<vmem>> -> memref<128xi32, #tpu.memory_space<vmem>>
          %dma_wait3A_229 = arith.constant 0 : i32
          %dma_wait3A_230 = arith.constant 0 : i32
          %dma_wait3A_231 = tpu.memref_slice %arg9[%dma_wait3A_229, %dma_wait3A_230] : memref<10112x128xf32, #tpu.memory_space<vmem_shared>> -> memref<10112x128xf32, #tpu.memory_space<vmem_shared>>
          tpu.wait_indirect_dma semaphore(%run_scoped3A_212 : memref<!tpu.dma_semaphore, #tpu.memory_space<semaphore_mem>>) src(%dma_wait3A_225 : memref<128x128xf32, #tpu.memory_space<vmem>>) dst(%dma_wait3A_231 : memref<10112x128xf32, #tpu.memory_space<vmem_shared>>)
          tpu.yield
        }) : () -> ()
      } else {
      }
      %add3A_146 = arith.constant 3 : i32
      %add3A_147 = arith.addi %add3A_131, %add3A_146 : i32
      %lt3A_148 = arith.constant 80 : i32
      %lt3A_149 = arith.cmpi slt, %add3A_147, %lt3A_148 : i32
      %convert_element_type3A_150 = arith.extui %lt3A_149 : i1 to i32
      %cond3A_151 = arith.constant 0 : i32
      %cond3A_152 = arith.cmpi ne, %convert_element_type3A_150, %cond3A_151 : i32
      scf.if %cond3A_152 {
        %add3A_209 = arith.addi %mul3A_2, %add3A_131 : i32
        %add3A_210 = arith.constant 3 : i32
        %add3A_211 = arith.addi %add3A_209, %add3A_210 : i32
        %dma_start3A_212 = arith.constant 0 : i32
        %dma_start3A_213 = arith.constant 0 : i32
        %dma_start3A_214 = arith.constant 0 : i32
        %dma_start3A_215 = arith.constant 0 : i32
        %dma_start3A_216 = tpu.memref_slice %arg6[%dma_start3A_212, %dma_start3A_214, %dma_start3A_215] : memref<3x1x128xi32, #tpu.memory_space<vmem>> -> memref<1x1x128xi32, #tpu.memory_space<vmem>>
        %dma_start3A_217 = tpu.memref_squeeze %dma_start3A_216 : memref<1x1x128xi32, #tpu.memory_space<vmem>> -> memref<1x128xi32, #tpu.memory_space<vmem>>
        %dma_start3A_218 = arith.constant 0 : i32
        %dma_start3A_219 = arith.constant 0 : i32
        %dma_start3A_220 = tpu.memref_slice %arg3[%add3A_211, %dma_start3A_218, %dma_start3A_219] : memref<2560x1x128xi32, #tpu.memory_space<hbm>> -> memref<1x1x128xi32, #tpu.memory_space<hbm>>
        %dma_start3A_221 = tpu.memref_squeeze %dma_start3A_220 : memref<1x1x128xi32, #tpu.memory_space<hbm>> -> memref<1x128xi32, #tpu.memory_space<hbm>>
        %dma_start3A_222 = tpu.memref_slice %arg11[%dma_start3A_213] : memref<3x!tpu.dma_semaphore, #tpu.memory_space<semaphore_mem>> -> memref<1x!tpu.dma_semaphore, #tpu.memory_space<semaphore_mem>>
        %dma_start3A_223 = tpu.memref_squeeze %dma_start3A_222 : memref<1x!tpu.dma_semaphore, #tpu.memory_space<semaphore_mem>> -> memref<!tpu.dma_semaphore, #tpu.memory_space<semaphore_mem>>
        %dma_start3A_224 = arith.constant 0 : i32
        %dma_start3A_225 = arith.constant 0 : i32
        %dma_start3A_226 = tpu.memref_slice %arg6[%dma_start3A_212, %dma_start3A_224, %dma_start3A_225] : memref<3x1x128xi32, #tpu.memory_space<vmem>> -> memref<1x1x128xi32, #tpu.memory_space<vmem>>
        %dma_start3A_227 = tpu.memref_squeeze %dma_start3A_226 : memref<1x1x128xi32, #tpu.memory_space<vmem>> -> memref<1x128xi32, #tpu.memory_space<vmem>>
        %dma_start3A_228 = arith.constant 0 : i32
        %dma_start3A_229 = arith.constant 0 : i32
        %dma_start3A_230 = tpu.memref_slice %arg3[%add3A_211, %dma_start3A_228, %dma_start3A_229] : memref<2560x1x128xi32, #tpu.memory_space<hbm>> -> memref<1x1x128xi32, #tpu.memory_space<hbm>>
        %dma_start3A_231 = tpu.memref_squeeze %dma_start3A_230 : memref<1x1x128xi32, #tpu.memory_space<hbm>> -> memref<1x128xi32, #tpu.memory_space<hbm>>
        tpu.enqueue_dma source(%dma_start3A_231 : memref<1x128xi32, #tpu.memory_space<hbm>>) target(%dma_start3A_227 : memref<1x128xi32, #tpu.memory_space<vmem>>) target_semaphore(%dma_start3A_223 : memref<!tpu.dma_semaphore, #tpu.memory_space<semaphore_mem>>)
        %add3A_232 = arith.addi %mul3A_2, %add3A_131 : i32
        %add3A_233 = arith.constant 3 : i32
        %add3A_234 = arith.addi %add3A_232, %add3A_233 : i32
        %dma_start3A_235 = arith.constant 0 : i32
        %dma_start3A_236 = arith.constant 0 : i32
        %dma_start3A_237 = arith.constant 0 : i32
        %dma_start3A_238 = arith.constant 0 : i32
        %dma_start3A_239 = tpu.memref_slice %arg7[%dma_start3A_235, %dma_start3A_237, %dma_start3A_238] : memref<3x1x128xi32, #tpu.memory_space<vmem>> -> memref<1x1x128xi32, #tpu.memory_space<vmem>>
        %dma_start3A_240 = tpu.memref_squeeze %dma_start3A_239 : memref<1x1x128xi32, #tpu.memory_space<vmem>> -> memref<1x128xi32, #tpu.memory_space<vmem>>
        %dma_start3A_241 = arith.constant 0 : i32
        %dma_start3A_242 = arith.constant 0 : i32
        %dma_start3A_243 = tpu.memref_slice %arg4[%add3A_234, %dma_start3A_241, %dma_start3A_242] : memref<2560x1x128xi32, #tpu.memory_space<hbm>> -> memref<1x1x128xi32, #tpu.memory_space<hbm>>
        %dma_start3A_244 = tpu.memref_squeeze %dma_start3A_243 : memref<1x1x128xi32, #tpu.memory_space<hbm>> -> memref<1x128xi32, #tpu.memory_space<hbm>>
        %dma_start3A_245 = tpu.memref_slice %arg12[%dma_start3A_236] : memref<3x!tpu.dma_semaphore, #tpu.memory_space<semaphore_mem>> -> memref<1x!tpu.dma_semaphore, #tpu.memory_space<semaphore_mem>>
        %dma_start3A_246 = tpu.memref_squeeze %dma_start3A_245 : memref<1x!tpu.dma_semaphore, #tpu.memory_space<semaphore_mem>> -> memref<!tpu.dma_semaphore, #tpu.memory_space<semaphore_mem>>
        %dma_start3A_247 = arith.constant 0 : i32
        %dma_start3A_248 = arith.constant 0 : i32
        %dma_start3A_249 = tpu.memref_slice %arg7[%dma_start3A_235, %dma_start3A_247, %dma_start3A_248] : memref<3x1x128xi32, #tpu.memory_space<vmem>> -> memref<1x1x128xi32, #tpu.memory_space<vmem>>
        %dma_start3A_250 = tpu.memref_squeeze %dma_start3A_249 : memref<1x1x128xi32, #tpu.memory_space<vmem>> -> memref<1x128xi32, #tpu.memory_space<vmem>>
        %dma_start3A_251 = arith.constant 0 : i32
        %dma_start3A_252 = arith.constant 0 : i32
        %dma_start3A_253 = tpu.memref_slice %arg4[%add3A_234, %dma_start3A_251, %dma_start3A_252] : memref<2560x1x128xi32, #tpu.memory_space<hbm>> -> memref<1x1x128xi32, #tpu.memory_space<hbm>>
        %dma_start3A_254 = tpu.memref_squeeze %dma_start3A_253 : memref<1x1x128xi32, #tpu.memory_space<hbm>> -> memref<1x128xi32, #tpu.memory_space<hbm>>
        tpu.enqueue_dma source(%dma_start3A_254 : memref<1x128xi32, #tpu.memory_space<hbm>>) target(%dma_start3A_250 : memref<1x128xi32, #tpu.memory_space<vmem>>) target_semaphore(%dma_start3A_246 : memref<!tpu.dma_semaphore, #tpu.memory_space<semaphore_mem>>)
      } else {
      }
      %mul3A_153 = arith.constant 3 : i32
      %mul3A_154 = arith.muli %mul3A_153, %scan3A_127 : i32
      %add3A_155 = arith.constant 1 : i32
      %add3A_156 = arith.addi %mul3A_154, %add3A_155 : i32
      %lt3A_157 = arith.constant 80 : i32
      %lt3A_158 = arith.cmpi slt, %add3A_156, %lt3A_157 : i32
      %convert_element_type3A_159 = arith.extui %lt3A_158 : i1 to i32
      %cond3A_160 = arith.constant 0 : i32
      %cond3A_161 = arith.cmpi ne, %convert_element_type3A_159, %cond3A_160 : i32
      scf.if %cond3A_161 {
        %dma_wait3A = arith.constant 1 : i32
        %dma_wait3A_209 = arith.constant 0 : i32
        %dma_wait3A_210 = arith.constant 1 : i32
        %dma_wait3A_211 = arith.constant 1 : i32
        %dma_wait3A_212 = arith.constant 0 : i32
        %dma_wait3A_213 = arith.constant 0 : i32
        %dma_wait3A_214 = tpu.memref_slice %arg8[%dma_wait3A_210, %dma_wait3A_212, %dma_wait3A_213] : memref<3x128x128xf32, #tpu.memory_space<vmem>> -> memref<1x128x128xf32, #tpu.memory_space<vmem>>
        %dma_wait3A_215 = tpu.memref_squeeze %dma_wait3A_214 : memref<1x128x128xf32, #tpu.memory_space<vmem>> -> memref<128x128xf32, #tpu.memory_space<vmem>>
        %dma_wait3A_216 = arith.constant 0 : i32
        %dma_wait3A_217 = tpu.memref_slice %arg6[%dma_wait3A, %dma_wait3A_209, %dma_wait3A_216] : memref<3x1x128xi32, #tpu.memory_space<vmem>> -> memref<1x1x128xi32, #tpu.memory_space<vmem>>
        %dma_wait3A_218 = tpu.memref_squeeze %dma_wait3A_217 : memref<1x1x128xi32, #tpu.memory_space<vmem>> -> memref<128xi32, #tpu.memory_space<vmem>>
        %dma_wait3A_219 = arith.constant 0 : i32
        %dma_wait3A_220 = arith.constant 0 : i32
        %dma_wait3A_221 = tpu.memref_slice %arg2[%dma_wait3A_219, %dma_wait3A_220] : memref<10000x128xf32, #tpu.memory_space<hbm>> -> memref<10000x128xf32, #tpu.memory_space<hbm>>
        %dma_wait3A_222 = tpu.memref_slice %arg10[%dma_wait3A_211] : memref<3x!tpu.dma_semaphore, #tpu.memory_space<semaphore_mem>> -> memref<1x!tpu.dma_semaphore, #tpu.memory_space<semaphore_mem>>
        %dma_wait3A_223 = tpu.memref_squeeze %dma_wait3A_222 : memref<1x!tpu.dma_semaphore, #tpu.memory_space<semaphore_mem>> -> memref<!tpu.dma_semaphore, #tpu.memory_space<semaphore_mem>>
        tpu.wait_indirect_dma semaphore(%dma_wait3A_223 : memref<!tpu.dma_semaphore, #tpu.memory_space<semaphore_mem>>) src(%dma_wait3A_221 : memref<10000x128xf32, #tpu.memory_space<hbm>>) dst(%dma_wait3A_215 : memref<128x128xf32, #tpu.memory_space<vmem>>)
      } else {
      }
      %add3A_162 = arith.constant 2 : i32
      %add3A_163 = arith.addi %add3A_156, %add3A_162 : i32
      %lt3A_164 = arith.constant 80 : i32
      %lt3A_165 = arith.cmpi slt, %add3A_163, %lt3A_164 : i32
      %convert_element_type3A_166 = arith.extui %lt3A_165 : i1 to i32
      %cond3A_167 = arith.constant 0 : i32
      %cond3A_168 = arith.cmpi ne, %convert_element_type3A_166, %cond3A_167 : i32
      scf.if %cond3A_168 {
        %add3A_209 = arith.addi %mul3A_2, %add3A_156 : i32
        %add3A_210 = arith.constant 2 : i32
        %add3A_211 = arith.addi %add3A_209, %add3A_210 : i32
        %dma_wait3A = arith.constant 0 : i32
        %dma_wait3A_212 = arith.constant 0 : i32
        %dma_wait3A_213 = arith.constant 0 : i32
        %dma_wait3A_214 = arith.constant 0 : i32
        %dma_wait3A_215 = tpu.memref_slice %arg6[%dma_wait3A, %dma_wait3A_213, %dma_wait3A_214] : memref<3x1x128xi32, #tpu.memory_space<vmem>> -> memref<1x1x128xi32, #tpu.memory_space<vmem>>
        %dma_wait3A_216 = tpu.memref_squeeze %dma_wait3A_215 : memref<1x1x128xi32, #tpu.memory_space<vmem>> -> memref<1x128xi32, #tpu.memory_space<vmem>>
        %dma_wait3A_217 = arith.constant 0 : i32
        %dma_wait3A_218 = arith.constant 0 : i32
        %dma_wait3A_219 = tpu.memref_slice %arg3[%add3A_211, %dma_wait3A_217, %dma_wait3A_218] : memref<2560x1x128xi32, #tpu.memory_space<hbm>> -> memref<1x1x128xi32, #tpu.memory_space<hbm>>
        %dma_wait3A_220 = tpu.memref_squeeze %dma_wait3A_219 : memref<1x1x128xi32, #tpu.memory_space<hbm>> -> memref<1x128xi32, #tpu.memory_space<hbm>>
        %dma_wait3A_221 = tpu.memref_slice %arg11[%dma_wait3A_212] : memref<3x!tpu.dma_semaphore, #tpu.memory_space<semaphore_mem>> -> memref<1x!tpu.dma_semaphore, #tpu.memory_space<semaphore_mem>>
        %dma_wait3A_222 = tpu.memref_squeeze %dma_wait3A_221 : memref<1x!tpu.dma_semaphore, #tpu.memory_space<semaphore_mem>> -> memref<!tpu.dma_semaphore, #tpu.memory_space<semaphore_mem>>
        %dma_wait3A_223 = arith.constant 0 : i32
        %dma_wait3A_224 = arith.constant 0 : i32
        %dma_wait3A_225 = tpu.memref_slice %arg6[%dma_wait3A, %dma_wait3A_223, %dma_wait3A_224] : memref<3x1x128xi32, #tpu.memory_space<vmem>> -> memref<1x1x128xi32, #tpu.memory_space<vmem>>
        %dma_wait3A_226 = tpu.memref_squeeze %dma_wait3A_225 : memref<1x1x128xi32, #tpu.memory_space<vmem>> -> memref<1x128xi32, #tpu.memory_space<vmem>>
        %dma_wait3A_227 = arith.constant 0 : i32
        %dma_wait3A_228 = arith.constant 0 : i32
        %dma_wait3A_229 = tpu.memref_slice %arg3[%add3A_211, %dma_wait3A_227, %dma_wait3A_228] : memref<2560x1x128xi32, #tpu.memory_space<hbm>> -> memref<1x1x128xi32, #tpu.memory_space<hbm>>
        %dma_wait3A_230 = tpu.memref_squeeze %dma_wait3A_229 : memref<1x1x128xi32, #tpu.memory_space<hbm>> -> memref<1x128xi32, #tpu.memory_space<hbm>>
        tpu.wait_dma2 semaphore(%dma_wait3A_222 : memref<!tpu.dma_semaphore, #tpu.memory_space<semaphore_mem>>) src(%dma_wait3A_230 : memref<1x128xi32, #tpu.memory_space<hbm>>) dst(%dma_wait3A_226 : memref<1x128xi32, #tpu.memory_space<vmem>>)
        %add3A_231 = arith.addi %mul3A_2, %add3A_156 : i32
        %add3A_232 = arith.constant 2 : i32
        %add3A_233 = arith.addi %add3A_231, %add3A_232 : i32
        %dma_wait3A_234 = arith.constant 0 : i32
        %dma_wait3A_235 = arith.constant 0 : i32
        %dma_wait3A_236 = arith.constant 0 : i32
        %dma_wait3A_237 = arith.constant 0 : i32
        %dma_wait3A_238 = tpu.memref_slice %arg7[%dma_wait3A_234, %dma_wait3A_236, %dma_wait3A_237] : memref<3x1x128xi32, #tpu.memory_space<vmem>> -> memref<1x1x128xi32, #tpu.memory_space<vmem>>
        %dma_wait3A_239 = tpu.memref_squeeze %dma_wait3A_238 : memref<1x1x128xi32, #tpu.memory_space<vmem>> -> memref<1x128xi32, #tpu.memory_space<vmem>>
        %dma_wait3A_240 = arith.constant 0 : i32
        %dma_wait3A_241 = arith.constant 0 : i32
        %dma_wait3A_242 = tpu.memref_slice %arg4[%add3A_233, %dma_wait3A_240, %dma_wait3A_241] : memref<2560x1x128xi32, #tpu.memory_space<hbm>> -> memref<1x1x128xi32, #tpu.memory_space<hbm>>
        %dma_wait3A_243 = tpu.memref_squeeze %dma_wait3A_242 : memref<1x1x128xi32, #tpu.memory_space<hbm>> -> memref<1x128xi32, #tpu.memory_space<hbm>>
        %dma_wait3A_244 = tpu.memref_slice %arg12[%dma_wait3A_235] : memref<3x!tpu.dma_semaphore, #tpu.memory_space<semaphore_mem>> -> memref<1x!tpu.dma_semaphore, #tpu.memory_space<semaphore_mem>>
        %dma_wait3A_245 = tpu.memref_squeeze %dma_wait3A_244 : memref<1x!tpu.dma_semaphore, #tpu.memory_space<semaphore_mem>> -> memref<!tpu.dma_semaphore, #tpu.memory_space<semaphore_mem>>
        %dma_wait3A_246 = arith.constant 0 : i32
        %dma_wait3A_247 = arith.constant 0 : i32
        %dma_wait3A_248 = tpu.memref_slice %arg7[%dma_wait3A_234, %dma_wait3A_246, %dma_wait3A_247] : memref<3x1x128xi32, #tpu.memory_space<vmem>> -> memref<1x1x128xi32, #tpu.memory_space<vmem>>
        %dma_wait3A_249 = tpu.memref_squeeze %dma_wait3A_248 : memref<1x1x128xi32, #tpu.memory_space<vmem>> -> memref<1x128xi32, #tpu.memory_space<vmem>>
        %dma_wait3A_250 = arith.constant 0 : i32
        %dma_wait3A_251 = arith.constant 0 : i32
        %dma_wait3A_252 = tpu.memref_slice %arg4[%add3A_233, %dma_wait3A_250, %dma_wait3A_251] : memref<2560x1x128xi32, #tpu.memory_space<hbm>> -> memref<1x1x128xi32, #tpu.memory_space<hbm>>
        %dma_wait3A_253 = tpu.memref_squeeze %dma_wait3A_252 : memref<1x1x128xi32, #tpu.memory_space<hbm>> -> memref<1x128xi32, #tpu.memory_space<hbm>>
        tpu.wait_dma2 semaphore(%dma_wait3A_245 : memref<!tpu.dma_semaphore, #tpu.memory_space<semaphore_mem>>) src(%dma_wait3A_253 : memref<1x128xi32, #tpu.memory_space<hbm>>) dst(%dma_wait3A_249 : memref<1x128xi32, #tpu.memory_space<vmem>>)
        %dma_start3A_254 = arith.constant 0 : i32
        %dma_start3A_255 = arith.constant 0 : i32
        %dma_start3A_256 = arith.constant 0 : i32
        %dma_start3A_257 = arith.constant 0 : i32
        %dma_start3A_258 = arith.constant 0 : i32
        %dma_start3A_259 = arith.constant 0 : i32
        %dma_start3A_260 = tpu.memref_slice %arg8[%dma_start3A_256, %dma_start3A_258, %dma_start3A_259] : memref<3x128x128xf32, #tpu.memory_space<vmem>> -> memref<1x128x128xf32, #tpu.memory_space<vmem>>
        %dma_start3A_261 = tpu.memref_squeeze %dma_start3A_260 : memref<1x128x128xf32, #tpu.memory_space<vmem>> -> memref<128x128xf32, #tpu.memory_space<vmem>>
        %dma_start3A_262 = arith.constant 0 : i32
        %dma_start3A_263 = tpu.memref_slice %arg6[%dma_start3A_254, %dma_start3A_255, %dma_start3A_262] : memref<3x1x128xi32, #tpu.memory_space<vmem>> -> memref<1x1x128xi32, #tpu.memory_space<vmem>>
        %dma_start3A_264 = tpu.memref_squeeze %dma_start3A_263 : memref<1x1x128xi32, #tpu.memory_space<vmem>> -> memref<128xi32, #tpu.memory_space<vmem>>
        %dma_start3A_265 = arith.constant 0 : i32
        %dma_start3A_266 = arith.constant 0 : i32
        %dma_start3A_267 = tpu.memref_slice %arg2[%dma_start3A_265, %dma_start3A_266] : memref<10000x128xf32, #tpu.memory_space<hbm>> -> memref<10000x128xf32, #tpu.memory_space<hbm>>
        %dma_start3A_268 = tpu.memref_slice %arg10[%dma_start3A_257] : memref<3x!tpu.dma_semaphore, #tpu.memory_space<semaphore_mem>> -> memref<1x!tpu.dma_semaphore, #tpu.memory_space<semaphore_mem>>
        %dma_start3A_269 = tpu.memref_squeeze %dma_start3A_268 : memref<1x!tpu.dma_semaphore, #tpu.memory_space<semaphore_mem>> -> memref<!tpu.dma_semaphore, #tpu.memory_space<semaphore_mem>>
        tpu.enqueue_indirect_dma source(%dma_start3A_267 : memref<10000x128xf32, #tpu.memory_space<hbm>>) target(%dma_start3A_261 : memref<128x128xf32, #tpu.memory_space<vmem>>) offsets(%dma_start3A_264 : memref<128xi32, #tpu.memory_space<vmem>>) semaphore(%dma_start3A_269 : memref<!tpu.dma_semaphore, #tpu.memory_space<semaphore_mem>>)
      } else {
      }
      %lt3A_169 = arith.constant 80 : i32
      %lt3A_170 = arith.cmpi slt, %add3A_156, %lt3A_169 : i32
      %convert_element_type3A_171 = arith.extui %lt3A_170 : i1 to i32
      %cond3A_172 = arith.constant 0 : i32
      %cond3A_173 = arith.cmpi ne, %convert_element_type3A_171, %cond3A_172 : i32
      scf.if %cond3A_173 {
        %run_scoped3A_209 = arith.constant 1 : i32
        %run_scoped3A_210 = arith.constant 1 : i32
        %run_scoped3A_211 = arith.constant 0 : i32
        "tpu.region"() ({
          %run_scoped3A_212 = tpu.sem_alloc : memref<!tpu.dma_semaphore, #tpu.memory_space<semaphore_mem>>
          %dma_start3A_213 = arith.constant 0 : i32
          %dma_start3A_214 = arith.constant 0 : i32
          %dma_start3A_215 = tpu.memref_slice %arg8[%run_scoped3A_209, %dma_start3A_213, %dma_start3A_214] : memref<3x128x128xf32, #tpu.memory_space<vmem>> -> memref<1x128x128xf32, #tpu.memory_space<vmem>>
          %dma_start3A_216 = tpu.memref_squeeze %dma_start3A_215 : memref<1x128x128xf32, #tpu.memory_space<vmem>> -> memref<128x128xf32, #tpu.memory_space<vmem>>
          %dma_start3A_217 = arith.constant 0 : i32
          %dma_start3A_218 = tpu.memref_slice %arg7[%run_scoped3A_210, %run_scoped3A_211, %dma_start3A_217] : memref<3x1x128xi32, #tpu.memory_space<vmem>> -> memref<1x1x128xi32, #tpu.memory_space<vmem>>
          %dma_start3A_219 = tpu.memref_squeeze %dma_start3A_218 : memref<1x1x128xi32, #tpu.memory_space<vmem>> -> memref<128xi32, #tpu.memory_space<vmem>>
          %dma_start3A_220 = arith.constant 0 : i32
          %dma_start3A_221 = arith.constant 0 : i32
          %dma_start3A_222 = tpu.memref_slice %arg9[%dma_start3A_220, %dma_start3A_221] : memref<10112x128xf32, #tpu.memory_space<vmem_shared>> -> memref<10112x128xf32, #tpu.memory_space<vmem_shared>>
          tpu.enqueue_indirect_dma source(%dma_start3A_216 : memref<128x128xf32, #tpu.memory_space<vmem>>) target(%dma_start3A_222 : memref<10112x128xf32, #tpu.memory_space<vmem_shared>>) offsets(%dma_start3A_219 : memref<128xi32, #tpu.memory_space<vmem>>) semaphore(%run_scoped3A_212 : memref<!tpu.dma_semaphore, #tpu.memory_space<semaphore_mem>>) {add = true}
          %dma_wait3A = arith.constant 0 : i32
          %dma_wait3A_223 = arith.constant 0 : i32
          %dma_wait3A_224 = tpu.memref_slice %arg8[%run_scoped3A_209, %dma_wait3A, %dma_wait3A_223] : memref<3x128x128xf32, #tpu.memory_space<vmem>> -> memref<1x128x128xf32, #tpu.memory_space<vmem>>
          %dma_wait3A_225 = tpu.memref_squeeze %dma_wait3A_224 : memref<1x128x128xf32, #tpu.memory_space<vmem>> -> memref<128x128xf32, #tpu.memory_space<vmem>>
          %dma_wait3A_226 = arith.constant 0 : i32
          %dma_wait3A_227 = tpu.memref_slice %arg7[%run_scoped3A_210, %run_scoped3A_211, %dma_wait3A_226] : memref<3x1x128xi32, #tpu.memory_space<vmem>> -> memref<1x1x128xi32, #tpu.memory_space<vmem>>
          %dma_wait3A_228 = tpu.memref_squeeze %dma_wait3A_227 : memref<1x1x128xi32, #tpu.memory_space<vmem>> -> memref<128xi32, #tpu.memory_space<vmem>>
          %dma_wait3A_229 = arith.constant 0 : i32
          %dma_wait3A_230 = arith.constant 0 : i32
          %dma_wait3A_231 = tpu.memref_slice %arg9[%dma_wait3A_229, %dma_wait3A_230] : memref<10112x128xf32, #tpu.memory_space<vmem_shared>> -> memref<10112x128xf32, #tpu.memory_space<vmem_shared>>
          tpu.wait_indirect_dma semaphore(%run_scoped3A_212 : memref<!tpu.dma_semaphore, #tpu.memory_space<semaphore_mem>>) src(%dma_wait3A_225 : memref<128x128xf32, #tpu.memory_space<vmem>>) dst(%dma_wait3A_231 : memref<10112x128xf32, #tpu.memory_space<vmem_shared>>)
          tpu.yield
        }) : () -> ()
      } else {
      }
      %add3A_174 = arith.constant 3 : i32
      %add3A_175 = arith.addi %add3A_156, %add3A_174 : i32
      %lt3A_176 = arith.constant 80 : i32
      %lt3A_177 = arith.cmpi slt, %add3A_175, %lt3A_176 : i32
      %convert_element_type3A_178 = arith.extui %lt3A_177 : i1 to i32
      %cond3A_179 = arith.constant 0 : i32
      %cond3A_180 = arith.cmpi ne, %convert_element_type3A_178, %cond3A_179 : i32
      scf.if %cond3A_180 {
        %add3A_209 = arith.addi %mul3A_2, %add3A_156 : i32
        %add3A_210 = arith.constant 3 : i32
        %add3A_211 = arith.addi %add3A_209, %add3A_210 : i32
        %dma_start3A_212 = arith.constant 1 : i32
        %dma_start3A_213 = arith.constant 1 : i32
        %dma_start3A_214 = arith.constant 0 : i32
        %dma_start3A_215 = arith.constant 0 : i32
        %dma_start3A_216 = tpu.memref_slice %arg6[%dma_start3A_212, %dma_start3A_214, %dma_start3A_215] : memref<3x1x128xi32, #tpu.memory_space<vmem>> -> memref<1x1x128xi32, #tpu.memory_space<vmem>>
        %dma_start3A_217 = tpu.memref_squeeze %dma_start3A_216 : memref<1x1x128xi32, #tpu.memory_space<vmem>> -> memref<1x128xi32, #tpu.memory_space<vmem>>
        %dma_start3A_218 = arith.constant 0 : i32
        %dma_start3A_219 = arith.constant 0 : i32
        %dma_start3A_220 = tpu.memref_slice %arg3[%add3A_211, %dma_start3A_218, %dma_start3A_219] : memref<2560x1x128xi32, #tpu.memory_space<hbm>> -> memref<1x1x128xi32, #tpu.memory_space<hbm>>
        %dma_start3A_221 = tpu.memref_squeeze %dma_start3A_220 : memref<1x1x128xi32, #tpu.memory_space<hbm>> -> memref<1x128xi32, #tpu.memory_space<hbm>>
        %dma_start3A_222 = tpu.memref_slice %arg11[%dma_start3A_213] : memref<3x!tpu.dma_semaphore, #tpu.memory_space<semaphore_mem>> -> memref<1x!tpu.dma_semaphore, #tpu.memory_space<semaphore_mem>>
        %dma_start3A_223 = tpu.memref_squeeze %dma_start3A_222 : memref<1x!tpu.dma_semaphore, #tpu.memory_space<semaphore_mem>> -> memref<!tpu.dma_semaphore, #tpu.memory_space<semaphore_mem>>
        %dma_start3A_224 = arith.constant 0 : i32
        %dma_start3A_225 = arith.constant 0 : i32
        %dma_start3A_226 = tpu.memref_slice %arg6[%dma_start3A_212, %dma_start3A_224, %dma_start3A_225] : memref<3x1x128xi32, #tpu.memory_space<vmem>> -> memref<1x1x128xi32, #tpu.memory_space<vmem>>
        %dma_start3A_227 = tpu.memref_squeeze %dma_start3A_226 : memref<1x1x128xi32, #tpu.memory_space<vmem>> -> memref<1x128xi32, #tpu.memory_space<vmem>>
        %dma_start3A_228 = arith.constant 0 : i32
        %dma_start3A_229 = arith.constant 0 : i32
        %dma_start3A_230 = tpu.memref_slice %arg3[%add3A_211, %dma_start3A_228, %dma_start3A_229] : memref<2560x1x128xi32, #tpu.memory_space<hbm>> -> memref<1x1x128xi32, #tpu.memory_space<hbm>>
        %dma_start3A_231 = tpu.memref_squeeze %dma_start3A_230 : memref<1x1x128xi32, #tpu.memory_space<hbm>> -> memref<1x128xi32, #tpu.memory_space<hbm>>
        tpu.enqueue_dma source(%dma_start3A_231 : memref<1x128xi32, #tpu.memory_space<hbm>>) target(%dma_start3A_227 : memref<1x128xi32, #tpu.memory_space<vmem>>) target_semaphore(%dma_start3A_223 : memref<!tpu.dma_semaphore, #tpu.memory_space<semaphore_mem>>)
        %add3A_232 = arith.addi %mul3A_2, %add3A_156 : i32
        %add3A_233 = arith.constant 3 : i32
        %add3A_234 = arith.addi %add3A_232, %add3A_233 : i32
        %dma_start3A_235 = arith.constant 1 : i32
        %dma_start3A_236 = arith.constant 1 : i32
        %dma_start3A_237 = arith.constant 0 : i32
        %dma_start3A_238 = arith.constant 0 : i32
        %dma_start3A_239 = tpu.memref_slice %arg7[%dma_start3A_235, %dma_start3A_237, %dma_start3A_238] : memref<3x1x128xi32, #tpu.memory_space<vmem>> -> memref<1x1x128xi32, #tpu.memory_space<vmem>>
        %dma_start3A_240 = tpu.memref_squeeze %dma_start3A_239 : memref<1x1x128xi32, #tpu.memory_space<vmem>> -> memref<1x128xi32, #tpu.memory_space<vmem>>
        %dma_start3A_241 = arith.constant 0 : i32
        %dma_start3A_242 = arith.constant 0 : i32
        %dma_start3A_243 = tpu.memref_slice %arg4[%add3A_234, %dma_start3A_241, %dma_start3A_242] : memref<2560x1x128xi32, #tpu.memory_space<hbm>> -> memref<1x1x128xi32, #tpu.memory_space<hbm>>
        %dma_start3A_244 = tpu.memref_squeeze %dma_start3A_243 : memref<1x1x128xi32, #tpu.memory_space<hbm>> -> memref<1x128xi32, #tpu.memory_space<hbm>>
        %dma_start3A_245 = tpu.memref_slice %arg12[%dma_start3A_236] : memref<3x!tpu.dma_semaphore, #tpu.memory_space<semaphore_mem>> -> memref<1x!tpu.dma_semaphore, #tpu.memory_space<semaphore_mem>>
        %dma_start3A_246 = tpu.memref_squeeze %dma_start3A_245 : memref<1x!tpu.dma_semaphore, #tpu.memory_space<semaphore_mem>> -> memref<!tpu.dma_semaphore, #tpu.memory_space<semaphore_mem>>
        %dma_start3A_247 = arith.constant 0 : i32
        %dma_start3A_248 = arith.constant 0 : i32
        %dma_start3A_249 = tpu.memref_slice %arg7[%dma_start3A_235, %dma_start3A_247, %dma_start3A_248] : memref<3x1x128xi32, #tpu.memory_space<vmem>> -> memref<1x1x128xi32, #tpu.memory_space<vmem>>
        %dma_start3A_250 = tpu.memref_squeeze %dma_start3A_249 : memref<1x1x128xi32, #tpu.memory_space<vmem>> -> memref<1x128xi32, #tpu.memory_space<vmem>>
        %dma_start3A_251 = arith.constant 0 : i32
        %dma_start3A_252 = arith.constant 0 : i32
        %dma_start3A_253 = tpu.memref_slice %arg4[%add3A_234, %dma_start3A_251, %dma_start3A_252] : memref<2560x1x128xi32, #tpu.memory_space<hbm>> -> memref<1x1x128xi32, #tpu.memory_space<hbm>>
        %dma_start3A_254 = tpu.memref_squeeze %dma_start3A_253 : memref<1x1x128xi32, #tpu.memory_space<hbm>> -> memref<1x128xi32, #tpu.memory_space<hbm>>
        tpu.enqueue_dma source(%dma_start3A_254 : memref<1x128xi32, #tpu.memory_space<hbm>>) target(%dma_start3A_250 : memref<1x128xi32, #tpu.memory_space<vmem>>) target_semaphore(%dma_start3A_246 : memref<!tpu.dma_semaphore, #tpu.memory_space<semaphore_mem>>)
      } else {
      }
      %mul3A_181 = arith.constant 3 : i32
      %mul3A_182 = arith.muli %mul3A_181, %scan3A_127 : i32
      %add3A_183 = arith.constant 2 : i32
      %add3A_184 = arith.addi %mul3A_182, %add3A_183 : i32
      %lt3A_185 = arith.constant 80 : i32
      %lt3A_186 = arith.cmpi slt, %add3A_184, %lt3A_185 : i32
      %convert_element_type3A_187 = arith.extui %lt3A_186 : i1 to i32
      %cond3A_188 = arith.constant 0 : i32
      %cond3A_189 = arith.cmpi ne, %convert_element_type3A_187, %cond3A_188 : i32
      scf.if %cond3A_189 {
        %dma_wait3A = arith.constant 2 : i32
        %dma_wait3A_209 = arith.constant 0 : i32
        %dma_wait3A_210 = arith.constant 2 : i32
        %dma_wait3A_211 = arith.constant 2 : i32
        %dma_wait3A_212 = arith.constant 0 : i32
        %dma_wait3A_213 = arith.constant 0 : i32
        %dma_wait3A_214 = tpu.memref_slice %arg8[%dma_wait3A_210, %dma_wait3A_212, %dma_wait3A_213] : memref<3x128x128xf32, #tpu.memory_space<vmem>> -> memref<1x128x128xf32, #tpu.memory_space<vmem>>
        %dma_wait3A_215 = tpu.memref_squeeze %dma_wait3A_214 : memref<1x128x128xf32, #tpu.memory_space<vmem>> -> memref<128x128xf32, #tpu.memory_space<vmem>>
        %dma_wait3A_216 = arith.constant 0 : i32
        %dma_wait3A_217 = tpu.memref_slice %arg6[%dma_wait3A, %dma_wait3A_209, %dma_wait3A_216] : memref<3x1x128xi32, #tpu.memory_space<vmem>> -> memref<1x1x128xi32, #tpu.memory_space<vmem>>
        %dma_wait3A_218 = tpu.memref_squeeze %dma_wait3A_217 : memref<1x1x128xi32, #tpu.memory_space<vmem>> -> memref<128xi32, #tpu.memory_space<vmem>>
        %dma_wait3A_219 = arith.constant 0 : i32
        %dma_wait3A_220 = arith.constant 0 : i32
        %dma_wait3A_221 = tpu.memref_slice %arg2[%dma_wait3A_219, %dma_wait3A_220] : memref<10000x128xf32, #tpu.memory_space<hbm>> -> memref<10000x128xf32, #tpu.memory_space<hbm>>
        %dma_wait3A_222 = tpu.memref_slice %arg10[%dma_wait3A_211] : memref<3x!tpu.dma_semaphore, #tpu.memory_space<semaphore_mem>> -> memref<1x!tpu.dma_semaphore, #tpu.memory_space<semaphore_mem>>
        %dma_wait3A_223 = tpu.memref_squeeze %dma_wait3A_222 : memref<1x!tpu.dma_semaphore, #tpu.memory_space<semaphore_mem>> -> memref<!tpu.dma_semaphore, #tpu.memory_space<semaphore_mem>>
        tpu.wait_indirect_dma semaphore(%dma_wait3A_223 : memref<!tpu.dma_semaphore, #tpu.memory_space<semaphore_mem>>) src(%dma_wait3A_221 : memref<10000x128xf32, #tpu.memory_space<hbm>>) dst(%dma_wait3A_215 : memref<128x128xf32, #tpu.memory_space<vmem>>)
      } else {
      }
      %add3A_190 = arith.constant 2 : i32
      %add3A_191 = arith.addi %add3A_184, %add3A_190 : i32
      %lt3A_192 = arith.constant 80 : i32
      %lt3A_193 = arith.cmpi slt, %add3A_191, %lt3A_192 : i32
      %convert_element_type3A_194 = arith.extui %lt3A_193 : i1 to i32
      %cond3A_195 = arith.constant 0 : i32
      %cond3A_196 = arith.cmpi ne, %convert_element_type3A_194, %cond3A_195 : i32
      scf.if %cond3A_196 {
        %add3A_209 = arith.addi %mul3A_2, %add3A_184 : i32
        %add3A_210 = arith.constant 2 : i32
        %add3A_211 = arith.addi %add3A_209, %add3A_210 : i32
        %dma_wait3A = arith.constant 1 : i32
        %dma_wait3A_212 = arith.constant 1 : i32
        %dma_wait3A_213 = arith.constant 0 : i32
        %dma_wait3A_214 = arith.constant 0 : i32
        %dma_wait3A_215 = tpu.memref_slice %arg6[%dma_wait3A, %dma_wait3A_213, %dma_wait3A_214] : memref<3x1x128xi32, #tpu.memory_space<vmem>> -> memref<1x1x128xi32, #tpu.memory_space<vmem>>
        %dma_wait3A_216 = tpu.memref_squeeze %dma_wait3A_215 : memref<1x1x128xi32, #tpu.memory_space<vmem>> -> memref<1x128xi32, #tpu.memory_space<vmem>>
        %dma_wait3A_217 = arith.constant 0 : i32
        %dma_wait3A_218 = arith.constant 0 : i32
        %dma_wait3A_219 = tpu.memref_slice %arg3[%add3A_211, %dma_wait3A_217, %dma_wait3A_218] : memref<2560x1x128xi32, #tpu.memory_space<hbm>> -> memref<1x1x128xi32, #tpu.memory_space<hbm>>
        %dma_wait3A_220 = tpu.memref_squeeze %dma_wait3A_219 : memref<1x1x128xi32, #tpu.memory_space<hbm>> -> memref<1x128xi32, #tpu.memory_space<hbm>>
        %dma_wait3A_221 = tpu.memref_slice %arg11[%dma_wait3A_212] : memref<3x!tpu.dma_semaphore, #tpu.memory_space<semaphore_mem>> -> memref<1x!tpu.dma_semaphore, #tpu.memory_space<semaphore_mem>>
        %dma_wait3A_222 = tpu.memref_squeeze %dma_wait3A_221 : memref<1x!tpu.dma_semaphore, #tpu.memory_space<semaphore_mem>> -> memref<!tpu.dma_semaphore, #tpu.memory_space<semaphore_mem>>
        %dma_wait3A_223 = arith.constant 0 : i32
        %dma_wait3A_224 = arith.constant 0 : i32
        %dma_wait3A_225 = tpu.memref_slice %arg6[%dma_wait3A, %dma_wait3A_223, %dma_wait3A_224] : memref<3x1x128xi32, #tpu.memory_space<vmem>> -> memref<1x1x128xi32, #tpu.memory_space<vmem>>
        %dma_wait3A_226 = tpu.memref_squeeze %dma_wait3A_225 : memref<1x1x128xi32, #tpu.memory_space<vmem>> -> memref<1x128xi32, #tpu.memory_space<vmem>>
        %dma_wait3A_227 = arith.constant 0 : i32
        %dma_wait3A_228 = arith.constant 0 : i32
        %dma_wait3A_229 = tpu.memref_slice %arg3[%add3A_211, %dma_wait3A_227, %dma_wait3A_228] : memref<2560x1x128xi32, #tpu.memory_space<hbm>> -> memref<1x1x128xi32, #tpu.memory_space<hbm>>
        %dma_wait3A_230 = tpu.memref_squeeze %dma_wait3A_229 : memref<1x1x128xi32, #tpu.memory_space<hbm>> -> memref<1x128xi32, #tpu.memory_space<hbm>>
        tpu.wait_dma2 semaphore(%dma_wait3A_222 : memref<!tpu.dma_semaphore, #tpu.memory_space<semaphore_mem>>) src(%dma_wait3A_230 : memref<1x128xi32, #tpu.memory_space<hbm>>) dst(%dma_wait3A_226 : memref<1x128xi32, #tpu.memory_space<vmem>>)
        %add3A_231 = arith.addi %mul3A_2, %add3A_184 : i32
        %add3A_232 = arith.constant 2 : i32
        %add3A_233 = arith.addi %add3A_231, %add3A_232 : i32
        %dma_wait3A_234 = arith.constant 1 : i32
        %dma_wait3A_235 = arith.constant 1 : i32
        %dma_wait3A_236 = arith.constant 0 : i32
        %dma_wait3A_237 = arith.constant 0 : i32
        %dma_wait3A_238 = tpu.memref_slice %arg7[%dma_wait3A_234, %dma_wait3A_236, %dma_wait3A_237] : memref<3x1x128xi32, #tpu.memory_space<vmem>> -> memref<1x1x128xi32, #tpu.memory_space<vmem>>
        %dma_wait3A_239 = tpu.memref_squeeze %dma_wait3A_238 : memref<1x1x128xi32, #tpu.memory_space<vmem>> -> memref<1x128xi32, #tpu.memory_space<vmem>>
        %dma_wait3A_240 = arith.constant 0 : i32
        %dma_wait3A_241 = arith.constant 0 : i32
        %dma_wait3A_242 = tpu.memref_slice %arg4[%add3A_233, %dma_wait3A_240, %dma_wait3A_241] : memref<2560x1x128xi32, #tpu.memory_space<hbm>> -> memref<1x1x128xi32, #tpu.memory_space<hbm>>
        %dma_wait3A_243 = tpu.memref_squeeze %dma_wait3A_242 : memref<1x1x128xi32, #tpu.memory_space<hbm>> -> memref<1x128xi32, #tpu.memory_space<hbm>>
        %dma_wait3A_244 = tpu.memref_slice %arg12[%dma_wait3A_235] : memref<3x!tpu.dma_semaphore, #tpu.memory_space<semaphore_mem>> -> memref<1x!tpu.dma_semaphore, #tpu.memory_space<semaphore_mem>>
        %dma_wait3A_245 = tpu.memref_squeeze %dma_wait3A_244 : memref<1x!tpu.dma_semaphore, #tpu.memory_space<semaphore_mem>> -> memref<!tpu.dma_semaphore, #tpu.memory_space<semaphore_mem>>
        %dma_wait3A_246 = arith.constant 0 : i32
        %dma_wait3A_247 = arith.constant 0 : i32
        %dma_wait3A_248 = tpu.memref_slice %arg7[%dma_wait3A_234, %dma_wait3A_246, %dma_wait3A_247] : memref<3x1x128xi32, #tpu.memory_space<vmem>> -> memref<1x1x128xi32, #tpu.memory_space<vmem>>
        %dma_wait3A_249 = tpu.memref_squeeze %dma_wait3A_248 : memref<1x1x128xi32, #tpu.memory_space<vmem>> -> memref<1x128xi32, #tpu.memory_space<vmem>>
        %dma_wait3A_250 = arith.constant 0 : i32
        %dma_wait3A_251 = arith.constant 0 : i32
        %dma_wait3A_252 = tpu.memref_slice %arg4[%add3A_233, %dma_wait3A_250, %dma_wait3A_251] : memref<2560x1x128xi32, #tpu.memory_space<hbm>> -> memref<1x1x128xi32, #tpu.memory_space<hbm>>
        %dma_wait3A_253 = tpu.memref_squeeze %dma_wait3A_252 : memref<1x1x128xi32, #tpu.memory_space<hbm>> -> memref<1x128xi32, #tpu.memory_space<hbm>>
        tpu.wait_dma2 semaphore(%dma_wait3A_245 : memref<!tpu.dma_semaphore, #tpu.memory_space<semaphore_mem>>) src(%dma_wait3A_253 : memref<1x128xi32, #tpu.memory_space<hbm>>) dst(%dma_wait3A_249 : memref<1x128xi32, #tpu.memory_space<vmem>>)
        %dma_start3A_254 = arith.constant 1 : i32
        %dma_start3A_255 = arith.constant 0 : i32
        %dma_start3A_256 = arith.constant 1 : i32
        %dma_start3A_257 = arith.constant 1 : i32
        %dma_start3A_258 = arith.constant 0 : i32
        %dma_start3A_259 = arith.constant 0 : i32
        %dma_start3A_260 = tpu.memref_slice %arg8[%dma_start3A_256, %dma_start3A_258, %dma_start3A_259] : memref<3x128x128xf32, #tpu.memory_space<vmem>> -> memref<1x128x128xf32, #tpu.memory_space<vmem>>
        %dma_start3A_261 = tpu.memref_squeeze %dma_start3A_260 : memref<1x128x128xf32, #tpu.memory_space<vmem>> -> memref<128x128xf32, #tpu.memory_space<vmem>>
        %dma_start3A_262 = arith.constant 0 : i32
        %dma_start3A_263 = tpu.memref_slice %arg6[%dma_start3A_254, %dma_start3A_255, %dma_start3A_262] : memref<3x1x128xi32, #tpu.memory_space<vmem>> -> memref<1x1x128xi32, #tpu.memory_space<vmem>>
        %dma_start3A_264 = tpu.memref_squeeze %dma_start3A_263 : memref<1x1x128xi32, #tpu.memory_space<vmem>> -> memref<128xi32, #tpu.memory_space<vmem>>
        %dma_start3A_265 = arith.constant 0 : i32
        %dma_start3A_266 = arith.constant 0 : i32
        %dma_start3A_267 = tpu.memref_slice %arg2[%dma_start3A_265, %dma_start3A_266] : memref<10000x128xf32, #tpu.memory_space<hbm>> -> memref<10000x128xf32, #tpu.memory_space<hbm>>
        %dma_start3A_268 = tpu.memref_slice %arg10[%dma_start3A_257] : memref<3x!tpu.dma_semaphore, #tpu.memory_space<semaphore_mem>> -> memref<1x!tpu.dma_semaphore, #tpu.memory_space<semaphore_mem>>
        %dma_start3A_269 = tpu.memref_squeeze %dma_start3A_268 : memref<1x!tpu.dma_semaphore, #tpu.memory_space<semaphore_mem>> -> memref<!tpu.dma_semaphore, #tpu.memory_space<semaphore_mem>>
        tpu.enqueue_indirect_dma source(%dma_start3A_267 : memref<10000x128xf32, #tpu.memory_space<hbm>>) target(%dma_start3A_261 : memref<128x128xf32, #tpu.memory_space<vmem>>) offsets(%dma_start3A_264 : memref<128xi32, #tpu.memory_space<vmem>>) semaphore(%dma_start3A_269 : memref<!tpu.dma_semaphore, #tpu.memory_space<semaphore_mem>>)
      } else {
      }
      %lt3A_197 = arith.constant 80 : i32
      %lt3A_198 = arith.cmpi slt, %add3A_184, %lt3A_197 : i32
      %convert_element_type3A_199 = arith.extui %lt3A_198 : i1 to i32
      %cond3A_200 = arith.constant 0 : i32
      %cond3A_201 = arith.cmpi ne, %convert_element_type3A_199, %cond3A_200 : i32
      scf.if %cond3A_201 {
        %run_scoped3A_209 = arith.constant 2 : i32
        %run_scoped3A_210 = arith.constant 2 : i32
        %run_scoped3A_211 = arith.constant 0 : i32
        "tpu.region"() ({
          %run_scoped3A_212 = tpu.sem_alloc : memref<!tpu.dma_semaphore, #tpu.memory_space<semaphore_mem>>
          %dma_start3A_213 = arith.constant 0 : i32
          %dma_start3A_214 = arith.constant 0 : i32
          %dma_start3A_215 = tpu.memref_slice %arg8[%run_scoped3A_209, %dma_start3A_213, %dma_start3A_214] : memref<3x128x128xf32, #tpu.memory_space<vmem>> -> memref<1x128x128xf32, #tpu.memory_space<vmem>>
          %dma_start3A_216 = tpu.memref_squeeze %dma_start3A_215 : memref<1x128x128xf32, #tpu.memory_space<vmem>> -> memref<128x128xf32, #tpu.memory_space<vmem>>
          %dma_start3A_217 = arith.constant 0 : i32
          %dma_start3A_218 = tpu.memref_slice %arg7[%run_scoped3A_210, %run_scoped3A_211, %dma_start3A_217] : memref<3x1x128xi32, #tpu.memory_space<vmem>> -> memref<1x1x128xi32, #tpu.memory_space<vmem>>
          %dma_start3A_219 = tpu.memref_squeeze %dma_start3A_218 : memref<1x1x128xi32, #tpu.memory_space<vmem>> -> memref<128xi32, #tpu.memory_space<vmem>>
          %dma_start3A_220 = arith.constant 0 : i32
          %dma_start3A_221 = arith.constant 0 : i32
          %dma_start3A_222 = tpu.memref_slice %arg9[%dma_start3A_220, %dma_start3A_221] : memref<10112x128xf32, #tpu.memory_space<vmem_shared>> -> memref<10112x128xf32, #tpu.memory_space<vmem_shared>>
          tpu.enqueue_indirect_dma source(%dma_start3A_216 : memref<128x128xf32, #tpu.memory_space<vmem>>) target(%dma_start3A_222 : memref<10112x128xf32, #tpu.memory_space<vmem_shared>>) offsets(%dma_start3A_219 : memref<128xi32, #tpu.memory_space<vmem>>) semaphore(%run_scoped3A_212 : memref<!tpu.dma_semaphore, #tpu.memory_space<semaphore_mem>>) {add = true}
          %dma_wait3A = arith.constant 0 : i32
          %dma_wait3A_223 = arith.constant 0 : i32
          %dma_wait3A_224 = tpu.memref_slice %arg8[%run_scoped3A_209, %dma_wait3A, %dma_wait3A_223] : memref<3x128x128xf32, #tpu.memory_space<vmem>> -> memref<1x128x128xf32, #tpu.memory_space<vmem>>
          %dma_wait3A_225 = tpu.memref_squeeze %dma_wait3A_224 : memref<1x128x128xf32, #tpu.memory_space<vmem>> -> memref<128x128xf32, #tpu.memory_space<vmem>>
          %dma_wait3A_226 = arith.constant 0 : i32
          %dma_wait3A_227 = tpu.memref_slice %arg7[%run_scoped3A_210, %run_scoped3A_211, %dma_wait3A_226] : memref<3x1x128xi32, #tpu.memory_space<vmem>> -> memref<1x1x128xi32, #tpu.memory_space<vmem>>
          %dma_wait3A_228 = tpu.memref_squeeze %dma_wait3A_227 : memref<1x1x128xi32, #tpu.memory_space<vmem>> -> memref<128xi32, #tpu.memory_space<vmem>>
          %dma_wait3A_229 = arith.constant 0 : i32
          %dma_wait3A_230 = arith.constant 0 : i32
          %dma_wait3A_231 = tpu.memref_slice %arg9[%dma_wait3A_229, %dma_wait3A_230] : memref<10112x128xf32, #tpu.memory_space<vmem_shared>> -> memref<10112x128xf32, #tpu.memory_space<vmem_shared>>
          tpu.wait_indirect_dma semaphore(%run_scoped3A_212 : memref<!tpu.dma_semaphore, #tpu.memory_space<semaphore_mem>>) src(%dma_wait3A_225 : memref<128x128xf32, #tpu.memory_space<vmem>>) dst(%dma_wait3A_231 : memref<10112x128xf32, #tpu.memory_space<vmem_shared>>)
          tpu.yield
        }) : () -> ()
      } else {
      }
      %add3A_202 = arith.constant 3 : i32
      %add3A_203 = arith.addi %add3A_184, %add3A_202 : i32
      %lt3A_204 = arith.constant 80 : i32
      %lt3A_205 = arith.cmpi slt, %add3A_203, %lt3A_204 : i32
      %convert_element_type3A_206 = arith.extui %lt3A_205 : i1 to i32
      %cond3A_207 = arith.constant 0 : i32
      %cond3A_208 = arith.cmpi ne, %convert_element_type3A_206, %cond3A_207 : i32
      scf.if %cond3A_208 {
        %add3A_209 = arith.addi %mul3A_2, %add3A_184 : i32
        %add3A_210 = arith.constant 3 : i32
        %add3A_211 = arith.addi %add3A_209, %add3A_210 : i32
        %dma_start3A_212 = arith.constant 2 : i32
        %dma_start3A_213 = arith.constant 2 : i32
        %dma_start3A_214 = arith.constant 0 : i32
        %dma_start3A_215 = arith.constant 0 : i32
        %dma_start3A_216 = tpu.memref_slice %arg6[%dma_start3A_212, %dma_start3A_214, %dma_start3A_215] : memref<3x1x128xi32, #tpu.memory_space<vmem>> -> memref<1x1x128xi32, #tpu.memory_space<vmem>>
        %dma_start3A_217 = tpu.memref_squeeze %dma_start3A_216 : memref<1x1x128xi32, #tpu.memory_space<vmem>> -> memref<1x128xi32, #tpu.memory_space<vmem>>
        %dma_start3A_218 = arith.constant 0 : i32
        %dma_start3A_219 = arith.constant 0 : i32
        %dma_start3A_220 = tpu.memref_slice %arg3[%add3A_211, %dma_start3A_218, %dma_start3A_219] : memref<2560x1x128xi32, #tpu.memory_space<hbm>> -> memref<1x1x128xi32, #tpu.memory_space<hbm>>
        %dma_start3A_221 = tpu.memref_squeeze %dma_start3A_220 : memref<1x1x128xi32, #tpu.memory_space<hbm>> -> memref<1x128xi32, #tpu.memory_space<hbm>>
        %dma_start3A_222 = tpu.memref_slice %arg11[%dma_start3A_213] : memref<3x!tpu.dma_semaphore, #tpu.memory_space<semaphore_mem>> -> memref<1x!tpu.dma_semaphore, #tpu.memory_space<semaphore_mem>>
        %dma_start3A_223 = tpu.memref_squeeze %dma_start3A_222 : memref<1x!tpu.dma_semaphore, #tpu.memory_space<semaphore_mem>> -> memref<!tpu.dma_semaphore, #tpu.memory_space<semaphore_mem>>
        %dma_start3A_224 = arith.constant 0 : i32
        %dma_start3A_225 = arith.constant 0 : i32
        %dma_start3A_226 = tpu.memref_slice %arg6[%dma_start3A_212, %dma_start3A_224, %dma_start3A_225] : memref<3x1x128xi32, #tpu.memory_space<vmem>> -> memref<1x1x128xi32, #tpu.memory_space<vmem>>
        %dma_start3A_227 = tpu.memref_squeeze %dma_start3A_226 : memref<1x1x128xi32, #tpu.memory_space<vmem>> -> memref<1x128xi32, #tpu.memory_space<vmem>>
        %dma_start3A_228 = arith.constant 0 : i32
        %dma_start3A_229 = arith.constant 0 : i32
        %dma_start3A_230 = tpu.memref_slice %arg3[%add3A_211, %dma_start3A_228, %dma_start3A_229] : memref<2560x1x128xi32, #tpu.memory_space<hbm>> -> memref<1x1x128xi32, #tpu.memory_space<hbm>>
        %dma_start3A_231 = tpu.memref_squeeze %dma_start3A_230 : memref<1x1x128xi32, #tpu.memory_space<hbm>> -> memref<1x128xi32, #tpu.memory_space<hbm>>
        tpu.enqueue_dma source(%dma_start3A_231 : memref<1x128xi32, #tpu.memory_space<hbm>>) target(%dma_start3A_227 : memref<1x128xi32, #tpu.memory_space<vmem>>) target_semaphore(%dma_start3A_223 : memref<!tpu.dma_semaphore, #tpu.memory_space<semaphore_mem>>)
        %add3A_232 = arith.addi %mul3A_2, %add3A_184 : i32
        %add3A_233 = arith.constant 3 : i32
        %add3A_234 = arith.addi %add3A_232, %add3A_233 : i32
        %dma_start3A_235 = arith.constant 2 : i32
        %dma_start3A_236 = arith.constant 2 : i32
        %dma_start3A_237 = arith.constant 0 : i32
        %dma_start3A_238 = arith.constant 0 : i32
        %dma_start3A_239 = tpu.memref_slice %arg7[%dma_start3A_235, %dma_start3A_237, %dma_start3A_238] : memref<3x1x128xi32, #tpu.memory_space<vmem>> -> memref<1x1x128xi32, #tpu.memory_space<vmem>>
        %dma_start3A_240 = tpu.memref_squeeze %dma_start3A_239 : memref<1x1x128xi32, #tpu.memory_space<vmem>> -> memref<1x128xi32, #tpu.memory_space<vmem>>
        %dma_start3A_241 = arith.constant 0 : i32
        %dma_start3A_242 = arith.constant 0 : i32
        %dma_start3A_243 = tpu.memref_slice %arg4[%add3A_234, %dma_start3A_241, %dma_start3A_242] : memref<2560x1x128xi32, #tpu.memory_space<hbm>> -> memref<1x1x128xi32, #tpu.memory_space<hbm>>
        %dma_start3A_244 = tpu.memref_squeeze %dma_start3A_243 : memref<1x1x128xi32, #tpu.memory_space<hbm>> -> memref<1x128xi32, #tpu.memory_space<hbm>>
        %dma_start3A_245 = tpu.memref_slice %arg12[%dma_start3A_236] : memref<3x!tpu.dma_semaphore, #tpu.memory_space<semaphore_mem>> -> memref<1x!tpu.dma_semaphore, #tpu.memory_space<semaphore_mem>>
        %dma_start3A_246 = tpu.memref_squeeze %dma_start3A_245 : memref<1x!tpu.dma_semaphore, #tpu.memory_space<semaphore_mem>> -> memref<!tpu.dma_semaphore, #tpu.memory_space<semaphore_mem>>
        %dma_start3A_247 = arith.constant 0 : i32
        %dma_start3A_248 = arith.constant 0 : i32
        %dma_start3A_249 = tpu.memref_slice %arg7[%dma_start3A_235, %dma_start3A_247, %dma_start3A_248] : memref<3x1x128xi32, #tpu.memory_space<vmem>> -> memref<1x1x128xi32, #tpu.memory_space<vmem>>
        %dma_start3A_250 = tpu.memref_squeeze %dma_start3A_249 : memref<1x1x128xi32, #tpu.memory_space<vmem>> -> memref<1x128xi32, #tpu.memory_space<vmem>>
        %dma_start3A_251 = arith.constant 0 : i32
        %dma_start3A_252 = arith.constant 0 : i32
        %dma_start3A_253 = tpu.memref_slice %arg4[%add3A_234, %dma_start3A_251, %dma_start3A_252] : memref<2560x1x128xi32, #tpu.memory_space<hbm>> -> memref<1x1x128xi32, #tpu.memory_space<hbm>>
        %dma_start3A_254 = tpu.memref_squeeze %dma_start3A_253 : memref<1x1x128xi32, #tpu.memory_space<hbm>> -> memref<1x128xi32, #tpu.memory_space<hbm>>
        tpu.enqueue_dma source(%dma_start3A_254 : memref<1x128xi32, #tpu.memory_space<hbm>>) target(%dma_start3A_250 : memref<1x128xi32, #tpu.memory_space<vmem>>) target_semaphore(%dma_start3A_246 : memref<!tpu.dma_semaphore, #tpu.memory_space<semaphore_mem>>)
      } else {
      }
    }
    %scan3A_121 = arith.constant 27 : i32
    %barrier3A_122 = arith.constant 0 : index
    tpu.barrier barrier_id(%barrier3A_122)
    %mul3A_123 = arith.constant 632 : i32
    %mul3A_124 = arith.muli %arg1, %mul3A_123 : i32
    %mul3A_125 = arith.constant 632 : i32
    %mul3A_126 = arith.muli %arg1, %mul3A_125 : i32
    "tpu.region"() ({
      %run_scoped3A_127 = tpu.sem_alloc : memref<!tpu.dma_semaphore, #tpu.memory_space<semaphore_mem>>
      %dma_start3A_128 = arith.constant 0 : i32
      %dma_start3A_129 = tpu.memref_slice %arg5[%arg0, %mul3A_126, %dma_start3A_128] : memref<2x10112x128xf32, #tpu.memory_space<hbm>> -> memref<1x632x128xf32, #tpu.memory_space<hbm>>
      %dma_start3A_130 = tpu.memref_squeeze %dma_start3A_129 : memref<1x632x128xf32, #tpu.memory_space<hbm>> -> memref<632x128xf32, #tpu.memory_space<hbm>>
      %dma_start3A_131 = arith.constant 0 : i32
      %dma_start3A_132 = tpu.memref_slice %arg9[%mul3A_124, %dma_start3A_131] : memref<10112x128xf32, #tpu.memory_space<vmem_shared>> -> memref<632x128xf32, #tpu.memory_space<vmem_shared>>
      tpu.enqueue_dma source(%dma_start3A_132 : memref<632x128xf32, #tpu.memory_space<vmem_shared>>) target(%dma_start3A_130 : memref<632x128xf32, #tpu.memory_space<hbm>>) target_semaphore(%run_scoped3A_127 : memref<!tpu.dma_semaphore, #tpu.memory_space<semaphore_mem>>)
      %dma_wait3A = arith.constant 0 : i32
      %dma_wait3A_133 = tpu.memref_slice %arg5[%arg0, %mul3A_126, %dma_wait3A] : memref<2x10112x128xf32, #tpu.memory_space<hbm>> -> memref<1x632x128xf32, #tpu.memory_space<hbm>>
      %dma_wait3A_134 = tpu.memref_squeeze %dma_wait3A_133 : memref<1x632x128xf32, #tpu.memory_space<hbm>> -> memref<632x128xf32, #tpu.memory_space<hbm>>
      %dma_wait3A_135 = arith.constant 0 : i32
      %dma_wait3A_136 = tpu.memref_slice %arg9[%mul3A_124, %dma_wait3A_135] : memref<10112x128xf32, #tpu.memory_space<vmem_shared>> -> memref<632x128xf32, #tpu.memory_space<vmem_shared>>
      tpu.wait_dma2 semaphore(%run_scoped3A_127 : memref<!tpu.dma_semaphore, #tpu.memory_space<semaphore_mem>>) src(%dma_wait3A_136 : memref<632x128xf32, #tpu.memory_space<vmem_shared>>) dst(%dma_wait3A_134 : memref<632x128xf32, #tpu.memory_space<hbm>>)
      tpu.yield
    }) : () -> ()
    return
  }
}

#map = affine_map<(d0, d1) -> (0, 0)>
#map1 = affine_map<(d0, d1) -> (0, 0, 0)>
module attributes {stable_mosaic.version = 14 : i64} {
  func.func @_agg_body(%arg0: i32, %arg1: i32, %arg2: memref<10000x128xf32, #tpu.memory_space<hbm>>, %arg3: memref<2560x1x128xi32, #tpu.memory_space<hbm>>, %arg4: memref<2560x1x128xi32, #tpu.memory_space<hbm>>, %arg5: memref<2x10112x128xf32, #tpu.memory_space<hbm>>, %arg6: memref<3x1x128xi32, #tpu.memory_space<vmem>>, %arg7: memref<3x1x128xi32, #tpu.memory_space<vmem>>, %arg8: memref<3x128x128xf32, #tpu.memory_space<vmem>>, %arg9: memref<10112x128xf32, #tpu.memory_space<vmem_shared>>, %arg10: memref<3x!tpu.dma_semaphore, #tpu.memory_space<semaphore_mem>>, %arg11: memref<3x!tpu.dma_semaphore, #tpu.memory_space<semaphore_mem>>, %arg12: memref<3x!tpu.dma_semaphore, #tpu.memory_space<semaphore_mem>>) attributes {dimension_semantics = [#tpu.dimension_semantics<core_parallel>, #tpu.dimension_semantics<subcore_parallel>], iteration_bounds = array<i64: 2, 16>, scalar_prefetch = 0 : i64, scratch_operands = 7 : i64, tpu.core_type = #tpu.core_type<sc_vector_subcore>, window_params = [{transform_indices = #map}, {transform_indices = #map1}, {transform_indices = #map1}, {transform_indices = #map1}]} {
    %mul3A = arith.constant 2 : i32
    %mul3A_0 = arith.muli %arg1, %mul3A : i32
    %add3A = arith.addi %mul3A_0, %arg0 : i32
    %mul3A_1 = arith.constant 80 : i32
    %mul3A_2 = arith.muli %add3A, %mul3A_1 : i32
    %scan3A = arith.constant 0 : i32
    %scan3A_3 = arith.constant 0 : i32
    %scan3A_4 = arith.constant 1024 : i32
    %scan3A_5 = arith.addi %scan3A_3, %scan3A_4 : i32
    %scan3A_6 = arith.constant 1 : i32
    scf.for %scan3A_127 = %scan3A_3 to %scan3A_5 step %scan3A_6  : i32 {
      %jit3A = arith.constant 8 : i32
      %div3A = arith.divsi %scan3A_127, %jit3A : i32
      %sign3A = arith.constant 0 : i32
      %sign3A_128 = arith.cmpi sgt, %scan3A_127, %sign3A : i32
      %sign3A_129 = arith.extui %sign3A_128 : i1 to i32
      %sign3A_130 = arith.constant 0 : i32
      %sign3A_131 = arith.cmpi slt, %scan3A_127, %sign3A_130 : i32
      %sign3A_132 = arith.extui %sign3A_131 : i1 to i32
      %sign3A_133 = arith.subi %sign3A_129, %sign3A_132 : i32
      %sign3A_134 = arith.constant 0 : i32
      %sign3A_135 = arith.cmpi sgt, %jit3A, %sign3A_134 : i32
      %sign3A_136 = arith.extui %sign3A_135 : i1 to i32
      %sign3A_137 = arith.constant 0 : i32
      %sign3A_138 = arith.cmpi slt, %jit3A, %sign3A_137 : i32
      %sign3A_139 = arith.extui %sign3A_138 : i1 to i32
      %sign3A_140 = arith.subi %sign3A_136, %sign3A_139 : i32
      %ne3A = arith.cmpi ne, %sign3A_133, %sign3A_140 : i32
      %rem3A = arith.remsi %scan3A_127, %jit3A : i32
      %ne3A_141 = arith.constant 0 : i32
      %ne3A_142 = arith.cmpi ne, %rem3A, %ne3A_141 : i32
      %and3A = arith.andi %ne3A, %ne3A_142 : i1
      %sub3A_143 = arith.constant 1 : i32
      %sub3A_144 = arith.subi %div3A, %sub3A_143 : i32
      %select_n3A = arith.select %and3A, %sub3A_144, %div3A : i32
      %jit3A_145 = arith.constant 8 : i32
      %eq3A = arith.constant 0 : i32
      %eq3A_146 = arith.cmpi eq, %jit3A_145, %eq3A : i32
      %jit3A_147 = arith.constant 1 : i32
      %select_n3A_148 = arith.select %eq3A_146, %jit3A_147, %jit3A_145 : i32
      %rem3A_149 = arith.remsi %scan3A_127, %select_n3A_148 : i32
      %ne3A_150 = arith.constant 0 : i32
      %ne3A_151 = arith.cmpi ne, %rem3A_149, %ne3A_150 : i32
      %lt3A = arith.constant 0 : i32
      %lt3A_152 = arith.cmpi slt, %rem3A_149, %lt3A : i32
      %lt3A_153 = arith.constant 0 : i32
      %lt3A_154 = arith.cmpi slt, %select_n3A_148, %lt3A_153 : i32
      %ne3A_155 = arith.xori %lt3A_152, %lt3A_154 : i1
      %and3A_156 = arith.andi %ne3A_155, %ne3A_151 : i1
      %add3A_157 = arith.addi %rem3A_149, %select_n3A_148 : i32
      %select_n3A_158 = arith.select %and3A_156, %add3A_157, %rem3A_149 : i32
      %broadcast_in_dim3A = arith.constant 0.000000e+00 : f32
      %broadcast_in_dim3A_159 = vector.broadcast %broadcast_in_dim3A : f32 to vector<16xf32>
      %mul3A_160 = arith.constant 16 : i32
      %mul3A_161 = arith.muli %select_n3A_158, %mul3A_160 : i32
      %swap3A = arith.constant 0 : i32
      %swap3A_162 = arith.index_cast %swap3A : i32 to index
      %swap3A_163 = arith.index_cast %select_n3A : i32 to index
      %swap3A_164 = arith.index_cast %mul3A_161 : i32 to index
      %swap3A_165 = tpu.vector_load %arg8[%swap3A_162, %swap3A_163, %swap3A_164] {strides = array<i32>} : memref<3x128x128xf32, #tpu.memory_space<vmem>>, vector<1x1x16xf32>,
      %swap3A_166 = vector.shape_cast %swap3A_165 : vector<1x1x16xf32> to vector<16xf32>
      %swap3A_167 = vector.shape_cast %broadcast_in_dim3A_159 : vector<16xf32> to vector<1x1x16xf32>
      tpu.vector_store %arg8[%swap3A_162, %swap3A_163, %swap3A_164], %swap3A_167 {strides = array<i32>} : memref<3x128x128xf32, #tpu.memory_space<vmem>>, vector<1x1x16xf32>,
    }
    %scan3A_7 = arith.constant 1024 : i32
    %mul3A_8 = arith.constant 632 : i32
    %mul3A_9 = arith.muli %arg1, %mul3A_8 : i32
    %add3A_10 = arith.constant 0 : i32
    %add3A_11 = arith.addi %mul3A_9, %add3A_10 : i32
    %run_scoped3A = arith.constant 0 : i32
    "tpu.region"() ({
      %run_scoped3A_127 = tpu.sem_alloc : memref<!tpu.dma_semaphore, #tpu.memory_space<semaphore_mem>>
      %dma_start3A_128 = arith.constant 0 : i32
      %dma_start3A_129 = arith.constant 0 : i32
      %dma_start3A_130 = tpu.memref_slice %arg8[%run_scoped3A, %dma_start3A_128, %dma_start3A_129] : memref<3x128x128xf32, #tpu.memory_space<vmem>> -> memref<1x128x128xf32, #tpu.memory_space<vmem>>
      %dma_start3A_131 = tpu.memref_squeeze %dma_start3A_130 : memref<1x128x128xf32, #tpu.memory_space<vmem>> -> memref<128x128xf32, #tpu.memory_space<vmem>>
      %dma_start3A_132 = arith.constant 0 : i32
      %dma_start3A_133 = tpu.memref_slice %arg9[%add3A_11, %dma_start3A_132] : memref<10112x128xf32, #tpu.memory_space<vmem_shared>> -> memref<128x128xf32, #tpu.memory_space<vmem_shared>>
      %dma_start3A_134 = arith.constant 0 : i32
      %dma_start3A_135 = tpu.memref_slice %arg9[%add3A_11, %dma_start3A_134] : memref<10112x128xf32, #tpu.memory_space<vmem_shared>> -> memref<128x128xf32, #tpu.memory_space<vmem_shared>>
      %dma_start3A_136 = arith.constant 0 : i32
      %dma_start3A_137 = arith.constant 0 : i32
      %dma_start3A_138 = tpu.memref_slice %arg8[%run_scoped3A, %dma_start3A_136, %dma_start3A_137] : memref<3x128x128xf32, #tpu.memory_space<vmem>> -> memref<1x128x128xf32, #tpu.memory_space<vmem>>
      %dma_start3A_139 = tpu.memref_squeeze %dma_start3A_138 : memref<1x128x128xf32, #tpu.memory_space<vmem>> -> memref<128x128xf32, #tpu.memory_space<vmem>>
      tpu.enqueue_dma source(%dma_start3A_139 : memref<128x128xf32, #tpu.memory_space<vmem>>) target(%dma_start3A_135 : memref<128x128xf32, #tpu.memory_space<vmem_shared>>) target_semaphore(%run_scoped3A_127 : memref<!tpu.dma_semaphore, #tpu.memory_space<semaphore_mem>>)
      %dma_wait3A = arith.constant 0 : i32
      %dma_wait3A_140 = arith.constant 0 : i32
      %dma_wait3A_141 = tpu.memref_slice %arg8[%run_scoped3A, %dma_wait3A, %dma_wait3A_140] : memref<3x128x128xf32, #tpu.memory_space<vmem>> -> memref<1x128x128xf32, #tpu.memory_space<vmem>>
      %dma_wait3A_142 = tpu.memref_squeeze %dma_wait3A_141 : memref<1x128x128xf32, #tpu.memory_space<vmem>> -> memref<128x128xf32, #tpu.memory_space<vmem>>
      %dma_wait3A_143 = arith.constant 0 : i32
      %dma_wait3A_144 = tpu.memref_slice %arg9[%add3A_11, %dma_wait3A_143] : memref<10112x128xf32, #tpu.memory_space<vmem_shared>> -> memref<128x128xf32, #tpu.memory_space<vmem_shared>>
      %dma_wait3A_145 = arith.constant 0 : i32
      %dma_wait3A_146 = tpu.memref_slice %arg9[%add3A_11, %dma_wait3A_145] : memref<10112x128xf32, #tpu.memory_space<vmem_shared>> -> memref<128x128xf32, #tpu.memory_space<vmem_shared>>
      %dma_wait3A_147 = arith.constant 0 : i32
      %dma_wait3A_148 = arith.constant 0 : i32
      %dma_wait3A_149 = tpu.memref_slice %arg8[%run_scoped3A, %dma_wait3A_147, %dma_wait3A_148] : memref<3x128x128xf32, #tpu.memory_space<vmem>> -> memref<1x128x128xf32, #tpu.memory_space<vmem>>
      %dma_wait3A_150 = tpu.memref_squeeze %dma_wait3A_149 : memref<1x128x128xf32, #tpu.memory_space<vmem>> -> memref<128x128xf32, #tpu.memory_space<vmem>>
      tpu.wait_dma2 semaphore(%run_scoped3A_127 : memref<!tpu.dma_semaphore, #tpu.memory_space<semaphore_mem>>) src(%dma_wait3A_150 : memref<128x128xf32, #tpu.memory_space<vmem>>) dst(%dma_wait3A_146 : memref<128x128xf32, #tpu.memory_space<vmem_shared>>)
      tpu.yield
    }) : () -> ()
    %mul3A_12 = arith.constant 632 : i32
    %mul3A_13 = arith.muli %arg1, %mul3A_12 : i32
    %add3A_14 = arith.constant 128 : i32
    %add3A_15 = arith.addi %mul3A_13, %add3A_14 : i32
    %run_scoped3A_16 = arith.constant 0 : i32
    "tpu.region"() ({
      %run_scoped3A_127 = tpu.sem_alloc : memref<!tpu.dma_semaphore, #tpu.memory_space<semaphore_mem>>
      %dma_start3A_128 = arith.constant 0 : i32
      %dma_start3A_129 = arith.constant 0 : i32
      %dma_start3A_130 = tpu.memref_slice %arg8[%run_scoped3A_16, %dma_start3A_128, %dma_start3A_129] : memref<3x128x128xf32, #tpu.memory_space<vmem>> -> memref<1x128x128xf32, #tpu.memory_space<vmem>>
      %dma_start3A_131 = tpu.memref_squeeze %dma_start3A_130 : memref<1x128x128xf32, #tpu.memory_space<vmem>> -> memref<128x128xf32, #tpu.memory_space<vmem>>
      %dma_start3A_132 = arith.constant 0 : i32
      %dma_start3A_133 = tpu.memref_slice %arg9[%add3A_15, %dma_start3A_132] : memref<10112x128xf32, #tpu.memory_space<vmem_shared>> -> memref<128x128xf32, #tpu.memory_space<vmem_shared>>
      %dma_start3A_134 = arith.constant 0 : i32
      %dma_start3A_135 = tpu.memref_slice %arg9[%add3A_15, %dma_start3A_134] : memref<10112x128xf32, #tpu.memory_space<vmem_shared>> -> memref<128x128xf32, #tpu.memory_space<vmem_shared>>
      %dma_start3A_136 = arith.constant 0 : i32
      %dma_start3A_137 = arith.constant 0 : i32
      %dma_start3A_138 = tpu.memref_slice %arg8[%run_scoped3A_16, %dma_start3A_136, %dma_start3A_137] : memref<3x128x128xf32, #tpu.memory_space<vmem>> -> memref<1x128x128xf32, #tpu.memory_space<vmem>>
      %dma_start3A_139 = tpu.memref_squeeze %dma_start3A_138 : memref<1x128x128xf32, #tpu.memory_space<vmem>> -> memref<128x128xf32, #tpu.memory_space<vmem>>
      tpu.enqueue_dma source(%dma_start3A_139 : memref<128x128xf32, #tpu.memory_space<vmem>>) target(%dma_start3A_135 : memref<128x128xf32, #tpu.memory_space<vmem_shared>>) target_semaphore(%run_scoped3A_127 : memref<!tpu.dma_semaphore, #tpu.memory_space<semaphore_mem>>)
      %dma_wait3A = arith.constant 0 : i32
      %dma_wait3A_140 = arith.constant 0 : i32
      %dma_wait3A_141 = tpu.memref_slice %arg8[%run_scoped3A_16, %dma_wait3A, %dma_wait3A_140] : memref<3x128x128xf32, #tpu.memory_space<vmem>> -> memref<1x128x128xf32, #tpu.memory_space<vmem>>
      %dma_wait3A_142 = tpu.memref_squeeze %dma_wait3A_141 : memref<1x128x128xf32, #tpu.memory_space<vmem>> -> memref<128x128xf32, #tpu.memory_space<vmem>>
      %dma_wait3A_143 = arith.constant 0 : i32
      %dma_wait3A_144 = tpu.memref_slice %arg9[%add3A_15, %dma_wait3A_143] : memref<10112x128xf32, #tpu.memory_space<vmem_shared>> -> memref<128x128xf32, #tpu.memory_space<vmem_shared>>
      %dma_wait3A_145 = arith.constant 0 : i32
      %dma_wait3A_146 = tpu.memref_slice %arg9[%add3A_15, %dma_wait3A_145] : memref<10112x128xf32, #tpu.memory_space<vmem_shared>> -> memref<128x128xf32, #tpu.memory_space<vmem_shared>>
      %dma_wait3A_147 = arith.constant 0 : i32
      %dma_wait3A_148 = arith.constant 0 : i32
      %dma_wait3A_149 = tpu.memref_slice %arg8[%run_scoped3A_16, %dma_wait3A_147, %dma_wait3A_148] : memref<3x128x128xf32, #tpu.memory_space<vmem>> -> memref<1x128x128xf32, #tpu.memory_space<vmem>>
      %dma_wait3A_150 = tpu.memref_squeeze %dma_wait3A_149 : memref<1x128x128xf32, #tpu.memory_space<vmem>> -> memref<128x128xf32, #tpu.memory_space<vmem>>
      tpu.wait_dma2 semaphore(%run_scoped3A_127 : memref<!tpu.dma_semaphore, #tpu.memory_space<semaphore_mem>>) src(%dma_wait3A_150 : memref<128x128xf32, #tpu.memory_space<vmem>>) dst(%dma_wait3A_146 : memref<128x128xf32, #tpu.memory_space<vmem_shared>>)
      tpu.yield
    }) : () -> ()
    %mul3A_17 = arith.constant 632 : i32
    %mul3A_18 = arith.muli %arg1, %mul3A_17 : i32
    %add3A_19 = arith.constant 256 : i32
    %add3A_20 = arith.addi %mul3A_18, %add3A_19 : i32
    %run_scoped3A_21 = arith.constant 0 : i32
    "tpu.region"() ({
      %run_scoped3A_127 = tpu.sem_alloc : memref<!tpu.dma_semaphore, #tpu.memory_space<semaphore_mem>>
      %dma_start3A_128 = arith.constant 0 : i32
      %dma_start3A_129 = arith.constant 0 : i32
      %dma_start3A_130 = tpu.memref_slice %arg8[%run_scoped3A_21, %dma_start3A_128, %dma_start3A_129] : memref<3x128x128xf32, #tpu.memory_space<vmem>> -> memref<1x128x128xf32, #tpu.memory_space<vmem>>
      %dma_start3A_131 = tpu.memref_squeeze %dma_start3A_130 : memref<1x128x128xf32, #tpu.memory_space<vmem>> -> memref<128x128xf32, #tpu.memory_space<vmem>>
      %dma_start3A_132 = arith.constant 0 : i32
      %dma_start3A_133 = tpu.memref_slice %arg9[%add3A_20, %dma_start3A_132] : memref<10112x128xf32, #tpu.memory_space<vmem_shared>> -> memref<128x128xf32, #tpu.memory_space<vmem_shared>>
      %dma_start3A_134 = arith.constant 0 : i32
      %dma_start3A_135 = tpu.memref_slice %arg9[%add3A_20, %dma_start3A_134] : memref<10112x128xf32, #tpu.memory_space<vmem_shared>> -> memref<128x128xf32, #tpu.memory_space<vmem_shared>>
      %dma_start3A_136 = arith.constant 0 : i32
      %dma_start3A_137 = arith.constant 0 : i32
      %dma_start3A_138 = tpu.memref_slice %arg8[%run_scoped3A_21, %dma_start3A_136, %dma_start3A_137] : memref<3x128x128xf32, #tpu.memory_space<vmem>> -> memref<1x128x128xf32, #tpu.memory_space<vmem>>
      %dma_start3A_139 = tpu.memref_squeeze %dma_start3A_138 : memref<1x128x128xf32, #tpu.memory_space<vmem>> -> memref<128x128xf32, #tpu.memory_space<vmem>>
      tpu.enqueue_dma source(%dma_start3A_139 : memref<128x128xf32, #tpu.memory_space<vmem>>) target(%dma_start3A_135 : memref<128x128xf32, #tpu.memory_space<vmem_shared>>) target_semaphore(%run_scoped3A_127 : memref<!tpu.dma_semaphore, #tpu.memory_space<semaphore_mem>>)
      %dma_wait3A = arith.constant 0 : i32
      %dma_wait3A_140 = arith.constant 0 : i32
      %dma_wait3A_141 = tpu.memref_slice %arg8[%run_scoped3A_21, %dma_wait3A, %dma_wait3A_140] : memref<3x128x128xf32, #tpu.memory_space<vmem>> -> memref<1x128x128xf32, #tpu.memory_space<vmem>>
      %dma_wait3A_142 = tpu.memref_squeeze %dma_wait3A_141 : memref<1x128x128xf32, #tpu.memory_space<vmem>> -> memref<128x128xf32, #tpu.memory_space<vmem>>
      %dma_wait3A_143 = arith.constant 0 : i32
      %dma_wait3A_144 = tpu.memref_slice %arg9[%add3A_20, %dma_wait3A_143] : memref<10112x128xf32, #tpu.memory_space<vmem_shared>> -> memref<128x128xf32, #tpu.memory_space<vmem_shared>>
      %dma_wait3A_145 = arith.constant 0 : i32
      %dma_wait3A_146 = tpu.memref_slice %arg9[%add3A_20, %dma_wait3A_145] : memref<10112x128xf32, #tpu.memory_space<vmem_shared>> -> memref<128x128xf32, #tpu.memory_space<vmem_shared>>
      %dma_wait3A_147 = arith.constant 0 : i32
      %dma_wait3A_148 = arith.constant 0 : i32
      %dma_wait3A_149 = tpu.memref_slice %arg8[%run_scoped3A_21, %dma_wait3A_147, %dma_wait3A_148] : memref<3x128x128xf32, #tpu.memory_space<vmem>> -> memref<1x128x128xf32, #tpu.memory_space<vmem>>
      %dma_wait3A_150 = tpu.memref_squeeze %dma_wait3A_149 : memref<1x128x128xf32, #tpu.memory_space<vmem>> -> memref<128x128xf32, #tpu.memory_space<vmem>>
      tpu.wait_dma2 semaphore(%run_scoped3A_127 : memref<!tpu.dma_semaphore, #tpu.memory_space<semaphore_mem>>) src(%dma_wait3A_150 : memref<128x128xf32, #tpu.memory_space<vmem>>) dst(%dma_wait3A_146 : memref<128x128xf32, #tpu.memory_space<vmem_shared>>)
      tpu.yield
    }) : () -> ()
    %mul3A_22 = arith.constant 632 : i32
    %mul3A_23 = arith.muli %arg1, %mul3A_22 : i32
    %add3A_24 = arith.constant 384 : i32
    %add3A_25 = arith.addi %mul3A_23, %add3A_24 : i32
    %run_scoped3A_26 = arith.constant 0 : i32
    "tpu.region"() ({
      %run_scoped3A_127 = tpu.sem_alloc : memref<!tpu.dma_semaphore, #tpu.memory_space<semaphore_mem>>
      %dma_start3A_128 = arith.constant 0 : i32
      %dma_start3A_129 = arith.constant 0 : i32
      %dma_start3A_130 = tpu.memref_slice %arg8[%run_scoped3A_26, %dma_start3A_128, %dma_start3A_129] : memref<3x128x128xf32, #tpu.memory_space<vmem>> -> memref<1x128x128xf32, #tpu.memory_space<vmem>>
      %dma_start3A_131 = tpu.memref_squeeze %dma_start3A_130 : memref<1x128x128xf32, #tpu.memory_space<vmem>> -> memref<128x128xf32, #tpu.memory_space<vmem>>
      %dma_start3A_132 = arith.constant 0 : i32
      %dma_start3A_133 = tpu.memref_slice %arg9[%add3A_25, %dma_start3A_132] : memref<10112x128xf32, #tpu.memory_space<vmem_shared>> -> memref<128x128xf32, #tpu.memory_space<vmem_shared>>
      %dma_start3A_134 = arith.constant 0 : i32
      %dma_start3A_135 = tpu.memref_slice %arg9[%add3A_25, %dma_start3A_134] : memref<10112x128xf32, #tpu.memory_space<vmem_shared>> -> memref<128x128xf32, #tpu.memory_space<vmem_shared>>
      %dma_start3A_136 = arith.constant 0 : i32
      %dma_start3A_137 = arith.constant 0 : i32
      %dma_start3A_138 = tpu.memref_slice %arg8[%run_scoped3A_26, %dma_start3A_136, %dma_start3A_137] : memref<3x128x128xf32, #tpu.memory_space<vmem>> -> memref<1x128x128xf32, #tpu.memory_space<vmem>>
      %dma_start3A_139 = tpu.memref_squeeze %dma_start3A_138 : memref<1x128x128xf32, #tpu.memory_space<vmem>> -> memref<128x128xf32, #tpu.memory_space<vmem>>
      tpu.enqueue_dma source(%dma_start3A_139 : memref<128x128xf32, #tpu.memory_space<vmem>>) target(%dma_start3A_135 : memref<128x128xf32, #tpu.memory_space<vmem_shared>>) target_semaphore(%run_scoped3A_127 : memref<!tpu.dma_semaphore, #tpu.memory_space<semaphore_mem>>)
      %dma_wait3A = arith.constant 0 : i32
      %dma_wait3A_140 = arith.constant 0 : i32
      %dma_wait3A_141 = tpu.memref_slice %arg8[%run_scoped3A_26, %dma_wait3A, %dma_wait3A_140] : memref<3x128x128xf32, #tpu.memory_space<vmem>> -> memref<1x128x128xf32, #tpu.memory_space<vmem>>
      %dma_wait3A_142 = tpu.memref_squeeze %dma_wait3A_141 : memref<1x128x128xf32, #tpu.memory_space<vmem>> -> memref<128x128xf32, #tpu.memory_space<vmem>>
      %dma_wait3A_143 = arith.constant 0 : i32
      %dma_wait3A_144 = tpu.memref_slice %arg9[%add3A_25, %dma_wait3A_143] : memref<10112x128xf32, #tpu.memory_space<vmem_shared>> -> memref<128x128xf32, #tpu.memory_space<vmem_shared>>
      %dma_wait3A_145 = arith.constant 0 : i32
      %dma_wait3A_146 = tpu.memref_slice %arg9[%add3A_25, %dma_wait3A_145] : memref<10112x128xf32, #tpu.memory_space<vmem_shared>> -> memref<128x128xf32, #tpu.memory_space<vmem_shared>>
      %dma_wait3A_147 = arith.constant 0 : i32
      %dma_wait3A_148 = arith.constant 0 : i32
      %dma_wait3A_149 = tpu.memref_slice %arg8[%run_scoped3A_26, %dma_wait3A_147, %dma_wait3A_148] : memref<3x128x128xf32, #tpu.memory_space<vmem>> -> memref<1x128x128xf32, #tpu.memory_space<vmem>>
      %dma_wait3A_150 = tpu.memref_squeeze %dma_wait3A_149 : memref<1x128x128xf32, #tpu.memory_space<vmem>> -> memref<128x128xf32, #tpu.memory_space<vmem>>
      tpu.wait_dma2 semaphore(%run_scoped3A_127 : memref<!tpu.dma_semaphore, #tpu.memory_space<semaphore_mem>>) src(%dma_wait3A_150 : memref<128x128xf32, #tpu.memory_space<vmem>>) dst(%dma_wait3A_146 : memref<128x128xf32, #tpu.memory_space<vmem_shared>>)
      tpu.yield
    }) : () -> ()
    %mul3A_27 = arith.constant 632 : i32
    %mul3A_28 = arith.muli %arg1, %mul3A_27 : i32
    %add3A_29 = arith.constant 632 : i32
    %add3A_30 = arith.addi %mul3A_28, %add3A_29 : i32
    %sub3A = arith.constant 120 : i32
    %sub3A_31 = arith.subi %add3A_30, %sub3A : i32
    %run_scoped3A_32 = arith.constant 0 : i32
    "tpu.region"() ({
      %run_scoped3A_127 = tpu.sem_alloc : memref<!tpu.dma_semaphore, #tpu.memory_space<semaphore_mem>>
      %dma_start3A_128 = arith.constant 0 : i32
      %dma_start3A_129 = arith.constant 0 : i32
      %dma_start3A_130 = tpu.memref_slice %arg8[%run_scoped3A_32, %dma_start3A_128, %dma_start3A_129] : memref<3x128x128xf32, #tpu.memory_space<vmem>> -> memref<1x120x128xf32, #tpu.memory_space<vmem>>
      %dma_start3A_131 = tpu.memref_squeeze %dma_start3A_130 : memref<1x120x128xf32, #tpu.memory_space<vmem>> -> memref<120x128xf32, #tpu.memory_space<vmem>>
      %dma_start3A_132 = arith.constant 0 : i32
      %dma_start3A_133 = tpu.memref_slice %arg9[%sub3A_31, %dma_start3A_132] : memref<10112x128xf32, #tpu.memory_space<vmem_shared>> -> memref<120x128xf32, #tpu.memory_space<vmem_shared>>
      %dma_start3A_134 = arith.constant 0 : i32
      %dma_start3A_135 = tpu.memref_slice %arg9[%sub3A_31, %dma_start3A_134] : memref<10112x128xf32, #tpu.memory_space<vmem_shared>> -> memref<120x128xf32, #tpu.memory_space<vmem_shared>>
      %dma_start3A_136 = arith.constant 0 : i32
      %dma_start3A_137 = arith.constant 0 : i32
      %dma_start3A_138 = tpu.memref_slice %arg8[%run_scoped3A_32, %dma_start3A_136, %dma_start3A_137] : memref<3x128x128xf32, #tpu.memory_space<vmem>> -> memref<1x120x128xf32, #tpu.memory_space<vmem>>
      %dma_start3A_139 = tpu.memref_squeeze %dma_start3A_138 : memref<1x120x128xf32, #tpu.memory_space<vmem>> -> memref<120x128xf32, #tpu.memory_space<vmem>>
      tpu.enqueue_dma source(%dma_start3A_139 : memref<120x128xf32, #tpu.memory_space<vmem>>) target(%dma_start3A_135 : memref<120x128xf32, #tpu.memory_space<vmem_shared>>) target_semaphore(%run_scoped3A_127 : memref<!tpu.dma_semaphore, #tpu.memory_space<semaphore_mem>>)
      %dma_wait3A = arith.constant 0 : i32
      %dma_wait3A_140 = arith.constant 0 : i32
      %dma_wait3A_141 = tpu.memref_slice %arg8[%run_scoped3A_32, %dma_wait3A, %dma_wait3A_140] : memref<3x128x128xf32, #tpu.memory_space<vmem>> -> memref<1x120x128xf32, #tpu.memory_space<vmem>>
      %dma_wait3A_142 = tpu.memref_squeeze %dma_wait3A_141 : memref<1x120x128xf32, #tpu.memory_space<vmem>> -> memref<120x128xf32, #tpu.memory_space<vmem>>
      %dma_wait3A_143 = arith.constant 0 : i32
      %dma_wait3A_144 = tpu.memref_slice %arg9[%sub3A_31, %dma_wait3A_143] : memref<10112x128xf32, #tpu.memory_space<vmem_shared>> -> memref<120x128xf32, #tpu.memory_space<vmem_shared>>
      %dma_wait3A_145 = arith.constant 0 : i32
      %dma_wait3A_146 = tpu.memref_slice %arg9[%sub3A_31, %dma_wait3A_145] : memref<10112x128xf32, #tpu.memory_space<vmem_shared>> -> memref<120x128xf32, #tpu.memory_space<vmem_shared>>
      %dma_wait3A_147 = arith.constant 0 : i32
      %dma_wait3A_148 = arith.constant 0 : i32
      %dma_wait3A_149 = tpu.memref_slice %arg8[%run_scoped3A_32, %dma_wait3A_147, %dma_wait3A_148] : memref<3x128x128xf32, #tpu.memory_space<vmem>> -> memref<1x120x128xf32, #tpu.memory_space<vmem>>
      %dma_wait3A_150 = tpu.memref_squeeze %dma_wait3A_149 : memref<1x120x128xf32, #tpu.memory_space<vmem>> -> memref<120x128xf32, #tpu.memory_space<vmem>>
      tpu.wait_dma2 semaphore(%run_scoped3A_127 : memref<!tpu.dma_semaphore, #tpu.memory_space<semaphore_mem>>) src(%dma_wait3A_150 : memref<120x128xf32, #tpu.memory_space<vmem>>) dst(%dma_wait3A_146 : memref<120x128xf32, #tpu.memory_space<vmem_shared>>)
      tpu.yield
    }) : () -> ()
    %barrier3A = arith.constant 0 : index
    tpu.barrier barrier_id(%barrier3A)
    %run_scoped3A_33 = arith.constant 0 : i32
    "tpu.region"() ({
      %run_scoped3A_127 = tpu.sem_alloc : memref<!tpu.dma_semaphore, #tpu.memory_space<semaphore_mem>>
      %dma_start3A_128 = arith.constant 0 : i32
      %dma_start3A_129 = arith.constant 0 : i32
      %dma_start3A_130 = tpu.memref_slice %arg6[%run_scoped3A_33, %dma_start3A_128, %dma_start3A_129] : memref<3x1x128xi32, #tpu.memory_space<vmem>> -> memref<1x1x128xi32, #tpu.memory_space<vmem>>
      %dma_start3A_131 = tpu.memref_squeeze %dma_start3A_130 : memref<1x1x128xi32, #tpu.memory_space<vmem>> -> memref<1x128xi32, #tpu.memory_space<vmem>>
      %dma_start3A_132 = arith.constant 0 : i32
      %dma_start3A_133 = arith.constant 0 : i32
      %dma_start3A_134 = tpu.memref_slice %arg3[%mul3A_2, %dma_start3A_132, %dma_start3A_133] : memref<2560x1x128xi32, #tpu.memory_space<hbm>> -> memref<1x1x128xi32, #tpu.memory_space<hbm>>
      %dma_start3A_135 = tpu.memref_squeeze %dma_start3A_134 : memref<1x1x128xi32, #tpu.memory_space<hbm>> -> memref<1x128xi32, #tpu.memory_space<hbm>>
      %dma_start3A_136 = arith.constant 0 : i32
      %dma_start3A_137 = arith.constant 0 : i32
      %dma_start3A_138 = tpu.memref_slice %arg6[%run_scoped3A_33, %dma_start3A_136, %dma_start3A_137] : memref<3x1x128xi32, #tpu.memory_space<vmem>> -> memref<1x1x128xi32, #tpu.memory_space<vmem>>
      %dma_start3A_139 = tpu.memref_squeeze %dma_start3A_138 : memref<1x1x128xi32, #tpu.memory_space<vmem>> -> memref<1x128xi32, #tpu.memory_space<vmem>>
      %dma_start3A_140 = arith.constant 0 : i32
      %dma_start3A_141 = arith.constant 0 : i32
      %dma_start3A_142 = tpu.memref_slice %arg3[%mul3A_2, %dma_start3A_140, %dma_start3A_141] : memref<2560x1x128xi32, #tpu.memory_space<hbm>> -> memref<1x1x128xi32, #tpu.memory_space<hbm>>
      %dma_start3A_143 = tpu.memref_squeeze %dma_start3A_142 : memref<1x1x128xi32, #tpu.memory_space<hbm>> -> memref<1x128xi32, #tpu.memory_space<hbm>>
      tpu.enqueue_dma source(%dma_start3A_143 : memref<1x128xi32, #tpu.memory_space<hbm>>) target(%dma_start3A_139 : memref<1x128xi32, #tpu.memory_space<vmem>>) target_semaphore(%run_scoped3A_127 : memref<!tpu.dma_semaphore, #tpu.memory_space<semaphore_mem>>)
      %dma_wait3A = arith.constant 0 : i32
      %dma_wait3A_144 = arith.constant 0 : i32
      %dma_wait3A_145 = tpu.memref_slice %arg6[%run_scoped3A_33, %dma_wait3A, %dma_wait3A_144] : memref<3x1x128xi32, #tpu.memory_space<vmem>> -> memref<1x1x128xi32, #tpu.memory_space<vmem>>
      %dma_wait3A_146 = tpu.memref_squeeze %dma_wait3A_145 : memref<1x1x128xi32, #tpu.memory_space<vmem>> -> memref<1x128xi32, #tpu.memory_space<vmem>>
      %dma_wait3A_147 = arith.constant 0 : i32
      %dma_wait3A_148 = arith.constant 0 : i32
      %dma_wait3A_149 = tpu.memref_slice %arg3[%mul3A_2, %dma_wait3A_147, %dma_wait3A_148] : memref<2560x1x128xi32, #tpu.memory_space<hbm>> -> memref<1x1x128xi32, #tpu.memory_space<hbm>>
      %dma_wait3A_150 = tpu.memref_squeeze %dma_wait3A_149 : memref<1x1x128xi32, #tpu.memory_space<hbm>> -> memref<1x128xi32, #tpu.memory_space<hbm>>
      %dma_wait3A_151 = arith.constant 0 : i32
      %dma_wait3A_152 = arith.constant 0 : i32
      %dma_wait3A_153 = tpu.memref_slice %arg6[%run_scoped3A_33, %dma_wait3A_151, %dma_wait3A_152] : memref<3x1x128xi32, #tpu.memory_space<vmem>> -> memref<1x1x128xi32, #tpu.memory_space<vmem>>
      %dma_wait3A_154 = tpu.memref_squeeze %dma_wait3A_153 : memref<1x1x128xi32, #tpu.memory_space<vmem>> -> memref<1x128xi32, #tpu.memory_space<vmem>>
      %dma_wait3A_155 = arith.constant 0 : i32
      %dma_wait3A_156 = arith.constant 0 : i32
      %dma_wait3A_157 = tpu.memref_slice %arg3[%mul3A_2, %dma_wait3A_155, %dma_wait3A_156] : memref<2560x1x128xi32, #tpu.memory_space<hbm>> -> memref<1x1x128xi32, #tpu.memory_space<hbm>>
      %dma_wait3A_158 = tpu.memref_squeeze %dma_wait3A_157 : memref<1x1x128xi32, #tpu.memory_space<hbm>> -> memref<1x128xi32, #tpu.memory_space<hbm>>
      tpu.wait_dma2 semaphore(%run_scoped3A_127 : memref<!tpu.dma_semaphore, #tpu.memory_space<semaphore_mem>>) src(%dma_wait3A_158 : memref<1x128xi32, #tpu.memory_space<hbm>>) dst(%dma_wait3A_154 : memref<1x128xi32, #tpu.memory_space<vmem>>)
      tpu.yield
    }) : () -> ()
    %run_scoped3A_34 = arith.constant 0 : i32
    "tpu.region"() ({
      %run_scoped3A_127 = tpu.sem_alloc : memref<!tpu.dma_semaphore, #tpu.memory_space<semaphore_mem>>
      %dma_start3A_128 = arith.constant 0 : i32
      %dma_start3A_129 = arith.constant 0 : i32
      %dma_start3A_130 = tpu.memref_slice %arg7[%run_scoped3A_34, %dma_start3A_128, %dma_start3A_129] : memref<3x1x128xi32, #tpu.memory_space<vmem>> -> memref<1x1x128xi32, #tpu.memory_space<vmem>>
      %dma_start3A_131 = tpu.memref_squeeze %dma_start3A_130 : memref<1x1x128xi32, #tpu.memory_space<vmem>> -> memref<1x128xi32, #tpu.memory_space<vmem>>
      %dma_start3A_132 = arith.constant 0 : i32
      %dma_start3A_133 = arith.constant 0 : i32
      %dma_start3A_134 = tpu.memref_slice %arg4[%mul3A_2, %dma_start3A_132, %dma_start3A_133] : memref<2560x1x128xi32, #tpu.memory_space<hbm>> -> memref<1x1x128xi32, #tpu.memory_space<hbm>>
      %dma_start3A_135 = tpu.memref_squeeze %dma_start3A_134 : memref<1x1x128xi32, #tpu.memory_space<hbm>> -> memref<1x128xi32, #tpu.memory_space<hbm>>
      %dma_start3A_136 = arith.constant 0 : i32
      %dma_start3A_137 = arith.constant 0 : i32
      %dma_start3A_138 = tpu.memref_slice %arg7[%run_scoped3A_34, %dma_start3A_136, %dma_start3A_137] : memref<3x1x128xi32, #tpu.memory_space<vmem>> -> memref<1x1x128xi32, #tpu.memory_space<vmem>>
      %dma_start3A_139 = tpu.memref_squeeze %dma_start3A_138 : memref<1x1x128xi32, #tpu.memory_space<vmem>> -> memref<1x128xi32, #tpu.memory_space<vmem>>
      %dma_start3A_140 = arith.constant 0 : i32
      %dma_start3A_141 = arith.constant 0 : i32
      %dma_start3A_142 = tpu.memref_slice %arg4[%mul3A_2, %dma_start3A_140, %dma_start3A_141] : memref<2560x1x128xi32, #tpu.memory_space<hbm>> -> memref<1x1x128xi32, #tpu.memory_space<hbm>>
      %dma_start3A_143 = tpu.memref_squeeze %dma_start3A_142 : memref<1x1x128xi32, #tpu.memory_space<hbm>> -> memref<1x128xi32, #tpu.memory_space<hbm>>
      tpu.enqueue_dma source(%dma_start3A_143 : memref<1x128xi32, #tpu.memory_space<hbm>>) target(%dma_start3A_139 : memref<1x128xi32, #tpu.memory_space<vmem>>) target_semaphore(%run_scoped3A_127 : memref<!tpu.dma_semaphore, #tpu.memory_space<semaphore_mem>>)
      %dma_wait3A = arith.constant 0 : i32
      %dma_wait3A_144 = arith.constant 0 : i32
      %dma_wait3A_145 = tpu.memref_slice %arg7[%run_scoped3A_34, %dma_wait3A, %dma_wait3A_144] : memref<3x1x128xi32, #tpu.memory_space<vmem>> -> memref<1x1x128xi32, #tpu.memory_space<vmem>>
      %dma_wait3A_146 = tpu.memref_squeeze %dma_wait3A_145 : memref<1x1x128xi32, #tpu.memory_space<vmem>> -> memref<1x128xi32, #tpu.memory_space<vmem>>
      %dma_wait3A_147 = arith.constant 0 : i32
      %dma_wait3A_148 = arith.constant 0 : i32
      %dma_wait3A_149 = tpu.memref_slice %arg4[%mul3A_2, %dma_wait3A_147, %dma_wait3A_148] : memref<2560x1x128xi32, #tpu.memory_space<hbm>> -> memref<1x1x128xi32, #tpu.memory_space<hbm>>
      %dma_wait3A_150 = tpu.memref_squeeze %dma_wait3A_149 : memref<1x1x128xi32, #tpu.memory_space<hbm>> -> memref<1x128xi32, #tpu.memory_space<hbm>>
      %dma_wait3A_151 = arith.constant 0 : i32
      %dma_wait3A_152 = arith.constant 0 : i32
      %dma_wait3A_153 = tpu.memref_slice %arg7[%run_scoped3A_34, %dma_wait3A_151, %dma_wait3A_152] : memref<3x1x128xi32, #tpu.memory_space<vmem>> -> memref<1x1x128xi32, #tpu.memory_space<vmem>>
      %dma_wait3A_154 = tpu.memref_squeeze %dma_wait3A_153 : memref<1x1x128xi32, #tpu.memory_space<vmem>> -> memref<1x128xi32, #tpu.memory_space<vmem>>
      %dma_wait3A_155 = arith.constant 0 : i32
      %dma_wait3A_156 = arith.constant 0 : i32
      %dma_wait3A_157 = tpu.memref_slice %arg4[%mul3A_2, %dma_wait3A_155, %dma_wait3A_156] : memref<2560x1x128xi32, #tpu.memory_space<hbm>> -> memref<1x1x128xi32, #tpu.memory_space<hbm>>
      %dma_wait3A_158 = tpu.memref_squeeze %dma_wait3A_157 : memref<1x1x128xi32, #tpu.memory_space<hbm>> -> memref<1x128xi32, #tpu.memory_space<hbm>>
      tpu.wait_dma2 semaphore(%run_scoped3A_127 : memref<!tpu.dma_semaphore, #tpu.memory_space<semaphore_mem>>) src(%dma_wait3A_158 : memref<1x128xi32, #tpu.memory_space<hbm>>) dst(%dma_wait3A_154 : memref<1x128xi32, #tpu.memory_space<vmem>>)
      tpu.yield
    }) : () -> ()
    %add3A_35 = arith.constant 1 : i32
    %add3A_36 = arith.addi %mul3A_2, %add3A_35 : i32
    %run_scoped3A_37 = arith.constant 1 : i32
    "tpu.region"() ({
      %run_scoped3A_127 = tpu.sem_alloc : memref<!tpu.dma_semaphore, #tpu.memory_space<semaphore_mem>>
      %dma_start3A_128 = arith.constant 0 : i32
      %dma_start3A_129 = arith.constant 0 : i32
      %dma_start3A_130 = tpu.memref_slice %arg6[%run_scoped3A_37, %dma_start3A_128, %dma_start3A_129] : memref<3x1x128xi32, #tpu.memory_space<vmem>> -> memref<1x1x128xi32, #tpu.memory_space<vmem>>
      %dma_start3A_131 = tpu.memref_squeeze %dma_start3A_130 : memref<1x1x128xi32, #tpu.memory_space<vmem>> -> memref<1x128xi32, #tpu.memory_space<vmem>>
      %dma_start3A_132 = arith.constant 0 : i32
      %dma_start3A_133 = arith.constant 0 : i32
      %dma_start3A_134 = tpu.memref_slice %arg3[%add3A_36, %dma_start3A_132, %dma_start3A_133] : memref<2560x1x128xi32, #tpu.memory_space<hbm>> -> memref<1x1x128xi32, #tpu.memory_space<hbm>>
      %dma_start3A_135 = tpu.memref_squeeze %dma_start3A_134 : memref<1x1x128xi32, #tpu.memory_space<hbm>> -> memref<1x128xi32, #tpu.memory_space<hbm>>
      %dma_start3A_136 = arith.constant 0 : i32
      %dma_start3A_137 = arith.constant 0 : i32
      %dma_start3A_138 = tpu.memref_slice %arg6[%run_scoped3A_37, %dma_start3A_136, %dma_start3A_137] : memref<3x1x128xi32, #tpu.memory_space<vmem>> -> memref<1x1x128xi32, #tpu.memory_space<vmem>>
      %dma_start3A_139 = tpu.memref_squeeze %dma_start3A_138 : memref<1x1x128xi32, #tpu.memory_space<vmem>> -> memref<1x128xi32, #tpu.memory_space<vmem>>
      %dma_start3A_140 = arith.constant 0 : i32
      %dma_start3A_141 = arith.constant 0 : i32
      %dma_start3A_142 = tpu.memref_slice %arg3[%add3A_36, %dma_start3A_140, %dma_start3A_141] : memref<2560x1x128xi32, #tpu.memory_space<hbm>> -> memref<1x1x128xi32, #tpu.memory_space<hbm>>
      %dma_start3A_143 = tpu.memref_squeeze %dma_start3A_142 : memref<1x1x128xi32, #tpu.memory_space<hbm>> -> memref<1x128xi32, #tpu.memory_space<hbm>>
      tpu.enqueue_dma source(%dma_start3A_143 : memref<1x128xi32, #tpu.memory_space<hbm>>) target(%dma_start3A_139 : memref<1x128xi32, #tpu.memory_space<vmem>>) target_semaphore(%run_scoped3A_127 : memref<!tpu.dma_semaphore, #tpu.memory_space<semaphore_mem>>)
      %dma_wait3A = arith.constant 0 : i32
      %dma_wait3A_144 = arith.constant 0 : i32
      %dma_wait3A_145 = tpu.memref_slice %arg6[%run_scoped3A_37, %dma_wait3A, %dma_wait3A_144] : memref<3x1x128xi32, #tpu.memory_space<vmem>> -> memref<1x1x128xi32, #tpu.memory_space<vmem>>
      %dma_wait3A_146 = tpu.memref_squeeze %dma_wait3A_145 : memref<1x1x128xi32, #tpu.memory_space<vmem>> -> memref<1x128xi32, #tpu.memory_space<vmem>>
      %dma_wait3A_147 = arith.constant 0 : i32
      %dma_wait3A_148 = arith.constant 0 : i32
      %dma_wait3A_149 = tpu.memref_slice %arg3[%add3A_36, %dma_wait3A_147, %dma_wait3A_148] : memref<2560x1x128xi32, #tpu.memory_space<hbm>> -> memref<1x1x128xi32, #tpu.memory_space<hbm>>
      %dma_wait3A_150 = tpu.memref_squeeze %dma_wait3A_149 : memref<1x1x128xi32, #tpu.memory_space<hbm>> -> memref<1x128xi32, #tpu.memory_space<hbm>>
      %dma_wait3A_151 = arith.constant 0 : i32
      %dma_wait3A_152 = arith.constant 0 : i32
      %dma_wait3A_153 = tpu.memref_slice %arg6[%run_scoped3A_37, %dma_wait3A_151, %dma_wait3A_152] : memref<3x1x128xi32, #tpu.memory_space<vmem>> -> memref<1x1x128xi32, #tpu.memory_space<vmem>>
      %dma_wait3A_154 = tpu.memref_squeeze %dma_wait3A_153 : memref<1x1x128xi32, #tpu.memory_space<vmem>> -> memref<1x128xi32, #tpu.memory_space<vmem>>
      %dma_wait3A_155 = arith.constant 0 : i32
      %dma_wait3A_156 = arith.constant 0 : i32
      %dma_wait3A_157 = tpu.memref_slice %arg3[%add3A_36, %dma_wait3A_155, %dma_wait3A_156] : memref<2560x1x128xi32, #tpu.memory_space<hbm>> -> memref<1x1x128xi32, #tpu.memory_space<hbm>>
      %dma_wait3A_158 = tpu.memref_squeeze %dma_wait3A_157 : memref<1x1x128xi32, #tpu.memory_space<hbm>> -> memref<1x128xi32, #tpu.memory_space<hbm>>
      tpu.wait_dma2 semaphore(%run_scoped3A_127 : memref<!tpu.dma_semaphore, #tpu.memory_space<semaphore_mem>>) src(%dma_wait3A_158 : memref<1x128xi32, #tpu.memory_space<hbm>>) dst(%dma_wait3A_154 : memref<1x128xi32, #tpu.memory_space<vmem>>)
      tpu.yield
    }) : () -> ()
    %add3A_38 = arith.constant 1 : i32
    %add3A_39 = arith.addi %mul3A_2, %add3A_38 : i32
    %run_scoped3A_40 = arith.constant 1 : i32
    "tpu.region"() ({
      %run_scoped3A_127 = tpu.sem_alloc : memref<!tpu.dma_semaphore, #tpu.memory_space<semaphore_mem>>
      %dma_start3A_128 = arith.constant 0 : i32
      %dma_start3A_129 = arith.constant 0 : i32
      %dma_start3A_130 = tpu.memref_slice %arg7[%run_scoped3A_40, %dma_start3A_128, %dma_start3A_129] : memref<3x1x128xi32, #tpu.memory_space<vmem>> -> memref<1x1x128xi32, #tpu.memory_space<vmem>>
      %dma_start3A_131 = tpu.memref_squeeze %dma_start3A_130 : memref<1x1x128xi32, #tpu.memory_space<vmem>> -> memref<1x128xi32, #tpu.memory_space<vmem>>
      %dma_start3A_132 = arith.constant 0 : i32
      %dma_start3A_133 = arith.constant 0 : i32
      %dma_start3A_134 = tpu.memref_slice %arg4[%add3A_39, %dma_start3A_132, %dma_start3A_133] : memref<2560x1x128xi32, #tpu.memory_space<hbm>> -> memref<1x1x128xi32, #tpu.memory_space<hbm>>
      %dma_start3A_135 = tpu.memref_squeeze %dma_start3A_134 : memref<1x1x128xi32, #tpu.memory_space<hbm>> -> memref<1x128xi32, #tpu.memory_space<hbm>>
      %dma_start3A_136 = arith.constant 0 : i32
      %dma_start3A_137 = arith.constant 0 : i32
      %dma_start3A_138 = tpu.memref_slice %arg7[%run_scoped3A_40, %dma_start3A_136, %dma_start3A_137] : memref<3x1x128xi32, #tpu.memory_space<vmem>> -> memref<1x1x128xi32, #tpu.memory_space<vmem>>
      %dma_start3A_139 = tpu.memref_squeeze %dma_start3A_138 : memref<1x1x128xi32, #tpu.memory_space<vmem>> -> memref<1x128xi32, #tpu.memory_space<vmem>>
      %dma_start3A_140 = arith.constant 0 : i32
      %dma_start3A_141 = arith.constant 0 : i32
      %dma_start3A_142 = tpu.memref_slice %arg4[%add3A_39, %dma_start3A_140, %dma_start3A_141] : memref<2560x1x128xi32, #tpu.memory_space<hbm>> -> memref<1x1x128xi32, #tpu.memory_space<hbm>>
      %dma_start3A_143 = tpu.memref_squeeze %dma_start3A_142 : memref<1x1x128xi32, #tpu.memory_space<hbm>> -> memref<1x128xi32, #tpu.memory_space<hbm>>
      tpu.enqueue_dma source(%dma_start3A_143 : memref<1x128xi32, #tpu.memory_space<hbm>>) target(%dma_start3A_139 : memref<1x128xi32, #tpu.memory_space<vmem>>) target_semaphore(%run_scoped3A_127 : memref<!tpu.dma_semaphore, #tpu.memory_space<semaphore_mem>>)
      %dma_wait3A = arith.constant 0 : i32
      %dma_wait3A_144 = arith.constant 0 : i32
      %dma_wait3A_145 = tpu.memref_slice %arg7[%run_scoped3A_40, %dma_wait3A, %dma_wait3A_144] : memref<3x1x128xi32, #tpu.memory_space<vmem>> -> memref<1x1x128xi32, #tpu.memory_space<vmem>>
      %dma_wait3A_146 = tpu.memref_squeeze %dma_wait3A_145 : memref<1x1x128xi32, #tpu.memory_space<vmem>> -> memref<1x128xi32, #tpu.memory_space<vmem>>
      %dma_wait3A_147 = arith.constant 0 : i32
      %dma_wait3A_148 = arith.constant 0 : i32
      %dma_wait3A_149 = tpu.memref_slice %arg4[%add3A_39, %dma_wait3A_147, %dma_wait3A_148] : memref<2560x1x128xi32, #tpu.memory_space<hbm>> -> memref<1x1x128xi32, #tpu.memory_space<hbm>>
      %dma_wait3A_150 = tpu.memref_squeeze %dma_wait3A_149 : memref<1x1x128xi32, #tpu.memory_space<hbm>> -> memref<1x128xi32, #tpu.memory_space<hbm>>
      %dma_wait3A_151 = arith.constant 0 : i32
      %dma_wait3A_152 = arith.constant 0 : i32
      %dma_wait3A_153 = tpu.memref_slice %arg7[%run_scoped3A_40, %dma_wait3A_151, %dma_wait3A_152] : memref<3x1x128xi32, #tpu.memory_space<vmem>> -> memref<1x1x128xi32, #tpu.memory_space<vmem>>
      %dma_wait3A_154 = tpu.memref_squeeze %dma_wait3A_153 : memref<1x1x128xi32, #tpu.memory_space<vmem>> -> memref<1x128xi32, #tpu.memory_space<vmem>>
      %dma_wait3A_155 = arith.constant 0 : i32
      %dma_wait3A_156 = arith.constant 0 : i32
      %dma_wait3A_157 = tpu.memref_slice %arg4[%add3A_39, %dma_wait3A_155, %dma_wait3A_156] : memref<2560x1x128xi32, #tpu.memory_space<hbm>> -> memref<1x1x128xi32, #tpu.memory_space<hbm>>
      %dma_wait3A_158 = tpu.memref_squeeze %dma_wait3A_157 : memref<1x1x128xi32, #tpu.memory_space<hbm>> -> memref<1x128xi32, #tpu.memory_space<hbm>>
      tpu.wait_dma2 semaphore(%run_scoped3A_127 : memref<!tpu.dma_semaphore, #tpu.memory_space<semaphore_mem>>) src(%dma_wait3A_158 : memref<1x128xi32, #tpu.memory_space<hbm>>) dst(%dma_wait3A_154 : memref<1x128xi32, #tpu.memory_space<vmem>>)
      tpu.yield
    }) : () -> ()
    %dma_start3A = arith.constant 0 : i32
    %dma_start3A_41 = arith.constant 0 : i32
    %dma_start3A_42 = arith.constant 0 : i32
    %dma_start3A_43 = arith.constant 0 : i32
    %dma_start3A_44 = arith.constant 0 : i32
    %dma_start3A_45 = arith.constant 0 : i32
    %dma_start3A_46 = tpu.memref_slice %arg8[%dma_start3A_42, %dma_start3A_44, %dma_start3A_45] : memref<3x128x128xf32, #tpu.memory_space<vmem>> -> memref<1x128x128xf32, #tpu.memory_space<vmem>>
    %dma_start3A_47 = tpu.memref_squeeze %dma_start3A_46 : memref<1x128x128xf32, #tpu.memory_space<vmem>> -> memref<128x128xf32, #tpu.memory_space<vmem>>
    %dma_start3A_48 = arith.constant 0 : i32
    %dma_start3A_49 = tpu.memref_slice %arg6[%dma_start3A, %dma_start3A_41, %dma_start3A_48] : memref<3x1x128xi32, #tpu.memory_space<vmem>> -> memref<1x1x128xi32, #tpu.memory_space<vmem>>
    %dma_start3A_50 = tpu.memref_squeeze %dma_start3A_49 : memref<1x1x128xi32, #tpu.memory_space<vmem>> -> memref<128xi32, #tpu.memory_space<vmem>>
    %dma_start3A_51 = arith.constant 0 : i32
    %dma_start3A_52 = arith.constant 0 : i32
    %dma_start3A_53 = tpu.memref_slice %arg2[%dma_start3A_51, %dma_start3A_52] : memref<10000x128xf32, #tpu.memory_space<hbm>> -> memref<10000x128xf32, #tpu.memory_space<hbm>>
    %dma_start3A_54 = tpu.memref_slice %arg10[%dma_start3A_43] : memref<3x!tpu.dma_semaphore, #tpu.memory_space<semaphore_mem>> -> memref<1x!tpu.dma_semaphore, #tpu.memory_space<semaphore_mem>>
    %dma_start3A_55 = tpu.memref_squeeze %dma_start3A_54 : memref<1x!tpu.dma_semaphore, #tpu.memory_space<semaphore_mem>> -> memref<!tpu.dma_semaphore, #tpu.memory_space<semaphore_mem>>
    tpu.enqueue_indirect_dma source(%dma_start3A_53 : memref<10000x128xf32, #tpu.memory_space<hbm>>) target(%dma_start3A_47 : memref<128x128xf32, #tpu.memory_space<vmem>>) offsets(%dma_start3A_50 : memref<128xi32, #tpu.memory_space<vmem>>) semaphore(%dma_start3A_55 : memref<!tpu.dma_semaphore, #tpu.memory_space<semaphore_mem>>)
    %dma_start3A_56 = arith.constant 1 : i32
    %dma_start3A_57 = arith.constant 0 : i32
    %dma_start3A_58 = arith.constant 1 : i32
    %dma_start3A_59 = arith.constant 1 : i32
    %dma_start3A_60 = arith.constant 0 : i32
    %dma_start3A_61 = arith.constant 0 : i32
    %dma_start3A_62 = tpu.memref_slice %arg8[%dma_start3A_58, %dma_start3A_60, %dma_start3A_61] : memref<3x128x128xf32, #tpu.memory_space<vmem>> -> memref<1x128x128xf32, #tpu.memory_space<vmem>>
    %dma_start3A_63 = tpu.memref_squeeze %dma_start3A_62 : memref<1x128x128xf32, #tpu.memory_space<vmem>> -> memref<128x128xf32, #tpu.memory_space<vmem>>
    %dma_start3A_64 = arith.constant 0 : i32
    %dma_start3A_65 = tpu.memref_slice %arg6[%dma_start3A_56, %dma_start3A_57, %dma_start3A_64] : memref<3x1x128xi32, #tpu.memory_space<vmem>> -> memref<1x1x128xi32, #tpu.memory_space<vmem>>
    %dma_start3A_66 = tpu.memref_squeeze %dma_start3A_65 : memref<1x1x128xi32, #tpu.memory_space<vmem>> -> memref<128xi32, #tpu.memory_space<vmem>>
    %dma_start3A_67 = arith.constant 0 : i32
    %dma_start3A_68 = arith.constant 0 : i32
    %dma_start3A_69 = tpu.memref_slice %arg2[%dma_start3A_67, %dma_start3A_68] : memref<10000x128xf32, #tpu.memory_space<hbm>> -> memref<10000x128xf32, #tpu.memory_space<hbm>>
    %dma_start3A_70 = tpu.memref_slice %arg10[%dma_start3A_59] : memref<3x!tpu.dma_semaphore, #tpu.memory_space<semaphore_mem>> -> memref<1x!tpu.dma_semaphore, #tpu.memory_space<semaphore_mem>>
    %dma_start3A_71 = tpu.memref_squeeze %dma_start3A_70 : memref<1x!tpu.dma_semaphore, #tpu.memory_space<semaphore_mem>> -> memref<!tpu.dma_semaphore, #tpu.memory_space<semaphore_mem>>
    tpu.enqueue_indirect_dma source(%dma_start3A_69 : memref<10000x128xf32, #tpu.memory_space<hbm>>) target(%dma_start3A_63 : memref<128x128xf32, #tpu.memory_space<vmem>>) offsets(%dma_start3A_66 : memref<128xi32, #tpu.memory_space<vmem>>) semaphore(%dma_start3A_71 : memref<!tpu.dma_semaphore, #tpu.memory_space<semaphore_mem>>)
    %add3A_72 = arith.constant 2 : i32
    %add3A_73 = arith.addi %mul3A_2, %add3A_72 : i32
    %dma_start3A_74 = arith.constant 2 : i32
    %dma_start3A_75 = arith.constant 2 : i32
    %dma_start3A_76 = arith.constant 0 : i32
    %dma_start3A_77 = arith.constant 0 : i32
    %dma_start3A_78 = tpu.memref_slice %arg6[%dma_start3A_74, %dma_start3A_76, %dma_start3A_77] : memref<3x1x128xi32, #tpu.memory_space<vmem>> -> memref<1x1x128xi32, #tpu.memory_space<vmem>>
    %dma_start3A_79 = tpu.memref_squeeze %dma_start3A_78 : memref<1x1x128xi32, #tpu.memory_space<vmem>> -> memref<1x128xi32, #tpu.memory_space<vmem>>
    %dma_start3A_80 = arith.constant 0 : i32
    %dma_start3A_81 = arith.constant 0 : i32
    %dma_start3A_82 = tpu.memref_slice %arg3[%add3A_73, %dma_start3A_80, %dma_start3A_81] : memref<2560x1x128xi32, #tpu.memory_space<hbm>> -> memref<1x1x128xi32, #tpu.memory_space<hbm>>
    %dma_start3A_83 = tpu.memref_squeeze %dma_start3A_82 : memref<1x1x128xi32, #tpu.memory_space<hbm>> -> memref<1x128xi32, #tpu.memory_space<hbm>>
    %dma_start3A_84 = tpu.memref_slice %arg11[%dma_start3A_75] : memref<3x!tpu.dma_semaphore, #tpu.memory_space<semaphore_mem>> -> memref<1x!tpu.dma_semaphore, #tpu.memory_space<semaphore_mem>>
    %dma_start3A_85 = tpu.memref_squeeze %dma_start3A_84 : memref<1x!tpu.dma_semaphore, #tpu.memory_space<semaphore_mem>> -> memref<!tpu.dma_semaphore, #tpu.memory_space<semaphore_mem>>
    %dma_start3A_86 = arith.constant 0 : i32
    %dma_start3A_87 = arith.constant 0 : i32
    %dma_start3A_88 = tpu.memref_slice %arg6[%dma_start3A_74, %dma_start3A_86, %dma_start3A_87] : memref<3x1x128xi32, #tpu.memory_space<vmem>> -> memref<1x1x128xi32, #tpu.memory_space<vmem>>
    %dma_start3A_89 = tpu.memref_squeeze %dma_start3A_88 : memref<1x1x128xi32, #tpu.memory_space<vmem>> -> memref<1x128xi32, #tpu.memory_space<vmem>>
    %dma_start3A_90 = arith.constant 0 : i32
    %dma_start3A_91 = arith.constant 0 : i32
    %dma_start3A_92 = tpu.memref_slice %arg3[%add3A_73, %dma_start3A_90, %dma_start3A_91] : memref<2560x1x128xi32, #tpu.memory_space<hbm>> -> memref<1x1x128xi32, #tpu.memory_space<hbm>>
    %dma_start3A_93 = tpu.memref_squeeze %dma_start3A_92 : memref<1x1x128xi32, #tpu.memory_space<hbm>> -> memref<1x128xi32, #tpu.memory_space<hbm>>
    tpu.enqueue_dma source(%dma_start3A_93 : memref<1x128xi32, #tpu.memory_space<hbm>>) target(%dma_start3A_89 : memref<1x128xi32, #tpu.memory_space<vmem>>) target_semaphore(%dma_start3A_85 : memref<!tpu.dma_semaphore, #tpu.memory_space<semaphore_mem>>)
    %add3A_94 = arith.constant 2 : i32
    %add3A_95 = arith.addi %mul3A_2, %add3A_94 : i32
    %dma_start3A_96 = arith.constant 2 : i32
    %dma_start3A_97 = arith.constant 2 : i32
    %dma_start3A_98 = arith.constant 0 : i32
    %dma_start3A_99 = arith.constant 0 : i32
    %dma_start3A_100 = tpu.memref_slice %arg7[%dma_start3A_96, %dma_start3A_98, %dma_start3A_99] : memref<3x1x128xi32, #tpu.memory_space<vmem>> -> memref<1x1x128xi32, #tpu.memory_space<vmem>>
    %dma_start3A_101 = tpu.memref_squeeze %dma_start3A_100 : memref<1x1x128xi32, #tpu.memory_space<vmem>> -> memref<1x128xi32, #tpu.memory_space<vmem>>
    %dma_start3A_102 = arith.constant 0 : i32
    %dma_start3A_103 = arith.constant 0 : i32
    %dma_start3A_104 = tpu.memref_slice %arg4[%add3A_95, %dma_start3A_102, %dma_start3A_103] : memref<2560x1x128xi32, #tpu.memory_space<hbm>> -> memref<1x1x128xi32, #tpu.memory_space<hbm>>
    %dma_start3A_105 = tpu.memref_squeeze %dma_start3A_104 : memref<1x1x128xi32, #tpu.memory_space<hbm>> -> memref<1x128xi32, #tpu.memory_space<hbm>>
    %dma_start3A_106 = tpu.memref_slice %arg12[%dma_start3A_97] : memref<3x!tpu.dma_semaphore, #tpu.memory_space<semaphore_mem>> -> memref<1x!tpu.dma_semaphore, #tpu.memory_space<semaphore_mem>>
    %dma_start3A_107 = tpu.memref_squeeze %dma_start3A_106 : memref<1x!tpu.dma_semaphore, #tpu.memory_space<semaphore_mem>> -> memref<!tpu.dma_semaphore, #tpu.memory_space<semaphore_mem>>
    %dma_start3A_108 = arith.constant 0 : i32
    %dma_start3A_109 = arith.constant 0 : i32
    %dma_start3A_110 = tpu.memref_slice %arg7[%dma_start3A_96, %dma_start3A_108, %dma_start3A_109] : memref<3x1x128xi32, #tpu.memory_space<vmem>> -> memref<1x1x128xi32, #tpu.memory_space<vmem>>
    %dma_start3A_111 = tpu.memref_squeeze %dma_start3A_110 : memref<1x1x128xi32, #tpu.memory_space<vmem>> -> memref<1x128xi32, #tpu.memory_space<vmem>>
    %dma_start3A_112 = arith.constant 0 : i32
    %dma_start3A_113 = arith.constant 0 : i32
    %dma_start3A_114 = tpu.memref_slice %arg4[%add3A_95, %dma_start3A_112, %dma_start3A_113] : memref<2560x1x128xi32, #tpu.memory_space<hbm>> -> memref<1x1x128xi32, #tpu.memory_space<hbm>>
    %dma_start3A_115 = tpu.memref_squeeze %dma_start3A_114 : memref<1x1x128xi32, #tpu.memory_space<hbm>> -> memref<1x128xi32, #tpu.memory_space<hbm>>
    tpu.enqueue_dma source(%dma_start3A_115 : memref<1x128xi32, #tpu.memory_space<hbm>>) target(%dma_start3A_111 : memref<1x128xi32, #tpu.memory_space<vmem>>) target_semaphore(%dma_start3A_107 : memref<!tpu.dma_semaphore, #tpu.memory_space<semaphore_mem>>)
    %scan3A_116 = arith.constant 0 : i32
    %scan3A_117 = arith.constant 0 : i32
    %scan3A_118 = arith.constant 27 : i32
    %scan3A_119 = arith.addi %scan3A_117, %scan3A_118 : i32
    %scan3A_120 = arith.constant 1 : i32
    scf.for %scan3A_127 = %scan3A_117 to %scan3A_119 step %scan3A_120  : i32 {
      %mul3A_128 = arith.constant 3 : i32
      %mul3A_129 = arith.muli %mul3A_128, %scan3A_127 : i32
      %add3A_130 = arith.constant 0 : i32
      %add3A_131 = arith.addi %mul3A_129, %add3A_130 : i32
      %lt3A = arith.constant 80 : i32
      %lt3A_132 = arith.cmpi slt, %add3A_131, %lt3A : i32
      %convert_element_type3A = arith.extui %lt3A_132 : i1 to i32
      %cond3A = arith.constant 0 : i32
      %cond3A_133 = arith.cmpi ne, %convert_element_type3A, %cond3A : i32
      scf.if %cond3A_133 {
        %dma_wait3A = arith.constant 0 : i32
        %dma_wait3A_209 = arith.constant 0 : i32
        %dma_wait3A_210 = arith.constant 0 : i32
        %dma_wait3A_211 = arith.constant 0 : i32
        %dma_wait3A_212 = arith.constant 0 : i32
        %dma_wait3A_213 = arith.constant 0 : i32
        %dma_wait3A_214 = tpu.memref_slice %arg8[%dma_wait3A_210, %dma_wait3A_212, %dma_wait3A_213] : memref<3x128x128xf32, #tpu.memory_space<vmem>> -> memref<1x128x128xf32, #tpu.memory_space<vmem>>
        %dma_wait3A_215 = tpu.memref_squeeze %dma_wait3A_214 : memref<1x128x128xf32, #tpu.memory_space<vmem>> -> memref<128x128xf32, #tpu.memory_space<vmem>>
        %dma_wait3A_216 = arith.constant 0 : i32
        %dma_wait3A_217 = tpu.memref_slice %arg6[%dma_wait3A, %dma_wait3A_209, %dma_wait3A_216] : memref<3x1x128xi32, #tpu.memory_space<vmem>> -> memref<1x1x128xi32, #tpu.memory_space<vmem>>
        %dma_wait3A_218 = tpu.memref_squeeze %dma_wait3A_217 : memref<1x1x128xi32, #tpu.memory_space<vmem>> -> memref<128xi32, #tpu.memory_space<vmem>>
        %dma_wait3A_219 = arith.constant 0 : i32
        %dma_wait3A_220 = arith.constant 0 : i32
        %dma_wait3A_221 = tpu.memref_slice %arg2[%dma_wait3A_219, %dma_wait3A_220] : memref<10000x128xf32, #tpu.memory_space<hbm>> -> memref<10000x128xf32, #tpu.memory_space<hbm>>
        %dma_wait3A_222 = tpu.memref_slice %arg10[%dma_wait3A_211] : memref<3x!tpu.dma_semaphore, #tpu.memory_space<semaphore_mem>> -> memref<1x!tpu.dma_semaphore, #tpu.memory_space<semaphore_mem>>
        %dma_wait3A_223 = tpu.memref_squeeze %dma_wait3A_222 : memref<1x!tpu.dma_semaphore, #tpu.memory_space<semaphore_mem>> -> memref<!tpu.dma_semaphore, #tpu.memory_space<semaphore_mem>>
        tpu.wait_indirect_dma semaphore(%dma_wait3A_223 : memref<!tpu.dma_semaphore, #tpu.memory_space<semaphore_mem>>) src(%dma_wait3A_221 : memref<10000x128xf32, #tpu.memory_space<hbm>>) dst(%dma_wait3A_215 : memref<128x128xf32, #tpu.memory_space<vmem>>)
      } else {
      }
      %add3A_134 = arith.constant 2 : i32
      %add3A_135 = arith.addi %add3A_131, %add3A_134 : i32
      %lt3A_136 = arith.constant 80 : i32
      %lt3A_137 = arith.cmpi slt, %add3A_135, %lt3A_136 : i32
      %convert_element_type3A_138 = arith.extui %lt3A_137 : i1 to i32
      %cond3A_139 = arith.constant 0 : i32
      %cond3A_140 = arith.cmpi ne, %convert_element_type3A_138, %cond3A_139 : i32
      scf.if %cond3A_140 {
        %add3A_209 = arith.addi %mul3A_2, %add3A_131 : i32
        %add3A_210 = arith.constant 2 : i32
        %add3A_211 = arith.addi %add3A_209, %add3A_210 : i32
        %dma_wait3A = arith.constant 2 : i32
        %dma_wait3A_212 = arith.constant 2 : i32
        %dma_wait3A_213 = arith.constant 0 : i32
        %dma_wait3A_214 = arith.constant 0 : i32
        %dma_wait3A_215 = tpu.memref_slice %arg6[%dma_wait3A, %dma_wait3A_213, %dma_wait3A_214] : memref<3x1x128xi32, #tpu.memory_space<vmem>> -> memref<1x1x128xi32, #tpu.memory_space<vmem>>
        %dma_wait3A_216 = tpu.memref_squeeze %dma_wait3A_215 : memref<1x1x128xi32, #tpu.memory_space<vmem>> -> memref<1x128xi32, #tpu.memory_space<vmem>>
        %dma_wait3A_217 = arith.constant 0 : i32
        %dma_wait3A_218 = arith.constant 0 : i32
        %dma_wait3A_219 = tpu.memref_slice %arg3[%add3A_211, %dma_wait3A_217, %dma_wait3A_218] : memref<2560x1x128xi32, #tpu.memory_space<hbm>> -> memref<1x1x128xi32, #tpu.memory_space<hbm>>
        %dma_wait3A_220 = tpu.memref_squeeze %dma_wait3A_219 : memref<1x1x128xi32, #tpu.memory_space<hbm>> -> memref<1x128xi32, #tpu.memory_space<hbm>>
        %dma_wait3A_221 = tpu.memref_slice %arg11[%dma_wait3A_212] : memref<3x!tpu.dma_semaphore, #tpu.memory_space<semaphore_mem>> -> memref<1x!tpu.dma_semaphore, #tpu.memory_space<semaphore_mem>>
        %dma_wait3A_222 = tpu.memref_squeeze %dma_wait3A_221 : memref<1x!tpu.dma_semaphore, #tpu.memory_space<semaphore_mem>> -> memref<!tpu.dma_semaphore, #tpu.memory_space<semaphore_mem>>
        %dma_wait3A_223 = arith.constant 0 : i32
        %dma_wait3A_224 = arith.constant 0 : i32
        %dma_wait3A_225 = tpu.memref_slice %arg6[%dma_wait3A, %dma_wait3A_223, %dma_wait3A_224] : memref<3x1x128xi32, #tpu.memory_space<vmem>> -> memref<1x1x128xi32, #tpu.memory_space<vmem>>
        %dma_wait3A_226 = tpu.memref_squeeze %dma_wait3A_225 : memref<1x1x128xi32, #tpu.memory_space<vmem>> -> memref<1x128xi32, #tpu.memory_space<vmem>>
        %dma_wait3A_227 = arith.constant 0 : i32
        %dma_wait3A_228 = arith.constant 0 : i32
        %dma_wait3A_229 = tpu.memref_slice %arg3[%add3A_211, %dma_wait3A_227, %dma_wait3A_228] : memref<2560x1x128xi32, #tpu.memory_space<hbm>> -> memref<1x1x128xi32, #tpu.memory_space<hbm>>
        %dma_wait3A_230 = tpu.memref_squeeze %dma_wait3A_229 : memref<1x1x128xi32, #tpu.memory_space<hbm>> -> memref<1x128xi32, #tpu.memory_space<hbm>>
        tpu.wait_dma2 semaphore(%dma_wait3A_222 : memref<!tpu.dma_semaphore, #tpu.memory_space<semaphore_mem>>) src(%dma_wait3A_230 : memref<1x128xi32, #tpu.memory_space<hbm>>) dst(%dma_wait3A_226 : memref<1x128xi32, #tpu.memory_space<vmem>>)
        %add3A_231 = arith.addi %mul3A_2, %add3A_131 : i32
        %add3A_232 = arith.constant 2 : i32
        %add3A_233 = arith.addi %add3A_231, %add3A_232 : i32
        %dma_wait3A_234 = arith.constant 2 : i32
        %dma_wait3A_235 = arith.constant 2 : i32
        %dma_wait3A_236 = arith.constant 0 : i32
        %dma_wait3A_237 = arith.constant 0 : i32
        %dma_wait3A_238 = tpu.memref_slice %arg7[%dma_wait3A_234, %dma_wait3A_236, %dma_wait3A_237] : memref<3x1x128xi32, #tpu.memory_space<vmem>> -> memref<1x1x128xi32, #tpu.memory_space<vmem>>
        %dma_wait3A_239 = tpu.memref_squeeze %dma_wait3A_238 : memref<1x1x128xi32, #tpu.memory_space<vmem>> -> memref<1x128xi32, #tpu.memory_space<vmem>>
        %dma_wait3A_240 = arith.constant 0 : i32
        %dma_wait3A_241 = arith.constant 0 : i32
        %dma_wait3A_242 = tpu.memref_slice %arg4[%add3A_233, %dma_wait3A_240, %dma_wait3A_241] : memref<2560x1x128xi32, #tpu.memory_space<hbm>> -> memref<1x1x128xi32, #tpu.memory_space<hbm>>
        %dma_wait3A_243 = tpu.memref_squeeze %dma_wait3A_242 : memref<1x1x128xi32, #tpu.memory_space<hbm>> -> memref<1x128xi32, #tpu.memory_space<hbm>>
        %dma_wait3A_244 = tpu.memref_slice %arg12[%dma_wait3A_235] : memref<3x!tpu.dma_semaphore, #tpu.memory_space<semaphore_mem>> -> memref<1x!tpu.dma_semaphore, #tpu.memory_space<semaphore_mem>>
        %dma_wait3A_245 = tpu.memref_squeeze %dma_wait3A_244 : memref<1x!tpu.dma_semaphore, #tpu.memory_space<semaphore_mem>> -> memref<!tpu.dma_semaphore, #tpu.memory_space<semaphore_mem>>
        %dma_wait3A_246 = arith.constant 0 : i32
        %dma_wait3A_247 = arith.constant 0 : i32
        %dma_wait3A_248 = tpu.memref_slice %arg7[%dma_wait3A_234, %dma_wait3A_246, %dma_wait3A_247] : memref<3x1x128xi32, #tpu.memory_space<vmem>> -> memref<1x1x128xi32, #tpu.memory_space<vmem>>
        %dma_wait3A_249 = tpu.memref_squeeze %dma_wait3A_248 : memref<1x1x128xi32, #tpu.memory_space<vmem>> -> memref<1x128xi32, #tpu.memory_space<vmem>>
        %dma_wait3A_250 = arith.constant 0 : i32
        %dma_wait3A_251 = arith.constant 0 : i32
        %dma_wait3A_252 = tpu.memref_slice %arg4[%add3A_233, %dma_wait3A_250, %dma_wait3A_251] : memref<2560x1x128xi32, #tpu.memory_space<hbm>> -> memref<1x1x128xi32, #tpu.memory_space<hbm>>
        %dma_wait3A_253 = tpu.memref_squeeze %dma_wait3A_252 : memref<1x1x128xi32, #tpu.memory_space<hbm>> -> memref<1x128xi32, #tpu.memory_space<hbm>>
        tpu.wait_dma2 semaphore(%dma_wait3A_245 : memref<!tpu.dma_semaphore, #tpu.memory_space<semaphore_mem>>) src(%dma_wait3A_253 : memref<1x128xi32, #tpu.memory_space<hbm>>) dst(%dma_wait3A_249 : memref<1x128xi32, #tpu.memory_space<vmem>>)
        %dma_start3A_254 = arith.constant 2 : i32
        %dma_start3A_255 = arith.constant 0 : i32
        %dma_start3A_256 = arith.constant 2 : i32
        %dma_start3A_257 = arith.constant 2 : i32
        %dma_start3A_258 = arith.constant 0 : i32
        %dma_start3A_259 = arith.constant 0 : i32
        %dma_start3A_260 = tpu.memref_slice %arg8[%dma_start3A_256, %dma_start3A_258, %dma_start3A_259] : memref<3x128x128xf32, #tpu.memory_space<vmem>> -> memref<1x128x128xf32, #tpu.memory_space<vmem>>
        %dma_start3A_261 = tpu.memref_squeeze %dma_start3A_260 : memref<1x128x128xf32, #tpu.memory_space<vmem>> -> memref<128x128xf32, #tpu.memory_space<vmem>>
        %dma_start3A_262 = arith.constant 0 : i32
        %dma_start3A_263 = tpu.memref_slice %arg6[%dma_start3A_254, %dma_start3A_255, %dma_start3A_262] : memref<3x1x128xi32, #tpu.memory_space<vmem>> -> memref<1x1x128xi32, #tpu.memory_space<vmem>>
        %dma_start3A_264 = tpu.memref_squeeze %dma_start3A_263 : memref<1x1x128xi32, #tpu.memory_space<vmem>> -> memref<128xi32, #tpu.memory_space<vmem>>
        %dma_start3A_265 = arith.constant 0 : i32
        %dma_start3A_266 = arith.constant 0 : i32
        %dma_start3A_267 = tpu.memref_slice %arg2[%dma_start3A_265, %dma_start3A_266] : memref<10000x128xf32, #tpu.memory_space<hbm>> -> memref<10000x128xf32, #tpu.memory_space<hbm>>
        %dma_start3A_268 = tpu.memref_slice %arg10[%dma_start3A_257] : memref<3x!tpu.dma_semaphore, #tpu.memory_space<semaphore_mem>> -> memref<1x!tpu.dma_semaphore, #tpu.memory_space<semaphore_mem>>
        %dma_start3A_269 = tpu.memref_squeeze %dma_start3A_268 : memref<1x!tpu.dma_semaphore, #tpu.memory_space<semaphore_mem>> -> memref<!tpu.dma_semaphore, #tpu.memory_space<semaphore_mem>>
        tpu.enqueue_indirect_dma source(%dma_start3A_267 : memref<10000x128xf32, #tpu.memory_space<hbm>>) target(%dma_start3A_261 : memref<128x128xf32, #tpu.memory_space<vmem>>) offsets(%dma_start3A_264 : memref<128xi32, #tpu.memory_space<vmem>>) semaphore(%dma_start3A_269 : memref<!tpu.dma_semaphore, #tpu.memory_space<semaphore_mem>>)
      } else {
      }
      %lt3A_141 = arith.constant 80 : i32
      %lt3A_142 = arith.cmpi slt, %add3A_131, %lt3A_141 : i32
      %convert_element_type3A_143 = arith.extui %lt3A_142 : i1 to i32
      %cond3A_144 = arith.constant 0 : i32
      %cond3A_145 = arith.cmpi ne, %convert_element_type3A_143, %cond3A_144 : i32
      scf.if %cond3A_145 {
        %run_scoped3A_209 = arith.constant 0 : i32
        %run_scoped3A_210 = arith.constant 0 : i32
        %run_scoped3A_211 = arith.constant 0 : i32
        "tpu.region"() ({
          %run_scoped3A_212 = tpu.sem_alloc : memref<!tpu.dma_semaphore, #tpu.memory_space<semaphore_mem>>
          %dma_start3A_213 = arith.constant 0 : i32
          %dma_start3A_214 = arith.constant 0 : i32
          %dma_start3A_215 = tpu.memref_slice %arg8[%run_scoped3A_209, %dma_start3A_213, %dma_start3A_214] : memref<3x128x128xf32, #tpu.memory_space<vmem>> -> memref<1x128x128xf32, #tpu.memory_space<vmem>>
          %dma_start3A_216 = tpu.memref_squeeze %dma_start3A_215 : memref<1x128x128xf32, #tpu.memory_space<vmem>> -> memref<128x128xf32, #tpu.memory_space<vmem>>
          %dma_start3A_217 = arith.constant 0 : i32
          %dma_start3A_218 = tpu.memref_slice %arg7[%run_scoped3A_210, %run_scoped3A_211, %dma_start3A_217] : memref<3x1x128xi32, #tpu.memory_space<vmem>> -> memref<1x1x128xi32, #tpu.memory_space<vmem>>
          %dma_start3A_219 = tpu.memref_squeeze %dma_start3A_218 : memref<1x1x128xi32, #tpu.memory_space<vmem>> -> memref<128xi32, #tpu.memory_space<vmem>>
          %dma_start3A_220 = arith.constant 0 : i32
          %dma_start3A_221 = arith.constant 0 : i32
          %dma_start3A_222 = tpu.memref_slice %arg9[%dma_start3A_220, %dma_start3A_221] : memref<10112x128xf32, #tpu.memory_space<vmem_shared>> -> memref<10112x128xf32, #tpu.memory_space<vmem_shared>>
          tpu.enqueue_indirect_dma source(%dma_start3A_216 : memref<128x128xf32, #tpu.memory_space<vmem>>) target(%dma_start3A_222 : memref<10112x128xf32, #tpu.memory_space<vmem_shared>>) offsets(%dma_start3A_219 : memref<128xi32, #tpu.memory_space<vmem>>) semaphore(%run_scoped3A_212 : memref<!tpu.dma_semaphore, #tpu.memory_space<semaphore_mem>>) {add = true}
          %dma_wait3A = arith.constant 0 : i32
          %dma_wait3A_223 = arith.constant 0 : i32
          %dma_wait3A_224 = tpu.memref_slice %arg8[%run_scoped3A_209, %dma_wait3A, %dma_wait3A_223] : memref<3x128x128xf32, #tpu.memory_space<vmem>> -> memref<1x128x128xf32, #tpu.memory_space<vmem>>
          %dma_wait3A_225 = tpu.memref_squeeze %dma_wait3A_224 : memref<1x128x128xf32, #tpu.memory_space<vmem>> -> memref<128x128xf32, #tpu.memory_space<vmem>>
          %dma_wait3A_226 = arith.constant 0 : i32
          %dma_wait3A_227 = tpu.memref_slice %arg7[%run_scoped3A_210, %run_scoped3A_211, %dma_wait3A_226] : memref<3x1x128xi32, #tpu.memory_space<vmem>> -> memref<1x1x128xi32, #tpu.memory_space<vmem>>
          %dma_wait3A_228 = tpu.memref_squeeze %dma_wait3A_227 : memref<1x1x128xi32, #tpu.memory_space<vmem>> -> memref<128xi32, #tpu.memory_space<vmem>>
          %dma_wait3A_229 = arith.constant 0 : i32
          %dma_wait3A_230 = arith.constant 0 : i32
          %dma_wait3A_231 = tpu.memref_slice %arg9[%dma_wait3A_229, %dma_wait3A_230] : memref<10112x128xf32, #tpu.memory_space<vmem_shared>> -> memref<10112x128xf32, #tpu.memory_space<vmem_shared>>
          tpu.wait_indirect_dma semaphore(%run_scoped3A_212 : memref<!tpu.dma_semaphore, #tpu.memory_space<semaphore_mem>>) src(%dma_wait3A_225 : memref<128x128xf32, #tpu.memory_space<vmem>>) dst(%dma_wait3A_231 : memref<10112x128xf32, #tpu.memory_space<vmem_shared>>)
          tpu.yield
        }) : () -> ()
      } else {
      }
      %add3A_146 = arith.constant 3 : i32
      %add3A_147 = arith.addi %add3A_131, %add3A_146 : i32
      %lt3A_148 = arith.constant 80 : i32
      %lt3A_149 = arith.cmpi slt, %add3A_147, %lt3A_148 : i32
      %convert_element_type3A_150 = arith.extui %lt3A_149 : i1 to i32
      %cond3A_151 = arith.constant 0 : i32
      %cond3A_152 = arith.cmpi ne, %convert_element_type3A_150, %cond3A_151 : i32
      scf.if %cond3A_152 {
        %add3A_209 = arith.addi %mul3A_2, %add3A_131 : i32
        %add3A_210 = arith.constant 3 : i32
        %add3A_211 = arith.addi %add3A_209, %add3A_210 : i32
        %dma_start3A_212 = arith.constant 0 : i32
        %dma_start3A_213 = arith.constant 0 : i32
        %dma_start3A_214 = arith.constant 0 : i32
        %dma_start3A_215 = arith.constant 0 : i32
        %dma_start3A_216 = tpu.memref_slice %arg6[%dma_start3A_212, %dma_start3A_214, %dma_start3A_215] : memref<3x1x128xi32, #tpu.memory_space<vmem>> -> memref<1x1x128xi32, #tpu.memory_space<vmem>>
        %dma_start3A_217 = tpu.memref_squeeze %dma_start3A_216 : memref<1x1x128xi32, #tpu.memory_space<vmem>> -> memref<1x128xi32, #tpu.memory_space<vmem>>
        %dma_start3A_218 = arith.constant 0 : i32
        %dma_start3A_219 = arith.constant 0 : i32
        %dma_start3A_220 = tpu.memref_slice %arg3[%add3A_211, %dma_start3A_218, %dma_start3A_219] : memref<2560x1x128xi32, #tpu.memory_space<hbm>> -> memref<1x1x128xi32, #tpu.memory_space<hbm>>
        %dma_start3A_221 = tpu.memref_squeeze %dma_start3A_220 : memref<1x1x128xi32, #tpu.memory_space<hbm>> -> memref<1x128xi32, #tpu.memory_space<hbm>>
        %dma_start3A_222 = tpu.memref_slice %arg11[%dma_start3A_213] : memref<3x!tpu.dma_semaphore, #tpu.memory_space<semaphore_mem>> -> memref<1x!tpu.dma_semaphore, #tpu.memory_space<semaphore_mem>>
        %dma_start3A_223 = tpu.memref_squeeze %dma_start3A_222 : memref<1x!tpu.dma_semaphore, #tpu.memory_space<semaphore_mem>> -> memref<!tpu.dma_semaphore, #tpu.memory_space<semaphore_mem>>
        %dma_start3A_224 = arith.constant 0 : i32
        %dma_start3A_225 = arith.constant 0 : i32
        %dma_start3A_226 = tpu.memref_slice %arg6[%dma_start3A_212, %dma_start3A_224, %dma_start3A_225] : memref<3x1x128xi32, #tpu.memory_space<vmem>> -> memref<1x1x128xi32, #tpu.memory_space<vmem>>
        %dma_start3A_227 = tpu.memref_squeeze %dma_start3A_226 : memref<1x1x128xi32, #tpu.memory_space<vmem>> -> memref<1x128xi32, #tpu.memory_space<vmem>>
        %dma_start3A_228 = arith.constant 0 : i32
        %dma_start3A_229 = arith.constant 0 : i32
        %dma_start3A_230 = tpu.memref_slice %arg3[%add3A_211, %dma_start3A_228, %dma_start3A_229] : memref<2560x1x128xi32, #tpu.memory_space<hbm>> -> memref<1x1x128xi32, #tpu.memory_space<hbm>>
        %dma_start3A_231 = tpu.memref_squeeze %dma_start3A_230 : memref<1x1x128xi32, #tpu.memory_space<hbm>> -> memref<1x128xi32, #tpu.memory_space<hbm>>
        tpu.enqueue_dma source(%dma_start3A_231 : memref<1x128xi32, #tpu.memory_space<hbm>>) target(%dma_start3A_227 : memref<1x128xi32, #tpu.memory_space<vmem>>) target_semaphore(%dma_start3A_223 : memref<!tpu.dma_semaphore, #tpu.memory_space<semaphore_mem>>)
        %add3A_232 = arith.addi %mul3A_2, %add3A_131 : i32
        %add3A_233 = arith.constant 3 : i32
        %add3A_234 = arith.addi %add3A_232, %add3A_233 : i32
        %dma_start3A_235 = arith.constant 0 : i32
        %dma_start3A_236 = arith.constant 0 : i32
        %dma_start3A_237 = arith.constant 0 : i32
        %dma_start3A_238 = arith.constant 0 : i32
        %dma_start3A_239 = tpu.memref_slice %arg7[%dma_start3A_235, %dma_start3A_237, %dma_start3A_238] : memref<3x1x128xi32, #tpu.memory_space<vmem>> -> memref<1x1x128xi32, #tpu.memory_space<vmem>>
        %dma_start3A_240 = tpu.memref_squeeze %dma_start3A_239 : memref<1x1x128xi32, #tpu.memory_space<vmem>> -> memref<1x128xi32, #tpu.memory_space<vmem>>
        %dma_start3A_241 = arith.constant 0 : i32
        %dma_start3A_242 = arith.constant 0 : i32
        %dma_start3A_243 = tpu.memref_slice %arg4[%add3A_234, %dma_start3A_241, %dma_start3A_242] : memref<2560x1x128xi32, #tpu.memory_space<hbm>> -> memref<1x1x128xi32, #tpu.memory_space<hbm>>
        %dma_start3A_244 = tpu.memref_squeeze %dma_start3A_243 : memref<1x1x128xi32, #tpu.memory_space<hbm>> -> memref<1x128xi32, #tpu.memory_space<hbm>>
        %dma_start3A_245 = tpu.memref_slice %arg12[%dma_start3A_236] : memref<3x!tpu.dma_semaphore, #tpu.memory_space<semaphore_mem>> -> memref<1x!tpu.dma_semaphore, #tpu.memory_space<semaphore_mem>>
        %dma_start3A_246 = tpu.memref_squeeze %dma_start3A_245 : memref<1x!tpu.dma_semaphore, #tpu.memory_space<semaphore_mem>> -> memref<!tpu.dma_semaphore, #tpu.memory_space<semaphore_mem>>
        %dma_start3A_247 = arith.constant 0 : i32
        %dma_start3A_248 = arith.constant 0 : i32
        %dma_start3A_249 = tpu.memref_slice %arg7[%dma_start3A_235, %dma_start3A_247, %dma_start3A_248] : memref<3x1x128xi32, #tpu.memory_space<vmem>> -> memref<1x1x128xi32, #tpu.memory_space<vmem>>
        %dma_start3A_250 = tpu.memref_squeeze %dma_start3A_249 : memref<1x1x128xi32, #tpu.memory_space<vmem>> -> memref<1x128xi32, #tpu.memory_space<vmem>>
        %dma_start3A_251 = arith.constant 0 : i32
        %dma_start3A_252 = arith.constant 0 : i32
        %dma_start3A_253 = tpu.memref_slice %arg4[%add3A_234, %dma_start3A_251, %dma_start3A_252] : memref<2560x1x128xi32, #tpu.memory_space<hbm>> -> memref<1x1x128xi32, #tpu.memory_space<hbm>>
        %dma_start3A_254 = tpu.memref_squeeze %dma_start3A_253 : memref<1x1x128xi32, #tpu.memory_space<hbm>> -> memref<1x128xi32, #tpu.memory_space<hbm>>
        tpu.enqueue_dma source(%dma_start3A_254 : memref<1x128xi32, #tpu.memory_space<hbm>>) target(%dma_start3A_250 : memref<1x128xi32, #tpu.memory_space<vmem>>) target_semaphore(%dma_start3A_246 : memref<!tpu.dma_semaphore, #tpu.memory_space<semaphore_mem>>)
      } else {
      }
      %mul3A_153 = arith.constant 3 : i32
      %mul3A_154 = arith.muli %mul3A_153, %scan3A_127 : i32
      %add3A_155 = arith.constant 1 : i32
      %add3A_156 = arith.addi %mul3A_154, %add3A_155 : i32
      %lt3A_157 = arith.constant 80 : i32
      %lt3A_158 = arith.cmpi slt, %add3A_156, %lt3A_157 : i32
      %convert_element_type3A_159 = arith.extui %lt3A_158 : i1 to i32
      %cond3A_160 = arith.constant 0 : i32
      %cond3A_161 = arith.cmpi ne, %convert_element_type3A_159, %cond3A_160 : i32
      scf.if %cond3A_161 {
        %dma_wait3A = arith.constant 1 : i32
        %dma_wait3A_209 = arith.constant 0 : i32
        %dma_wait3A_210 = arith.constant 1 : i32
        %dma_wait3A_211 = arith.constant 1 : i32
        %dma_wait3A_212 = arith.constant 0 : i32
        %dma_wait3A_213 = arith.constant 0 : i32
        %dma_wait3A_214 = tpu.memref_slice %arg8[%dma_wait3A_210, %dma_wait3A_212, %dma_wait3A_213] : memref<3x128x128xf32, #tpu.memory_space<vmem>> -> memref<1x128x128xf32, #tpu.memory_space<vmem>>
        %dma_wait3A_215 = tpu.memref_squeeze %dma_wait3A_214 : memref<1x128x128xf32, #tpu.memory_space<vmem>> -> memref<128x128xf32, #tpu.memory_space<vmem>>
        %dma_wait3A_216 = arith.constant 0 : i32
        %dma_wait3A_217 = tpu.memref_slice %arg6[%dma_wait3A, %dma_wait3A_209, %dma_wait3A_216] : memref<3x1x128xi32, #tpu.memory_space<vmem>> -> memref<1x1x128xi32, #tpu.memory_space<vmem>>
        %dma_wait3A_218 = tpu.memref_squeeze %dma_wait3A_217 : memref<1x1x128xi32, #tpu.memory_space<vmem>> -> memref<128xi32, #tpu.memory_space<vmem>>
        %dma_wait3A_219 = arith.constant 0 : i32
        %dma_wait3A_220 = arith.constant 0 : i32
        %dma_wait3A_221 = tpu.memref_slice %arg2[%dma_wait3A_219, %dma_wait3A_220] : memref<10000x128xf32, #tpu.memory_space<hbm>> -> memref<10000x128xf32, #tpu.memory_space<hbm>>
        %dma_wait3A_222 = tpu.memref_slice %arg10[%dma_wait3A_211] : memref<3x!tpu.dma_semaphore, #tpu.memory_space<semaphore_mem>> -> memref<1x!tpu.dma_semaphore, #tpu.memory_space<semaphore_mem>>
        %dma_wait3A_223 = tpu.memref_squeeze %dma_wait3A_222 : memref<1x!tpu.dma_semaphore, #tpu.memory_space<semaphore_mem>> -> memref<!tpu.dma_semaphore, #tpu.memory_space<semaphore_mem>>
        tpu.wait_indirect_dma semaphore(%dma_wait3A_223 : memref<!tpu.dma_semaphore, #tpu.memory_space<semaphore_mem>>) src(%dma_wait3A_221 : memref<10000x128xf32, #tpu.memory_space<hbm>>) dst(%dma_wait3A_215 : memref<128x128xf32, #tpu.memory_space<vmem>>)
      } else {
      }
      %add3A_162 = arith.constant 2 : i32
      %add3A_163 = arith.addi %add3A_156, %add3A_162 : i32
      %lt3A_164 = arith.constant 80 : i32
      %lt3A_165 = arith.cmpi slt, %add3A_163, %lt3A_164 : i32
      %convert_element_type3A_166 = arith.extui %lt3A_165 : i1 to i32
      %cond3A_167 = arith.constant 0 : i32
      %cond3A_168 = arith.cmpi ne, %convert_element_type3A_166, %cond3A_167 : i32
      scf.if %cond3A_168 {
        %add3A_209 = arith.addi %mul3A_2, %add3A_156 : i32
        %add3A_210 = arith.constant 2 : i32
        %add3A_211 = arith.addi %add3A_209, %add3A_210 : i32
        %dma_wait3A = arith.constant 0 : i32
        %dma_wait3A_212 = arith.constant 0 : i32
        %dma_wait3A_213 = arith.constant 0 : i32
        %dma_wait3A_214 = arith.constant 0 : i32
        %dma_wait3A_215 = tpu.memref_slice %arg6[%dma_wait3A, %dma_wait3A_213, %dma_wait3A_214] : memref<3x1x128xi32, #tpu.memory_space<vmem>> -> memref<1x1x128xi32, #tpu.memory_space<vmem>>
        %dma_wait3A_216 = tpu.memref_squeeze %dma_wait3A_215 : memref<1x1x128xi32, #tpu.memory_space<vmem>> -> memref<1x128xi32, #tpu.memory_space<vmem>>
        %dma_wait3A_217 = arith.constant 0 : i32
        %dma_wait3A_218 = arith.constant 0 : i32
        %dma_wait3A_219 = tpu.memref_slice %arg3[%add3A_211, %dma_wait3A_217, %dma_wait3A_218] : memref<2560x1x128xi32, #tpu.memory_space<hbm>> -> memref<1x1x128xi32, #tpu.memory_space<hbm>>
        %dma_wait3A_220 = tpu.memref_squeeze %dma_wait3A_219 : memref<1x1x128xi32, #tpu.memory_space<hbm>> -> memref<1x128xi32, #tpu.memory_space<hbm>>
        %dma_wait3A_221 = tpu.memref_slice %arg11[%dma_wait3A_212] : memref<3x!tpu.dma_semaphore, #tpu.memory_space<semaphore_mem>> -> memref<1x!tpu.dma_semaphore, #tpu.memory_space<semaphore_mem>>
        %dma_wait3A_222 = tpu.memref_squeeze %dma_wait3A_221 : memref<1x!tpu.dma_semaphore, #tpu.memory_space<semaphore_mem>> -> memref<!tpu.dma_semaphore, #tpu.memory_space<semaphore_mem>>
        %dma_wait3A_223 = arith.constant 0 : i32
        %dma_wait3A_224 = arith.constant 0 : i32
        %dma_wait3A_225 = tpu.memref_slice %arg6[%dma_wait3A, %dma_wait3A_223, %dma_wait3A_224] : memref<3x1x128xi32, #tpu.memory_space<vmem>> -> memref<1x1x128xi32, #tpu.memory_space<vmem>>
        %dma_wait3A_226 = tpu.memref_squeeze %dma_wait3A_225 : memref<1x1x128xi32, #tpu.memory_space<vmem>> -> memref<1x128xi32, #tpu.memory_space<vmem>>
        %dma_wait3A_227 = arith.constant 0 : i32
        %dma_wait3A_228 = arith.constant 0 : i32
        %dma_wait3A_229 = tpu.memref_slice %arg3[%add3A_211, %dma_wait3A_227, %dma_wait3A_228] : memref<2560x1x128xi32, #tpu.memory_space<hbm>> -> memref<1x1x128xi32, #tpu.memory_space<hbm>>
        %dma_wait3A_230 = tpu.memref_squeeze %dma_wait3A_229 : memref<1x1x128xi32, #tpu.memory_space<hbm>> -> memref<1x128xi32, #tpu.memory_space<hbm>>
        tpu.wait_dma2 semaphore(%dma_wait3A_222 : memref<!tpu.dma_semaphore, #tpu.memory_space<semaphore_mem>>) src(%dma_wait3A_230 : memref<1x128xi32, #tpu.memory_space<hbm>>) dst(%dma_wait3A_226 : memref<1x128xi32, #tpu.memory_space<vmem>>)
        %add3A_231 = arith.addi %mul3A_2, %add3A_156 : i32
        %add3A_232 = arith.constant 2 : i32
        %add3A_233 = arith.addi %add3A_231, %add3A_232 : i32
        %dma_wait3A_234 = arith.constant 0 : i32
        %dma_wait3A_235 = arith.constant 0 : i32
        %dma_wait3A_236 = arith.constant 0 : i32
        %dma_wait3A_237 = arith.constant 0 : i32
        %dma_wait3A_238 = tpu.memref_slice %arg7[%dma_wait3A_234, %dma_wait3A_236, %dma_wait3A_237] : memref<3x1x128xi32, #tpu.memory_space<vmem>> -> memref<1x1x128xi32, #tpu.memory_space<vmem>>
        %dma_wait3A_239 = tpu.memref_squeeze %dma_wait3A_238 : memref<1x1x128xi32, #tpu.memory_space<vmem>> -> memref<1x128xi32, #tpu.memory_space<vmem>>
        %dma_wait3A_240 = arith.constant 0 : i32
        %dma_wait3A_241 = arith.constant 0 : i32
        %dma_wait3A_242 = tpu.memref_slice %arg4[%add3A_233, %dma_wait3A_240, %dma_wait3A_241] : memref<2560x1x128xi32, #tpu.memory_space<hbm>> -> memref<1x1x128xi32, #tpu.memory_space<hbm>>
        %dma_wait3A_243 = tpu.memref_squeeze %dma_wait3A_242 : memref<1x1x128xi32, #tpu.memory_space<hbm>> -> memref<1x128xi32, #tpu.memory_space<hbm>>
        %dma_wait3A_244 = tpu.memref_slice %arg12[%dma_wait3A_235] : memref<3x!tpu.dma_semaphore, #tpu.memory_space<semaphore_mem>> -> memref<1x!tpu.dma_semaphore, #tpu.memory_space<semaphore_mem>>
        %dma_wait3A_245 = tpu.memref_squeeze %dma_wait3A_244 : memref<1x!tpu.dma_semaphore, #tpu.memory_space<semaphore_mem>> -> memref<!tpu.dma_semaphore, #tpu.memory_space<semaphore_mem>>
        %dma_wait3A_246 = arith.constant 0 : i32
        %dma_wait3A_247 = arith.constant 0 : i32
        %dma_wait3A_248 = tpu.memref_slice %arg7[%dma_wait3A_234, %dma_wait3A_246, %dma_wait3A_247] : memref<3x1x128xi32, #tpu.memory_space<vmem>> -> memref<1x1x128xi32, #tpu.memory_space<vmem>>
        %dma_wait3A_249 = tpu.memref_squeeze %dma_wait3A_248 : memref<1x1x128xi32, #tpu.memory_space<vmem>> -> memref<1x128xi32, #tpu.memory_space<vmem>>
        %dma_wait3A_250 = arith.constant 0 : i32
        %dma_wait3A_251 = arith.constant 0 : i32
        %dma_wait3A_252 = tpu.memref_slice %arg4[%add3A_233, %dma_wait3A_250, %dma_wait3A_251] : memref<2560x1x128xi32, #tpu.memory_space<hbm>> -> memref<1x1x128xi32, #tpu.memory_space<hbm>>
        %dma_wait3A_253 = tpu.memref_squeeze %dma_wait3A_252 : memref<1x1x128xi32, #tpu.memory_space<hbm>> -> memref<1x128xi32, #tpu.memory_space<hbm>>
        tpu.wait_dma2 semaphore(%dma_wait3A_245 : memref<!tpu.dma_semaphore, #tpu.memory_space<semaphore_mem>>) src(%dma_wait3A_253 : memref<1x128xi32, #tpu.memory_space<hbm>>) dst(%dma_wait3A_249 : memref<1x128xi32, #tpu.memory_space<vmem>>)
        %dma_start3A_254 = arith.constant 0 : i32
        %dma_start3A_255 = arith.constant 0 : i32
        %dma_start3A_256 = arith.constant 0 : i32
        %dma_start3A_257 = arith.constant 0 : i32
        %dma_start3A_258 = arith.constant 0 : i32
        %dma_start3A_259 = arith.constant 0 : i32
        %dma_start3A_260 = tpu.memref_slice %arg8[%dma_start3A_256, %dma_start3A_258, %dma_start3A_259] : memref<3x128x128xf32, #tpu.memory_space<vmem>> -> memref<1x128x128xf32, #tpu.memory_space<vmem>>
        %dma_start3A_261 = tpu.memref_squeeze %dma_start3A_260 : memref<1x128x128xf32, #tpu.memory_space<vmem>> -> memref<128x128xf32, #tpu.memory_space<vmem>>
        %dma_start3A_262 = arith.constant 0 : i32
        %dma_start3A_263 = tpu.memref_slice %arg6[%dma_start3A_254, %dma_start3A_255, %dma_start3A_262] : memref<3x1x128xi32, #tpu.memory_space<vmem>> -> memref<1x1x128xi32, #tpu.memory_space<vmem>>
        %dma_start3A_264 = tpu.memref_squeeze %dma_start3A_263 : memref<1x1x128xi32, #tpu.memory_space<vmem>> -> memref<128xi32, #tpu.memory_space<vmem>>
        %dma_start3A_265 = arith.constant 0 : i32
        %dma_start3A_266 = arith.constant 0 : i32
        %dma_start3A_267 = tpu.memref_slice %arg2[%dma_start3A_265, %dma_start3A_266] : memref<10000x128xf32, #tpu.memory_space<hbm>> -> memref<10000x128xf32, #tpu.memory_space<hbm>>
        %dma_start3A_268 = tpu.memref_slice %arg10[%dma_start3A_257] : memref<3x!tpu.dma_semaphore, #tpu.memory_space<semaphore_mem>> -> memref<1x!tpu.dma_semaphore, #tpu.memory_space<semaphore_mem>>
        %dma_start3A_269 = tpu.memref_squeeze %dma_start3A_268 : memref<1x!tpu.dma_semaphore, #tpu.memory_space<semaphore_mem>> -> memref<!tpu.dma_semaphore, #tpu.memory_space<semaphore_mem>>
        tpu.enqueue_indirect_dma source(%dma_start3A_267 : memref<10000x128xf32, #tpu.memory_space<hbm>>) target(%dma_start3A_261 : memref<128x128xf32, #tpu.memory_space<vmem>>) offsets(%dma_start3A_264 : memref<128xi32, #tpu.memory_space<vmem>>) semaphore(%dma_start3A_269 : memref<!tpu.dma_semaphore, #tpu.memory_space<semaphore_mem>>)
      } else {
      }
      %lt3A_169 = arith.constant 80 : i32
      %lt3A_170 = arith.cmpi slt, %add3A_156, %lt3A_169 : i32
      %convert_element_type3A_171 = arith.extui %lt3A_170 : i1 to i32
      %cond3A_172 = arith.constant 0 : i32
      %cond3A_173 = arith.cmpi ne, %convert_element_type3A_171, %cond3A_172 : i32
      scf.if %cond3A_173 {
        %run_scoped3A_209 = arith.constant 1 : i32
        %run_scoped3A_210 = arith.constant 1 : i32
        %run_scoped3A_211 = arith.constant 0 : i32
        "tpu.region"() ({
          %run_scoped3A_212 = tpu.sem_alloc : memref<!tpu.dma_semaphore, #tpu.memory_space<semaphore_mem>>
          %dma_start3A_213 = arith.constant 0 : i32
          %dma_start3A_214 = arith.constant 0 : i32
          %dma_start3A_215 = tpu.memref_slice %arg8[%run_scoped3A_209, %dma_start3A_213, %dma_start3A_214] : memref<3x128x128xf32, #tpu.memory_space<vmem>> -> memref<1x128x128xf32, #tpu.memory_space<vmem>>
          %dma_start3A_216 = tpu.memref_squeeze %dma_start3A_215 : memref<1x128x128xf32, #tpu.memory_space<vmem>> -> memref<128x128xf32, #tpu.memory_space<vmem>>
          %dma_start3A_217 = arith.constant 0 : i32
          %dma_start3A_218 = tpu.memref_slice %arg7[%run_scoped3A_210, %run_scoped3A_211, %dma_start3A_217] : memref<3x1x128xi32, #tpu.memory_space<vmem>> -> memref<1x1x128xi32, #tpu.memory_space<vmem>>
          %dma_start3A_219 = tpu.memref_squeeze %dma_start3A_218 : memref<1x1x128xi32, #tpu.memory_space<vmem>> -> memref<128xi32, #tpu.memory_space<vmem>>
          %dma_start3A_220 = arith.constant 0 : i32
          %dma_start3A_221 = arith.constant 0 : i32
          %dma_start3A_222 = tpu.memref_slice %arg9[%dma_start3A_220, %dma_start3A_221] : memref<10112x128xf32, #tpu.memory_space<vmem_shared>> -> memref<10112x128xf32, #tpu.memory_space<vmem_shared>>
          tpu.enqueue_indirect_dma source(%dma_start3A_216 : memref<128x128xf32, #tpu.memory_space<vmem>>) target(%dma_start3A_222 : memref<10112x128xf32, #tpu.memory_space<vmem_shared>>) offsets(%dma_start3A_219 : memref<128xi32, #tpu.memory_space<vmem>>) semaphore(%run_scoped3A_212 : memref<!tpu.dma_semaphore, #tpu.memory_space<semaphore_mem>>) {add = true}
          %dma_wait3A = arith.constant 0 : i32
          %dma_wait3A_223 = arith.constant 0 : i32
          %dma_wait3A_224 = tpu.memref_slice %arg8[%run_scoped3A_209, %dma_wait3A, %dma_wait3A_223] : memref<3x128x128xf32, #tpu.memory_space<vmem>> -> memref<1x128x128xf32, #tpu.memory_space<vmem>>
          %dma_wait3A_225 = tpu.memref_squeeze %dma_wait3A_224 : memref<1x128x128xf32, #tpu.memory_space<vmem>> -> memref<128x128xf32, #tpu.memory_space<vmem>>
          %dma_wait3A_226 = arith.constant 0 : i32
          %dma_wait3A_227 = tpu.memref_slice %arg7[%run_scoped3A_210, %run_scoped3A_211, %dma_wait3A_226] : memref<3x1x128xi32, #tpu.memory_space<vmem>> -> memref<1x1x128xi32, #tpu.memory_space<vmem>>
          %dma_wait3A_228 = tpu.memref_squeeze %dma_wait3A_227 : memref<1x1x128xi32, #tpu.memory_space<vmem>> -> memref<128xi32, #tpu.memory_space<vmem>>
          %dma_wait3A_229 = arith.constant 0 : i32
          %dma_wait3A_230 = arith.constant 0 : i32
          %dma_wait3A_231 = tpu.memref_slice %arg9[%dma_wait3A_229, %dma_wait3A_230] : memref<10112x128xf32, #tpu.memory_space<vmem_shared>> -> memref<10112x128xf32, #tpu.memory_space<vmem_shared>>
          tpu.wait_indirect_dma semaphore(%run_scoped3A_212 : memref<!tpu.dma_semaphore, #tpu.memory_space<semaphore_mem>>) src(%dma_wait3A_225 : memref<128x128xf32, #tpu.memory_space<vmem>>) dst(%dma_wait3A_231 : memref<10112x128xf32, #tpu.memory_space<vmem_shared>>)
          tpu.yield
        }) : () -> ()
      } else {
      }
      %add3A_174 = arith.constant 3 : i32
      %add3A_175 = arith.addi %add3A_156, %add3A_174 : i32
      %lt3A_176 = arith.constant 80 : i32
      %lt3A_177 = arith.cmpi slt, %add3A_175, %lt3A_176 : i32
      %convert_element_type3A_178 = arith.extui %lt3A_177 : i1 to i32
      %cond3A_179 = arith.constant 0 : i32
      %cond3A_180 = arith.cmpi ne, %convert_element_type3A_178, %cond3A_179 : i32
      scf.if %cond3A_180 {
        %add3A_209 = arith.addi %mul3A_2, %add3A_156 : i32
        %add3A_210 = arith.constant 3 : i32
        %add3A_211 = arith.addi %add3A_209, %add3A_210 : i32
        %dma_start3A_212 = arith.constant 1 : i32
        %dma_start3A_213 = arith.constant 1 : i32
        %dma_start3A_214 = arith.constant 0 : i32
        %dma_start3A_215 = arith.constant 0 : i32
        %dma_start3A_216 = tpu.memref_slice %arg6[%dma_start3A_212, %dma_start3A_214, %dma_start3A_215] : memref<3x1x128xi32, #tpu.memory_space<vmem>> -> memref<1x1x128xi32, #tpu.memory_space<vmem>>
        %dma_start3A_217 = tpu.memref_squeeze %dma_start3A_216 : memref<1x1x128xi32, #tpu.memory_space<vmem>> -> memref<1x128xi32, #tpu.memory_space<vmem>>
        %dma_start3A_218 = arith.constant 0 : i32
        %dma_start3A_219 = arith.constant 0 : i32
        %dma_start3A_220 = tpu.memref_slice %arg3[%add3A_211, %dma_start3A_218, %dma_start3A_219] : memref<2560x1x128xi32, #tpu.memory_space<hbm>> -> memref<1x1x128xi32, #tpu.memory_space<hbm>>
        %dma_start3A_221 = tpu.memref_squeeze %dma_start3A_220 : memref<1x1x128xi32, #tpu.memory_space<hbm>> -> memref<1x128xi32, #tpu.memory_space<hbm>>
        %dma_start3A_222 = tpu.memref_slice %arg11[%dma_start3A_213] : memref<3x!tpu.dma_semaphore, #tpu.memory_space<semaphore_mem>> -> memref<1x!tpu.dma_semaphore, #tpu.memory_space<semaphore_mem>>
        %dma_start3A_223 = tpu.memref_squeeze %dma_start3A_222 : memref<1x!tpu.dma_semaphore, #tpu.memory_space<semaphore_mem>> -> memref<!tpu.dma_semaphore, #tpu.memory_space<semaphore_mem>>
        %dma_start3A_224 = arith.constant 0 : i32
        %dma_start3A_225 = arith.constant 0 : i32
        %dma_start3A_226 = tpu.memref_slice %arg6[%dma_start3A_212, %dma_start3A_224, %dma_start3A_225] : memref<3x1x128xi32, #tpu.memory_space<vmem>> -> memref<1x1x128xi32, #tpu.memory_space<vmem>>
        %dma_start3A_227 = tpu.memref_squeeze %dma_start3A_226 : memref<1x1x128xi32, #tpu.memory_space<vmem>> -> memref<1x128xi32, #tpu.memory_space<vmem>>
        %dma_start3A_228 = arith.constant 0 : i32
        %dma_start3A_229 = arith.constant 0 : i32
        %dma_start3A_230 = tpu.memref_slice %arg3[%add3A_211, %dma_start3A_228, %dma_start3A_229] : memref<2560x1x128xi32, #tpu.memory_space<hbm>> -> memref<1x1x128xi32, #tpu.memory_space<hbm>>
        %dma_start3A_231 = tpu.memref_squeeze %dma_start3A_230 : memref<1x1x128xi32, #tpu.memory_space<hbm>> -> memref<1x128xi32, #tpu.memory_space<hbm>>
        tpu.enqueue_dma source(%dma_start3A_231 : memref<1x128xi32, #tpu.memory_space<hbm>>) target(%dma_start3A_227 : memref<1x128xi32, #tpu.memory_space<vmem>>) target_semaphore(%dma_start3A_223 : memref<!tpu.dma_semaphore, #tpu.memory_space<semaphore_mem>>)
        %add3A_232 = arith.addi %mul3A_2, %add3A_156 : i32
        %add3A_233 = arith.constant 3 : i32
        %add3A_234 = arith.addi %add3A_232, %add3A_233 : i32
        %dma_start3A_235 = arith.constant 1 : i32
        %dma_start3A_236 = arith.constant 1 : i32
        %dma_start3A_237 = arith.constant 0 : i32
        %dma_start3A_238 = arith.constant 0 : i32
        %dma_start3A_239 = tpu.memref_slice %arg7[%dma_start3A_235, %dma_start3A_237, %dma_start3A_238] : memref<3x1x128xi32, #tpu.memory_space<vmem>> -> memref<1x1x128xi32, #tpu.memory_space<vmem>>
        %dma_start3A_240 = tpu.memref_squeeze %dma_start3A_239 : memref<1x1x128xi32, #tpu.memory_space<vmem>> -> memref<1x128xi32, #tpu.memory_space<vmem>>
        %dma_start3A_241 = arith.constant 0 : i32
        %dma_start3A_242 = arith.constant 0 : i32
        %dma_start3A_243 = tpu.memref_slice %arg4[%add3A_234, %dma_start3A_241, %dma_start3A_242] : memref<2560x1x128xi32, #tpu.memory_space<hbm>> -> memref<1x1x128xi32, #tpu.memory_space<hbm>>
        %dma_start3A_244 = tpu.memref_squeeze %dma_start3A_243 : memref<1x1x128xi32, #tpu.memory_space<hbm>> -> memref<1x128xi32, #tpu.memory_space<hbm>>
        %dma_start3A_245 = tpu.memref_slice %arg12[%dma_start3A_236] : memref<3x!tpu.dma_semaphore, #tpu.memory_space<semaphore_mem>> -> memref<1x!tpu.dma_semaphore, #tpu.memory_space<semaphore_mem>>
        %dma_start3A_246 = tpu.memref_squeeze %dma_start3A_245 : memref<1x!tpu.dma_semaphore, #tpu.memory_space<semaphore_mem>> -> memref<!tpu.dma_semaphore, #tpu.memory_space<semaphore_mem>>
        %dma_start3A_247 = arith.constant 0 : i32
        %dma_start3A_248 = arith.constant 0 : i32
        %dma_start3A_249 = tpu.memref_slice %arg7[%dma_start3A_235, %dma_start3A_247, %dma_start3A_248] : memref<3x1x128xi32, #tpu.memory_space<vmem>> -> memref<1x1x128xi32, #tpu.memory_space<vmem>>
        %dma_start3A_250 = tpu.memref_squeeze %dma_start3A_249 : memref<1x1x128xi32, #tpu.memory_space<vmem>> -> memref<1x128xi32, #tpu.memory_space<vmem>>
        %dma_start3A_251 = arith.constant 0 : i32
        %dma_start3A_252 = arith.constant 0 : i32
        %dma_start3A_253 = tpu.memref_slice %arg4[%add3A_234, %dma_start3A_251, %dma_start3A_252] : memref<2560x1x128xi32, #tpu.memory_space<hbm>> -> memref<1x1x128xi32, #tpu.memory_space<hbm>>
        %dma_start3A_254 = tpu.memref_squeeze %dma_start3A_253 : memref<1x1x128xi32, #tpu.memory_space<hbm>> -> memref<1x128xi32, #tpu.memory_space<hbm>>
        tpu.enqueue_dma source(%dma_start3A_254 : memref<1x128xi32, #tpu.memory_space<hbm>>) target(%dma_start3A_250 : memref<1x128xi32, #tpu.memory_space<vmem>>) target_semaphore(%dma_start3A_246 : memref<!tpu.dma_semaphore, #tpu.memory_space<semaphore_mem>>)
      } else {
      }
      %mul3A_181 = arith.constant 3 : i32
      %mul3A_182 = arith.muli %mul3A_181, %scan3A_127 : i32
      %add3A_183 = arith.constant 2 : i32
      %add3A_184 = arith.addi %mul3A_182, %add3A_183 : i32
      %lt3A_185 = arith.constant 80 : i32
      %lt3A_186 = arith.cmpi slt, %add3A_184, %lt3A_185 : i32
      %convert_element_type3A_187 = arith.extui %lt3A_186 : i1 to i32
      %cond3A_188 = arith.constant 0 : i32
      %cond3A_189 = arith.cmpi ne, %convert_element_type3A_187, %cond3A_188 : i32
      scf.if %cond3A_189 {
        %dma_wait3A = arith.constant 2 : i32
        %dma_wait3A_209 = arith.constant 0 : i32
        %dma_wait3A_210 = arith.constant 2 : i32
        %dma_wait3A_211 = arith.constant 2 : i32
        %dma_wait3A_212 = arith.constant 0 : i32
        %dma_wait3A_213 = arith.constant 0 : i32
        %dma_wait3A_214 = tpu.memref_slice %arg8[%dma_wait3A_210, %dma_wait3A_212, %dma_wait3A_213] : memref<3x128x128xf32, #tpu.memory_space<vmem>> -> memref<1x128x128xf32, #tpu.memory_space<vmem>>
        %dma_wait3A_215 = tpu.memref_squeeze %dma_wait3A_214 : memref<1x128x128xf32, #tpu.memory_space<vmem>> -> memref<128x128xf32, #tpu.memory_space<vmem>>
        %dma_wait3A_216 = arith.constant 0 : i32
        %dma_wait3A_217 = tpu.memref_slice %arg6[%dma_wait3A, %dma_wait3A_209, %dma_wait3A_216] : memref<3x1x128xi32, #tpu.memory_space<vmem>> -> memref<1x1x128xi32, #tpu.memory_space<vmem>>
        %dma_wait3A_218 = tpu.memref_squeeze %dma_wait3A_217 : memref<1x1x128xi32, #tpu.memory_space<vmem>> -> memref<128xi32, #tpu.memory_space<vmem>>
        %dma_wait3A_219 = arith.constant 0 : i32
        %dma_wait3A_220 = arith.constant 0 : i32
        %dma_wait3A_221 = tpu.memref_slice %arg2[%dma_wait3A_219, %dma_wait3A_220] : memref<10000x128xf32, #tpu.memory_space<hbm>> -> memref<10000x128xf32, #tpu.memory_space<hbm>>
        %dma_wait3A_222 = tpu.memref_slice %arg10[%dma_wait3A_211] : memref<3x!tpu.dma_semaphore, #tpu.memory_space<semaphore_mem>> -> memref<1x!tpu.dma_semaphore, #tpu.memory_space<semaphore_mem>>
        %dma_wait3A_223 = tpu.memref_squeeze %dma_wait3A_222 : memref<1x!tpu.dma_semaphore, #tpu.memory_space<semaphore_mem>> -> memref<!tpu.dma_semaphore, #tpu.memory_space<semaphore_mem>>
        tpu.wait_indirect_dma semaphore(%dma_wait3A_223 : memref<!tpu.dma_semaphore, #tpu.memory_space<semaphore_mem>>) src(%dma_wait3A_221 : memref<10000x128xf32, #tpu.memory_space<hbm>>) dst(%dma_wait3A_215 : memref<128x128xf32, #tpu.memory_space<vmem>>)
      } else {
      }
      %add3A_190 = arith.constant 2 : i32
      %add3A_191 = arith.addi %add3A_184, %add3A_190 : i32
      %lt3A_192 = arith.constant 80 : i32
      %lt3A_193 = arith.cmpi slt, %add3A_191, %lt3A_192 : i32
      %convert_element_type3A_194 = arith.extui %lt3A_193 : i1 to i32
      %cond3A_195 = arith.constant 0 : i32
      %cond3A_196 = arith.cmpi ne, %convert_element_type3A_194, %cond3A_195 : i32
      scf.if %cond3A_196 {
        %add3A_209 = arith.addi %mul3A_2, %add3A_184 : i32
        %add3A_210 = arith.constant 2 : i32
        %add3A_211 = arith.addi %add3A_209, %add3A_210 : i32
        %dma_wait3A = arith.constant 1 : i32
        %dma_wait3A_212 = arith.constant 1 : i32
        %dma_wait3A_213 = arith.constant 0 : i32
        %dma_wait3A_214 = arith.constant 0 : i32
        %dma_wait3A_215 = tpu.memref_slice %arg6[%dma_wait3A, %dma_wait3A_213, %dma_wait3A_214] : memref<3x1x128xi32, #tpu.memory_space<vmem>> -> memref<1x1x128xi32, #tpu.memory_space<vmem>>
        %dma_wait3A_216 = tpu.memref_squeeze %dma_wait3A_215 : memref<1x1x128xi32, #tpu.memory_space<vmem>> -> memref<1x128xi32, #tpu.memory_space<vmem>>
        %dma_wait3A_217 = arith.constant 0 : i32
        %dma_wait3A_218 = arith.constant 0 : i32
        %dma_wait3A_219 = tpu.memref_slice %arg3[%add3A_211, %dma_wait3A_217, %dma_wait3A_218] : memref<2560x1x128xi32, #tpu.memory_space<hbm>> -> memref<1x1x128xi32, #tpu.memory_space<hbm>>
        %dma_wait3A_220 = tpu.memref_squeeze %dma_wait3A_219 : memref<1x1x128xi32, #tpu.memory_space<hbm>> -> memref<1x128xi32, #tpu.memory_space<hbm>>
        %dma_wait3A_221 = tpu.memref_slice %arg11[%dma_wait3A_212] : memref<3x!tpu.dma_semaphore, #tpu.memory_space<semaphore_mem>> -> memref<1x!tpu.dma_semaphore, #tpu.memory_space<semaphore_mem>>
        %dma_wait3A_222 = tpu.memref_squeeze %dma_wait3A_221 : memref<1x!tpu.dma_semaphore, #tpu.memory_space<semaphore_mem>> -> memref<!tpu.dma_semaphore, #tpu.memory_space<semaphore_mem>>
        %dma_wait3A_223 = arith.constant 0 : i32
        %dma_wait3A_224 = arith.constant 0 : i32
        %dma_wait3A_225 = tpu.memref_slice %arg6[%dma_wait3A, %dma_wait3A_223, %dma_wait3A_224] : memref<3x1x128xi32, #tpu.memory_space<vmem>> -> memref<1x1x128xi32, #tpu.memory_space<vmem>>
        %dma_wait3A_226 = tpu.memref_squeeze %dma_wait3A_225 : memref<1x1x128xi32, #tpu.memory_space<vmem>> -> memref<1x128xi32, #tpu.memory_space<vmem>>
        %dma_wait3A_227 = arith.constant 0 : i32
        %dma_wait3A_228 = arith.constant 0 : i32
        %dma_wait3A_229 = tpu.memref_slice %arg3[%add3A_211, %dma_wait3A_227, %dma_wait3A_228] : memref<2560x1x128xi32, #tpu.memory_space<hbm>> -> memref<1x1x128xi32, #tpu.memory_space<hbm>>
        %dma_wait3A_230 = tpu.memref_squeeze %dma_wait3A_229 : memref<1x1x128xi32, #tpu.memory_space<hbm>> -> memref<1x128xi32, #tpu.memory_space<hbm>>
        tpu.wait_dma2 semaphore(%dma_wait3A_222 : memref<!tpu.dma_semaphore, #tpu.memory_space<semaphore_mem>>) src(%dma_wait3A_230 : memref<1x128xi32, #tpu.memory_space<hbm>>) dst(%dma_wait3A_226 : memref<1x128xi32, #tpu.memory_space<vmem>>)
        %add3A_231 = arith.addi %mul3A_2, %add3A_184 : i32
        %add3A_232 = arith.constant 2 : i32
        %add3A_233 = arith.addi %add3A_231, %add3A_232 : i32
        %dma_wait3A_234 = arith.constant 1 : i32
        %dma_wait3A_235 = arith.constant 1 : i32
        %dma_wait3A_236 = arith.constant 0 : i32
        %dma_wait3A_237 = arith.constant 0 : i32
        %dma_wait3A_238 = tpu.memref_slice %arg7[%dma_wait3A_234, %dma_wait3A_236, %dma_wait3A_237] : memref<3x1x128xi32, #tpu.memory_space<vmem>> -> memref<1x1x128xi32, #tpu.memory_space<vmem>>
        %dma_wait3A_239 = tpu.memref_squeeze %dma_wait3A_238 : memref<1x1x128xi32, #tpu.memory_space<vmem>> -> memref<1x128xi32, #tpu.memory_space<vmem>>
        %dma_wait3A_240 = arith.constant 0 : i32
        %dma_wait3A_241 = arith.constant 0 : i32
        %dma_wait3A_242 = tpu.memref_slice %arg4[%add3A_233, %dma_wait3A_240, %dma_wait3A_241] : memref<2560x1x128xi32, #tpu.memory_space<hbm>> -> memref<1x1x128xi32, #tpu.memory_space<hbm>>
        %dma_wait3A_243 = tpu.memref_squeeze %dma_wait3A_242 : memref<1x1x128xi32, #tpu.memory_space<hbm>> -> memref<1x128xi32, #tpu.memory_space<hbm>>
        %dma_wait3A_244 = tpu.memref_slice %arg12[%dma_wait3A_235] : memref<3x!tpu.dma_semaphore, #tpu.memory_space<semaphore_mem>> -> memref<1x!tpu.dma_semaphore, #tpu.memory_space<semaphore_mem>>
        %dma_wait3A_245 = tpu.memref_squeeze %dma_wait3A_244 : memref<1x!tpu.dma_semaphore, #tpu.memory_space<semaphore_mem>> -> memref<!tpu.dma_semaphore, #tpu.memory_space<semaphore_mem>>
        %dma_wait3A_246 = arith.constant 0 : i32
        %dma_wait3A_247 = arith.constant 0 : i32
        %dma_wait3A_248 = tpu.memref_slice %arg7[%dma_wait3A_234, %dma_wait3A_246, %dma_wait3A_247] : memref<3x1x128xi32, #tpu.memory_space<vmem>> -> memref<1x1x128xi32, #tpu.memory_space<vmem>>
        %dma_wait3A_249 = tpu.memref_squeeze %dma_wait3A_248 : memref<1x1x128xi32, #tpu.memory_space<vmem>> -> memref<1x128xi32, #tpu.memory_space<vmem>>
        %dma_wait3A_250 = arith.constant 0 : i32
        %dma_wait3A_251 = arith.constant 0 : i32
        %dma_wait3A_252 = tpu.memref_slice %arg4[%add3A_233, %dma_wait3A_250, %dma_wait3A_251] : memref<2560x1x128xi32, #tpu.memory_space<hbm>> -> memref<1x1x128xi32, #tpu.memory_space<hbm>>
        %dma_wait3A_253 = tpu.memref_squeeze %dma_wait3A_252 : memref<1x1x128xi32, #tpu.memory_space<hbm>> -> memref<1x128xi32, #tpu.memory_space<hbm>>
        tpu.wait_dma2 semaphore(%dma_wait3A_245 : memref<!tpu.dma_semaphore, #tpu.memory_space<semaphore_mem>>) src(%dma_wait3A_253 : memref<1x128xi32, #tpu.memory_space<hbm>>) dst(%dma_wait3A_249 : memref<1x128xi32, #tpu.memory_space<vmem>>)
        %dma_start3A_254 = arith.constant 1 : i32
        %dma_start3A_255 = arith.constant 0 : i32
        %dma_start3A_256 = arith.constant 1 : i32
        %dma_start3A_257 = arith.constant 1 : i32
        %dma_start3A_258 = arith.constant 0 : i32
        %dma_start3A_259 = arith.constant 0 : i32
        %dma_start3A_260 = tpu.memref_slice %arg8[%dma_start3A_256, %dma_start3A_258, %dma_start3A_259] : memref<3x128x128xf32, #tpu.memory_space<vmem>> -> memref<1x128x128xf32, #tpu.memory_space<vmem>>
        %dma_start3A_261 = tpu.memref_squeeze %dma_start3A_260 : memref<1x128x128xf32, #tpu.memory_space<vmem>> -> memref<128x128xf32, #tpu.memory_space<vmem>>
        %dma_start3A_262 = arith.constant 0 : i32
        %dma_start3A_263 = tpu.memref_slice %arg6[%dma_start3A_254, %dma_start3A_255, %dma_start3A_262] : memref<3x1x128xi32, #tpu.memory_space<vmem>> -> memref<1x1x128xi32, #tpu.memory_space<vmem>>
        %dma_start3A_264 = tpu.memref_squeeze %dma_start3A_263 : memref<1x1x128xi32, #tpu.memory_space<vmem>> -> memref<128xi32, #tpu.memory_space<vmem>>
        %dma_start3A_265 = arith.constant 0 : i32
        %dma_start3A_266 = arith.constant 0 : i32
        %dma_start3A_267 = tpu.memref_slice %arg2[%dma_start3A_265, %dma_start3A_266] : memref<10000x128xf32, #tpu.memory_space<hbm>> -> memref<10000x128xf32, #tpu.memory_space<hbm>>
        %dma_start3A_268 = tpu.memref_slice %arg10[%dma_start3A_257] : memref<3x!tpu.dma_semaphore, #tpu.memory_space<semaphore_mem>> -> memref<1x!tpu.dma_semaphore, #tpu.memory_space<semaphore_mem>>
        %dma_start3A_269 = tpu.memref_squeeze %dma_start3A_268 : memref<1x!tpu.dma_semaphore, #tpu.memory_space<semaphore_mem>> -> memref<!tpu.dma_semaphore, #tpu.memory_space<semaphore_mem>>
        tpu.enqueue_indirect_dma source(%dma_start3A_267 : memref<10000x128xf32, #tpu.memory_space<hbm>>) target(%dma_start3A_261 : memref<128x128xf32, #tpu.memory_space<vmem>>) offsets(%dma_start3A_264 : memref<128xi32, #tpu.memory_space<vmem>>) semaphore(%dma_start3A_269 : memref<!tpu.dma_semaphore, #tpu.memory_space<semaphore_mem>>)
      } else {
      }
      %lt3A_197 = arith.constant 80 : i32
      %lt3A_198 = arith.cmpi slt, %add3A_184, %lt3A_197 : i32
      %convert_element_type3A_199 = arith.extui %lt3A_198 : i1 to i32
      %cond3A_200 = arith.constant 0 : i32
      %cond3A_201 = arith.cmpi ne, %convert_element_type3A_199, %cond3A_200 : i32
      scf.if %cond3A_201 {
        %run_scoped3A_209 = arith.constant 2 : i32
        %run_scoped3A_210 = arith.constant 2 : i32
        %run_scoped3A_211 = arith.constant 0 : i32
        "tpu.region"() ({
          %run_scoped3A_212 = tpu.sem_alloc : memref<!tpu.dma_semaphore, #tpu.memory_space<semaphore_mem>>
          %dma_start3A_213 = arith.constant 0 : i32
          %dma_start3A_214 = arith.constant 0 : i32
          %dma_start3A_215 = tpu.memref_slice %arg8[%run_scoped3A_209, %dma_start3A_213, %dma_start3A_214] : memref<3x128x128xf32, #tpu.memory_space<vmem>> -> memref<1x128x128xf32, #tpu.memory_space<vmem>>
          %dma_start3A_216 = tpu.memref_squeeze %dma_start3A_215 : memref<1x128x128xf32, #tpu.memory_space<vmem>> -> memref<128x128xf32, #tpu.memory_space<vmem>>
          %dma_start3A_217 = arith.constant 0 : i32
          %dma_start3A_218 = tpu.memref_slice %arg7[%run_scoped3A_210, %run_scoped3A_211, %dma_start3A_217] : memref<3x1x128xi32, #tpu.memory_space<vmem>> -> memref<1x1x128xi32, #tpu.memory_space<vmem>>
          %dma_start3A_219 = tpu.memref_squeeze %dma_start3A_218 : memref<1x1x128xi32, #tpu.memory_space<vmem>> -> memref<128xi32, #tpu.memory_space<vmem>>
          %dma_start3A_220 = arith.constant 0 : i32
          %dma_start3A_221 = arith.constant 0 : i32
          %dma_start3A_222 = tpu.memref_slice %arg9[%dma_start3A_220, %dma_start3A_221] : memref<10112x128xf32, #tpu.memory_space<vmem_shared>> -> memref<10112x128xf32, #tpu.memory_space<vmem_shared>>
          tpu.enqueue_indirect_dma source(%dma_start3A_216 : memref<128x128xf32, #tpu.memory_space<vmem>>) target(%dma_start3A_222 : memref<10112x128xf32, #tpu.memory_space<vmem_shared>>) offsets(%dma_start3A_219 : memref<128xi32, #tpu.memory_space<vmem>>) semaphore(%run_scoped3A_212 : memref<!tpu.dma_semaphore, #tpu.memory_space<semaphore_mem>>) {add = true}
          %dma_wait3A = arith.constant 0 : i32
          %dma_wait3A_223 = arith.constant 0 : i32
          %dma_wait3A_224 = tpu.memref_slice %arg8[%run_scoped3A_209, %dma_wait3A, %dma_wait3A_223] : memref<3x128x128xf32, #tpu.memory_space<vmem>> -> memref<1x128x128xf32, #tpu.memory_space<vmem>>
          %dma_wait3A_225 = tpu.memref_squeeze %dma_wait3A_224 : memref<1x128x128xf32, #tpu.memory_space<vmem>> -> memref<128x128xf32, #tpu.memory_space<vmem>>
          %dma_wait3A_226 = arith.constant 0 : i32
          %dma_wait3A_227 = tpu.memref_slice %arg7[%run_scoped3A_210, %run_scoped3A_211, %dma_wait3A_226] : memref<3x1x128xi32, #tpu.memory_space<vmem>> -> memref<1x1x128xi32, #tpu.memory_space<vmem>>
          %dma_wait3A_228 = tpu.memref_squeeze %dma_wait3A_227 : memref<1x1x128xi32, #tpu.memory_space<vmem>> -> memref<128xi32, #tpu.memory_space<vmem>>
          %dma_wait3A_229 = arith.constant 0 : i32
          %dma_wait3A_230 = arith.constant 0 : i32
          %dma_wait3A_231 = tpu.memref_slice %arg9[%dma_wait3A_229, %dma_wait3A_230] : memref<10112x128xf32, #tpu.memory_space<vmem_shared>> -> memref<10112x128xf32, #tpu.memory_space<vmem_shared>>
          tpu.wait_indirect_dma semaphore(%run_scoped3A_212 : memref<!tpu.dma_semaphore, #tpu.memory_space<semaphore_mem>>) src(%dma_wait3A_225 : memref<128x128xf32, #tpu.memory_space<vmem>>) dst(%dma_wait3A_231 : memref<10112x128xf32, #tpu.memory_space<vmem_shared>>)
          tpu.yield
        }) : () -> ()
      } else {
      }
      %add3A_202 = arith.constant 3 : i32
      %add3A_203 = arith.addi %add3A_184, %add3A_202 : i32
      %lt3A_204 = arith.constant 80 : i32
      %lt3A_205 = arith.cmpi slt, %add3A_203, %lt3A_204 : i32
      %convert_element_type3A_206 = arith.extui %lt3A_205 : i1 to i32
      %cond3A_207 = arith.constant 0 : i32
      %cond3A_208 = arith.cmpi ne, %convert_element_type3A_206, %cond3A_207 : i32
      scf.if %cond3A_208 {
        %add3A_209 = arith.addi %mul3A_2, %add3A_184 : i32
        %add3A_210 = arith.constant 3 : i32
        %add3A_211 = arith.addi %add3A_209, %add3A_210 : i32
        %dma_start3A_212 = arith.constant 2 : i32
        %dma_start3A_213 = arith.constant 2 : i32
        %dma_start3A_214 = arith.constant 0 : i32
        %dma_start3A_215 = arith.constant 0 : i32
        %dma_start3A_216 = tpu.memref_slice %arg6[%dma_start3A_212, %dma_start3A_214, %dma_start3A_215] : memref<3x1x128xi32, #tpu.memory_space<vmem>> -> memref<1x1x128xi32, #tpu.memory_space<vmem>>
        %dma_start3A_217 = tpu.memref_squeeze %dma_start3A_216 : memref<1x1x128xi32, #tpu.memory_space<vmem>> -> memref<1x128xi32, #tpu.memory_space<vmem>>
        %dma_start3A_218 = arith.constant 0 : i32
        %dma_start3A_219 = arith.constant 0 : i32
        %dma_start3A_220 = tpu.memref_slice %arg3[%add3A_211, %dma_start3A_218, %dma_start3A_219] : memref<2560x1x128xi32, #tpu.memory_space<hbm>> -> memref<1x1x128xi32, #tpu.memory_space<hbm>>
        %dma_start3A_221 = tpu.memref_squeeze %dma_start3A_220 : memref<1x1x128xi32, #tpu.memory_space<hbm>> -> memref<1x128xi32, #tpu.memory_space<hbm>>
        %dma_start3A_222 = tpu.memref_slice %arg11[%dma_start3A_213] : memref<3x!tpu.dma_semaphore, #tpu.memory_space<semaphore_mem>> -> memref<1x!tpu.dma_semaphore, #tpu.memory_space<semaphore_mem>>
        %dma_start3A_223 = tpu.memref_squeeze %dma_start3A_222 : memref<1x!tpu.dma_semaphore, #tpu.memory_space<semaphore_mem>> -> memref<!tpu.dma_semaphore, #tpu.memory_space<semaphore_mem>>
        %dma_start3A_224 = arith.constant 0 : i32
        %dma_start3A_225 = arith.constant 0 : i32
        %dma_start3A_226 = tpu.memref_slice %arg6[%dma_start3A_212, %dma_start3A_224, %dma_start3A_225] : memref<3x1x128xi32, #tpu.memory_space<vmem>> -> memref<1x1x128xi32, #tpu.memory_space<vmem>>
        %dma_start3A_227 = tpu.memref_squeeze %dma_start3A_226 : memref<1x1x128xi32, #tpu.memory_space<vmem>> -> memref<1x128xi32, #tpu.memory_space<vmem>>
        %dma_start3A_228 = arith.constant 0 : i32
        %dma_start3A_229 = arith.constant 0 : i32
        %dma_start3A_230 = tpu.memref_slice %arg3[%add3A_211, %dma_start3A_228, %dma_start3A_229] : memref<2560x1x128xi32, #tpu.memory_space<hbm>> -> memref<1x1x128xi32, #tpu.memory_space<hbm>>
        %dma_start3A_231 = tpu.memref_squeeze %dma_start3A_230 : memref<1x1x128xi32, #tpu.memory_space<hbm>> -> memref<1x128xi32, #tpu.memory_space<hbm>>
        tpu.enqueue_dma source(%dma_start3A_231 : memref<1x128xi32, #tpu.memory_space<hbm>>) target(%dma_start3A_227 : memref<1x128xi32, #tpu.memory_space<vmem>>) target_semaphore(%dma_start3A_223 : memref<!tpu.dma_semaphore, #tpu.memory_space<semaphore_mem>>)
        %add3A_232 = arith.addi %mul3A_2, %add3A_184 : i32
        %add3A_233 = arith.constant 3 : i32
        %add3A_234 = arith.addi %add3A_232, %add3A_233 : i32
        %dma_start3A_235 = arith.constant 2 : i32
        %dma_start3A_236 = arith.constant 2 : i32
        %dma_start3A_237 = arith.constant 0 : i32
        %dma_start3A_238 = arith.constant 0 : i32
        %dma_start3A_239 = tpu.memref_slice %arg7[%dma_start3A_235, %dma_start3A_237, %dma_start3A_238] : memref<3x1x128xi32, #tpu.memory_space<vmem>> -> memref<1x1x128xi32, #tpu.memory_space<vmem>>
        %dma_start3A_240 = tpu.memref_squeeze %dma_start3A_239 : memref<1x1x128xi32, #tpu.memory_space<vmem>> -> memref<1x128xi32, #tpu.memory_space<vmem>>
        %dma_start3A_241 = arith.constant 0 : i32
        %dma_start3A_242 = arith.constant 0 : i32
        %dma_start3A_243 = tpu.memref_slice %arg4[%add3A_234, %dma_start3A_241, %dma_start3A_242] : memref<2560x1x128xi32, #tpu.memory_space<hbm>> -> memref<1x1x128xi32, #tpu.memory_space<hbm>>
        %dma_start3A_244 = tpu.memref_squeeze %dma_start3A_243 : memref<1x1x128xi32, #tpu.memory_space<hbm>> -> memref<1x128xi32, #tpu.memory_space<hbm>>
        %dma_start3A_245 = tpu.memref_slice %arg12[%dma_start3A_236] : memref<3x!tpu.dma_semaphore, #tpu.memory_space<semaphore_mem>> -> memref<1x!tpu.dma_semaphore, #tpu.memory_space<semaphore_mem>>
        %dma_start3A_246 = tpu.memref_squeeze %dma_start3A_245 : memref<1x!tpu.dma_semaphore, #tpu.memory_space<semaphore_mem>> -> memref<!tpu.dma_semaphore, #tpu.memory_space<semaphore_mem>>
        %dma_start3A_247 = arith.constant 0 : i32
        %dma_start3A_248 = arith.constant 0 : i32
        %dma_start3A_249 = tpu.memref_slice %arg7[%dma_start3A_235, %dma_start3A_247, %dma_start3A_248] : memref<3x1x128xi32, #tpu.memory_space<vmem>> -> memref<1x1x128xi32, #tpu.memory_space<vmem>>
        %dma_start3A_250 = tpu.memref_squeeze %dma_start3A_249 : memref<1x1x128xi32, #tpu.memory_space<vmem>> -> memref<1x128xi32, #tpu.memory_space<vmem>>
        %dma_start3A_251 = arith.constant 0 : i32
        %dma_start3A_252 = arith.constant 0 : i32
        %dma_start3A_253 = tpu.memref_slice %arg4[%add3A_234, %dma_start3A_251, %dma_start3A_252] : memref<2560x1x128xi32, #tpu.memory_space<hbm>> -> memref<1x1x128xi32, #tpu.memory_space<hbm>>
        %dma_start3A_254 = tpu.memref_squeeze %dma_start3A_253 : memref<1x1x128xi32, #tpu.memory_space<hbm>> -> memref<1x128xi32, #tpu.memory_space<hbm>>
        tpu.enqueue_dma source(%dma_start3A_254 : memref<1x128xi32, #tpu.memory_space<hbm>>) target(%dma_start3A_250 : memref<1x128xi32, #tpu.memory_space<vmem>>) target_semaphore(%dma_start3A_246 : memref<!tpu.dma_semaphore, #tpu.memory_space<semaphore_mem>>)
      } else {
      }
    }
    %scan3A_121 = arith.constant 27 : i32
    %barrier3A_122 = arith.constant 0 : index
    tpu.barrier barrier_id(%barrier3A_122)
    %mul3A_123 = arith.constant 632 : i32
    %mul3A_124 = arith.muli %arg1, %mul3A_123 : i32
    %mul3A_125 = arith.constant 632 : i32
    %mul3A_126 = arith.muli %arg1, %mul3A_125 : i32
    "tpu.region"() ({
      %run_scoped3A_127 = tpu.sem_alloc : memref<!tpu.dma_semaphore, #tpu.memory_space<semaphore_mem>>
      %dma_start3A_128 = arith.constant 0 : i32
      %dma_start3A_129 = tpu.memref_slice %arg5[%arg0, %mul3A_126, %dma_start3A_128] : memref<2x10112x128xf32, #tpu.memory_space<hbm>> -> memref<1x632x128xf32, #tpu.memory_space<hbm>>
      %dma_start3A_130 = tpu.memref_squeeze %dma_start3A_129 : memref<1x632x128xf32, #tpu.memory_space<hbm>> -> memref<632x128xf32, #tpu.memory_space<hbm>>
      %dma_start3A_131 = arith.constant 0 : i32
      %dma_start3A_132 = tpu.memref_slice %arg9[%mul3A_124, %dma_start3A_131] : memref<10112x128xf32, #tpu.memory_space<vmem_shared>> -> memref<632x128xf32, #tpu.memory_space<vmem_shared>>
      tpu.enqueue_dma source(%dma_start3A_132 : memref<632x128xf32, #tpu.memory_space<vmem_shared>>) target(%dma_start3A_130 : memref<632x128xf32, #tpu.memory_space<hbm>>) target_semaphore(%run_scoped3A_127 : memref<!tpu.dma_semaphore, #tpu.memory_space<semaphore_mem>>)
      %dma_wait3A = arith.constant 0 : i32
      %dma_wait3A_133 = tpu.memref_slice %arg5[%arg0, %mul3A_126, %dma_wait3A] : memref<2x10112x128xf32, #tpu.memory_space<hbm>> -> memref<1x632x128xf32, #tpu.memory_space<hbm>>
      %dma_wait3A_134 = tpu.memref_squeeze %dma_wait3A_133 : memref<1x632x128xf32, #tpu.memory_space<hbm>> -> memref<632x128xf32, #tpu.memory_space<hbm>>
      %dma_wait3A_135 = arith.constant 0 : i32
      %dma_wait3A_136 = tpu.memref_slice %arg9[%mul3A_124, %dma_wait3A_135] : memref<10112x128xf32, #tpu.memory_space<vmem_shared>> -> memref<632x128xf32, #tpu.memory_space<vmem_shared>>
      tpu.wait_dma2 semaphore(%run_scoped3A_127 : memref<!tpu.dma_semaphore, #tpu.memory_space<semaphore_mem>>) src(%dma_wait3A_136 : memref<632x128xf32, #tpu.memory_space<vmem_shared>>) dst(%dma_wait3A_134 : memref<632x128xf32, #tpu.memory_space<hbm>>)
      tpu.yield
    }) : () -> ()
    return
  }
}

#map = affine_map<(d0, d1) -> (0, 0)>
#map1 = affine_map<(d0, d1) -> (0, 0, 0)>
module attributes {stable_mosaic.version = 14 : i64} {
  func.func @_deg_body(%arg0: i32, %arg1: i32, %arg2: memref<2560x128xi32, #tpu.memory_space<hbm>>, %arg3: memref<2x10112x128xf32, #tpu.memory_space<hbm>>, %arg4: memref<80x128xi32, #tpu.memory_space<vmem>>, %arg5: memref<128x128xf32, #tpu.memory_space<vmem>>, %arg6: memref<128x128xf32, #tpu.memory_space<vmem>>, %arg7: memref<10112x128xf32, #tpu.memory_space<vmem_shared>>) attributes {dimension_semantics = [#tpu.dimension_semantics<core_parallel>, #tpu.dimension_semantics<subcore_parallel>], iteration_bounds = array<i64: 2, 16>, scalar_prefetch = 0 : i64, scratch_operands = 4 : i64, tpu.core_type = #tpu.core_type<sc_vector_subcore>, window_params = [{transform_indices = #map}, {transform_indices = #map1}]} {
    %mul3A = arith.constant 2 : i32
    %mul3A_0 = arith.muli %arg1, %mul3A : i32
    %add3A = arith.addi %mul3A_0, %arg0 : i32
    %scan3A = arith.constant 0 : i32
    %scan3A_1 = arith.constant 0 : i32
    %scan3A_2 = arith.constant 1024 : i32
    %scan3A_3 = arith.addi %scan3A_1, %scan3A_2 : i32
    %scan3A_4 = arith.constant 1 : i32
    scf.for %scan3A_40 = %scan3A_1 to %scan3A_3 step %scan3A_4  : i32 {
      %jit3A = arith.constant 8 : i32
      %div3A = arith.divsi %scan3A_40, %jit3A : i32
      %sign3A = arith.constant 0 : i32
      %sign3A_41 = arith.cmpi sgt, %scan3A_40, %sign3A : i32
      %sign3A_42 = arith.extui %sign3A_41 : i1 to i32
      %sign3A_43 = arith.constant 0 : i32
      %sign3A_44 = arith.cmpi slt, %scan3A_40, %sign3A_43 : i32
      %sign3A_45 = arith.extui %sign3A_44 : i1 to i32
      %sign3A_46 = arith.subi %sign3A_42, %sign3A_45 : i32
      %sign3A_47 = arith.constant 0 : i32
      %sign3A_48 = arith.cmpi sgt, %jit3A, %sign3A_47 : i32
      %sign3A_49 = arith.extui %sign3A_48 : i1 to i32
      %sign3A_50 = arith.constant 0 : i32
      %sign3A_51 = arith.cmpi slt, %jit3A, %sign3A_50 : i32
      %sign3A_52 = arith.extui %sign3A_51 : i1 to i32
      %sign3A_53 = arith.subi %sign3A_49, %sign3A_52 : i32
      %ne3A = arith.cmpi ne, %sign3A_46, %sign3A_53 : i32
      %rem3A = arith.remsi %scan3A_40, %jit3A : i32
      %ne3A_54 = arith.constant 0 : i32
      %ne3A_55 = arith.cmpi ne, %rem3A, %ne3A_54 : i32
      %and3A = arith.andi %ne3A, %ne3A_55 : i1
      %sub3A_56 = arith.constant 1 : i32
      %sub3A_57 = arith.subi %div3A, %sub3A_56 : i32
      %select_n3A = arith.select %and3A, %sub3A_57, %div3A : i32
      %jit3A_58 = arith.constant 8 : i32
      %eq3A = arith.constant 0 : i32
      %eq3A_59 = arith.cmpi eq, %jit3A_58, %eq3A : i32
      %jit3A_60 = arith.constant 1 : i32
      %select_n3A_61 = arith.select %eq3A_59, %jit3A_60, %jit3A_58 : i32
      %rem3A_62 = arith.remsi %scan3A_40, %select_n3A_61 : i32
      %ne3A_63 = arith.constant 0 : i32
      %ne3A_64 = arith.cmpi ne, %rem3A_62, %ne3A_63 : i32
      %lt3A = arith.constant 0 : i32
      %lt3A_65 = arith.cmpi slt, %rem3A_62, %lt3A : i32
      %lt3A_66 = arith.constant 0 : i32
      %lt3A_67 = arith.cmpi slt, %select_n3A_61, %lt3A_66 : i32
      %ne3A_68 = arith.xori %lt3A_65, %lt3A_67 : i1
      %and3A_69 = arith.andi %ne3A_68, %ne3A_64 : i1
      %add3A_70 = arith.addi %rem3A_62, %select_n3A_61 : i32
      %select_n3A_71 = arith.select %and3A_69, %add3A_70, %rem3A_62 : i32
      %broadcast_in_dim3A = arith.constant 1.000000e+00 : f32
      %broadcast_in_dim3A_72 = vector.broadcast %broadcast_in_dim3A : f32 to vector<16xf32>
      %mul3A_73 = arith.constant 16 : i32
      %mul3A_74 = arith.muli %select_n3A_71, %mul3A_73 : i32
      %swap3A = arith.index_cast %select_n3A : i32 to index
      %swap3A_75 = arith.index_cast %mul3A_74 : i32 to index
      %swap3A_76 = tpu.vector_load %arg5[%swap3A, %swap3A_75] {strides = array<i32>} : memref<128x128xf32, #tpu.memory_space<vmem>>, vector<1x16xf32>,
      %swap3A_77 = vector.shape_cast %swap3A_76 : vector<1x16xf32> to vector<16xf32>
      %swap3A_78 = vector.shape_cast %broadcast_in_dim3A_72 : vector<16xf32> to vector<1x16xf32>
      tpu.vector_store %arg5[%swap3A, %swap3A_75], %swap3A_78 {strides = array<i32>} : memref<128x128xf32, #tpu.memory_space<vmem>>, vector<1x16xf32>,
      %broadcast_in_dim3A_79 = arith.constant 0.000000e+00 : f32
      %broadcast_in_dim3A_80 = vector.broadcast %broadcast_in_dim3A_79 : f32 to vector<16xf32>
      %mul3A_81 = arith.constant 16 : i32
      %mul3A_82 = arith.muli %select_n3A_71, %mul3A_81 : i32
      %swap3A_83 = arith.index_cast %select_n3A : i32 to index
      %swap3A_84 = arith.index_cast %mul3A_82 : i32 to index
      %swap3A_85 = tpu.vector_load %arg6[%swap3A_83, %swap3A_84] {strides = array<i32>} : memref<128x128xf32, #tpu.memory_space<vmem>>, vector<1x16xf32>,
      %swap3A_86 = vector.shape_cast %swap3A_85 : vector<1x16xf32> to vector<16xf32>
      %swap3A_87 = vector.shape_cast %broadcast_in_dim3A_80 : vector<16xf32> to vector<1x16xf32>
      tpu.vector_store %arg6[%swap3A_83, %swap3A_84], %swap3A_87 {strides = array<i32>} : memref<128x128xf32, #tpu.memory_space<vmem>>, vector<1x16xf32>,
    }
    %scan3A_5 = arith.constant 1024 : i32
    %mul3A_6 = arith.constant 632 : i32
    %mul3A_7 = arith.muli %arg1, %mul3A_6 : i32
    %add3A_8 = arith.constant 0 : i32
    %add3A_9 = arith.addi %mul3A_7, %add3A_8 : i32
    "tpu.region"() ({
      %run_scoped3A = tpu.sem_alloc : memref<!tpu.dma_semaphore, #tpu.memory_space<semaphore_mem>>
      %dma_start3A = arith.constant 0 : i32
      %dma_start3A_40 = tpu.memref_slice %arg7[%add3A_9, %dma_start3A] : memref<10112x128xf32, #tpu.memory_space<vmem_shared>> -> memref<128x128xf32, #tpu.memory_space<vmem_shared>>
      %dma_start3A_41 = arith.constant 0 : i32
      %dma_start3A_42 = tpu.memref_slice %arg7[%add3A_9, %dma_start3A_41] : memref<10112x128xf32, #tpu.memory_space<vmem_shared>> -> memref<128x128xf32, #tpu.memory_space<vmem_shared>>
      tpu.enqueue_dma source(%arg6 : memref<128x128xf32, #tpu.memory_space<vmem>>) target(%dma_start3A_42 : memref<128x128xf32, #tpu.memory_space<vmem_shared>>) target_semaphore(%run_scoped3A : memref<!tpu.dma_semaphore, #tpu.memory_space<semaphore_mem>>)
      %dma_wait3A = arith.constant 0 : i32
      %dma_wait3A_43 = tpu.memref_slice %arg7[%add3A_9, %dma_wait3A] : memref<10112x128xf32, #tpu.memory_space<vmem_shared>> -> memref<128x128xf32, #tpu.memory_space<vmem_shared>>
      %dma_wait3A_44 = arith.constant 0 : i32
      %dma_wait3A_45 = tpu.memref_slice %arg7[%add3A_9, %dma_wait3A_44] : memref<10112x128xf32, #tpu.memory_space<vmem_shared>> -> memref<128x128xf32, #tpu.memory_space<vmem_shared>>
      tpu.wait_dma2 semaphore(%run_scoped3A : memref<!tpu.dma_semaphore, #tpu.memory_space<semaphore_mem>>) src(%arg6 : memref<128x128xf32, #tpu.memory_space<vmem>>) dst(%dma_wait3A_45 : memref<128x128xf32, #tpu.memory_space<vmem_shared>>)
      tpu.yield
    }) : () -> ()
    %mul3A_10 = arith.constant 632 : i32
    %mul3A_11 = arith.muli %arg1, %mul3A_10 : i32
    %add3A_12 = arith.constant 128 : i32
    %add3A_13 = arith.addi %mul3A_11, %add3A_12 : i32
    "tpu.region"() ({
      %run_scoped3A = tpu.sem_alloc : memref<!tpu.dma_semaphore, #tpu.memory_space<semaphore_mem>>
      %dma_start3A = arith.constant 0 : i32
      %dma_start3A_40 = tpu.memref_slice %arg7[%add3A_13, %dma_start3A] : memref<10112x128xf32, #tpu.memory_space<vmem_shared>> -> memref<128x128xf32, #tpu.memory_space<vmem_shared>>
      %dma_start3A_41 = arith.constant 0 : i32
      %dma_start3A_42 = tpu.memref_slice %arg7[%add3A_13, %dma_start3A_41] : memref<10112x128xf32, #tpu.memory_space<vmem_shared>> -> memref<128x128xf32, #tpu.memory_space<vmem_shared>>
      tpu.enqueue_dma source(%arg6 : memref<128x128xf32, #tpu.memory_space<vmem>>) target(%dma_start3A_42 : memref<128x128xf32, #tpu.memory_space<vmem_shared>>) target_semaphore(%run_scoped3A : memref<!tpu.dma_semaphore, #tpu.memory_space<semaphore_mem>>)
      %dma_wait3A = arith.constant 0 : i32
      %dma_wait3A_43 = tpu.memref_slice %arg7[%add3A_13, %dma_wait3A] : memref<10112x128xf32, #tpu.memory_space<vmem_shared>> -> memref<128x128xf32, #tpu.memory_space<vmem_shared>>
      %dma_wait3A_44 = arith.constant 0 : i32
      %dma_wait3A_45 = tpu.memref_slice %arg7[%add3A_13, %dma_wait3A_44] : memref<10112x128xf32, #tpu.memory_space<vmem_shared>> -> memref<128x128xf32, #tpu.memory_space<vmem_shared>>
      tpu.wait_dma2 semaphore(%run_scoped3A : memref<!tpu.dma_semaphore, #tpu.memory_space<semaphore_mem>>) src(%arg6 : memref<128x128xf32, #tpu.memory_space<vmem>>) dst(%dma_wait3A_45 : memref<128x128xf32, #tpu.memory_space<vmem_shared>>)
      tpu.yield
    }) : () -> ()
    %mul3A_14 = arith.constant 632 : i32
    %mul3A_15 = arith.muli %arg1, %mul3A_14 : i32
    %add3A_16 = arith.constant 256 : i32
    %add3A_17 = arith.addi %mul3A_15, %add3A_16 : i32
    "tpu.region"() ({
      %run_scoped3A = tpu.sem_alloc : memref<!tpu.dma_semaphore, #tpu.memory_space<semaphore_mem>>
      %dma_start3A = arith.constant 0 : i32
      %dma_start3A_40 = tpu.memref_slice %arg7[%add3A_17, %dma_start3A] : memref<10112x128xf32, #tpu.memory_space<vmem_shared>> -> memref<128x128xf32, #tpu.memory_space<vmem_shared>>
      %dma_start3A_41 = arith.constant 0 : i32
      %dma_start3A_42 = tpu.memref_slice %arg7[%add3A_17, %dma_start3A_41] : memref<10112x128xf32, #tpu.memory_space<vmem_shared>> -> memref<128x128xf32, #tpu.memory_space<vmem_shared>>
      tpu.enqueue_dma source(%arg6 : memref<128x128xf32, #tpu.memory_space<vmem>>) target(%dma_start3A_42 : memref<128x128xf32, #tpu.memory_space<vmem_shared>>) target_semaphore(%run_scoped3A : memref<!tpu.dma_semaphore, #tpu.memory_space<semaphore_mem>>)
      %dma_wait3A = arith.constant 0 : i32
      %dma_wait3A_43 = tpu.memref_slice %arg7[%add3A_17, %dma_wait3A] : memref<10112x128xf32, #tpu.memory_space<vmem_shared>> -> memref<128x128xf32, #tpu.memory_space<vmem_shared>>
      %dma_wait3A_44 = arith.constant 0 : i32
      %dma_wait3A_45 = tpu.memref_slice %arg7[%add3A_17, %dma_wait3A_44] : memref<10112x128xf32, #tpu.memory_space<vmem_shared>> -> memref<128x128xf32, #tpu.memory_space<vmem_shared>>
      tpu.wait_dma2 semaphore(%run_scoped3A : memref<!tpu.dma_semaphore, #tpu.memory_space<semaphore_mem>>) src(%arg6 : memref<128x128xf32, #tpu.memory_space<vmem>>) dst(%dma_wait3A_45 : memref<128x128xf32, #tpu.memory_space<vmem_shared>>)
      tpu.yield
    }) : () -> ()
    %mul3A_18 = arith.constant 632 : i32
    %mul3A_19 = arith.muli %arg1, %mul3A_18 : i32
    %add3A_20 = arith.constant 384 : i32
    %add3A_21 = arith.addi %mul3A_19, %add3A_20 : i32
    "tpu.region"() ({
      %run_scoped3A = tpu.sem_alloc : memref<!tpu.dma_semaphore, #tpu.memory_space<semaphore_mem>>
      %dma_start3A = arith.constant 0 : i32
      %dma_start3A_40 = tpu.memref_slice %arg7[%add3A_21, %dma_start3A] : memref<10112x128xf32, #tpu.memory_space<vmem_shared>> -> memref<128x128xf32, #tpu.memory_space<vmem_shared>>
      %dma_start3A_41 = arith.constant 0 : i32
      %dma_start3A_42 = tpu.memref_slice %arg7[%add3A_21, %dma_start3A_41] : memref<10112x128xf32, #tpu.memory_space<vmem_shared>> -> memref<128x128xf32, #tpu.memory_space<vmem_shared>>
      tpu.enqueue_dma source(%arg6 : memref<128x128xf32, #tpu.memory_space<vmem>>) target(%dma_start3A_42 : memref<128x128xf32, #tpu.memory_space<vmem_shared>>) target_semaphore(%run_scoped3A : memref<!tpu.dma_semaphore, #tpu.memory_space<semaphore_mem>>)
      %dma_wait3A = arith.constant 0 : i32
      %dma_wait3A_43 = tpu.memref_slice %arg7[%add3A_21, %dma_wait3A] : memref<10112x128xf32, #tpu.memory_space<vmem_shared>> -> memref<128x128xf32, #tpu.memory_space<vmem_shared>>
      %dma_wait3A_44 = arith.constant 0 : i32
      %dma_wait3A_45 = tpu.memref_slice %arg7[%add3A_21, %dma_wait3A_44] : memref<10112x128xf32, #tpu.memory_space<vmem_shared>> -> memref<128x128xf32, #tpu.memory_space<vmem_shared>>
      tpu.wait_dma2 semaphore(%run_scoped3A : memref<!tpu.dma_semaphore, #tpu.memory_space<semaphore_mem>>) src(%arg6 : memref<128x128xf32, #tpu.memory_space<vmem>>) dst(%dma_wait3A_45 : memref<128x128xf32, #tpu.memory_space<vmem_shared>>)
      tpu.yield
    }) : () -> ()
    %mul3A_22 = arith.constant 632 : i32
    %mul3A_23 = arith.muli %arg1, %mul3A_22 : i32
    %add3A_24 = arith.constant 632 : i32
    %add3A_25 = arith.addi %mul3A_23, %add3A_24 : i32
    %sub3A = arith.constant 120 : i32
    %sub3A_26 = arith.subi %add3A_25, %sub3A : i32
    "tpu.region"() ({
      %run_scoped3A = tpu.sem_alloc : memref<!tpu.dma_semaphore, #tpu.memory_space<semaphore_mem>>
      %dma_start3A = arith.constant 0 : i32
      %dma_start3A_40 = arith.constant 0 : i32
      %dma_start3A_41 = tpu.memref_slice %arg6[%dma_start3A, %dma_start3A_40] : memref<128x128xf32, #tpu.memory_space<vmem>> -> memref<120x128xf32, #tpu.memory_space<vmem>>
      %dma_start3A_42 = arith.constant 0 : i32
      %dma_start3A_43 = tpu.memref_slice %arg7[%sub3A_26, %dma_start3A_42] : memref<10112x128xf32, #tpu.memory_space<vmem_shared>> -> memref<120x128xf32, #tpu.memory_space<vmem_shared>>
      %dma_start3A_44 = arith.constant 0 : i32
      %dma_start3A_45 = tpu.memref_slice %arg7[%sub3A_26, %dma_start3A_44] : memref<10112x128xf32, #tpu.memory_space<vmem_shared>> -> memref<120x128xf32, #tpu.memory_space<vmem_shared>>
      %dma_start3A_46 = arith.constant 0 : i32
      %dma_start3A_47 = arith.constant 0 : i32
      %dma_start3A_48 = tpu.memref_slice %arg6[%dma_start3A_46, %dma_start3A_47] : memref<128x128xf32, #tpu.memory_space<vmem>> -> memref<120x128xf32, #tpu.memory_space<vmem>>
      tpu.enqueue_dma source(%dma_start3A_48 : memref<120x128xf32, #tpu.memory_space<vmem>>) target(%dma_start3A_45 : memref<120x128xf32, #tpu.memory_space<vmem_shared>>) target_semaphore(%run_scoped3A : memref<!tpu.dma_semaphore, #tpu.memory_space<semaphore_mem>>)
      %dma_wait3A = arith.constant 0 : i32
      %dma_wait3A_49 = arith.constant 0 : i32
      %dma_wait3A_50 = tpu.memref_slice %arg6[%dma_wait3A, %dma_wait3A_49] : memref<128x128xf32, #tpu.memory_space<vmem>> -> memref<120x128xf32, #tpu.memory_space<vmem>>
      %dma_wait3A_51 = arith.constant 0 : i32
      %dma_wait3A_52 = tpu.memref_slice %arg7[%sub3A_26, %dma_wait3A_51] : memref<10112x128xf32, #tpu.memory_space<vmem_shared>> -> memref<120x128xf32, #tpu.memory_space<vmem_shared>>
      %dma_wait3A_53 = arith.constant 0 : i32
      %dma_wait3A_54 = tpu.memref_slice %arg7[%sub3A_26, %dma_wait3A_53] : memref<10112x128xf32, #tpu.memory_space<vmem_shared>> -> memref<120x128xf32, #tpu.memory_space<vmem_shared>>
      %dma_wait3A_55 = arith.constant 0 : i32
      %dma_wait3A_56 = arith.constant 0 : i32
      %dma_wait3A_57 = tpu.memref_slice %arg6[%dma_wait3A_55, %dma_wait3A_56] : memref<128x128xf32, #tpu.memory_space<vmem>> -> memref<120x128xf32, #tpu.memory_space<vmem>>
      tpu.wait_dma2 semaphore(%run_scoped3A : memref<!tpu.dma_semaphore, #tpu.memory_space<semaphore_mem>>) src(%dma_wait3A_57 : memref<120x128xf32, #tpu.memory_space<vmem>>) dst(%dma_wait3A_54 : memref<120x128xf32, #tpu.memory_space<vmem_shared>>)
      tpu.yield
    }) : () -> ()
    %barrier3A = arith.constant 0 : index
    tpu.barrier barrier_id(%barrier3A)
    %mul3A_27 = arith.constant 80 : i32
    %mul3A_28 = arith.muli %add3A, %mul3A_27 : i32
    %multiple_of3A = tpu.assume_multiple %mul3A_28, 8 : i32
    "tpu.region"() ({
      %run_scoped3A = tpu.sem_alloc : memref<!tpu.dma_semaphore, #tpu.memory_space<semaphore_mem>>
      %dma_start3A = arith.constant 0 : i32
      %dma_start3A_40 = tpu.memref_slice %arg2[%multiple_of3A, %dma_start3A] : memref<2560x128xi32, #tpu.memory_space<hbm>> -> memref<80x128xi32, #tpu.memory_space<hbm>>
      %dma_start3A_41 = arith.constant 0 : i32
      %dma_start3A_42 = tpu.memref_slice %arg2[%multiple_of3A, %dma_start3A_41] : memref<2560x128xi32, #tpu.memory_space<hbm>> -> memref<80x128xi32, #tpu.memory_space<hbm>>
      tpu.enqueue_dma source(%dma_start3A_42 : memref<80x128xi32, #tpu.memory_space<hbm>>) target(%arg4 : memref<80x128xi32, #tpu.memory_space<vmem>>) target_semaphore(%run_scoped3A : memref<!tpu.dma_semaphore, #tpu.memory_space<semaphore_mem>>)
      %dma_wait3A = arith.constant 0 : i32
      %dma_wait3A_43 = tpu.memref_slice %arg2[%multiple_of3A, %dma_wait3A] : memref<2560x128xi32, #tpu.memory_space<hbm>> -> memref<80x128xi32, #tpu.memory_space<hbm>>
      %dma_wait3A_44 = arith.constant 0 : i32
      %dma_wait3A_45 = tpu.memref_slice %arg2[%multiple_of3A, %dma_wait3A_44] : memref<2560x128xi32, #tpu.memory_space<hbm>> -> memref<80x128xi32, #tpu.memory_space<hbm>>
      tpu.wait_dma2 semaphore(%run_scoped3A : memref<!tpu.dma_semaphore, #tpu.memory_space<semaphore_mem>>) src(%dma_wait3A_45 : memref<80x128xi32, #tpu.memory_space<hbm>>) dst(%arg4 : memref<80x128xi32, #tpu.memory_space<vmem>>)
      tpu.yield
    }) : () -> ()
    %scan3A_29 = arith.constant 0 : i32
    %scan3A_30 = arith.constant 0 : i32
    %scan3A_31 = arith.constant 80 : i32
    %scan3A_32 = arith.addi %scan3A_30, %scan3A_31 : i32
    %scan3A_33 = arith.constant 1 : i32
    scf.for %scan3A_40 = %scan3A_30 to %scan3A_32 step %scan3A_33  : i32 {
      "tpu.region"() ({
        %run_scoped3A = tpu.sem_alloc : memref<!tpu.dma_semaphore, #tpu.memory_space<semaphore_mem>>
        %dma_start3A = arith.constant 0 : i32
        %dma_start3A_41 = tpu.memref_slice %arg4[%scan3A_40, %dma_start3A] : memref<80x128xi32, #tpu.memory_space<vmem>> -> memref<1x128xi32, #tpu.memory_space<vmem>>
        %dma_start3A_42 = tpu.memref_squeeze %dma_start3A_41 : memref<1x128xi32, #tpu.memory_space<vmem>> -> memref<128xi32, #tpu.memory_space<vmem>>
        %dma_start3A_43 = arith.constant 0 : i32
        %dma_start3A_44 = arith.constant 0 : i32
        %dma_start3A_45 = tpu.memref_slice %arg7[%dma_start3A_43, %dma_start3A_44] : memref<10112x128xf32, #tpu.memory_space<vmem_shared>> -> memref<10112x128xf32, #tpu.memory_space<vmem_shared>>
        tpu.enqueue_indirect_dma source(%arg5 : memref<128x128xf32, #tpu.memory_space<vmem>>) target(%dma_start3A_45 : memref<10112x128xf32, #tpu.memory_space<vmem_shared>>) offsets(%dma_start3A_42 : memref<128xi32, #tpu.memory_space<vmem>>) semaphore(%run_scoped3A : memref<!tpu.dma_semaphore, #tpu.memory_space<semaphore_mem>>) {add = true}
        %dma_wait3A = arith.constant 0 : i32
        %dma_wait3A_46 = tpu.memref_slice %arg4[%scan3A_40, %dma_wait3A] : memref<80x128xi32, #tpu.memory_space<vmem>> -> memref<1x128xi32, #tpu.memory_space<vmem>>
        %dma_wait3A_47 = tpu.memref_squeeze %dma_wait3A_46 : memref<1x128xi32, #tpu.memory_space<vmem>> -> memref<128xi32, #tpu.memory_space<vmem>>
        %dma_wait3A_48 = arith.constant 0 : i32
        %dma_wait3A_49 = arith.constant 0 : i32
        %dma_wait3A_50 = tpu.memref_slice %arg7[%dma_wait3A_48, %dma_wait3A_49] : memref<10112x128xf32, #tpu.memory_space<vmem_shared>> -> memref<10112x128xf32, #tpu.memory_space<vmem_shared>>
        tpu.wait_indirect_dma semaphore(%run_scoped3A : memref<!tpu.dma_semaphore, #tpu.memory_space<semaphore_mem>>) src(%arg5 : memref<128x128xf32, #tpu.memory_space<vmem>>) dst(%dma_wait3A_50 : memref<10112x128xf32, #tpu.memory_space<vmem_shared>>)
        tpu.yield
      }) : () -> ()
    }
    %scan3A_34 = arith.constant 80 : i32
    %barrier3A_35 = arith.constant 0 : index
    tpu.barrier barrier_id(%barrier3A_35)
    %mul3A_36 = arith.constant 632 : i32
    %mul3A_37 = arith.muli %arg1, %mul3A_36 : i32
    %mul3A_38 = arith.constant 632 : i32
    %mul3A_39 = arith.muli %arg1, %mul3A_38 : i32
    "tpu.region"() ({
      %run_scoped3A = tpu.sem_alloc : memref<!tpu.dma_semaphore, #tpu.memory_space<semaphore_mem>>
      %dma_start3A = arith.constant 0 : i32
      %dma_start3A_40 = tpu.memref_slice %arg3[%arg0, %mul3A_39, %dma_start3A] : memref<2x10112x128xf32, #tpu.memory_space<hbm>> -> memref<1x632x128xf32, #tpu.memory_space<hbm>>
      %dma_start3A_41 = tpu.memref_squeeze %dma_start3A_40 : memref<1x632x128xf32, #tpu.memory_space<hbm>> -> memref<632x128xf32, #tpu.memory_space<hbm>>
      %dma_start3A_42 = arith.constant 0 : i32
      %dma_start3A_43 = tpu.memref_slice %arg7[%mul3A_37, %dma_start3A_42] : memref<10112x128xf32, #tpu.memory_space<vmem_shared>> -> memref<632x128xf32, #tpu.memory_space<vmem_shared>>
      tpu.enqueue_dma source(%dma_start3A_43 : memref<632x128xf32, #tpu.memory_space<vmem_shared>>) target(%dma_start3A_41 : memref<632x128xf32, #tpu.memory_space<hbm>>) target_semaphore(%run_scoped3A : memref<!tpu.dma_semaphore, #tpu.memory_space<semaphore_mem>>)
      %dma_wait3A = arith.constant 0 : i32
      %dma_wait3A_44 = tpu.memref_slice %arg3[%arg0, %mul3A_39, %dma_wait3A] : memref<2x10112x128xf32, #tpu.memory_space<hbm>> -> memref<1x632x128xf32, #tpu.memory_space<hbm>>
      %dma_wait3A_45 = tpu.memref_squeeze %dma_wait3A_44 : memref<1x632x128xf32, #tpu.memory_space<hbm>> -> memref<632x128xf32, #tpu.memory_space<hbm>>
      %dma_wait3A_46 = arith.constant 0 : i32
      %dma_wait3A_47 = tpu.memref_slice %arg7[%mul3A_37, %dma_wait3A_46] : memref<10112x128xf32, #tpu.memory_space<vmem_shared>> -> memref<632x128xf32, #tpu.memory_space<vmem_shared>>
      tpu.wait_dma2 semaphore(%run_scoped3A : memref<!tpu.dma_semaphore, #tpu.memory_space<semaphore_mem>>) src(%dma_wait3A_47 : memref<632x128xf32, #tpu.memory_space<vmem_shared>>) dst(%dma_wait3A_45 : memref<632x128xf32, #tpu.memory_space<hbm>>)
      tpu.yield
    }) : () -> ()
    return
  }
}

module attributes {stable_mosaic.version = 14 : i64} {
  func.func @_lin1_body(%arg0: i32, %arg1: memref<2x1000x128xf32, #tpu.memory_space<vmem>>, %arg2: memref<1000x128xf32, #tpu.memory_space<vmem>>, %arg3: memref<128x128xf32, #tpu.memory_space<vmem>>, %arg4: memref<1000x128xf32, #tpu.memory_space<vmem>>) attributes {dimension_semantics = [#tpu.dimension_semantics<arbitrary>], iteration_bounds = array<i64: 10>, scalar_prefetch = 0 : i64, scratch_operands = 0 : i64, tpu.core_type = #tpu.core_type<tc>, window_params = [{transform_indices = @transform_0, window_bounds = array<i64: 2, 1000, 128>}, {transform_indices = @transform_1, window_bounds = array<i64: 1000, 128>}, {pipeline_mode = #tpu.pipeline_mode<synchronous>, transform_indices = @transform_2, window_bounds = array<i64: 128, 128>}, {transform_indices = @transform_3, window_bounds = array<i64: 1000, 128>}]} {
    %get3A = arith.constant 0 : index
    %get3A_0 = arith.constant 0 : index
    %get3A_1 = vector.load %arg2[%get3A, %get3A_0] : memref<1000x128xf32, #tpu.memory_space<vmem>>, vector<1000x128xf32>
    %get3A_2 = arith.constant 0 : index
    %get3A_3 = arith.constant 0 : index
    %get3A_4 = vector.load %arg3[%get3A_2, %get3A_3] : memref<128x128xf32, #tpu.memory_space<vmem>>, vector<128x128xf32>
    %dot_general3A = arith.constant dense<0.000000e+00> : vector<1000x128xf32>
    %dot_general3A_5 = tpu.matmul %get3A_1, %get3A_4, %dot_general3A {dimension_numbers = #tpu.dot_dimension_numbers<[1], [0], [0], [1], [0, 0, 1, 1], [], []>, transpose_lhs_hint = false} : vector<1000x128xf32>, vector<128x128xf32>, vector<1000x128xf32> -> vector<1000x128xf32>
    %get3A_6 = arith.constant 0 : index
    %get3A_7 = arith.constant 0 : index
    %get3A_8 = arith.constant 0 : index
    %get3A_9 = vector.load %arg1[%get3A_6, %get3A_7, %get3A_8] : memref<2x1000x128xf32, #tpu.memory_space<vmem>>, vector<1x1000x128xf32>
    %get3A_10 = vector.shape_cast %get3A_9 : vector<1x1000x128xf32> to vector<1000x128xf32>
    %add3A = arith.constant 1.000000e+00 : f32
    %add3A_11 = vector.broadcast %add3A : f32 to vector<1000x128xf32>
    %add3A_12 = arith.addf %add3A_11, %get3A_10 : vector<1000x128xf32>
    %get3A_13 = arith.constant 1 : index
    %get3A_14 = arith.constant 0 : index
    %get3A_15 = arith.constant 0 : index
    %get3A_16 = vector.load %arg1[%get3A_13, %get3A_14, %get3A_15] : memref<2x1000x128xf32, #tpu.memory_space<vmem>>, vector<1x1000x128xf32>
    %get3A_17 = vector.shape_cast %get3A_16 : vector<1x1000x128xf32> to vector<1000x128xf32>
    %add3A_18 = arith.addf %add3A_12, %get3A_17 : vector<1000x128xf32>
    %slice3A = vector.extract_strided_slice %add3A_18 {offsets = [0, 0], sizes = [1000, 1], strides = [1, 1]} : vector<1000x128xf32> to vector<1000x1xf32>
    %rsqrt3A = math.rsqrt %slice3A : vector<1000x1xf32>
    %mul3A = vector.broadcast %rsqrt3A : vector<1000x1xf32> to vector<1000x128xf32>
    %mul3A_19 = arith.mulf %dot_general3A_5, %mul3A : vector<1000x128xf32>
    %swap3A = arith.constant 0 : index
    %swap3A_20 = arith.constant 0 : index
    %swap3A_21 = vector.load %arg4[%swap3A, %swap3A_20] : memref<1000x128xf32, #tpu.memory_space<vmem>>, vector<1000x128xf32>
    tpu.vector_store %arg4[%swap3A, %swap3A_20], %mul3A_19 {strides = array<i32>} : memref<1000x128xf32, #tpu.memory_space<vmem>>, vector<1000x128xf32>,
    return
  }
  func.func @transform_0(%arg0: i32) -> (i32, i32, i32) {
    %c0_i32 = arith.constant 0 : i32
    %c0_i32_0 = arith.constant 0 : i32
    %c0_i32_1 = arith.constant 0 : i32
    return %c0_i32, %arg0, %c0_i32_0 : i32, i32, i32
  }
  func.func @transform_1(%arg0: i32) -> (i32, i32) {
    %c0_i32 = arith.constant 0 : i32
    %c0_i32_0 = arith.constant 0 : i32
    return %arg0, %c0_i32 : i32, i32
  }
  func.func @transform_2(%arg0: i32) -> (i32, i32) {
    %c0_i32 = arith.constant 0 : i32
    %c0_i32_0 = arith.constant 0 : i32
    %c0_i32_1 = arith.constant 0 : i32
    return %c0_i32, %c0_i32_0 : i32, i32
  }
  func.func @transform_3(%arg0: i32) -> (i32, i32) {
    %c0_i32 = arith.constant 0 : i32
    %c0_i32_0 = arith.constant 0 : i32
    return %arg0, %c0_i32 : i32, i32
  }
}

module attributes {stable_mosaic.version = 14 : i64} {
  func.func @_lin2_body(%arg0: i32, %arg1: memref<2x1000x128xf32, #tpu.memory_space<vmem>>, %arg2: memref<2x1000x128xf32, #tpu.memory_space<vmem>>, %arg3: memref<1000x128xf32, #tpu.memory_space<vmem>>, %arg4: memref<1x128xf32, #tpu.memory_space<vmem>>, %arg5: memref<128x128xf32, #tpu.memory_space<vmem>>, %arg6: memref<1000x128xf32, #tpu.memory_space<vmem>>) attributes {dimension_semantics = [#tpu.dimension_semantics<arbitrary>], iteration_bounds = array<i64: 10>, scalar_prefetch = 0 : i64, scratch_operands = 0 : i64, tpu.core_type = #tpu.core_type<tc>, window_params = [{transform_indices = @transform_0, window_bounds = array<i64: 2, 1000, 128>}, {transform_indices = @transform_1, window_bounds = array<i64: 2, 1000, 128>}, {transform_indices = @transform_2, window_bounds = array<i64: 1000, 128>}, {pipeline_mode = #tpu.pipeline_mode<synchronous>, transform_indices = @transform_3, window_bounds = array<i64: 1, 128>}, {pipeline_mode = #tpu.pipeline_mode<synchronous>, transform_indices = @transform_4, window_bounds = array<i64: 128, 128>}, {transform_indices = @transform_5, window_bounds = array<i64: 1000, 128>}]} {
    %get3A = arith.constant 0 : index
    %get3A_0 = arith.constant 0 : index
    %get3A_1 = arith.constant 0 : index
    %get3A_2 = vector.load %arg1[%get3A, %get3A_0, %get3A_1] : memref<2x1000x128xf32, #tpu.memory_space<vmem>>, vector<1x1000x128xf32>
    %get3A_3 = vector.shape_cast %get3A_2 : vector<1x1000x128xf32> to vector<1000x128xf32>
    %add3A = arith.constant 1.000000e+00 : f32
    %add3A_4 = vector.broadcast %add3A : f32 to vector<1000x128xf32>
    %add3A_5 = arith.addf %add3A_4, %get3A_3 : vector<1000x128xf32>
    %get3A_6 = arith.constant 1 : index
    %get3A_7 = arith.constant 0 : index
    %get3A_8 = arith.constant 0 : index
    %get3A_9 = vector.load %arg1[%get3A_6, %get3A_7, %get3A_8] : memref<2x1000x128xf32, #tpu.memory_space<vmem>>, vector<1x1000x128xf32>
    %get3A_10 = vector.shape_cast %get3A_9 : vector<1x1000x128xf32> to vector<1000x128xf32>
    %add3A_11 = arith.addf %add3A_5, %get3A_10 : vector<1000x128xf32>
    %slice3A = vector.extract_strided_slice %add3A_11 {offsets = [0, 0], sizes = [1000, 1], strides = [1, 1]} : vector<1000x128xf32> to vector<1000x1xf32>
    %rsqrt3A = math.rsqrt %slice3A : vector<1000x1xf32>
    %get3A_12 = arith.constant 0 : index
    %get3A_13 = arith.constant 0 : index
    %get3A_14 = arith.constant 0 : index
    %get3A_15 = vector.load %arg2[%get3A_12, %get3A_13, %get3A_14] : memref<2x1000x128xf32, #tpu.memory_space<vmem>>, vector<1x1000x128xf32>
    %get3A_16 = vector.shape_cast %get3A_15 : vector<1x1000x128xf32> to vector<1000x128xf32>
    %get3A_17 = arith.constant 1 : index
    %get3A_18 = arith.constant 0 : index
    %get3A_19 = arith.constant 0 : index
    %get3A_20 = vector.load %arg2[%get3A_17, %get3A_18, %get3A_19] : memref<2x1000x128xf32, #tpu.memory_space<vmem>>, vector<1x1000x128xf32>
    %get3A_21 = vector.shape_cast %get3A_20 : vector<1x1000x128xf32> to vector<1000x128xf32>
    %add3A_22 = arith.addf %get3A_16, %get3A_21 : vector<1000x128xf32>
    %get3A_23 = arith.constant 0 : index
    %get3A_24 = arith.constant 0 : index
    %get3A_25 = vector.load %arg3[%get3A_23, %get3A_24] : memref<1000x128xf32, #tpu.memory_space<vmem>>, vector<1000x128xf32>
    %add3A_26 = arith.addf %add3A_22, %get3A_25 : vector<1000x128xf32>
    %mul3A = vector.broadcast %rsqrt3A : vector<1000x1xf32> to vector<1000x128xf32>
    %mul3A_27 = arith.mulf %add3A_26, %mul3A : vector<1000x128xf32>
    %get3A_28 = arith.constant 0 : index
    %get3A_29 = arith.constant 0 : index
    %get3A_30 = vector.load %arg4[%get3A_28, %get3A_29] : memref<1x128xf32, #tpu.memory_space<vmem>>, vector<1x128xf32>
    %add3A_31 = vector.broadcast %get3A_30 : vector<1x128xf32> to vector<1000x128xf32>
    %add3A_32 = arith.addf %mul3A_27, %add3A_31 : vector<1000x128xf32>
    %max3A = arith.constant 0.000000e+00 : f32
    %max3A_33 = vector.broadcast %max3A : f32 to vector<1000x128xf32>
    %max3A_34 = arith.maximumf %add3A_32, %max3A_33 : vector<1000x128xf32>
    %get3A_35 = arith.constant 0 : index
    %get3A_36 = arith.constant 0 : index
    %get3A_37 = vector.load %arg5[%get3A_35, %get3A_36] : memref<128x128xf32, #tpu.memory_space<vmem>>, vector<128x128xf32>
    %dot_general3A = arith.constant dense<0.000000e+00> : vector<1000x128xf32>
    %dot_general3A_38 = tpu.matmul %max3A_34, %get3A_37, %dot_general3A {dimension_numbers = #tpu.dot_dimension_numbers<[1], [0], [0], [1], [0, 0, 1, 1], [], []>, transpose_lhs_hint = false} : vector<1000x128xf32>, vector<128x128xf32>, vector<1000x128xf32> -> vector<1000x128xf32>
    %mul3A_39 = vector.broadcast %rsqrt3A : vector<1000x1xf32> to vector<1000x128xf32>
    %mul3A_40 = arith.mulf %dot_general3A_38, %mul3A_39 : vector<1000x128xf32>
    %swap3A = arith.constant 0 : index
    %swap3A_41 = arith.constant 0 : index
    %swap3A_42 = vector.load %arg6[%swap3A, %swap3A_41] : memref<1000x128xf32, #tpu.memory_space<vmem>>, vector<1000x128xf32>
    tpu.vector_store %arg6[%swap3A, %swap3A_41], %mul3A_40 {strides = array<i32>} : memref<1000x128xf32, #tpu.memory_space<vmem>>, vector<1000x128xf32>,
    return
  }
  func.func @transform_0(%arg0: i32) -> (i32, i32, i32) {
    %c0_i32 = arith.constant 0 : i32
    %c0_i32_0 = arith.constant 0 : i32
    %c0_i32_1 = arith.constant 0 : i32
    return %c0_i32, %arg0, %c0_i32_0 : i32, i32, i32
  }
  func.func @transform_1(%arg0: i32) -> (i32, i32, i32) {
    %c0_i32 = arith.constant 0 : i32
    %c0_i32_0 = arith.constant 0 : i32
    %c0_i32_1 = arith.constant 0 : i32
    return %c0_i32, %arg0, %c0_i32_0 : i32, i32, i32
  }
  func.func @transform_2(%arg0: i32) -> (i32, i32) {
    %c0_i32 = arith.constant 0 : i32
    %c0_i32_0 = arith.constant 0 : i32
    return %arg0, %c0_i32 : i32, i32
  }
  func.func @transform_3(%arg0: i32) -> (i32, i32) {
    %c0_i32 = arith.constant 0 : i32
    %c0_i32_0 = arith.constant 0 : i32
    %c0_i32_1 = arith.constant 0 : i32
    return %c0_i32, %c0_i32_0 : i32, i32
  }
  func.func @transform_4(%arg0: i32) -> (i32, i32) {
    %c0_i32 = arith.constant 0 : i32
    %c0_i32_0 = arith.constant 0 : i32
    %c0_i32_1 = arith.constant 0 : i32
    return %c0_i32, %c0_i32_0 : i32, i32
  }
  func.func @transform_5(%arg0: i32) -> (i32, i32) {
    %c0_i32 = arith.constant 0 : i32
    %c0_i32_0 = arith.constant 0 : i32
    return %arg0, %c0_i32 : i32, i32
  }
}

module attributes {stable_mosaic.version = 14 : i64} {
  func.func @_out_body(%arg0: i32, %arg1: memref<2x1000x128xf32, #tpu.memory_space<vmem>>, %arg2: memref<2x1000x128xf32, #tpu.memory_space<vmem>>, %arg3: memref<1000x128xf32, #tpu.memory_space<vmem>>, %arg4: memref<1x128xf32, #tpu.memory_space<vmem>>, %arg5: memref<1000x128xf32, #tpu.memory_space<vmem>>) attributes {dimension_semantics = [#tpu.dimension_semantics<arbitrary>], iteration_bounds = array<i64: 10>, scalar_prefetch = 0 : i64, scratch_operands = 0 : i64, tpu.core_type = #tpu.core_type<tc>, window_params = [{transform_indices = @transform_0, window_bounds = array<i64: 2, 1000, 128>}, {transform_indices = @transform_1, window_bounds = array<i64: 2, 1000, 128>}, {transform_indices = @transform_2, window_bounds = array<i64: 1000, 128>}, {pipeline_mode = #tpu.pipeline_mode<synchronous>, transform_indices = @transform_3, window_bounds = array<i64: 1, 128>}, {transform_indices = @transform_4, window_bounds = array<i64: 1000, 128>}]} {
    %get3A = arith.constant 0 : index
    %get3A_0 = arith.constant 0 : index
    %get3A_1 = arith.constant 0 : index
    %get3A_2 = vector.load %arg1[%get3A, %get3A_0, %get3A_1] : memref<2x1000x128xf32, #tpu.memory_space<vmem>>, vector<1x1000x128xf32>
    %get3A_3 = vector.shape_cast %get3A_2 : vector<1x1000x128xf32> to vector<1000x128xf32>
    %add3A = arith.constant 1.000000e+00 : f32
    %add3A_4 = vector.broadcast %add3A : f32 to vector<1000x128xf32>
    %add3A_5 = arith.addf %add3A_4, %get3A_3 : vector<1000x128xf32>
    %get3A_6 = arith.constant 1 : index
    %get3A_7 = arith.constant 0 : index
    %get3A_8 = arith.constant 0 : index
    %get3A_9 = vector.load %arg1[%get3A_6, %get3A_7, %get3A_8] : memref<2x1000x128xf32, #tpu.memory_space<vmem>>, vector<1x1000x128xf32>
    %get3A_10 = vector.shape_cast %get3A_9 : vector<1x1000x128xf32> to vector<1000x128xf32>
    %add3A_11 = arith.addf %add3A_5, %get3A_10 : vector<1000x128xf32>
    %slice3A = vector.extract_strided_slice %add3A_11 {offsets = [0, 0], sizes = [1000, 1], strides = [1, 1]} : vector<1000x128xf32> to vector<1000x1xf32>
    %rsqrt3A = math.rsqrt %slice3A : vector<1000x1xf32>
    %get3A_12 = arith.constant 0 : index
    %get3A_13 = arith.constant 0 : index
    %get3A_14 = arith.constant 0 : index
    %get3A_15 = vector.load %arg2[%get3A_12, %get3A_13, %get3A_14] : memref<2x1000x128xf32, #tpu.memory_space<vmem>>, vector<1x1000x128xf32>
    %get3A_16 = vector.shape_cast %get3A_15 : vector<1x1000x128xf32> to vector<1000x128xf32>
    %get3A_17 = arith.constant 1 : index
    %get3A_18 = arith.constant 0 : index
    %get3A_19 = arith.constant 0 : index
    %get3A_20 = vector.load %arg2[%get3A_17, %get3A_18, %get3A_19] : memref<2x1000x128xf32, #tpu.memory_space<vmem>>, vector<1x1000x128xf32>
    %get3A_21 = vector.shape_cast %get3A_20 : vector<1x1000x128xf32> to vector<1000x128xf32>
    %add3A_22 = arith.addf %get3A_16, %get3A_21 : vector<1000x128xf32>
    %get3A_23 = arith.constant 0 : index
    %get3A_24 = arith.constant 0 : index
    %get3A_25 = vector.load %arg3[%get3A_23, %get3A_24] : memref<1000x128xf32, #tpu.memory_space<vmem>>, vector<1000x128xf32>
    %add3A_26 = arith.addf %add3A_22, %get3A_25 : vector<1000x128xf32>
    %mul3A = vector.broadcast %rsqrt3A : vector<1000x1xf32> to vector<1000x128xf32>
    %mul3A_27 = arith.mulf %add3A_26, %mul3A : vector<1000x128xf32>
    %get3A_28 = arith.constant 0 : index
    %get3A_29 = arith.constant 0 : index
    %get3A_30 = vector.load %arg4[%get3A_28, %get3A_29] : memref<1x128xf32, #tpu.memory_space<vmem>>, vector<1x128xf32>
    %add3A_31 = vector.broadcast %get3A_30 : vector<1x128xf32> to vector<1000x128xf32>
    %add3A_32 = arith.addf %mul3A_27, %add3A_31 : vector<1000x128xf32>
    %mul3A_33 = arith.mulf %add3A_32, %add3A_32 : vector<1000x128xf32>
    %reduce_sum3A = arith.constant dense<0.000000e+00> : vector<1000xf32>
    %reduce_sum3A_34 = vector.multi_reduction <add>, %mul3A_33, %reduce_sum3A [1] : vector<1000x128xf32> to vector<1000xf32>
    %broadcast_in_dim3A = vector.shape_cast %reduce_sum3A_34 : vector<1000xf32> to vector<1000x1xf32>
    %sqrt3A = math.sqrt %broadcast_in_dim3A : vector<1000x1xf32>
    %max3A = arith.constant 9.99999996E-13 : f32
    %max3A_35 = vector.broadcast %max3A : f32 to vector<1000x1xf32>
    %max3A_36 = arith.maximumf %sqrt3A, %max3A_35 : vector<1000x1xf32>
    %div3A = vector.broadcast %max3A_36 : vector<1000x1xf32> to vector<1000x128xf32>
    %div3A_37 = arith.divf %add3A_32, %div3A : vector<1000x128xf32>
    %swap3A = arith.constant 0 : index
    %swap3A_38 = arith.constant 0 : index
    %swap3A_39 = vector.load %arg5[%swap3A, %swap3A_38] : memref<1000x128xf32, #tpu.memory_space<vmem>>, vector<1000x128xf32>
    tpu.vector_store %arg5[%swap3A, %swap3A_38], %div3A_37 {strides = array<i32>} : memref<1000x128xf32, #tpu.memory_space<vmem>>, vector<1000x128xf32>,
    return
  }
  func.func @transform_0(%arg0: i32) -> (i32, i32, i32) {
    %c0_i32 = arith.constant 0 : i32
    %c0_i32_0 = arith.constant 0 : i32
    %c0_i32_1 = arith.constant 0 : i32
    return %c0_i32, %arg0, %c0_i32_0 : i32, i32, i32
  }
  func.func @transform_1(%arg0: i32) -> (i32, i32, i32) {
    %c0_i32 = arith.constant 0 : i32
    %c0_i32_0 = arith.constant 0 : i32
    %c0_i32_1 = arith.constant 0 : i32
    return %c0_i32, %arg0, %c0_i32_0 : i32, i32, i32
  }
  func.func @transform_2(%arg0: i32) -> (i32, i32) {
    %c0_i32 = arith.constant 0 : i32
    %c0_i32_0 = arith.constant 0 : i32
    return %arg0, %c0_i32 : i32, i32
  }
  func.func @transform_3(%arg0: i32) -> (i32, i32) {
    %c0_i32 = arith.constant 0 : i32
    %c0_i32_0 = arith.constant 0 : i32
    %c0_i32_1 = arith.constant 0 : i32
    return %c0_i32, %c0_i32_0 : i32, i32
  }
  func.func @transform_4(%arg0: i32) -> (i32, i32) {
    %c0_i32 = arith.constant 0 : i32
    %c0_i32_0 = arith.constant 0 : i32
    return %arg0, %c0_i32 : i32, i32
  }
}

</mosaic_0001>

<sc_bundles>
// kernel: kernel.11.cloned.1.call-start
scs
__scs_entry_jumppad:
0x0: {  	(pc) =	sbr.rel $0x88, $3  }
0x1: {  	(tag) =	ssettag $0x0;
	lr =	simm.s32 $0x1  }
0x2: {  	[smem:$0x3F9B] =	sst lr;
	_ =	strace $0xD0000000  }
0x3: {  	_ = 	snop  }
0x4: {  	_ = 	snop  }
0x5: {  	_ = 	snop  }
0x6: {  	_ = 	snop  }
0x7: {  	_ = 	snop  }
__scs_overlays_trampoline_lowered:
0x8: {  	[smem:$0x3FAA] =	sst s0  }
0x9: {  	[smem:$0x3FAB] =	sst s1  }
0xa: {  	[smem:$0x3FAC] =	sst s2  }
0xb: {  	[smem:$0x3FAD] =	sst s3  }
0xc: {  	[smem:$0x3FAE] =	sst s4  }
0xd: {  	[smem:$0x3FAF] =	sst s5  }
0xe: {  	[smem:$0x3FB0] =	sst s6  }
0xf: {  	[smem:$0x3FB1] =	sst s7  }
0x10: {  	[smem:$0x3FB2] =	sst s8  }
0x11: {  	[smem:$0x3FB3] =	sst s9;
	s0 =	simm.s32 @!p0 $0x0  }
0x12: {  	s1 =	sld [smem:$0x3F99];
	s0 =	simm.s32 @p0 $0x1  }
0x13: {  	[smem:$0x3FB4] =	sst s0;
	s0 =	simm.s32 @!p1 $0x0  }
0x14: {  	s2 =	sld [smem:$0x3F98];
	s0 =	simm.s32 @p1 $0x1  }
0x15: {  	[smem:$0x3FB5] =	sst s0;
	s0 =	simm.s32 @!p2 $0x0  }
0x16: {  	s3 =	sld [smem:$0x3FDB];
	s0 =	simm.s32 @p2 $0x1  }
0x17: {  	s4 =	simm.s32 $0x1BF5;
	[smem:$0x3FB7] =	sst s0  }
0x18: {  	s0 =	sld [smem:$0x3F9A];
	_ =	swait.ge [sflag:s4], $0x0  }
0x19: {  	s7 =	sld [smem:$0x3F9B]  }
0x1a: {  	s8 =	sadd.s32 $0xFFFFE003, lr  }
0x1b: {  	s9 =	sadd.s32 $0xFFFFFEF7, lr;
	s5 =	simm.s32 $0xFFFFFFFF;
	p2 =	slt.u32 s8, $0xFFFFF086  }
0x1c: {  	p1 =	slt.u32 s9, $0xF7A;
	s5 =	simm.s32 @!p2 $0x0  }
0x1d: {  	s5 =	simm.s32 @p1 $0x1;
	p0 =	seq.s32 s7, s2  }
0x1e: {  	s7 =	smul.u32 @!p0 $0xF7A, s2;
	p2 =	seq.s32 @!p0 s5, $0x0  }
0x1f: {  	s9 =	smul.u32 $0xF7A, s1;
	s8 =	simm.s32 @!p0 $0x1BF5;
	p2 =	por !p2, p0  }
0x20: {  	[sflag:s8] =	ssyncset.s32 @!p0 $0xFFFFF086;
	s6 =	sadd.s32 @!p0 s3, s7;
	s7 =	simm.s32 @!p0 $0x108  }
0x21: {  	s3 =	sadd.s32 s3, s9;
	s6 =	sadd.s32 @!p0 $0x88, s6;
	s7 =	simm.s32 @p2 $0x1082  }
0x22: {  	[simem:s7], [sflag:s8] =	dma.local @!p0 [hbm:s6], $0xF7A  }
0x23: {  	s9 =	sor.u32 $0xD0000000, s2;
	s6 =	simm.s32 $0x108;
	_ =	swait.ge @!p0 [sflag:s8], $0x0  }
0x24: {  	s3 =	sadd.s32 $0x88, s3;
	s6 =	simm.s32 @!p1 $0x1082;
	[sflag:s4] =	ssyncset.s32 $0xFFFFF086  }
0x25: {  	[simem:s6], [sflag:s4] =	dma.local [hbm:s3], $0xF7A  }
0x26: {  	[smem:$0x3F9B] =	sst s1;
	(tag) =	ssettag s2;
	_ =	strace s9  }
0x27: {  	s1 =	sld [smem:$0x3FAB]  }
0x28: {  	s2 =	sld [smem:$0x3FAC]  }
0x29: {  	s4 =	sld [smem:$0x3FAE]  }
0x2a: {  	p0 =	seq.s32 s5, $0x0;
	s5 =	sld [smem:$0x3FAF]  }
0x2b: {  	s6 =	sld [smem:$0x3FB0]  }
0x2c: {  	s7 =	sld [smem:$0x3FB1]  }
0x2d: {  	s3 =	simm.s32 $0x108;
	s8 =	sld [smem:$0x3FB2]  }
0x2e: {  	s3 =	simm.s32 @!p0 $0x1082;
	s9 =	sld [smem:$0x3FB3]  }
0x2f: {  	lr =	sadd.s32 s0, s3;
	s0 =	sld [smem:$0x3FAA]  }
0x30: {  	s3 =	sld [smem:$0x3FAD]  }
0x31: {  	[smem:$0x3FB6] =	sst s10  }
0x32: {  	s10 =	sld [smem:$0x3FB4];
	_ =	sdelay $0x3  }
0x33: {  	p0 =	seq.s32 s10, $0x1;
	s10 =	sld [smem:$0x3FB6];
	_ =	sdelay $0x3  }
0x34: {  	[smem:$0x3FB6] =	sst s10  }
0x35: {  	s10 =	sld [smem:$0x3FB5];
	_ =	sdelay $0x3  }
0x36: {  	p1 =	seq.s32 s10, $0x1;
	s10 =	sld [smem:$0x3FB6];
	_ =	sdelay $0x3  }
0x37: {  	[smem:$0x3FB6] =	sst s10  }
0x38: {  	s10 =	sld [smem:$0x3FB7]  }
0x39: {  	_ = 	snop;
	(pc) =	sbr.ind lr, $3  }
0x3a: {  	_ = 	snop  }
0x3b: {  	_ = 	snop  }
0x3c: {  	p2 =	seq.s32 s10, $0x1;
	s10 =	sld [smem:$0x3FB6]  }
0x3d: {  	_ =	shalt  }
0x3e: {  	_ =	shalt  }
0x3f: {  	_ =	shalt  }
0x40: {  	_ =	shalt  }
0x41: {  	_ =	shalt  }
0x42: {  	_ =	shalt  }
0x43: {  	_ =	shalt  }
0x44: {  	_ =	shalt  }
0x45: {  	_ =	shalt  }
0x46: {  	_ =	shalt  }
0x47: {  	_ =	shalt  }
0x48: {  	_ =	shalt  }
0x49: {  	_ =	shalt  }
0x4a: {  	_ =	shalt  }
0x4b: {  	_ =	shalt  }
0x4c: {  	_ =	shalt  }
0x4d: {  	_ =	shalt  }
0x4e: {  	_ =	shalt  }
0x4f: {  	_ =	shalt  }
0x50: {  	_ =	shalt  }
0x51: {  	_ =	shalt  }
0x52: {  	_ =	shalt  }
0x53: {  	_ =	shalt  }
0x54: {  	_ =	shalt  }
0x55: {  	_ =	shalt  }
0x56: {  	_ =	shalt  }
0x57: {  	_ =	shalt  }
0x58: {  	_ =	shalt  }
0x59: {  	_ =	shalt  }
0x5a: {  	_ =	shalt  }
0x5b: {  	_ =	shalt  }
0x5c: {  	_ =	shalt  }
0x5d: {  	_ =	shalt  }
0x5e: {  	_ =	shalt  }
0x5f: {  	_ =	shalt  }
0x60: {  	_ =	shalt  }
0x61: {  	_ =	shalt  }
0x62: {  	_ =	shalt  }
0x63: {  	_ =	shalt  }
0x64: {  	_ =	shalt  }
0x65: {  	_ =	shalt  }
0x66: {  	_ =	shalt  }
0x67: {  	_ =	shalt  }
0x68: {  	_ =	shalt  }
0x69: {  	_ =	shalt  }
0x6a: {  	_ =	shalt  }
0x6b: {  	_ =	shalt  }
0x6c: {  	_ =	shalt  }
0x6d: {  	_ =	shalt  }
0x6e: {  	_ =	shalt  }
0x6f: {  	_ =	shalt  }
0x70: {  	_ =	shalt  }
0x71: {  	_ =	shalt  }
0x72: {  	_ =	shalt  }
0x73: {  	_ =	shalt  }
0x74: {  	_ =	shalt  }
0x75: {  	_ =	shalt  }
0x76: {  	_ =	shalt  }
0x77: {  	_ =	shalt  }
0x78: {  	_ =	shalt  }
0x79: {  	_ =	shalt  }
0x7a: {  	_ =	shalt  }
0x7b: {  	_ =	shalt  }
0x7c: {  	_ =	shalt  }
0x7d: {  	_ =	shalt  }
0x7e: {  	_ =	shalt  }
0x7f: {  	_ =	shalt  }
0x80: {  	_ =	shalt  }
0x81: {  	_ =	shalt  }
0x82: {  	_ =	shalt  }
0x83: {  	_ =	shalt  }
0x84: {  	_ =	shalt  }
0x85: {  	_ =	shalt  }
0x86: {  	_ =	shalt  }
0x87: {  	_ =	shalt  }
.Lfunc_end0:
.L_simem_size_0:
called_computation.1_lowered:
.L_overlay_start_0:
0x88: {  	s2 =	sld [smem:$0x3FD9]  }
0x89: {  	s3 =	sld [smem:$0x3FFE];
	_ =	sdelay $0x1  }
0x8a: {  	s1 =	srdreg.scid  }
0x8b: {  	s0 =	sand.u32 $0x1, s1  }
0x8c: {  	s17 =	sshll.u32 s0, $0xA;
	s2 =	sadd.s32 s3, s2  }
0x8d: {  	s2 =	sadd.s32 s2, s17  }
0x8e: {  	[smem:$0x3FC2] =	sst s2  }
0x8f: {  	_ = 	snop  }
0x90: {  	s2 =	sld [smem:$0x3FD0];
	(tm) =	ssettm $0x1  }
0x91: {  	s18 =	sld [smem:$0x3FFB];
	_ =	sdelay $0x3  }
0x92: {  	_ =	strace s18  }
0x93: {  	s3 =	sld [smem:$0x3FFC];
	_ =	sdelay $0x3  }
0x94: {  	_ =	strace s3  }
0x95: {  	s3 =	sld [smem:$0x3FFD];
	_ =	sdelay $0x3  }
0x96: {  	_ =	strace s3  }
0x97: {  	_ =	strace $0x8FFFFFFF  }
0x98: {  	s19 =	sld [smem:$0x3FDB];
	_ =	sdelay $0x1  }
0x99: {  	s4 =	simm.s32 $_scs_section_size  }
0x9a: {  	s5 =	simm.s32 $_size__tile_overlayer_lowered;
	s6 =	simm.s32 $_tile_overlayer_lowered  }
0x9b: {  	s22 =	simm.s32 $0x1BFF;
	s21 =	sshll.u32 s6, $0x1;
	s3 =	sadd.s32 s4, s19  }
0x9c: {  	s7 =	simm.s32 $0x0;
	s20 =	sshll.u32 s5, $0x1;
	s5 =	sadd.s32 s21, s3  }
0x9d: {  	[timem:s7], [sflag:s22] =	dma.local [hbm:s5], s20  }
0x9e: {  	_ =	swait.ge [sflag:s22], s20  }
0x9f: {  	s4 =	ssub.s32 $0x0, s20;
	[sflag:s22] =	ssyncset.done $0x0  }
0xa0: {  	[sflag:s22] =	ssyncadd.s32 s4;
	_ =	sdelay $0x1  }
0xa1: {  	s23 =	simm.s32 $0x1B8B  }
0xa2: {  	_ =	swait.ge [sflag:s23], $0x1  }
0xa3: {  	[sflag:s23] =	ssyncset.done $0x0  }
0xa4: {  	s25 =	simm.s32 $0x1B8E;
	s24 =	sld [smem:$0x3FFE];
	[sflag:s23] =	ssyncadd.s32 $0xFFFFFFFF  }
0xa5: {  	s26 =	simm.s32 $execute0_lowered;
	[smem:$0x3FD2] =	sst s25  }
0xa6: {  	s5 =	sshll.u32 s26, $0x1;
	_ =	strace $0x80000049;
	[dreg:$0x1] =	wrdreg $0xFFFFFFFF  }
0xa7: {  	s28 =	simm.s32 $_size_execute0_lowered;
	s3 =	sadd.s32 s3, s5;
	[dreg:$0x0] =	wrdreg $0x0  }
0xa8: {  	s5 =	sshll.u32 s28, $0x1;
	[dreg:$0x2] =	wrdreg s3  }
0xa9: {  	[dreg:$0x3] =	wrdreg s5  }
0xaa: {  	[dreg:$0x4] =	wrdreg $0xC0  }
0xab: {  	_ =	task [dreg:s7], $0x5FFFF  }
0xac: {  	[dreg:$0x1] =	wrdreg $0xFFFFFFFF  }
0xad: {  	[dreg:$0x0] =	wrdreg $0x60  }
0xae: {  	[dreg:$0x2] =	wrdreg s2  }
0xaf: {  	[dreg:$0x3] =	wrdreg s24  }
0xb0: {  	[dreg:$0x4] =	wrdreg $0xC3000  }
0xb1: {  	[dreg:$0x5] =	wrdreg $0x9  }
0xb2: {  	_ =	task.clear_ibuf [dreg:s7], $0x6FFFF;
	_ =	strace $0x90000049  }
0xb3: {  	s29 =	simm.s32 $0x9;
	_ =	strace $0x8000004B  }
0xb4: {  	_ =	swait.ge [sflag:s29], $0x1  }
0xb5: {  	[sflag:s29] =	ssyncadd.s32 $0xFFFFFFFF  }
0xb6: {  	_ =	strace $0x9000004B  }
0xb7: {  	_ =	sfence  }
0xb8: {  	s30 =	sld [smem:$0x0];
	_ =	sdelay $0x2  }
0xb9: {  	s31 =	sshll.u32 s1, $0xD;
	s1 =	sshrl.u32 s1, $0x2  }
0xba: {  	s3 =	sand.u32 $0x4000, s31;
	s1 =	sadd.s32 s1, s30  }
0xbb: {  	s0 =	sor.u32 s3, s0;
	s1 =	sshll.u32 s1, $0x11  }
0xbc: {  	s0 =	sor.u32 s1, s0  }
0xbd: {  	s0 =	sadd.s32 $0x8F2B, s0  }
0xbe: {  	[sflag:s0] =	ssyncadd.remote.s32 $0x1  }
0xbf: {  	_ =	sfence.sel $0xFFFF  }
0xc0: {  	[dreg:$0x0] =	wrdreg $0xFFFFFFFF;
	(pc) =	sbr.abs _section_cstart, $3  }
0xc1: {  	[dreg:$0x1] =	wrdreg $0xFFFFFFFF  }
0xc2: {  	_ =	task.clear_ibuf [dreg:s7], $0x2FFFF;
	_ =	strace $0x9FFFFFFF  }
0xc3: {  	(tm) =	ssettm $0x7FFFFFFF  }
tec
execute0_lowered:
.L_overlay_start_1:
0x0: {  	(tag) =	ssettag $0x1  }
0x1: {  	s0 =	rddreg [dreg:$0x0]  }
0x2: {  	s1 =	rddreg [dreg:$0x1]  }
0x3: {  	s2 =	srdreg.scid;
	s3 =	rddreg [dreg:$0x2]  }
0x4: {  	s11 =	stileid.u32;
	s4 =	simm.s32 $0x0;
	s28 =	simm.s32 $0x280  }
0x5: {  	s29 =	simm.s32 $0x1;
	s30 =	simm.s32 $0x2;
	s31 =	simm.s32 $0x6  }
0x6: {  	s2 =	sand.u32 $0x1, s2;
	s6 =	smul.u32 $0x13C00, s11;
	[smem:$0x7FF] =	sst s4  }
0x7: {  	s7 =	sadd.s32 $0x5B600, s1;
	s13 =	sadd.s32 $0x2600, s1;
	s8 =	smul.u32 $0x4F000, s11  }
0x8: {  	s9 =	sshll.u32 s11, $0x1;
	s24 =	smul.u32 $0xA00, s11;
	s11 =	simm.s32 $0x0  }
0x9: {  	s5 =	smul.u32 $0x13C000, s2;
	_ =	strace $0x8000004A;
	s14 =	ssub.s32 $0x2, s2  }
0xa: {  	s9 =	sor.u32 s2, s9;
	s25 =	smul.u32 $0x500, s2;
	s2 =	simm.s32 $0x8300  }
0xb: {  	s10 =	sshrl.u32 s14, $0x1;
	s8 =	sshrl.u32 s8, $0x2;
	s15 =	smul.u32 $0x500, s9  }
0xc: {  	s26 =	sadd.s32 s24, s7;
	s5 =	sadd.s32 s6, s5;
	s10 =	ssub.s32 s14, s10  }
0xd: {  	s6 =	sadd.s32 s24, s13;
	s5 =	sshrl.u32 s5, $0x3;
	s20 =	sadd.s32 s7, s15  }
0xe: {  	s21 =	sor.u32 $0x10, s15;
	s12 =	sadd.s32 s13, s15;
	[dreg:$0x8] =	wrdreg s20  }
0xf: {  	s1 =	sadd.s32 s5, s1;
	[dreg:$0x9] =	wrdreg s12;
	s22 =	sadd.s32 s7, s21  }
0x10: {  	s5 =	sadd.s32 s8, s3;
	s9 =	sadd.s32 s13, s21;
	[dreg:$0xa] =	wrdreg s22  }
0x11: {  	s24 =	simm.s32 $0x200;
	s16 =	sadd.s32 $0x4000, s5;
	[dreg:$0xb] =	wrdreg s9  }
0x12: {  	s8 =	sor.u32 $0x20, s15;
	s17 =	sadd.s32 $0x8000, s5;
	[dreg:$0x4] =	wrdreg s16  }
0x13: {  	s20 =	simm.s32 $0x300;
	s18 =	sadd.s32 $0xC000, s5;
	[dreg:$0x5] =	wrdreg s17  }
0x14: {  	s21 =	simm.s32 $0xA;
	s19 =	sadd.s32 $0x10000, s5;
	[dreg:$0x6] =	wrdreg s18  }
0x15: {  	s23 =	sadd.s32 s7, s8;
	s8 =	sadd.s32 s13, s8;
	[dreg:$0x7] =	wrdreg s19  }
0x16: {  	s1 =	sadd.s32 $0xC600, s1;
	s22 =	simm.s32 $0x180;
	[dreg:$0xc] =	wrdreg s23  }
.Ltmp0:
0x17: {  	s7 =	simm.s32 $0x7;
	[dreg:$0xd] =	wrdreg s8;
	(pc) =	sbr.rel .LBB2_1-.Ltmp0, $4  }
0x18: {  	s9 =	simm.s32 $0x5;
	[dreg:$0xe] =	wrdreg s1;
	s17 =	smax.u32 s10, $0x1  }
0x19: {  	s18 =	sadd.s32 s25, s26;
	s19 =	sadd.s32 s25, s6;
	s23 =	simm.s32 $0x80  }
0x1a: {  	s25 =	simm.s32 $0x4300;
	s26 =	simm.s32 $0x100;
	s1 =	simm.s32 $0x9  }
0x1b: {  	v0 =	vimm.f32 $0.0e+00;
	s6 =	simm.s32 $0x4;
	s8 =	simm.s32 $0x3;
	s10 =	simm.s32 $0x8  }
.LBB2_8:
0x1c: {  	[spmem:s3] =	stream.indirect.scatter.add.f32 [tilespmem:s20], [sflag:$0xA], $0x80, s22, s23, $0xb8;
	[tilespmem:$0x1FF00] =	vst v63  }
0x1d: {  	_ =	swait.ge [sflag:s21], $0x4000  }
0x1e: {  	[sflag:s21] =	ssyncset.done $0x0  }
0x1f: {  	[sflag:s21] =	ssyncadd.s32 $0xFFFFC000  }
0x20: {  	_ =	swait.ge [sflag:s30], $0x4000  }
0x21: {  	[sflag:s30] =	ssyncset.done $0x0  }
0x22: {  	[sflag:s30] =	ssyncadd.s32 $0xFFFFC000  }
0x23: {  	[spmem:s3] =	stream.indirect.scatter.add.f32 [tilespmem:s25], [sflag:$0xA], $0x80, s24, s23, $0xb8;
	[tilespmem:$0x1FF00] =	vst v63  }
0x24: {  	_ =	swait.ge [sflag:s21], $0x4000  }
0x25: {  	[sflag:s21] =	ssyncset.done $0x0  }
0x26: {  	[sflag:s21] =	ssyncadd.s32 $0xFFFFC000  }
.LBB2_6:
0x27: {  	s12 =	stileid.u32;
	[bflag:$0x0] =	sbarrier.arrive $0xFFFF;
	s11 =	sadd.s32 $0x1, s11  }
0x28: {  	s13 =	sshrl.u32 s5, $0x3;
	s12 =	sshll.u32 s12, $0x6;
	p0 =	sne.s32 s11, s17  }
.Ltmp1:
0x29: {  	s14 =	rddreg [dreg:$0xe];
	s12 =	sor.u32 $0x1C0A, s12;
	(pc) =	sbr.rel @!p0 .LBB2_7-.Ltmp1, $4  }
0x2a: {  	[hbm:s14], [sflag:s12] =	dma.local [spmem:s13], $0x2780  }
0x2b: {  	_ =	swait.ge [sflag:s21], $0x2780  }
0x2c: {  	[sflag:s21] =	ssyncset.done $0x0  }
0x2d: {  	[sflag:s21] =	ssyncadd.s32 $0xFFFFD880  }
.LBB2_1:
0x2e: {  	s12 =	sand.u32 $0xFE00, s4  }
0x2f: {  	s13 =	sand.u32 $0x70, s4;
	s14 =	sshrl.u32 s12, $0x2  }
0x30: {  	s12 =	simm.s32 $0x40;
	s14 =	sor.u32 s13, s14;
	s13 =	simm.s32 $0x0  }
.LBB2_2:
0x31: {  	p0 =	sne.s32 s12, $0xFFC0  }
0x32: {  	[tilespmem:s14+$0x300] =	vst v0;
	s13 =	sadd.s32 $0x10, s13;
	s14 =	smov.u32 s12;
	s12 =	sadd.s32 $0x40, s12  }
.Ltmp2:
0x33: {  	(pc) =	sbr.rel @p0 .LBB2_2-.Ltmp2, $4  }
0x34: {  	_ = 	snop  }
0x35: {  	s14 =	sand.u32 $0xFE00, s14  }
0x36: {  	s15 =	sand.u32 $0x70, s13;
	s14 =	sshrl.u32 s14, $0x2  }
0x37: {  	s14 =	sor.u32 s15, s14  }
0x38: {  	[tilespmem:s14+$0x300] =	vst v0  }
0x39: {  	[spmem:s5] =	stream.linear.scatter [tilespmem:s20], [sflag:$0xA], $0x4000, $0x38;
	[tilespmem:$0x1FF00] =	vst v63  }
0x3a: {  	_ =	swait.ge [sflag:s21], $0x4000  }
0x3b: {  	[sflag:s21] =	ssyncset.done $0x0  }
0x3c: {  	s12 =	rddreg [dreg:$0x4];
	[sflag:s21] =	ssyncadd.s32 $0xFFFFC000  }
0x3d: {  	[spmem:s12] =	stream.linear.scatter [tilespmem:s20], [sflag:$0xA], $0x4000, $0x38;
	[tilespmem:$0x1FF00] =	vst v63  }
0x3e: {  	_ =	swait.ge [sflag:s21], $0x4000  }
0x3f: {  	[sflag:s21] =	ssyncset.done $0x0  }
0x40: {  	s16 =	rddreg [dreg:$0x5];
	[sflag:s21] =	ssyncadd.s32 $0xFFFFC000  }
0x41: {  	[spmem:s16] =	stream.linear.scatter [tilespmem:s20], [sflag:$0xA], $0x4000, $0x38;
	[tilespmem:$0x1FF00] =	vst v63  }
0x42: {  	_ =	swait.ge [sflag:s21], $0x4000  }
0x43: {  	[sflag:s21] =	ssyncset.done $0x0  }
0x44: {  	s13 =	rddreg [dreg:$0x6];
	[sflag:s21] =	ssyncadd.s32 $0xFFFFC000  }
0x45: {  	[spmem:s13] =	stream.linear.scatter [tilespmem:s20], [sflag:$0xA], $0x4000, $0x38;
	[tilespmem:$0x1FF00] =	vst v63  }
0x46: {  	_ =	swait.ge [sflag:s21], $0x4000  }
0x47: {  	[sflag:s21] =	ssyncset.done $0x0  }
0x48: {  	s14 =	rddreg [dreg:$0x7];
	[sflag:s21] =	ssyncadd.s32 $0xFFFFC000  }
0x49: {  	[spmem:s14] =	stream.linear.scatter [tilespmem:s20], [sflag:$0xA], $0x3C00, $0x38;
	[tilespmem:$0x1FF00] =	vst v63  }
0x4a: {  	_ =	swait.ge [sflag:s21], $0x3C00  }
0x4b: {  	[sflag:s21] =	ssyncset.done $0x0  }
0x4c: {  	[sflag:s21] =	ssyncadd.s32 $0xFFFFC400  }
0x4d: {  	[bflag:$0x0] =	sbarrier.arrive $0xFFFF  }
0x4e: {  	s12 =	simm.s32 $0x0;
	s13 =	rddreg [dreg:$0x8]  }
0x4f: {  	[tilespmem:s12], [sflag:$0xA] =	stream.linear.gather [hbm4b:s13+s12], $0x80, $0x38;
	[tilespmem:$0x1FF00] =	vst v63  }
0x50: {  	_ =	swait.ge [sflag:s21], $0x80  }
0x51: {  	[sflag:s21] =	ssyncset.done $0x0  }
0x52: {  	s15 =	rddreg [dreg:$0x9];
	[sflag:s21] =	ssyncadd.s32 $0xFFFFFF80  }
0x53: {  	[tilespmem:s22], [sflag:$0xA] =	stream.linear.gather [hbm4b:s15+s12], $0x80, $0x38;
	[tilespmem:$0x1FF00] =	vst v63  }
0x54: {  	_ =	swait.ge [sflag:s21], $0x80  }
0x55: {  	[sflag:s21] =	ssyncset.done $0x0  }
0x56: {  	s16 =	rddreg [dreg:$0xa];
	[sflag:s21] =	ssyncadd.s32 $0xFFFFFF80  }
0x57: {  	[tilespmem:s23], [sflag:$0xA] =	stream.linear.gather [hbm4b:s16+s12], $0x80, $0x38;
	[tilespmem:$0x1FF00] =	vst v63  }
0x58: {  	_ =	swait.ge [sflag:s21], $0x80  }
0x59: {  	[sflag:s21] =	ssyncset.done $0x0  }
0x5a: {  	s14 =	rddreg [dreg:$0xb];
	[sflag:s21] =	ssyncadd.s32 $0xFFFFFF80  }
0x5b: {  	[tilespmem:s24], [sflag:$0xA] =	stream.linear.gather [hbm4b:s14+s12], $0x80, $0x38;
	[tilespmem:$0x1FF00] =	vst v63  }
0x5c: {  	_ =	swait.ge [sflag:s21], $0x80  }
0x5d: {  	[sflag:s21] =	ssyncset.done $0x0  }
0x5e: {  	[sflag:s21] =	ssyncadd.s32 $0xFFFFFF80  }
0x5f: {  	[tilespmem:s20], [sflag:$0x1] =	stream.indirect.gather [hbm4b:s0+s23], $0x80, s12, s23, $0xb8;
	[tilespmem:$0x1FF00] =	vst v63  }
0x60: {  	_ = 	snop  }
0x61: {  	[tilespmem:s25], [sflag:$0x2] =	stream.indirect.gather [hbm4b:s0+s23], $0x80, s23, s23, $0xb8;
	[tilespmem:$0x1FF00] =	vst v63  }
0x62: {  	s15 =	rddreg [dreg:$0xc]  }
0x63: {  	[tilespmem:s26], [sflag:$0x6] =	stream.linear.gather [hbm4b:s15+s12], $0x80, $0x38;
	[tilespmem:$0x1FF00] =	vst v63  }
0x64: {  	s13 =	simm.s32 $0x0;
	s16 =	rddreg [dreg:$0xd]  }
0x65: {  	[tilespmem:s28], [sflag:$0x9] =	stream.linear.gather [hbm4b:s16+s12], $0x80, $0x38;
	[tilespmem:$0x1FF00] =	vst v63  }
.LBB2_4:
0x66: {  	p0 =	seq.s32 s12, $0x4E0  }
.Ltmp3:
0x67: {  	_ = 	snop;
	(pc) =	sbr.rel @p0 .LBB2_8-.Ltmp3, $4  }
0x68: {  	_ = 	snop  }
0x69: {  	_ =	swait.ge [sflag:s29], $0x4000  }
0x6a: {  	[sflag:s29] =	ssyncset.done $0x0  }
0x6b: {  	[sflag:s29] =	ssyncadd.s32 $0xFFFFC000  }
0x6c: {  	_ =	swait.ge [sflag:s31], $0x80  }
0x6d: {  	[sflag:s31] =	ssyncset.done $0x0  }
0x6e: {  	[sflag:s31] =	ssyncadd.s32 $0xFFFFFF80  }
0x6f: {  	_ =	swait.ge [sflag:s1], $0x80  }
0x70: {  	[sflag:s1] =	ssyncset.done $0x0  }
0x71: {  	[sflag:s1] =	ssyncadd.s32 $0xFFFFFF80  }
0x72: {  	[tilespmem:s2], [sflag:$0x3] =	stream.indirect.gather [hbm4b:s0+s23], $0x80, s26, s23, $0xb8;
	[tilespmem:$0x1FF00] =	vst v63  }
0x73: {  	_ = 	snop  }
0x74: {  	[spmem:s3] =	stream.indirect.scatter.add.f32 [tilespmem:s20], [sflag:$0xA], $0x80, s22, s23, $0xb8;
	[tilespmem:$0x1FF00] =	vst v63  }
0x75: {  	_ =	swait.ge [sflag:s21], $0x4000  }
0x76: {  	s14 =	sadd.s32 s12, s18;
	[sflag:s21] =	ssyncset.done $0x0  }
0x77: {  	s15 =	sadd.s32 $0x30, s14;
	[sflag:s21] =	ssyncadd.s32 $0xFFFFC000  }
0x78: {  	[tilespmem:s4], [sflag:$0x4] =	stream.linear.gather [hbm4b:s15+s4], $0x80, $0x38;
	[tilespmem:$0x1FF00] =	vst v63  }
0x79: {  	s15 =	sadd.s32 s12, s19  }
0x7a: {  	s16 =	sadd.s32 $0x30, s15  }
0x7b: {  	[tilespmem:s22], [sflag:$0x7] =	stream.linear.gather [hbm4b:s16+s4], $0x80, $0x38;
	[tilespmem:$0x1FF00] =	vst v63  }
0x7c: {  	_ =	swait.ge [sflag:s30], $0x4000  }
0x7d: {  	[sflag:s30] =	ssyncset.done $0x0  }
0x7e: {  	[sflag:s30] =	ssyncadd.s32 $0xFFFFC000  }
0x7f: {  	_ =	swait.ge [sflag:s6], $0x80  }
0x80: {  	[sflag:s6] =	ssyncset.done $0x0  }
0x81: {  	[sflag:s6] =	ssyncadd.s32 $0xFFFFFF80  }
0x82: {  	_ =	swait.ge [sflag:s7], $0x80  }
0x83: {  	[sflag:s7] =	ssyncset.done $0x0  }
0x84: {  	[sflag:s7] =	ssyncadd.s32 $0xFFFFFF80  }
0x85: {  	[tilespmem:s20], [sflag:$0x1] =	stream.indirect.gather [hbm4b:s0+s23], $0x80, s4, s23, $0xb8;
	[tilespmem:$0x1FF00] =	vst v63  }
0x86: {  	_ = 	snop  }
0x87: {  	[spmem:s3] =	stream.indirect.scatter.add.f32 [tilespmem:s25], [sflag:$0xA], $0x80, s24, s23, $0xb8;
	[tilespmem:$0x1FF00] =	vst v63  }
0x88: {  	_ =	swait.ge [sflag:s21], $0x4000  }
0x89: {  	[sflag:s21] =	ssyncset.done $0x0  }
0x8a: {  	s14 =	sadd.s32 $0x40, s14;
	[sflag:s21] =	ssyncadd.s32 $0xFFFFC000  }
0x8b: {  	[tilespmem:s23], [sflag:$0x5] =	stream.linear.gather [hbm4b:s14+s4], $0x80, $0x38;
	[tilespmem:$0x1FF00] =	vst v63  }
0x8c: {  	s16 =	sadd.s32 $0x40, s15  }
0x8d: {  	[tilespmem:s24], [sflag:$0x8] =	stream.linear.gather [hbm4b:s16+s4], $0x80, $0x38;
	[tilespmem:$0x1FF00] =	vst v63  }
0x8e: {  	_ =	swait.ge [sflag:s8], $0x4000  }
0x8f: {  	[sflag:s8] =	ssyncset.done $0x0  }
0x90: {  	[sflag:s8] =	ssyncadd.s32 $0xFFFFC000  }
0x91: {  	_ =	swait.ge [sflag:s9], $0x80  }
0x92: {  	[sflag:s9] =	ssyncset.done $0x0  }
0x93: {  	[sflag:s9] =	ssyncadd.s32 $0xFFFFFF80  }
0x94: {  	_ =	swait.ge [sflag:s10], $0x80  }
0x95: {  	[sflag:s10] =	ssyncset.done $0x0  }
0x96: {  	[sflag:s10] =	ssyncadd.s32 $0xFFFFFF80  }
0x97: {  	[tilespmem:s25], [sflag:$0x2] =	stream.indirect.gather [hbm4b:s0+s23], $0x80, s23, s23, $0xb8;
	[tilespmem:$0x1FF00] =	vst v63  }
0x98: {  	_ = 	snop  }
0x99: {  	[spmem:s3] =	stream.indirect.scatter.add.f32 [tilespmem:s2], [sflag:$0xA], $0x80, s28, s23, $0xb8;
	[tilespmem:$0x1FF00] =	vst v63  }
0x9a: {  	p0 =	sgt.u32 s13, $0x18;
	_ =	swait.ge [sflag:s21], $0x4000  }
0x9b: {  	s15 =	simm.s32 @!p0 $0x0;
	s14 =	sadd.s32 @!p0 s12, s18;
	[sflag:s21] =	ssyncset.done $0x0  }
0x9c: {  	s14 =	sadd.s32 @!p0 $0x50, s14;
	s16 =	simm.s32 @!p0 $0x100;
	[sflag:s21] =	ssyncadd.s32 $0xFFFFC000  }
0x9d: {  	[tilespmem:s16], [sflag:$0x6] =	stream.linear.gather @!p0 [hbm4b:s14+s15], $0x80, $0x38;
	[tilespmem:$0x1FF00] =	vst v63  }
0x9e: {  	s14 =	sadd.s32 @!p0 s12, s19  }
0x9f: {  	s16 =	simm.s32 @!p0 $0x280;
	s12 =	sadd.s32 $0x30, s12;
	s14 =	sadd.s32 @!p0 $0x50, s14  }
0xa0: {  	[tilespmem:s16], [sflag:$0x9] =	stream.linear.gather @!p0 [hbm4b:s14+s15], $0x80, $0x38;
	[tilespmem:$0x1FF00] =	vst v63  }
0xa1: {  	p0 =	sne.s32 s12, $0x510  }
.Ltmp4:
0xa2: {  	_ = 	snop;
	(pc) =	sbr.rel @p0 .LBB2_4-.Ltmp4, $4  }
.Ltmp5:
0xa3: {  	_ = 	snop;
	(pc) =	sbr.rel @!p0 .LBB2_6-.Ltmp5, $4  }
0xa4: {  	_ = 	snop  }
0xa5: {  	_ = 	snop  }
0xa6: {  	s13 =	sadd.s32 $0x1, s13  }
0xa7: {  	_ = 	snop  }
.LBB2_7:
0xa8: {  	_ =	sfence.sel $0x180000  }
0xa9: {  	[bflag:$0x0] =	sbarrier.arrive $0xFFFF  }
0xaa: {  	_ =	strace $0x9000004A  }
0xab: {  	s0 =	stileid.u32;
	[bflag:$0x2] =	sbarrier.arrive $0xFFFF  }
0xac: {  	p0 =	sne.s32 s0, $0x0;
	s0 =	rddreg [dreg:$0x3]  }
0xad: {  	s0 =	sadd.s32 @!p0 $0x100000, s0  }
0xae: {  	[sflag:s0] =	ssyncadd.tile.s32 @!p0 $0x1;
	_ =	shalt  }
.Lfunc_end2:
_tile_overlayer_lowered:
.L_overlay_start_2:
0xaf: {  	(tag) =	ssettag $0x2  }
0xb0: {  	s0 =	rddreg [dreg:$0x0];
	s2 =	stileid.u32  }
0xb1: {  	s1 =	rddreg [dreg:$0x1];
	p0 =	sne.s32 s2, $0x0  }
0xb2: {  	s3 =	rddreg [dreg:$0x2];
	[bflag:$0x3] =	sbarrier.arrive $0xFFFF;
	s2 =	simm.s32 @!p0 $0x1C0A  }
0xb3: {  	[timem:s3], [sflag:s2] =	dma.local @!p0 [hbm:s0], s1  }
0xb4: {  	s0 =	simm.s32 @!p0 $0xA  }
0xb5: {  	_ =	swait.ge @!p0 [sflag:s0], s1  }
0xb6: {  	s1 =	ssub.s32 @!p0 $0x0, s1;
	[sflag:s0] =	ssyncset.done @!p0 $0x0  }
0xb7: {  	[sflag:s0] =	ssyncadd.s32 @!p0 s1  }
0xb8: {  	[bflag:$0x3] =	sbarrier.arrive $0xFFFF  }
0xb9: {  	_ =	shalt  }

// kernel: kernel.14.cloned.1.call-start
scs
__scs_entry_jumppad:
0x0: {  	(pc) =	sbr.rel $0x88, $3  }
0x1: {  	(tag) =	ssettag $0x0;
	lr =	simm.s32 $0x1  }
0x2: {  	[smem:$0x3F9B] =	sst lr;
	_ =	strace $0xD0000000  }
0x3: {  	_ = 	snop  }
0x4: {  	_ = 	snop  }
0x5: {  	_ = 	snop  }
0x6: {  	_ = 	snop  }
0x7: {  	_ = 	snop  }
__scs_overlays_trampoline_lowered:
0x8: {  	[smem:$0x3FAA] =	sst s0  }
0x9: {  	[smem:$0x3FAB] =	sst s1  }
0xa: {  	[smem:$0x3FAC] =	sst s2  }
0xb: {  	[smem:$0x3FAD] =	sst s3  }
0xc: {  	[smem:$0x3FAE] =	sst s4  }
0xd: {  	[smem:$0x3FAF] =	sst s5  }
0xe: {  	[smem:$0x3FB0] =	sst s6  }
0xf: {  	[smem:$0x3FB1] =	sst s7  }
0x10: {  	[smem:$0x3FB2] =	sst s8  }
0x11: {  	[smem:$0x3FB3] =	sst s9;
	s0 =	simm.s32 @!p0 $0x0  }
0x12: {  	s1 =	sld [smem:$0x3F99];
	s0 =	simm.s32 @p0 $0x1  }
0x13: {  	[smem:$0x3FB4] =	sst s0;
	s0 =	simm.s32 @!p1 $0x0  }
0x14: {  	s2 =	sld [smem:$0x3F98];
	s0 =	simm.s32 @p1 $0x1  }
0x15: {  	[smem:$0x3FB5] =	sst s0;
	s0 =	simm.s32 @!p2 $0x0  }
0x16: {  	s3 =	sld [smem:$0x3FDB];
	s0 =	simm.s32 @p2 $0x1  }
0x17: {  	s4 =	simm.s32 $0x1BF5;
	[smem:$0x3FB7] =	sst s0  }
0x18: {  	s0 =	sld [smem:$0x3F9A];
	_ =	swait.ge [sflag:s4], $0x0  }
0x19: {  	s7 =	sld [smem:$0x3F9B]  }
0x1a: {  	s8 =	sadd.s32 $0xFFFFE003, lr  }
0x1b: {  	s9 =	sadd.s32 $0xFFFFFEF7, lr;
	s5 =	simm.s32 $0xFFFFFFFF;
	p2 =	slt.u32 s8, $0xFFFFF086  }
0x1c: {  	p1 =	slt.u32 s9, $0xF7A;
	s5 =	simm.s32 @!p2 $0x0  }
0x1d: {  	s5 =	simm.s32 @p1 $0x1;
	p0 =	seq.s32 s7, s2  }
0x1e: {  	s7 =	smul.u32 @!p0 $0xF7A, s2;
	p2 =	seq.s32 @!p0 s5, $0x0  }
0x1f: {  	s9 =	smul.u32 $0xF7A, s1;
	s8 =	simm.s32 @!p0 $0x1BF5;
	p2 =	por !p2, p0  }
0x20: {  	[sflag:s8] =	ssyncset.s32 @!p0 $0xFFFFF086;
	s6 =	sadd.s32 @!p0 s3, s7;
	s7 =	simm.s32 @!p0 $0x108  }
0x21: {  	s3 =	sadd.s32 s3, s9;
	s6 =	sadd.s32 @!p0 $0x88, s6;
	s7 =	simm.s32 @p2 $0x1082  }
0x22: {  	[simem:s7], [sflag:s8] =	dma.local @!p0 [hbm:s6], $0xF7A  }
0x23: {  	s9 =	sor.u32 $0xD0000000, s2;
	s6 =	simm.s32 $0x108;
	_ =	swait.ge @!p0 [sflag:s8], $0x0  }
0x24: {  	s3 =	sadd.s32 $0x88, s3;
	s6 =	simm.s32 @!p1 $0x1082;
	[sflag:s4] =	ssyncset.s32 $0xFFFFF086  }
0x25: {  	[simem:s6], [sflag:s4] =	dma.local [hbm:s3], $0xF7A  }
0x26: {  	[smem:$0x3F9B] =	sst s1;
	(tag) =	ssettag s2;
	_ =	strace s9  }
0x27: {  	s1 =	sld [smem:$0x3FAB]  }
0x28: {  	s2 =	sld [smem:$0x3FAC]  }
0x29: {  	s4 =	sld [smem:$0x3FAE]  }
0x2a: {  	p0 =	seq.s32 s5, $0x0;
	s5 =	sld [smem:$0x3FAF]  }
0x2b: {  	s6 =	sld [smem:$0x3FB0]  }
0x2c: {  	s7 =	sld [smem:$0x3FB1]  }
0x2d: {  	s3 =	simm.s32 $0x108;
	s8 =	sld [smem:$0x3FB2]  }
0x2e: {  	s3 =	simm.s32 @!p0 $0x1082;
	s9 =	sld [smem:$0x3FB3]  }
0x2f: {  	lr =	sadd.s32 s0, s3;
	s0 =	sld [smem:$0x3FAA]  }
0x30: {  	s3 =	sld [smem:$0x3FAD]  }
0x31: {  	[smem:$0x3FB6] =	sst s10  }
0x32: {  	s10 =	sld [smem:$0x3FB4];
	_ =	sdelay $0x3  }
0x33: {  	p0 =	seq.s32 s10, $0x1;
	s10 =	sld [smem:$0x3FB6];
	_ =	sdelay $0x3  }
0x34: {  	[smem:$0x3FB6] =	sst s10  }
0x35: {  	s10 =	sld [smem:$0x3FB5];
	_ =	sdelay $0x3  }
0x36: {  	p1 =	seq.s32 s10, $0x1;
	s10 =	sld [smem:$0x3FB6];
	_ =	sdelay $0x3  }
0x37: {  	[smem:$0x3FB6] =	sst s10  }
0x38: {  	s10 =	sld [smem:$0x3FB7]  }
0x39: {  	_ = 	snop;
	(pc) =	sbr.ind lr, $3  }
0x3a: {  	_ = 	snop  }
0x3b: {  	_ = 	snop  }
0x3c: {  	p2 =	seq.s32 s10, $0x1;
	s10 =	sld [smem:$0x3FB6]  }
0x3d: {  	_ =	shalt  }
0x3e: {  	_ =	shalt  }
0x3f: {  	_ =	shalt  }
0x40: {  	_ =	shalt  }
0x41: {  	_ =	shalt  }
0x42: {  	_ =	shalt  }
0x43: {  	_ =	shalt  }
0x44: {  	_ =	shalt  }
0x45: {  	_ =	shalt  }
0x46: {  	_ =	shalt  }
0x47: {  	_ =	shalt  }
0x48: {  	_ =	shalt  }
0x49: {  	_ =	shalt  }
0x4a: {  	_ =	shalt  }
0x4b: {  	_ =	shalt  }
0x4c: {  	_ =	shalt  }
0x4d: {  	_ =	shalt  }
0x4e: {  	_ =	shalt  }
0x4f: {  	_ =	shalt  }
0x50: {  	_ =	shalt  }
0x51: {  	_ =	shalt  }
0x52: {  	_ =	shalt  }
0x53: {  	_ =	shalt  }
0x54: {  	_ =	shalt  }
0x55: {  	_ =	shalt  }
0x56: {  	_ =	shalt  }
0x57: {  	_ =	shalt  }
0x58: {  	_ =	shalt  }
0x59: {  	_ =	shalt  }
0x5a: {  	_ =	shalt  }
0x5b: {  	_ =	shalt  }
0x5c: {  	_ =	shalt  }
0x5d: {  	_ =	shalt  }
0x5e: {  	_ =	shalt  }
0x5f: {  	_ =	shalt  }
0x60: {  	_ =	shalt  }
0x61: {  	_ =	shalt  }
0x62: {  	_ =	shalt  }
0x63: {  	_ =	shalt  }
0x64: {  	_ =	shalt  }
0x65: {  	_ =	shalt  }
0x66: {  	_ =	shalt  }
0x67: {  	_ =	shalt  }
0x68: {  	_ =	shalt  }
0x69: {  	_ =	shalt  }
0x6a: {  	_ =	shalt  }
0x6b: {  	_ =	shalt  }
0x6c: {  	_ =	shalt  }
0x6d: {  	_ =	shalt  }
0x6e: {  	_ =	shalt  }
0x6f: {  	_ =	shalt  }
0x70: {  	_ =	shalt  }
0x71: {  	_ =	shalt  }
0x72: {  	_ =	shalt  }
0x73: {  	_ =	shalt  }
0x74: {  	_ =	shalt  }
0x75: {  	_ =	shalt  }
0x76: {  	_ =	shalt  }
0x77: {  	_ =	shalt  }
0x78: {  	_ =	shalt  }
0x79: {  	_ =	shalt  }
0x7a: {  	_ =	shalt  }
0x7b: {  	_ =	shalt  }
0x7c: {  	_ =	shalt  }
0x7d: {  	_ =	shalt  }
0x7e: {  	_ =	shalt  }
0x7f: {  	_ =	shalt  }
0x80: {  	_ =	shalt  }
0x81: {  	_ =	shalt  }
0x82: {  	_ =	shalt  }
0x83: {  	_ =	shalt  }
0x84: {  	_ =	shalt  }
0x85: {  	_ =	shalt  }
0x86: {  	_ =	shalt  }
0x87: {  	_ =	shalt  }
.Lfunc_end0:
.L_simem_size_0:
called_computation.2_lowered:
.L_overlay_start_0:
0x88: {  	s2 =	sld [smem:$0x3FD9]  }
0x89: {  	s3 =	sld [smem:$0x3FFE];
	_ =	sdelay $0x1  }
0x8a: {  	s1 =	srdreg.scid  }
0x8b: {  	s0 =	sand.u32 $0x1, s1  }
0x8c: {  	s17 =	sshll.u32 s0, $0xA;
	s2 =	sadd.s32 s3, s2  }
0x8d: {  	s2 =	sadd.s32 s2, s17  }
0x8e: {  	[smem:$0x3FC2] =	sst s2  }
0x8f: {  	_ = 	snop  }
0x90: {  	s2 =	sld [smem:$0x3FD0];
	(tm) =	ssettm $0x1  }
0x91: {  	s18 =	sld [smem:$0x3FFB];
	_ =	sdelay $0x3  }
0x92: {  	_ =	strace s18  }
0x93: {  	s3 =	sld [smem:$0x3FFC];
	_ =	sdelay $0x3  }
0x94: {  	_ =	strace s3  }
0x95: {  	s3 =	sld [smem:$0x3FFD];
	_ =	sdelay $0x3  }
0x96: {  	_ =	strace s3  }
0x97: {  	_ =	strace $0x8FFFFFFF  }
0x98: {  	s19 =	sld [smem:$0x3FDB];
	_ =	sdelay $0x1  }
0x99: {  	s4 =	simm.s32 $_scs_section_size  }
0x9a: {  	s5 =	simm.s32 $_size__tile_overlayer_lowered;
	s6 =	simm.s32 $_tile_overlayer_lowered  }
0x9b: {  	s22 =	simm.s32 $0x1BFF;
	s21 =	sshll.u32 s6, $0x1;
	s3 =	sadd.s32 s4, s19  }
0x9c: {  	s7 =	simm.s32 $0x0;
	s20 =	sshll.u32 s5, $0x1;
	s5 =	sadd.s32 s21, s3  }
0x9d: {  	[timem:s7], [sflag:s22] =	dma.local [hbm:s5], s20  }
0x9e: {  	_ =	swait.ge [sflag:s22], s20  }
0x9f: {  	s4 =	ssub.s32 $0x0, s20;
	[sflag:s22] =	ssyncset.done $0x0  }
0xa0: {  	[sflag:s22] =	ssyncadd.s32 s4;
	_ =	sdelay $0x1  }
0xa1: {  	s23 =	simm.s32 $0x1B8B  }
0xa2: {  	_ =	swait.ge [sflag:s23], $0x1  }
0xa3: {  	[sflag:s23] =	ssyncset.done $0x0  }
0xa4: {  	s25 =	simm.s32 $0x1B8E;
	s24 =	sld [smem:$0x3FFE];
	[sflag:s23] =	ssyncadd.s32 $0xFFFFFFFF  }
0xa5: {  	s26 =	simm.s32 $execute0_lowered;
	[smem:$0x3FD2] =	sst s25  }
0xa6: {  	s5 =	sshll.u32 s26, $0x1;
	_ =	strace $0x8000004C;
	[dreg:$0x1] =	wrdreg $0xFFFFFFFF  }
0xa7: {  	s28 =	simm.s32 $_size_execute0_lowered;
	s3 =	sadd.s32 s3, s5;
	[dreg:$0x0] =	wrdreg $0x0  }
0xa8: {  	s5 =	sshll.u32 s28, $0x1;
	[dreg:$0x2] =	wrdreg s3  }
0xa9: {  	[dreg:$0x3] =	wrdreg s5  }
0xaa: {  	[dreg:$0x4] =	wrdreg $0xC0  }
0xab: {  	_ =	task [dreg:s7], $0x5FFFF  }
0xac: {  	[dreg:$0x1] =	wrdreg $0xFFFFFFFF  }
0xad: {  	[dreg:$0x0] =	wrdreg $0x60  }
0xae: {  	[dreg:$0x2] =	wrdreg s2  }
0xaf: {  	[dreg:$0x3] =	wrdreg s24  }
0xb0: {  	[dreg:$0x4] =	wrdreg $0xC3000  }
0xb1: {  	[dreg:$0x5] =	wrdreg $0x9  }
0xb2: {  	_ =	task.clear_ibuf [dreg:s7], $0x6FFFF;
	_ =	strace $0x9000004C  }
0xb3: {  	s29 =	simm.s32 $0x9;
	_ =	strace $0x8000004E  }
0xb4: {  	_ =	swait.ge [sflag:s29], $0x1  }
0xb5: {  	[sflag:s29] =	ssyncadd.s32 $0xFFFFFFFF  }
0xb6: {  	_ =	strace $0x9000004E  }
0xb7: {  	_ =	sfence  }
0xb8: {  	s30 =	sld [smem:$0x0];
	_ =	sdelay $0x2  }
0xb9: {  	s31 =	sshll.u32 s1, $0xD;
	s1 =	sshrl.u32 s1, $0x2  }
0xba: {  	s3 =	sand.u32 $0x4000, s31;
	s1 =	sadd.s32 s1, s30  }
0xbb: {  	s0 =	sor.u32 s3, s0;
	s1 =	sshll.u32 s1, $0x11  }
0xbc: {  	s0 =	sor.u32 s1, s0  }
0xbd: {  	s0 =	sadd.s32 $0x8F2B, s0  }
0xbe: {  	[sflag:s0] =	ssyncadd.remote.s32 $0x1  }
0xbf: {  	_ =	sfence.sel $0xFFFF  }
0xc0: {  	[dreg:$0x0] =	wrdreg $0xFFFFFFFF;
	(pc) =	sbr.abs _section_cstart, $3  }
0xc1: {  	[dreg:$0x1] =	wrdreg $0xFFFFFFFF  }
0xc2: {  	_ =	task.clear_ibuf [dreg:s7], $0x2FFFF;
	_ =	strace $0x9FFFFFFF  }
0xc3: {  	(tm) =	ssettm $0x7FFFFFFF  }
tec
execute0_lowered:
.L_overlay_start_1:
0x0: {  	(tag) =	ssettag $0x1  }
0x1: {  	s0 =	rddreg [dreg:$0x0]  }
0x2: {  	s1 =	rddreg [dreg:$0x1]  }
0x3: {  	s2 =	srdreg.scid;
	s3 =	rddreg [dreg:$0x2]  }
0x4: {  	s11 =	stileid.u32;
	s4 =	simm.s32 $0x0;
	s28 =	simm.s32 $0x280  }
0x5: {  	s29 =	simm.s32 $0x1;
	s30 =	simm.s32 $0x2;
	s31 =	simm.s32 $0x6  }
0x6: {  	s2 =	sand.u32 $0x1, s2;
	s6 =	smul.u32 $0x13C00, s11;
	[smem:$0x7FF] =	sst s4  }
0x7: {  	s7 =	sadd.s32 $0x5B600, s1;
	s13 =	sadd.s32 $0x2600, s1;
	s8 =	smul.u32 $0x4F000, s11  }
0x8: {  	s9 =	sshll.u32 s11, $0x1;
	s24 =	smul.u32 $0xA00, s11;
	s11 =	simm.s32 $0x0  }
0x9: {  	s5 =	smul.u32 $0x13C000, s2;
	_ =	strace $0x8000004D;
	s14 =	ssub.s32 $0x2, s2  }
0xa: {  	s9 =	sor.u32 s2, s9;
	s25 =	smul.u32 $0x500, s2;
	s2 =	simm.s32 $0x8300  }
0xb: {  	s10 =	sshrl.u32 s14, $0x1;
	s8 =	sshrl.u32 s8, $0x2;
	s15 =	smul.u32 $0x500, s9  }
0xc: {  	s26 =	sadd.s32 s24, s7;
	s5 =	sadd.s32 s6, s5;
	s10 =	ssub.s32 s14, s10  }
0xd: {  	s6 =	sadd.s32 s24, s13;
	s5 =	sshrl.u32 s5, $0x3;
	s20 =	sadd.s32 s7, s15  }
0xe: {  	s21 =	sor.u32 $0x10, s15;
	s12 =	sadd.s32 s13, s15;
	[dreg:$0x8] =	wrdreg s20  }
0xf: {  	s1 =	sadd.s32 s5, s1;
	[dreg:$0x9] =	wrdreg s12;
	s22 =	sadd.s32 s7, s21  }
0x10: {  	s5 =	sadd.s32 s8, s3;
	s9 =	sadd.s32 s13, s21;
	[dreg:$0xa] =	wrdreg s22  }
0x11: {  	s24 =	simm.s32 $0x200;
	s16 =	sadd.s32 $0x4000, s5;
	[dreg:$0xb] =	wrdreg s9  }
0x12: {  	s8 =	sor.u32 $0x20, s15;
	s17 =	sadd.s32 $0x8000, s5;
	[dreg:$0x4] =	wrdreg s16  }
0x13: {  	s20 =	simm.s32 $0x300;
	s18 =	sadd.s32 $0xC000, s5;
	[dreg:$0x5] =	wrdreg s17  }
0x14: {  	s21 =	simm.s32 $0xA;
	s19 =	sadd.s32 $0x10000, s5;
	[dreg:$0x6] =	wrdreg s18  }
0x15: {  	s23 =	sadd.s32 s7, s8;
	s8 =	sadd.s32 s13, s8;
	[dreg:$0x7] =	wrdreg s19  }
0x16: {  	s1 =	sadd.s32 $0xC600, s1;
	s22 =	simm.s32 $0x180;
	[dreg:$0xc] =	wrdreg s23  }
.Ltmp0:
0x17: {  	s7 =	simm.s32 $0x7;
	[dreg:$0xd] =	wrdreg s8;
	(pc) =	sbr.rel .LBB2_1-.Ltmp0, $4  }
0x18: {  	s9 =	simm.s32 $0x5;
	[dreg:$0xe] =	wrdreg s1;
	s17 =	smax.u32 s10, $0x1  }
0x19: {  	s18 =	sadd.s32 s25, s26;
	s19 =	sadd.s32 s25, s6;
	s23 =	simm.s32 $0x80  }
0x1a: {  	s25 =	simm.s32 $0x4300;
	s26 =	simm.s32 $0x100;
	s1 =	simm.s32 $0x9  }
0x1b: {  	v0 =	vimm.f32 $0.0e+00;
	s6 =	simm.s32 $0x4;
	s8 =	simm.s32 $0x3;
	s10 =	simm.s32 $0x8  }
.LBB2_8:
0x1c: {  	[spmem:s3] =	stream.indirect.scatter.add.f32 [tilespmem:s20], [sflag:$0xA], $0x80, s22, s23, $0xb8;
	[tilespmem:$0x1FF00] =	vst v63  }
0x1d: {  	_ =	swait.ge [sflag:s21], $0x4000  }
0x1e: {  	[sflag:s21] =	ssyncset.done $0x0  }
0x1f: {  	[sflag:s21] =	ssyncadd.s32 $0xFFFFC000  }
0x20: {  	_ =	swait.ge [sflag:s30], $0x4000  }
0x21: {  	[sflag:s30] =	ssyncset.done $0x0  }
0x22: {  	[sflag:s30] =	ssyncadd.s32 $0xFFFFC000  }
0x23: {  	[spmem:s3] =	stream.indirect.scatter.add.f32 [tilespmem:s25], [sflag:$0xA], $0x80, s24, s23, $0xb8;
	[tilespmem:$0x1FF00] =	vst v63  }
0x24: {  	_ =	swait.ge [sflag:s21], $0x4000  }
0x25: {  	[sflag:s21] =	ssyncset.done $0x0  }
0x26: {  	[sflag:s21] =	ssyncadd.s32 $0xFFFFC000  }
.LBB2_6:
0x27: {  	s12 =	stileid.u32;
	[bflag:$0x0] =	sbarrier.arrive $0xFFFF;
	s11 =	sadd.s32 $0x1, s11  }
0x28: {  	s13 =	sshrl.u32 s5, $0x3;
	s12 =	sshll.u32 s12, $0x6;
	p0 =	sne.s32 s11, s17  }
.Ltmp1:
0x29: {  	s14 =	rddreg [dreg:$0xe];
	s12 =	sor.u32 $0x1C0A, s12;
	(pc) =	sbr.rel @!p0 .LBB2_7-.Ltmp1, $4  }
0x2a: {  	[hbm:s14], [sflag:s12] =	dma.local [spmem:s13], $0x2780  }
0x2b: {  	_ =	swait.ge [sflag:s21], $0x2780  }
0x2c: {  	[sflag:s21] =	ssyncset.done $0x0  }
0x2d: {  	[sflag:s21] =	ssyncadd.s32 $0xFFFFD880  }
.LBB2_1:
0x2e: {  	s12 =	sand.u32 $0xFE00, s4  }
0x2f: {  	s13 =	sand.u32 $0x70, s4;
	s14 =	sshrl.u32 s12, $0x2  }
0x30: {  	s12 =	simm.s32 $0x40;
	s14 =	sor.u32 s13, s14;
	s13 =	simm.s32 $0x0  }
.LBB2_2:
0x31: {  	p0 =	sne.s32 s12, $0xFFC0  }
0x32: {  	[tilespmem:s14+$0x300] =	vst v0;
	s13 =	sadd.s32 $0x10, s13;
	s14 =	smov.u32 s12;
	s12 =	sadd.s32 $0x40, s12  }
.Ltmp2:
0x33: {  	(pc) =	sbr.rel @p0 .LBB2_2-.Ltmp2, $4  }
0x34: {  	_ = 	snop  }
0x35: {  	s14 =	sand.u32 $0xFE00, s14  }
0x36: {  	s15 =	sand.u32 $0x70, s13;
	s14 =	sshrl.u32 s14, $0x2  }
0x37: {  	s14 =	sor.u32 s15, s14  }
0x38: {  	[tilespmem:s14+$0x300] =	vst v0  }
0x39: {  	[spmem:s5] =	stream.linear.scatter [tilespmem:s20], [sflag:$0xA], $0x4000, $0x38;
	[tilespmem:$0x1FF00] =	vst v63  }
0x3a: {  	_ =	swait.ge [sflag:s21], $0x4000  }
0x3b: {  	[sflag:s21] =	ssyncset.done $0x0  }
0x3c: {  	s12 =	rddreg [dreg:$0x4];
	[sflag:s21] =	ssyncadd.s32 $0xFFFFC000  }
0x3d: {  	[spmem:s12] =	stream.linear.scatter [tilespmem:s20], [sflag:$0xA], $0x4000, $0x38;
	[tilespmem:$0x1FF00] =	vst v63  }
0x3e: {  	_ =	swait.ge [sflag:s21], $0x4000  }
0x3f: {  	[sflag:s21] =	ssyncset.done $0x0  }
0x40: {  	s16 =	rddreg [dreg:$0x5];
	[sflag:s21] =	ssyncadd.s32 $0xFFFFC000  }
0x41: {  	[spmem:s16] =	stream.linear.scatter [tilespmem:s20], [sflag:$0xA], $0x4000, $0x38;
	[tilespmem:$0x1FF00] =	vst v63  }
0x42: {  	_ =	swait.ge [sflag:s21], $0x4000  }
0x43: {  	[sflag:s21] =	ssyncset.done $0x0  }
0x44: {  	s13 =	rddreg [dreg:$0x6];
	[sflag:s21] =	ssyncadd.s32 $0xFFFFC000  }
0x45: {  	[spmem:s13] =	stream.linear.scatter [tilespmem:s20], [sflag:$0xA], $0x4000, $0x38;
	[tilespmem:$0x1FF00] =	vst v63  }
0x46: {  	_ =	swait.ge [sflag:s21], $0x4000  }
0x47: {  	[sflag:s21] =	ssyncset.done $0x0  }
0x48: {  	s14 =	rddreg [dreg:$0x7];
	[sflag:s21] =	ssyncadd.s32 $0xFFFFC000  }
0x49: {  	[spmem:s14] =	stream.linear.scatter [tilespmem:s20], [sflag:$0xA], $0x3C00, $0x38;
	[tilespmem:$0x1FF00] =	vst v63  }
0x4a: {  	_ =	swait.ge [sflag:s21], $0x3C00  }
0x4b: {  	[sflag:s21] =	ssyncset.done $0x0  }
0x4c: {  	[sflag:s21] =	ssyncadd.s32 $0xFFFFC400  }
0x4d: {  	[bflag:$0x0] =	sbarrier.arrive $0xFFFF  }
0x4e: {  	s12 =	simm.s32 $0x0;
	s13 =	rddreg [dreg:$0x8]  }
0x4f: {  	[tilespmem:s12], [sflag:$0xA] =	stream.linear.gather [hbm4b:s13+s12], $0x80, $0x38;
	[tilespmem:$0x1FF00] =	vst v63  }
0x50: {  	_ =	swait.ge [sflag:s21], $0x80  }
0x51: {  	[sflag:s21] =	ssyncset.done $0x0  }
0x52: {  	s15 =	rddreg [dreg:$0x9];
	[sflag:s21] =	ssyncadd.s32 $0xFFFFFF80  }
0x53: {  	[tilespmem:s22], [sflag:$0xA] =	stream.linear.gather [hbm4b:s15+s12], $0x80, $0x38;
	[tilespmem:$0x1FF00] =	vst v63  }
0x54: {  	_ =	swait.ge [sflag:s21], $0x80  }
0x55: {  	[sflag:s21] =	ssyncset.done $0x0  }
0x56: {  	s16 =	rddreg [dreg:$0xa];
	[sflag:s21] =	ssyncadd.s32 $0xFFFFFF80  }
0x57: {  	[tilespmem:s23], [sflag:$0xA] =	stream.linear.gather [hbm4b:s16+s12], $0x80, $0x38;
	[tilespmem:$0x1FF00] =	vst v63  }
0x58: {  	_ =	swait.ge [sflag:s21], $0x80  }
0x59: {  	[sflag:s21] =	ssyncset.done $0x0  }
0x5a: {  	s14 =	rddreg [dreg:$0xb];
	[sflag:s21] =	ssyncadd.s32 $0xFFFFFF80  }
0x5b: {  	[tilespmem:s24], [sflag:$0xA] =	stream.linear.gather [hbm4b:s14+s12], $0x80, $0x38;
	[tilespmem:$0x1FF00] =	vst v63  }
0x5c: {  	_ =	swait.ge [sflag:s21], $0x80  }
0x5d: {  	[sflag:s21] =	ssyncset.done $0x0  }
0x5e: {  	[sflag:s21] =	ssyncadd.s32 $0xFFFFFF80  }
0x5f: {  	[tilespmem:s20], [sflag:$0x1] =	stream.indirect.gather [hbm4b:s0+s23], $0x80, s12, s23, $0xb8;
	[tilespmem:$0x1FF00] =	vst v63  }
0x60: {  	_ = 	snop  }
0x61: {  	[tilespmem:s25], [sflag:$0x2] =	stream.indirect.gather [hbm4b:s0+s23], $0x80, s23, s23, $0xb8;
	[tilespmem:$0x1FF00] =	vst v63  }
0x62: {  	s15 =	rddreg [dreg:$0xc]  }
0x63: {  	[tilespmem:s26], [sflag:$0x6] =	stream.linear.gather [hbm4b:s15+s12], $0x80, $0x38;
	[tilespmem:$0x1FF00] =	vst v63  }
0x64: {  	s13 =	simm.s32 $0x0;
	s16 =	rddreg [dreg:$0xd]  }
0x65: {  	[tilespmem:s28], [sflag:$0x9] =	stream.linear.gather [hbm4b:s16+s12], $0x80, $0x38;
	[tilespmem:$0x1FF00] =	vst v63  }
.LBB2_4:
0x66: {  	p0 =	seq.s32 s12, $0x4E0  }
.Ltmp3:
0x67: {  	_ = 	snop;
	(pc) =	sbr.rel @p0 .LBB2_8-.Ltmp3, $4  }
0x68: {  	_ = 	snop  }
0x69: {  	_ =	swait.ge [sflag:s29], $0x4000  }
0x6a: {  	[sflag:s29] =	ssyncset.done $0x0  }
0x6b: {  	[sflag:s29] =	ssyncadd.s32 $0xFFFFC000  }
0x6c: {  	_ =	swait.ge [sflag:s31], $0x80  }
0x6d: {  	[sflag:s31] =	ssyncset.done $0x0  }
0x6e: {  	[sflag:s31] =	ssyncadd.s32 $0xFFFFFF80  }
0x6f: {  	_ =	swait.ge [sflag:s1], $0x80  }
0x70: {  	[sflag:s1] =	ssyncset.done $0x0  }
0x71: {  	[sflag:s1] =	ssyncadd.s32 $0xFFFFFF80  }
0x72: {  	[tilespmem:s2], [sflag:$0x3] =	stream.indirect.gather [hbm4b:s0+s23], $0x80, s26, s23, $0xb8;
	[tilespmem:$0x1FF00] =	vst v63  }
0x73: {  	_ = 	snop  }
0x74: {  	[spmem:s3] =	stream.indirect.scatter.add.f32 [tilespmem:s20], [sflag:$0xA], $0x80, s22, s23, $0xb8;
	[tilespmem:$0x1FF00] =	vst v63  }
0x75: {  	_ =	swait.ge [sflag:s21], $0x4000  }
0x76: {  	s14 =	sadd.s32 s12, s18;
	[sflag:s21] =	ssyncset.done $0x0  }
0x77: {  	s15 =	sadd.s32 $0x30, s14;
	[sflag:s21] =	ssyncadd.s32 $0xFFFFC000  }
0x78: {  	[tilespmem:s4], [sflag:$0x4] =	stream.linear.gather [hbm4b:s15+s4], $0x80, $0x38;
	[tilespmem:$0x1FF00] =	vst v63  }
0x79: {  	s15 =	sadd.s32 s12, s19  }
0x7a: {  	s16 =	sadd.s32 $0x30, s15  }
0x7b: {  	[tilespmem:s22], [sflag:$0x7] =	stream.linear.gather [hbm4b:s16+s4], $0x80, $0x38;
	[tilespmem:$0x1FF00] =	vst v63  }
0x7c: {  	_ =	swait.ge [sflag:s30], $0x4000  }
0x7d: {  	[sflag:s30] =	ssyncset.done $0x0  }
0x7e: {  	[sflag:s30] =	ssyncadd.s32 $0xFFFFC000  }
0x7f: {  	_ =	swait.ge [sflag:s6], $0x80  }
0x80: {  	[sflag:s6] =	ssyncset.done $0x0  }
0x81: {  	[sflag:s6] =	ssyncadd.s32 $0xFFFFFF80  }
0x82: {  	_ =	swait.ge [sflag:s7], $0x80  }
0x83: {  	[sflag:s7] =	ssyncset.done $0x0  }
0x84: {  	[sflag:s7] =	ssyncadd.s32 $0xFFFFFF80  }
0x85: {  	[tilespmem:s20], [sflag:$0x1] =	stream.indirect.gather [hbm4b:s0+s23], $0x80, s4, s23, $0xb8;
	[tilespmem:$0x1FF00] =	vst v63  }
0x86: {  	_ = 	snop  }
0x87: {  	[spmem:s3] =	stream.indirect.scatter.add.f32 [tilespmem:s25], [sflag:$0xA], $0x80, s24, s23, $0xb8;
	[tilespmem:$0x1FF00] =	vst v63  }
0x88: {  	_ =	swait.ge [sflag:s21], $0x4000  }
0x89: {  	[sflag:s21] =	ssyncset.done $0x0  }
0x8a: {  	s14 =	sadd.s32 $0x40, s14;
	[sflag:s21] =	ssyncadd.s32 $0xFFFFC000  }
0x8b: {  	[tilespmem:s23], [sflag:$0x5] =	stream.linear.gather [hbm4b:s14+s4], $0x80, $0x38;
	[tilespmem:$0x1FF00] =	vst v63  }
0x8c: {  	s16 =	sadd.s32 $0x40, s15  }
0x8d: {  	[tilespmem:s24], [sflag:$0x8] =	stream.linear.gather [hbm4b:s16+s4], $0x80, $0x38;
	[tilespmem:$0x1FF00] =	vst v63  }
0x8e: {  	_ =	swait.ge [sflag:s8], $0x4000  }
0x8f: {  	[sflag:s8] =	ssyncset.done $0x0  }
0x90: {  	[sflag:s8] =	ssyncadd.s32 $0xFFFFC000  }
0x91: {  	_ =	swait.ge [sflag:s9], $0x80  }
0x92: {  	[sflag:s9] =	ssyncset.done $0x0  }
0x93: {  	[sflag:s9] =	ssyncadd.s32 $0xFFFFFF80  }
0x94: {  	_ =	swait.ge [sflag:s10], $0x80  }
0x95: {  	[sflag:s10] =	ssyncset.done $0x0  }
0x96: {  	[sflag:s10] =	ssyncadd.s32 $0xFFFFFF80  }
0x97: {  	[tilespmem:s25], [sflag:$0x2] =	stream.indirect.gather [hbm4b:s0+s23], $0x80, s23, s23, $0xb8;
	[tilespmem:$0x1FF00] =	vst v63  }
0x98: {  	_ = 	snop  }
0x99: {  	[spmem:s3] =	stream.indirect.scatter.add.f32 [tilespmem:s2], [sflag:$0xA], $0x80, s28, s23, $0xb8;
	[tilespmem:$0x1FF00] =	vst v63  }
0x9a: {  	p0 =	sgt.u32 s13, $0x18;
	_ =	swait.ge [sflag:s21], $0x4000  }
0x9b: {  	s15 =	simm.s32 @!p0 $0x0;
	s14 =	sadd.s32 @!p0 s12, s18;
	[sflag:s21] =	ssyncset.done $0x0  }
0x9c: {  	s14 =	sadd.s32 @!p0 $0x50, s14;
	s16 =	simm.s32 @!p0 $0x100;
	[sflag:s21] =	ssyncadd.s32 $0xFFFFC000  }
0x9d: {  	[tilespmem:s16], [sflag:$0x6] =	stream.linear.gather @!p0 [hbm4b:s14+s15], $0x80, $0x38;
	[tilespmem:$0x1FF00] =	vst v63  }
0x9e: {  	s14 =	sadd.s32 @!p0 s12, s19  }
0x9f: {  	s16 =	simm.s32 @!p0 $0x280;
	s12 =	sadd.s32 $0x30, s12;
	s14 =	sadd.s32 @!p0 $0x50, s14  }
0xa0: {  	[tilespmem:s16], [sflag:$0x9] =	stream.linear.gather @!p0 [hbm4b:s14+s15], $0x80, $0x38;
	[tilespmem:$0x1FF00] =	vst v63  }
0xa1: {  	p0 =	sne.s32 s12, $0x510  }
.Ltmp4:
0xa2: {  	_ = 	snop;
	(pc) =	sbr.rel @p0 .LBB2_4-.Ltmp4, $4  }
.Ltmp5:
0xa3: {  	_ = 	snop;
	(pc) =	sbr.rel @!p0 .LBB2_6-.Ltmp5, $4  }
0xa4: {  	_ = 	snop  }
0xa5: {  	_ = 	snop  }
0xa6: {  	s13 =	sadd.s32 $0x1, s13  }
0xa7: {  	_ = 	snop  }
.LBB2_7:
0xa8: {  	_ =	sfence.sel $0x180000  }
0xa9: {  	[bflag:$0x0] =	sbarrier.arrive $0xFFFF  }
0xaa: {  	_ =	strace $0x9000004D  }
0xab: {  	s0 =	stileid.u32;
	[bflag:$0x2] =	sbarrier.arrive $0xFFFF  }
0xac: {  	p0 =	sne.s32 s0, $0x0;
	s0 =	rddreg [dreg:$0x3]  }
0xad: {  	s0 =	sadd.s32 @!p0 $0x100000, s0  }
0xae: {  	[sflag:s0] =	ssyncadd.tile.s32 @!p0 $0x1;
	_ =	shalt  }
.Lfunc_end2:
_tile_overlayer_lowered:
.L_overlay_start_2:
0xaf: {  	(tag) =	ssettag $0x2  }
0xb0: {  	s0 =	rddreg [dreg:$0x0];
	s2 =	stileid.u32  }
0xb1: {  	s1 =	rddreg [dreg:$0x1];
	p0 =	sne.s32 s2, $0x0  }
0xb2: {  	s3 =	rddreg [dreg:$0x2];
	[bflag:$0x3] =	sbarrier.arrive $0xFFFF;
	s2 =	simm.s32 @!p0 $0x1C0A  }
0xb3: {  	[timem:s3], [sflag:s2] =	dma.local @!p0 [hbm:s0], s1  }
0xb4: {  	s0 =	simm.s32 @!p0 $0xA  }
0xb5: {  	_ =	swait.ge @!p0 [sflag:s0], s1  }
0xb6: {  	s1 =	ssub.s32 @!p0 $0x0, s1;
	[sflag:s0] =	ssyncset.done @!p0 $0x0  }
0xb7: {  	[sflag:s0] =	ssyncadd.s32 @!p0 s1  }
0xb8: {  	[bflag:$0x3] =	sbarrier.arrive $0xFFFF  }
0xb9: {  	_ =	shalt  }

// kernel: kernel.8.cloned.1.call-start
scs
__scs_entry_jumppad:
0x0: {  	(pc) =	sbr.rel $0x88, $3  }
0x1: {  	(tag) =	ssettag $0x0;
	lr =	simm.s32 $0x1  }
0x2: {  	[smem:$0x3F9B] =	sst lr;
	_ =	strace $0xD0000000  }
0x3: {  	_ = 	snop  }
0x4: {  	_ = 	snop  }
0x5: {  	_ = 	snop  }
0x6: {  	_ = 	snop  }
0x7: {  	_ = 	snop  }
__scs_overlays_trampoline_lowered:
0x8: {  	[smem:$0x3FAA] =	sst s0  }
0x9: {  	[smem:$0x3FAB] =	sst s1  }
0xa: {  	[smem:$0x3FAC] =	sst s2  }
0xb: {  	[smem:$0x3FAD] =	sst s3  }
0xc: {  	[smem:$0x3FAE] =	sst s4  }
0xd: {  	[smem:$0x3FAF] =	sst s5  }
0xe: {  	[smem:$0x3FB0] =	sst s6  }
0xf: {  	[smem:$0x3FB1] =	sst s7  }
0x10: {  	[smem:$0x3FB2] =	sst s8  }
0x11: {  	[smem:$0x3FB3] =	sst s9;
	s0 =	simm.s32 @!p0 $0x0  }
0x12: {  	s1 =	sld [smem:$0x3F99];
	s0 =	simm.s32 @p0 $0x1  }
0x13: {  	[smem:$0x3FB4] =	sst s0;
	s0 =	simm.s32 @!p1 $0x0  }
0x14: {  	s2 =	sld [smem:$0x3F98];
	s0 =	simm.s32 @p1 $0x1  }
0x15: {  	[smem:$0x3FB5] =	sst s0;
	s0 =	simm.s32 @!p2 $0x0  }
0x16: {  	s3 =	sld [smem:$0x3FDB];
	s0 =	simm.s32 @p2 $0x1  }
0x17: {  	s4 =	simm.s32 $0x1BF5;
	[smem:$0x3FB7] =	sst s0  }
0x18: {  	s0 =	sld [smem:$0x3F9A];
	_ =	swait.ge [sflag:s4], $0x0  }
0x19: {  	s7 =	sld [smem:$0x3F9B]  }
0x1a: {  	s8 =	sadd.s32 $0xFFFFE003, lr  }
0x1b: {  	s9 =	sadd.s32 $0xFFFFFEF7, lr;
	s5 =	simm.s32 $0xFFFFFFFF;
	p2 =	slt.u32 s8, $0xFFFFF086  }
0x1c: {  	p1 =	slt.u32 s9, $0xF7A;
	s5 =	simm.s32 @!p2 $0x0  }
0x1d: {  	s5 =	simm.s32 @p1 $0x1;
	p0 =	seq.s32 s7, s2  }
0x1e: {  	s7 =	smul.u32 @!p0 $0xF7A, s2;
	p2 =	seq.s32 @!p0 s5, $0x0  }
0x1f: {  	s9 =	smul.u32 $0xF7A, s1;
	s8 =	simm.s32 @!p0 $0x1BF5;
	p2 =	por !p2, p0  }
0x20: {  	[sflag:s8] =	ssyncset.s32 @!p0 $0xFFFFF086;
	s6 =	sadd.s32 @!p0 s3, s7;
	s7 =	simm.s32 @!p0 $0x108  }
0x21: {  	s3 =	sadd.s32 s3, s9;
	s6 =	sadd.s32 @!p0 $0x88, s6;
	s7 =	simm.s32 @p2 $0x1082  }
0x22: {  	[simem:s7], [sflag:s8] =	dma.local @!p0 [hbm:s6], $0xF7A  }
0x23: {  	s9 =	sor.u32 $0xD0000000, s2;
	s6 =	simm.s32 $0x108;
	_ =	swait.ge @!p0 [sflag:s8], $0x0  }
0x24: {  	s3 =	sadd.s32 $0x88, s3;
	s6 =	simm.s32 @!p1 $0x1082;
	[sflag:s4] =	ssyncset.s32 $0xFFFFF086  }
0x25: {  	[simem:s6], [sflag:s4] =	dma.local [hbm:s3], $0xF7A  }
0x26: {  	[smem:$0x3F9B] =	sst s1;
	(tag) =	ssettag s2;
	_ =	strace s9  }
0x27: {  	s1 =	sld [smem:$0x3FAB]  }
0x28: {  	s2 =	sld [smem:$0x3FAC]  }
0x29: {  	s4 =	sld [smem:$0x3FAE]  }
0x2a: {  	p0 =	seq.s32 s5, $0x0;
	s5 =	sld [smem:$0x3FAF]  }
0x2b: {  	s6 =	sld [smem:$0x3FB0]  }
0x2c: {  	s7 =	sld [smem:$0x3FB1]  }
0x2d: {  	s3 =	simm.s32 $0x108;
	s8 =	sld [smem:$0x3FB2]  }
0x2e: {  	s3 =	simm.s32 @!p0 $0x1082;
	s9 =	sld [smem:$0x3FB3]  }
0x2f: {  	lr =	sadd.s32 s0, s3;
	s0 =	sld [smem:$0x3FAA]  }
0x30: {  	s3 =	sld [smem:$0x3FAD]  }
0x31: {  	[smem:$0x3FB6] =	sst s10  }
0x32: {  	s10 =	sld [smem:$0x3FB4];
	_ =	sdelay $0x3  }
0x33: {  	p0 =	seq.s32 s10, $0x1;
	s10 =	sld [smem:$0x3FB6];
	_ =	sdelay $0x3  }
0x34: {  	[smem:$0x3FB6] =	sst s10  }
0x35: {  	s10 =	sld [smem:$0x3FB5];
	_ =	sdelay $0x3  }
0x36: {  	p1 =	seq.s32 s10, $0x1;
	s10 =	sld [smem:$0x3FB6];
	_ =	sdelay $0x3  }
0x37: {  	[smem:$0x3FB6] =	sst s10  }
0x38: {  	s10 =	sld [smem:$0x3FB7]  }
0x39: {  	_ = 	snop;
	(pc) =	sbr.ind lr, $3  }
0x3a: {  	_ = 	snop  }
0x3b: {  	_ = 	snop  }
0x3c: {  	p2 =	seq.s32 s10, $0x1;
	s10 =	sld [smem:$0x3FB6]  }
0x3d: {  	_ =	shalt  }
0x3e: {  	_ =	shalt  }
0x3f: {  	_ =	shalt  }
0x40: {  	_ =	shalt  }
0x41: {  	_ =	shalt  }
0x42: {  	_ =	shalt  }
0x43: {  	_ =	shalt  }
0x44: {  	_ =	shalt  }
0x45: {  	_ =	shalt  }
0x46: {  	_ =	shalt  }
0x47: {  	_ =	shalt  }
0x48: {  	_ =	shalt  }
0x49: {  	_ =	shalt  }
0x4a: {  	_ =	shalt  }
0x4b: {  	_ =	shalt  }
0x4c: {  	_ =	shalt  }
0x4d: {  	_ =	shalt  }
0x4e: {  	_ =	shalt  }
0x4f: {  	_ =	shalt  }
0x50: {  	_ =	shalt  }
0x51: {  	_ =	shalt  }
0x52: {  	_ =	shalt  }
0x53: {  	_ =	shalt  }
0x54: {  	_ =	shalt  }
0x55: {  	_ =	shalt  }
0x56: {  	_ =	shalt  }
0x57: {  	_ =	shalt  }
0x58: {  	_ =	shalt  }
0x59: {  	_ =	shalt  }
0x5a: {  	_ =	shalt  }
0x5b: {  	_ =	shalt  }
0x5c: {  	_ =	shalt  }
0x5d: {  	_ =	shalt  }
0x5e: {  	_ =	shalt  }
0x5f: {  	_ =	shalt  }
0x60: {  	_ =	shalt  }
0x61: {  	_ =	shalt  }
0x62: {  	_ =	shalt  }
0x63: {  	_ =	shalt  }
0x64: {  	_ =	shalt  }
0x65: {  	_ =	shalt  }
0x66: {  	_ =	shalt  }
0x67: {  	_ =	shalt  }
0x68: {  	_ =	shalt  }
0x69: {  	_ =	shalt  }
0x6a: {  	_ =	shalt  }
0x6b: {  	_ =	shalt  }
0x6c: {  	_ =	shalt  }
0x6d: {  	_ =	shalt  }
0x6e: {  	_ =	shalt  }
0x6f: {  	_ =	shalt  }
0x70: {  	_ =	shalt  }
0x71: {  	_ =	shalt  }
0x72: {  	_ =	shalt  }
0x73: {  	_ =	shalt  }
0x74: {  	_ =	shalt  }
0x75: {  	_ =	shalt  }
0x76: {  	_ =	shalt  }
0x77: {  	_ =	shalt  }
0x78: {  	_ =	shalt  }
0x79: {  	_ =	shalt  }
0x7a: {  	_ =	shalt  }
0x7b: {  	_ =	shalt  }
0x7c: {  	_ =	shalt  }
0x7d: {  	_ =	shalt  }
0x7e: {  	_ =	shalt  }
0x7f: {  	_ =	shalt  }
0x80: {  	_ =	shalt  }
0x81: {  	_ =	shalt  }
0x82: {  	_ =	shalt  }
0x83: {  	_ =	shalt  }
0x84: {  	_ =	shalt  }
0x85: {  	_ =	shalt  }
0x86: {  	_ =	shalt  }
0x87: {  	_ =	shalt  }
.Lfunc_end0:
.L_simem_size_0:
called_computation_lowered:
.L_overlay_start_0:
0x88: {  	s2 =	sld [smem:$0x3FD9]  }
0x89: {  	s3 =	sld [smem:$0x3FFE];
	_ =	sdelay $0x1  }
0x8a: {  	s1 =	srdreg.scid  }
0x8b: {  	s0 =	sand.u32 $0x1, s1  }
0x8c: {  	s17 =	sshll.u32 s0, $0xA;
	s2 =	sadd.s32 s3, s2  }
0x8d: {  	s2 =	sadd.s32 s2, s17  }
0x8e: {  	[smem:$0x3FC2] =	sst s2  }
0x8f: {  	_ = 	snop  }
0x90: {  	s2 =	sld [smem:$0x3FD0];
	(tm) =	ssettm $0x1  }
0x91: {  	s18 =	sld [smem:$0x3FFB];
	_ =	sdelay $0x3  }
0x92: {  	_ =	strace s18  }
0x93: {  	s3 =	sld [smem:$0x3FFC];
	_ =	sdelay $0x3  }
0x94: {  	_ =	strace s3  }
0x95: {  	s3 =	sld [smem:$0x3FFD];
	_ =	sdelay $0x3  }
0x96: {  	_ =	strace s3  }
0x97: {  	_ =	strace $0x8FFFFFFF  }
0x98: {  	s19 =	sld [smem:$0x3FDB];
	_ =	sdelay $0x1  }
0x99: {  	s4 =	simm.s32 $_scs_section_size  }
0x9a: {  	s5 =	simm.s32 $_size__tile_overlayer_lowered;
	s6 =	simm.s32 $_tile_overlayer_lowered  }
0x9b: {  	s22 =	simm.s32 $0x1BFF;
	s21 =	sshll.u32 s6, $0x1;
	s3 =	sadd.s32 s4, s19  }
0x9c: {  	s7 =	simm.s32 $0x0;
	s20 =	sshll.u32 s5, $0x1;
	s5 =	sadd.s32 s21, s3  }
0x9d: {  	[timem:s7], [sflag:s22] =	dma.local [hbm:s5], s20  }
0x9e: {  	_ =	swait.ge [sflag:s22], s20  }
0x9f: {  	s4 =	ssub.s32 $0x0, s20;
	[sflag:s22] =	ssyncset.done $0x0  }
0xa0: {  	[sflag:s22] =	ssyncadd.s32 s4;
	_ =	sdelay $0x1  }
0xa1: {  	s23 =	simm.s32 $0x1B8B  }
0xa2: {  	_ =	swait.ge [sflag:s23], $0x1  }
0xa3: {  	[sflag:s23] =	ssyncset.done $0x0  }
0xa4: {  	s25 =	simm.s32 $0x1B8E;
	s24 =	sld [smem:$0x3FFE];
	[sflag:s23] =	ssyncadd.s32 $0xFFFFFFFF  }
0xa5: {  	s26 =	simm.s32 $execute0_lowered;
	[smem:$0x3FD2] =	sst s25  }
0xa6: {  	s5 =	sshll.u32 s26, $0x1;
	_ =	strace $0x80000046;
	[dreg:$0x1] =	wrdreg $0xFFFFFFFF  }
0xa7: {  	s28 =	simm.s32 $_size_execute0_lowered;
	s3 =	sadd.s32 s3, s5;
	[dreg:$0x0] =	wrdreg $0x0  }
0xa8: {  	s5 =	sshll.u32 s28, $0x1;
	[dreg:$0x2] =	wrdreg s3  }
0xa9: {  	[dreg:$0x3] =	wrdreg s5  }
0xaa: {  	[dreg:$0x4] =	wrdreg $0xC0  }
0xab: {  	_ =	task [dreg:s7], $0x5FFFF  }
0xac: {  	[dreg:$0x1] =	wrdreg $0xFFFFFFFF  }
0xad: {  	[dreg:$0x0] =	wrdreg $0x60  }
0xae: {  	[dreg:$0x2] =	wrdreg s2  }
0xaf: {  	[dreg:$0x3] =	wrdreg s24  }
0xb0: {  	[dreg:$0x4] =	wrdreg $0xA8000  }
0xb1: {  	[dreg:$0x5] =	wrdreg $0x9  }
0xb2: {  	_ =	task.clear_ibuf [dreg:s7], $0x6FFFF;
	_ =	strace $0x90000046  }
0xb3: {  	s29 =	simm.s32 $0x9;
	_ =	strace $0x80000048  }
0xb4: {  	_ =	swait.ge [sflag:s29], $0x1  }
0xb5: {  	[sflag:s29] =	ssyncadd.s32 $0xFFFFFFFF  }
0xb6: {  	_ =	strace $0x90000048  }
0xb7: {  	_ =	sfence  }
0xb8: {  	s30 =	sld [smem:$0x0];
	_ =	sdelay $0x2  }
0xb9: {  	s31 =	sshll.u32 s1, $0xD;
	s1 =	sshrl.u32 s1, $0x2  }
0xba: {  	s3 =	sand.u32 $0x4000, s31;
	s1 =	sadd.s32 s1, s30  }
0xbb: {  	s0 =	sor.u32 s3, s0;
	s1 =	sshll.u32 s1, $0x11  }
0xbc: {  	s0 =	sor.u32 s1, s0  }
0xbd: {  	s0 =	sadd.s32 $0x8F2B, s0  }
0xbe: {  	[sflag:s0] =	ssyncadd.remote.s32 $0x1  }
0xbf: {  	_ =	sfence.sel $0xFFFF  }
0xc0: {  	[dreg:$0x0] =	wrdreg $0xFFFFFFFF;
	(pc) =	sbr.abs _section_cstart, $3  }
0xc1: {  	[dreg:$0x1] =	wrdreg $0xFFFFFFFF  }
0xc2: {  	_ =	task.clear_ibuf [dreg:s7], $0x2FFFF;
	_ =	strace $0x9FFFFFFF  }
0xc3: {  	(tm) =	ssettm $0x7FFFFFFF  }
tec
execute0_lowered:
.L_overlay_start_1:
0x0: {  	(tag) =	ssettag $0x1  }
0x1: {  	s9 =	rddreg [dreg:$0x0]  }
0x2: {  	s6 =	rddreg [dreg:$0x1]  }
0x3: {  	s2 =	rddreg [dreg:$0x2]  }
0x4: {  	s0 =	srdreg.scid;
	s1 =	rddreg [dreg:$0x3]  }
0x5: {  	s3 =	simm.s32 $0x0;
	s13 =	simm.s32 $0x1;
	s4 =	sand.u32 $0x1, s0  }
0x6: {  	s14 =	simm.s32 $0x80;
	s0 =	stileid.u32;
	s5 =	smul.u32 $0x13C000, s4  }
0x7: {  	s15 =	simm.s32 $0x2800;
	[smem:$0x7FF] =	sst s3;
	s7 =	smul.u32 $0x13C00, s0  }
0x8: {  	s26 =	smul.u32 $0x4F000, s0;
	_ =	strace $0x80000047;
	s28 =	sshll.u32 s0, $0x1  }
0x9: {  	s29 =	ssub.s32 $0x2, s4;
	s16 =	sshll.u32 s0, $0x6;
	s5 =	sadd.s32 s7, s5  }
0xa: {  	s31 =	sshrl.u32 s29, $0x1;
	s16 =	sor.u32 $0x1C01, s16;
	s5 =	sshrl.u32 s5, $0x3  }
0xb: {  	s30 =	sshrl.u32 s26, $0x2;
	s10 =	sadd.s32 s5, s6;
	s5 =	sor.u32 s4, s28  }
0xc: {  	s12 =	ssub.s32 s29, s31;
	s4 =	sadd.s32 s30, s2;
	s11 =	smul.u32 $0x500, s5  }
0xd: {  	s5 =	sadd.s32 $0x4000, s4;
	s6 =	sadd.s32 $0x8000, s4;
	s7 =	sadd.s32 $0xC000, s4  }
0xe: {  	s8 =	sadd.s32 $0x10000, s4;
	s10 =	sadd.s32 $0xC600, s10;
	s17 =	sshrl.u32 s4, $0x3  }
0xf: {  	v0 =	vimm.f32 $1.000000000e+00;
	v1 =	vimm.f32 $0.0e+00;
	s9 =	sadd.s32 s9, s11;
	s11 =	smax.u32 s12, $0x1;
	s12 =	simm.s32 $0x6800  }
.LBB2_1:
0x10: {  	s18 =	simm.s32 $0x40;
	s19 =	simm.s32 $0x0  }
.LBB2_2:
0x11: {  	p0 =	sne.s32 s18, $0xFFC0;
	[tilespmem:s19+$0x2800] =	vst v0;
	s20 =	smov.u32 s18;
	s18 =	sadd.s32 $0x40, s18  }
.Ltmp0:
0x12: {  	[tilespmem:s19+$0x6800] =	vst v1;
	(pc) =	sbr.rel @p0 .LBB2_2-.Ltmp0, $2  }
0x13: {  	_ =	sdelay $0x2  }
0x14: {  	s19 =	sshra.s32 s20, $0x2  }
0x15: {  	[tilespmem:s19+$0x2800] =	vst v0  }
0x16: {  	[tilespmem:s19+$0x6800] =	vst v1  }
0x17: {  	[spmem:s4] =	stream.linear.scatter [tilespmem:s12], [sflag:$0x1], $0x4000, $0x38;
	[tilespmem:$0x1E400] =	vst v63  }
0x18: {  	_ =	swait.ge [sflag:s13], $0x4000  }
0x19: {  	[sflag:s13] =	ssyncset.done $0x0  }
0x1a: {  	[sflag:s13] =	ssyncadd.s32 $0xFFFFC000  }
0x1b: {  	[spmem:s5] =	stream.linear.scatter [tilespmem:s12], [sflag:$0x1], $0x4000, $0x38;
	[tilespmem:$0x1E400] =	vst v63  }
0x1c: {  	_ =	swait.ge [sflag:s13], $0x4000  }
0x1d: {  	[sflag:s13] =	ssyncset.done $0x0  }
0x1e: {  	[sflag:s13] =	ssyncadd.s32 $0xFFFFC000  }
0x1f: {  	[spmem:s6] =	stream.linear.scatter [tilespmem:s12], [sflag:$0x1], $0x4000, $0x38;
	[tilespmem:$0x1E400] =	vst v63  }
0x20: {  	_ =	swait.ge [sflag:s13], $0x4000  }
0x21: {  	[sflag:s13] =	ssyncset.done $0x0  }
0x22: {  	[sflag:s13] =	ssyncadd.s32 $0xFFFFC000  }
0x23: {  	[spmem:s7] =	stream.linear.scatter [tilespmem:s12], [sflag:$0x1], $0x4000, $0x38;
	[tilespmem:$0x1E400] =	vst v63  }
0x24: {  	_ =	swait.ge [sflag:s13], $0x4000  }
0x25: {  	[sflag:s13] =	ssyncset.done $0x0  }
0x26: {  	[sflag:s13] =	ssyncadd.s32 $0xFFFFC000  }
0x27: {  	[spmem:s8] =	stream.linear.scatter [tilespmem:s12], [sflag:$0x1], $0x3C00, $0x38;
	[tilespmem:$0x1E400] =	vst v63  }
0x28: {  	_ =	swait.ge [sflag:s13], $0x3C00  }
0x29: {  	[sflag:s13] =	ssyncset.done $0x0  }
0x2a: {  	[sflag:s13] =	ssyncadd.s32 $0xFFFFC400  }
0x2b: {  	s18 =	simm.s32 $0x0;
	[bflag:$0x0] =	sbarrier.arrive $0xFFFF  }
0x2c: {  	[tilespmem:s18], [sflag:$0x1] =	stream.linear.gather [hbm4b:s9+s18], $0x2800, $0x38;
	[tilespmem:$0x1E400] =	vst v63  }
0x2d: {  	_ =	swait.ge [sflag:s13], $0x2800  }
0x2e: {  	[sflag:s13] =	ssyncset.done $0x0  }
0x2f: {  	s31 =	simm.s32 $0x0;
	[sflag:s13] =	ssyncadd.s32 $0xFFFFD800  }
0x30: {  	[spmem:s2] =	stream.indirect.scatter.add.f32 [tilespmem:s15], [sflag:$0x1], $0x80, s31, s14, $0xb8;
	[tilespmem:$0x1E400] =	vst v63  }
0x31: {  	_ =	swait.ge [sflag:s13], $0x4000  }
0x32: {  	s18 =	simm.s32 $0x200;
	[sflag:s13] =	ssyncset.done $0x0  }
.LBB2_4:
0x33: {  	s19 =	sshra.s32 s18, $0x2;
	[sflag:s13] =	ssyncadd.s32 $0xFFFFC000;
	p0 =	sne.s32 s18, $0x9E00  }
0x34: {  	[spmem:s2] =	stream.indirect.scatter.add.f32 [tilespmem:s15], [sflag:$0x1], $0x80, s19, s14, $0xb8;
	[tilespmem:$0x1E400] =	vst v63  }
.Ltmp1:
0x35: {  	_ = 	snop;
	(pc) =	sbr.rel @p0 .LBB2_4-.Ltmp1, $4  }
0x36: {  	_ = 	snop  }
0x37: {  	s18 =	sadd.s32 $0x200, s18  }
0x38: {  	_ =	swait.ge [sflag:s13], $0x4000  }
0x39: {  	[sflag:s13] =	ssyncset.done $0x0  }
0x3a: {  	s3 =	sadd.s32 $0x1, s3  }
0x3b: {  	[sflag:s13] =	ssyncadd.s32 $0xFFFFC000;
	p0 =	sne.s32 s3, s11  }
.Ltmp2:
0x3c: {  	[bflag:$0x0] =	sbarrier.arrive $0xFFFF;
	(pc) =	sbr.rel @p0 .LBB2_1-.Ltmp2, $4  }
0x3d: {  	[hbm:s10], [sflag:s16] =	dma.local [spmem:s17], $0x2780  }
0x3e: {  	_ =	swait.ge [sflag:s13], $0x2780  }
0x3f: {  	[sflag:s13] =	ssyncset.done $0x0  }
0x40: {  	[sflag:s13] =	ssyncadd.s32 $0xFFFFD880  }
0x41: {  	_ =	sfence.sel $0x180000  }
0x42: {  	[bflag:$0x0] =	sbarrier.arrive $0xFFFF  }
0x43: {  	p0 =	sne.s32 s0, $0x0;
	_ =	strace $0x90000047  }
0x44: {  	s0 =	sadd.s32 @!p0 $0x100000, s1;
	[bflag:$0x2] =	sbarrier.arrive $0xFFFF  }
0x45: {  	[sflag:s0] =	ssyncadd.tile.s32 @!p0 $0x1;
	_ =	shalt  }
.Lfunc_end2:
_tile_overlayer_lowered:
.L_overlay_start_2:
0x46: {  	(tag) =	ssettag $0x2  }
0x47: {  	s0 =	rddreg [dreg:$0x0];
	s2 =	stileid.u32  }
0x48: {  	s1 =	rddreg [dreg:$0x1];
	p0 =	sne.s32 s2, $0x0  }
0x49: {  	s3 =	rddreg [dreg:$0x2];
	[bflag:$0x3] =	sbarrier.arrive $0xFFFF;
	s2 =	simm.s32 @!p0 $0x1C01  }
0x4a: {  	[timem:s3], [sflag:s2] =	dma.local @!p0 [hbm:s0], s1  }
0x4b: {  	s0 =	simm.s32 @!p0 $0x1  }
0x4c: {  	_ =	swait.ge @!p0 [sflag:s0], s1  }
0x4d: {  	s1 =	ssub.s32 @!p0 $0x0, s1;
	[sflag:s0] =	ssyncset.done @!p0 $0x0  }
0x4e: {  	[sflag:s0] =	ssyncadd.s32 @!p0 s1  }
0x4f: {  	[bflag:$0x3] =	sbarrier.arrive $0xFFFF  }
0x50: {  	_ =	shalt  }

</sc_bundles>
